<compile_context>
chip_gen: v7x
topology: tpu7x:2x2x1
jax: 0.10.2.dev20260603
libtpu: 0.0.44.dev20260713+nightly
codegen_flags: <defaults>
</compile_context>

<pallas_src>
import functools

import jax
import jax.numpy as jnp
from jax import lax
from jax.experimental import pallas as pl
from jax.experimental.pallas import tpu as pltpu
from jax.experimental.pallas import tpu_sc as plsc

B, N, C = 2, 4096, 1024
H, DH = 16, 64
NH, NB = 4, 8
G = B * NH * NB
R = B * N

BLK = 512
BLK34 = 512
NEG = -3.4028235e38

NC, NS = 2, 16
NW = NC * NS
RPW = R // NW
KCH = 32
NHSC = 2
NCH = RPW // KCH


def _ln(x, g, b, eps=1e-5):
    mu = jnp.mean(x, axis=-1, keepdims=True)
    var = jnp.mean((x - mu) ** 2, axis=-1, keepdims=True)
    return (x - mu) * jax.lax.rsqrt(var + eps) * g + b


def _p1a_body(x_ref, g_ref, b_ref, rot_ref, xn_ref, gid_ref, p23_ref,
              ca_ref):
    i = pl.program_id(0)
    b = i // (N // BLK)
    xn = _ln(x_ref[...], g_ref[...], b_ref[...])
    xn_ref[...] = xn
    rvT = lax.dot_general(rot_ref[...], xn, (((0,), (1,)), ((), ())),
                          preferred_element_type=jnp.float32)
    iota8 = lax.broadcasted_iota(jnp.int32, (NB, BLK), 0)
    ohs = []
    for h in range(NH):
        sub = rvT[h * (NB // 2):(h + 1) * (NB // 2), :]
        full = jnp.concatenate([sub, -sub], axis=0)
        mx = jnp.max(full, axis=0, keepdims=True)
        bid = jnp.min(jnp.where(full >= mx, iota8, NB), axis=0)
        gid_ref[h, :] = b * (NH * NB) + h * NB + bid
        ohs.append((iota8 == bid[None, :]).astype(jnp.float32))
    for h in range(NH, 8):
        gid_ref[h, :] = jnp.zeros((BLK,), jnp.int32)
    ohT = jnp.concatenate(ohs, axis=0)
    cc = jnp.broadcast_to(jnp.sum(ohT, axis=1, keepdims=True),
                          (NH * NB, 128))
    pc = lax.dot_general(ohT[NHSC * NB:].astype(jnp.bfloat16),
                         xn.astype(jnp.bfloat16), (((1,), (0,)), ((), ())),
                         preferred_element_type=jnp.float32)

    @pl.when(i % (N // BLK) == 0)
    def _init():
        p23_ref[0] = pc
        ca_ref[0] = cc

    @pl.when(i % (N // BLK) != 0)
    def _acc():
        p23_ref[0] += pc
        ca_ref[0] += cc


def _phase1a(x2d, g1, b1, rotflat):
    return pl.pallas_call(
        _p1a_body,
        grid=(R // BLK,),
        in_specs=[
            pl.BlockSpec((BLK, C), lambda i: (i, 0)),
            pl.BlockSpec((1, C), lambda i: (0, 0)),
            pl.BlockSpec((1, C), lambda i: (0, 0)),
            pl.BlockSpec((C, 16), lambda i: (0, 0)),
        ],
        out_specs=[
            pl.BlockSpec((BLK, C), lambda i: (i, 0)),
            pl.BlockSpec((8, BLK), lambda i: (0, i)),
            pl.BlockSpec((1, (NH - NHSC) * NB, C),
                         lambda i: (i // (N // BLK), 0, 0)),
            pl.BlockSpec((1, NH * NB, 128), lambda i: (i // (N // BLK), 0, 0)),
        ],
        out_shape=[
            jax.ShapeDtypeStruct((R, C), jnp.float32),
            jax.ShapeDtypeStruct((8, R), jnp.int32),
            jax.ShapeDtypeStruct((B, (NH - NHSC) * NB, C), jnp.float32),
            jax.ShapeDtypeStruct((B, NH * NB, 128), jnp.float32),
        ],
    )(x2d, g1, b1, rotflat)


def _sc_pool_body(xn_hbm, gid_hbm, outp_hbm,
                  xbuf, gb0, gb1, acc_p, sems):
    c = lax.axis_index("c")
    s = lax.axis_index("s")
    w = s * NC + c
    gbufs = (gb0, gb1)
    boff = (w // (NW // B)) * (NH * NB)

    cp0 = pltpu.async_copy(gid_hbm.at[0, pl.ds(w * RPW, RPW)], gb0,
                           sems.at[2])
    cp1 = pltpu.async_copy(gid_hbm.at[1, pl.ds(w * RPW, RPW)], gb1,
                           sems.at[3])
    first = pltpu.async_copy(xn_hbm.at[pl.ds(w * RPW, KCH)],
                             xbuf.at[0], sems.at[0])

    z16 = jnp.zeros((16,), jnp.float32)

    def zrow(r, _):
        def zcol(t, _):
            acc_p[r, pl.ds(t * 16, 16)] = z16
            return ()
        lax.fori_loop(0, C // 16, zcol, (), unroll=8)
        return ()

    lax.fori_loop(0, NHSC * NB, zrow, ())

    iota16 = lax.iota(jnp.int32, 16)
    cp0.wait()
    cp1.wait()

    for i in range(NCH):
        if i + 1 < NCH:
            nxt = pltpu.async_copy(
                xn_hbm.at[pl.ds(w * RPW + (i + 1) * KCH, KCH)],
                xbuf.at[(i + 1) % 2], sems.at[(i + 1) % 2])
        if i == 0:
            first.wait()
        else:
            prev.wait()
        for grp in range(KCH // 16):
            gvs = [gbufs[h][pl.ds(i * KCH + grp * 16, 16)].astype(jnp.float32)
                   for h in range(NHSC)]

            def row_body(l, _):
                js = [(jnp.sum(jnp.where(iota16 == l, gvs[h], 0.0))
                       .astype(jnp.int32) - boff) for h in range(NHSC)]
                r = grp * 16 + l

                def col_body(t, _):
                    x16 = xbuf[i % 2, r, pl.ds(t * 16, 16)]
                    for h in range(NHSC):
                        plsc.addupdate(acc_p.at[js[h], pl.ds(t * 16, 16)],
                                       x16)
                    return ()

                lax.fori_loop(0, C // 16, col_body, (), unroll=4)
                return ()

            lax.fori_loop(0, 16, row_body, ())
        if i + 1 < NCH:
            prev = nxt

    pltpu.sync_copy(acc_p, outp_hbm.at[w])


def _sc_pool(xn2d, gid8):
    mesh = plsc.VectorSubcoreMesh(core_axis_name="c", subcore_axis_name="s",
                                  num_cores=NC, num_subcores=NS)
    f = pl.kernel(
        _sc_pool_body,
        out_type=jax.ShapeDtypeStruct((NW, NHSC * NB, C), jnp.float32),
        mesh=mesh,
        compiler_params=pltpu.CompilerParams(needs_layout_passes=False),
        scratch_types=[
            pltpu.VMEM((2, KCH, C), jnp.float32),
            pltpu.VMEM((RPW,), jnp.int32),
            pltpu.VMEM((RPW,), jnp.int32),
            pltpu.VMEM((NHSC * NB, C), jnp.float32),
            pltpu.SemaphoreType.DMA((4,)),
        ],
    )
    return f(xn2d, gid8)


def _p1b_body(xn_ref, wq_ref, q_ref):
    q_ref[...] = lax.dot_general(xn_ref[...].astype(jnp.bfloat16), wq_ref[...],
                                 (((1,), (1,)), ((), ())),
                                 preferred_element_type=jnp.float32
                                 ).astype(jnp.bfloat16)


def _phase1b(xn2d, wq_b):
    return pl.pallas_call(
        _p1b_body,
        grid=(R // BLK,),
        in_specs=[
            pl.BlockSpec((BLK, C), lambda i: (i, 0)),
            pl.BlockSpec((C, C), lambda i: (0, 0)),
        ],
        out_specs=pl.BlockSpec((BLK, C), lambda i: (i, 0)),
        out_shape=jax.ShapeDtypeStruct((R, C), jnp.bfloat16),
    )(xn2d, wq_b)


def _p2_body(pp_ref, p23_ref, ca_ref, wkv_ref, k_ref, v_ref, cnt_ref):
    halves = []
    for b in range(B):
        lo = b * (NW // B)
        acc = pp_ref[lo]
        for i in range(lo + 1, lo + NW // B):
            acc = acc + pp_ref[i]
        halves.append(jnp.concatenate([acc, p23_ref[b]], axis=0))
    pooled = jnp.concatenate(halves, axis=0)
    cnt = jnp.concatenate([ca_ref[0, :, 0:16], ca_ref[1, :, 0:16]], axis=0)
    cnt_ref[...] = cnt
    rp = pooled * (1.0 / (cnt[:, 0:1] + 1e-20))
    kv = lax.dot_general(rp, wkv_ref[...], (((1,), (1,)), ((), ())),
                         preferred_element_type=jnp.float32)
    k_ref[...] = kv[:, :C]
    v_ref[...] = kv[:, C:]


def _phase2(pp, p23, ca, Wkv):
    return pl.pallas_call(
        _p2_body,
        out_shape=[
            jax.ShapeDtypeStruct((G, C), jnp.float32),
            jax.ShapeDtypeStruct((G, C), jnp.float32),
            jax.ShapeDtypeStruct((G, 16), jnp.float32),
        ],
    )(pp, p23, ca, Wkv)


def _p34_body(x_ref, q_ref, k_ref, v_ref, cnt_ref, g_ref, b_ref,
              w1_ref, b1_ref, w2_ref, b2_ref, o_ref):
    i = pl.program_id(0)
    b = i // (N // BLK34)
    koff = b * (NH * NB)
    kb = k_ref[pl.ds(koff, NH * NB), :]
    vb = v_ref[pl.ds(koff, NH * NB), :]
    cntb = cnt_ref[pl.ds(koff, NH * NB), 0:1]
    bias = jnp.where(cntb >= 1.0, 0.0, NEG)
    scale = DH ** -0.5
    kbb = kb.astype(jnp.bfloat16)
    vbb = vb.astype(jnp.bfloat16)
    qbb = q_ref[...]
    outs = []
    for h in range(H):
        kh = kbb[:, h * DH:(h + 1) * DH]
        qh = qbb[:, h * DH:(h + 1) * DH]
        sT = lax.dot_general(kh, qh, (((1,), (1,)), ((), ())),
                             preferred_element_type=jnp.float32)
        sT = sT * scale + bias
        m = jnp.max(sT, axis=0, keepdims=True)
        e = jnp.exp(sT - m)
        p = (e * (1.0 / jnp.sum(e, axis=0, keepdims=True))
             ).astype(jnp.bfloat16)
        vh = vbb[:, h * DH:(h + 1) * DH]
        outs.append(lax.dot_general(p, vh, (((0,), (0,)), ((), ())),
                                    preferred_element_type=jnp.float32))
    out = jnp.concatenate(outs, axis=1)
    x2 = x_ref[...] + out
    hb = _ln(x2, g_ref[...], b_ref[...]).astype(jnp.bfloat16)
    t = lax.dot_general(hb, w1_ref[...], (((1,), (1,)), ((), ())),
                        preferred_element_type=jnp.float32)
    t = t + b1_ref[...]
    g = (0.5 * t * (1.0 + lax.erf(t * (2.0 ** -0.5)))).astype(jnp.bfloat16)
    o = lax.dot_general(g, w2_ref[...], (((1,), (1,)), ((), ())),
                        preferred_element_type=jnp.float32)
    o_ref[...] = x2 + o + b2_ref[...]


def _phase34(x2d, q2d, k, v, cnt, g2, b2, fc1_w, fc1_b, fc2_w,
             fc2_b):
    F = 4 * C
    return pl.pallas_call(
        _p34_body,
        grid=(R // BLK34,),
        in_specs=[
            pl.BlockSpec((BLK34, C), lambda i: (i, 0)),
            pl.BlockSpec((BLK34, C), lambda i: (i, 0)),
            pl.BlockSpec((G, C), lambda i: (0, 0)),
            pl.BlockSpec((G, C), lambda i: (0, 0)),
            pl.BlockSpec((G, 16), lambda i: (0, 0)),
            pl.BlockSpec((1, C), lambda i: (0, 0)),
            pl.BlockSpec((1, C), lambda i: (0, 0)),
            pl.BlockSpec((F, C), lambda i: (0, 0)),
            pl.BlockSpec((1, F), lambda i: (0, 0)),
            pl.BlockSpec((C, F), lambda i: (0, 0)),
            pl.BlockSpec((1, C), lambda i: (0, 0)),
        ],
        out_specs=pl.BlockSpec((BLK34, C), lambda i: (i, 0)),
        out_shape=jax.ShapeDtypeStruct((R, C), jnp.float32),
        compiler_params=pltpu.CompilerParams(
            vmem_limit_bytes=128 * 1024 * 1024),
    )(x2d, q2d, k, v, cnt, g2, b2, fc1_w, fc1_b, fc2_w, fc2_b)


@jax.jit
def kernel(x, rotations, norm1_g, norm1_b, Wq, Wkv, norm2_g, norm2_b,
           fc1_w, fc1_b, fc2_w, fc2_b):
    x2d = x.reshape(R, C)
    rotflat = rotations[0].reshape(C, NH * (NB // 2))
    g1 = norm1_g.reshape(1, C)
    b1 = norm1_b.reshape(1, C)
    g2 = norm2_g.reshape(1, C)
    b2 = norm2_b.reshape(1, C)

    wq_b = Wq.astype(jnp.bfloat16)
    fc1_b16 = fc1_w.astype(jnp.bfloat16)
    fc2_b16 = fc2_w.astype(jnp.bfloat16)
    xn2d, gid8, p23, ca = _phase1a(x2d, g1, b1, rotflat)

    pp = _sc_pool(xn2d, gid8)

    q2d = _phase1b(xn2d, wq_b)
    k, v, cnt = _phase2(pp, p23, ca, Wkv)
    out = _phase34(x2d, q2d, k, v, cnt, g2, b2, fc1_b16,
                   fc1_b.reshape(1, 4 * C), fc2_b16, fc2_b.reshape(1, C))
    return out.reshape(B, N, C)

# --- scband reference (transcript-rebuilt; emitter-appended) ---
"""Pipeline reference for scband-block-9122510537233 (READ-ONLY COPY).

The authoritative reference and input builder live on the scoring server;
editing this copy changes nothing except your own understanding.
"""

import jax, jax.numpy as jnp
import numpy as np


def _ln(x, g, b, eps=1e-5):
    mu = jnp.mean(x, axis=-1, keepdims=True)
    var = jnp.mean((x - mu) ** 2, axis=-1, keepdims=True)
    return (x - mu) / jnp.sqrt(var + eps) * g + b


def setup_inputs(seed: int = 0):
    key = jax.random.key(seed)
    ks = jax.random.split(key, 8)
    B, N, C = 2, 4096, 1024
    n_hashes, n_buckets = 4, 8
    x = jax.random.normal(ks[0], (B, N, C), dtype=jnp.float32)
    rotations = jax.random.normal(ks[1], (1, C, n_hashes, n_buckets // 2), dtype=jnp.float32)
    Wq = 0.02 * jax.random.normal(ks[2], (C, C), dtype=jnp.float32)
    Wkv = 0.02 * jax.random.normal(ks[3], (2 * C, C), dtype=jnp.float32)
    fc1_w = 0.02 * jax.random.normal(ks[4], (4 * C, C), dtype=jnp.float32)
    fc1_b = jnp.zeros((4 * C,), jnp.float32)
    fc2_w = 0.02 * jax.random.normal(ks[5], (C, 4 * C), dtype=jnp.float32)
    fc2_b = jnp.zeros((C,), jnp.float32)
    norm1_g = jnp.ones((C,), jnp.float32)
    norm1_b = jnp.zeros((C,), jnp.float32)
    norm2_g = jnp.ones((C,), jnp.float32)
    norm2_b = jnp.zeros((C,), jnp.float32)
    return {"x": x, "rotations": rotations, "norm1_g": norm1_g, "norm1_b": norm1_b,
            "Wq": Wq, "Wkv": Wkv, "norm2_g": norm2_g, "norm2_b": norm2_b,
            "fc1_w": fc1_w, "fc1_b": fc1_b, "fc2_w": fc2_w, "fc2_b": fc2_b}


def reference(x, rotations, norm1_g, norm1_b, Wq, Wkv, norm2_g, norm2_b, fc1_w, fc1_b, fc2_w, fc2_b):
    B, N, C = x.shape
    H = 16
    dh = C // H
    scale = dh ** (-0.5)
    n_hashes, n_buckets = 4, 8
    x_ = _ln(x, norm1_g, norm1_b)
    q = (x_ @ Wq.T).reshape(B, N, H, dh).transpose(0, 2, 1, 3)
    # hash_vectors: random rotations -> bucket one-hot -> mean pooling per bucket
    rv = jnp.einsum('btf,fhi->bhti', x_, rotations[0])
    rv = jnp.concatenate([rv, -rv], axis=-1)  # (B, n_hashes, N, n_buckets)
    bidx = jnp.argmax(rv, axis=-1)  # (B, n_hashes, N)
    oh = jax.nn.one_hot(bidx, n_buckets, dtype=x.dtype)  # scatter one-hot (B, n_hashes, N, n_buckets)
    sumb = jnp.sum(oh, axis=2)[..., None]  # (B, n_hashes, n_buckets, 1)
    pooled = jnp.einsum('bnf,bhni->bhif', x_, oh)  # scatter-add pooling
    pooled = pooled / (jax.lax.stop_gradient(sumb) + 1e-20)
    rp = pooled.reshape(B, n_hashes * n_buckets, C)
    sumb = jax.lax.stop_gradient(sumb).reshape(B, n_hashes * n_buckets, 1)
    kv = (rp @ Wkv.T).reshape(B, -1, 2, H, dh).transpose(2, 0, 3, 1, 4)
    k, v = kv[0], kv[1]
    attn = jnp.einsum('bHNd,bHnd->bHNn', q, k) * scale
    mask = (sumb[..., 0] >= 1)[:, None, None, :]
    mask = jnp.broadcast_to(mask, attn.shape)
    attn = jnp.where(mask, attn, -jnp.finfo(attn.dtype).max)
    attn = jax.nn.softmax(attn, axis=-1)
    out = jnp.einsum('bHNn,bHnd->bNHd', attn, v).reshape(B, N, C)
    x = x + out
    h = _ln(x, norm2_g, norm2_b)
    h = jax.nn.gelu(h @ fc1_w.T + fc1_b, approximate=False)
    h = h @ fc2_w.T + fc2_b
    return x + h

if __name__ == "__main__":
    import jax
    _d = setup_inputs()
    print(jax.jit(kernel)(*tuple(_d.values())))

</pallas_src>

<mosaic_0001>
#map = affine_map<(d0, d1) -> (0, 0)>
#map1 = affine_map<(d0, d1) -> (0, 0, 0)>
module attributes {stable_mosaic.version = 14 : i64} {
  func.func @_sc_pool_body(%arg0: i32, %arg1: i32, %arg2: memref<8192x1024xf32, #tpu.memory_space<hbm>>, %arg3: memref<8x8192xi32, #tpu.memory_space<hbm>>, %arg4: memref<32x16x1024xf32, #tpu.memory_space<hbm>>, %arg5: memref<2x32x1024xf32, #tpu.memory_space<vmem>>, %arg6: memref<256xi32, #tpu.memory_space<vmem>>, %arg7: memref<256xi32, #tpu.memory_space<vmem>>, %arg8: memref<16x1024xf32, #tpu.memory_space<vmem>>, %arg9: memref<4x!tpu.dma_semaphore, #tpu.memory_space<semaphore_mem>>) attributes {dimension_semantics = [#tpu.dimension_semantics<core_parallel>, #tpu.dimension_semantics<subcore_parallel>], iteration_bounds = array<i64: 2, 16>, scalar_prefetch = 0 : i64, scratch_operands = 5 : i64, tpu.core_type = #tpu.core_type<sc_vector_subcore>, window_params = [{transform_indices = #map}, {transform_indices = #map}, {transform_indices = #map1}]} {
    %mul3A = arith.constant 2 : i32
    %mul3A_0 = arith.muli %arg1, %mul3A : i32
    %add3A = arith.addi %mul3A_0, %arg0 : i32
    %jit3A = arith.constant 16 : i32
    %div3A = arith.divsi %add3A, %jit3A : i32
    %sign3A = arith.constant 0 : i32
    %sign3A_1 = arith.cmpi sgt, %add3A, %sign3A : i32
    %sign3A_2 = arith.extui %sign3A_1 : i1 to i32
    %sign3A_3 = arith.constant 0 : i32
    %sign3A_4 = arith.cmpi slt, %add3A, %sign3A_3 : i32
    %sign3A_5 = arith.extui %sign3A_4 : i1 to i32
    %sign3A_6 = arith.subi %sign3A_2, %sign3A_5 : i32
    %sign3A_7 = arith.constant 0 : i32
    %sign3A_8 = arith.cmpi sgt, %jit3A, %sign3A_7 : i32
    %sign3A_9 = arith.extui %sign3A_8 : i1 to i32
    %sign3A_10 = arith.constant 0 : i32
    %sign3A_11 = arith.cmpi slt, %jit3A, %sign3A_10 : i32
    %sign3A_12 = arith.extui %sign3A_11 : i1 to i32
    %sign3A_13 = arith.subi %sign3A_9, %sign3A_12 : i32
    %ne3A = arith.cmpi ne, %sign3A_6, %sign3A_13 : i32
    %rem3A = arith.remsi %add3A, %jit3A : i32
    %ne3A_14 = arith.constant 0 : i32
    %ne3A_15 = arith.cmpi ne, %rem3A, %ne3A_14 : i32
    %and3A = arith.andi %ne3A, %ne3A_15 : i1
    %sub3A = arith.constant 1 : i32
    %sub3A_16 = arith.subi %div3A, %sub3A : i32
    %select_n3A = arith.select %and3A, %sub3A_16, %div3A : i32
    %mul3A_17 = arith.constant 32 : i32
    %mul3A_18 = arith.muli %select_n3A, %mul3A_17 : i32
    %mul3A_19 = arith.constant 256 : i32
    %mul3A_20 = arith.muli %add3A, %mul3A_19 : i32
    %dma_start3A = arith.constant 0 : i32
    %dma_start3A_21 = arith.constant 2 : i32
    %dma_start3A_22 = tpu.memref_slice %arg3[%dma_start3A, %mul3A_20] : memref<8x8192xi32, #tpu.memory_space<hbm>> -> memref<1x256xi32, #tpu.memory_space<hbm>>
    %dma_start3A_23 = tpu.memref_squeeze %dma_start3A_22 : memref<1x256xi32, #tpu.memory_space<hbm>> -> memref<256xi32, #tpu.memory_space<hbm>>
    %dma_start3A_24 = tpu.memref_slice %arg9[%dma_start3A_21] : memref<4x!tpu.dma_semaphore, #tpu.memory_space<semaphore_mem>> -> memref<1x!tpu.dma_semaphore, #tpu.memory_space<semaphore_mem>>
    %dma_start3A_25 = tpu.memref_squeeze %dma_start3A_24 : memref<1x!tpu.dma_semaphore, #tpu.memory_space<semaphore_mem>> -> memref<!tpu.dma_semaphore, #tpu.memory_space<semaphore_mem>>
    %dma_start3A_26 = tpu.memref_slice %arg3[%dma_start3A, %mul3A_20] : memref<8x8192xi32, #tpu.memory_space<hbm>> -> memref<1x256xi32, #tpu.memory_space<hbm>>
    %dma_start3A_27 = tpu.memref_squeeze %dma_start3A_26 : memref<1x256xi32, #tpu.memory_space<hbm>> -> memref<256xi32, #tpu.memory_space<hbm>>
    tpu.enqueue_dma source(%dma_start3A_27 : memref<256xi32, #tpu.memory_space<hbm>>) target(%arg6 : memref<256xi32, #tpu.memory_space<vmem>>) target_semaphore(%dma_start3A_25 : memref<!tpu.dma_semaphore, #tpu.memory_space<semaphore_mem>>)
    %mul3A_28 = arith.constant 256 : i32
    %mul3A_29 = arith.muli %add3A, %mul3A_28 : i32
    %dma_start3A_30 = arith.constant 1 : i32
    %dma_start3A_31 = arith.constant 3 : i32
    %dma_start3A_32 = tpu.memref_slice %arg3[%dma_start3A_30, %mul3A_29] : memref<8x8192xi32, #tpu.memory_space<hbm>> -> memref<1x256xi32, #tpu.memory_space<hbm>>
    %dma_start3A_33 = tpu.memref_squeeze %dma_start3A_32 : memref<1x256xi32, #tpu.memory_space<hbm>> -> memref<256xi32, #tpu.memory_space<hbm>>
    %dma_start3A_34 = tpu.memref_slice %arg9[%dma_start3A_31] : memref<4x!tpu.dma_semaphore, #tpu.memory_space<semaphore_mem>> -> memref<1x!tpu.dma_semaphore, #tpu.memory_space<semaphore_mem>>
    %dma_start3A_35 = tpu.memref_squeeze %dma_start3A_34 : memref<1x!tpu.dma_semaphore, #tpu.memory_space<semaphore_mem>> -> memref<!tpu.dma_semaphore, #tpu.memory_space<semaphore_mem>>
    %dma_start3A_36 = tpu.memref_slice %arg3[%dma_start3A_30, %mul3A_29] : memref<8x8192xi32, #tpu.memory_space<hbm>> -> memref<1x256xi32, #tpu.memory_space<hbm>>
    %dma_start3A_37 = tpu.memref_squeeze %dma_start3A_36 : memref<1x256xi32, #tpu.memory_space<hbm>> -> memref<256xi32, #tpu.memory_space<hbm>>
    tpu.enqueue_dma source(%dma_start3A_37 : memref<256xi32, #tpu.memory_space<hbm>>) target(%arg7 : memref<256xi32, #tpu.memory_space<vmem>>) target_semaphore(%dma_start3A_35 : memref<!tpu.dma_semaphore, #tpu.memory_space<semaphore_mem>>)
    %mul3A_38 = arith.constant 256 : i32
    %mul3A_39 = arith.muli %add3A, %mul3A_38 : i32
    %dma_start3A_40 = arith.constant 0 : i32
    %dma_start3A_41 = arith.constant 0 : i32
    %dma_start3A_42 = arith.constant 0 : i32
    %dma_start3A_43 = arith.constant 0 : i32
    %dma_start3A_44 = tpu.memref_slice %arg5[%dma_start3A_40, %dma_start3A_42, %dma_start3A_43] : memref<2x32x1024xf32, #tpu.memory_space<vmem>> -> memref<1x32x1024xf32, #tpu.memory_space<vmem>>
    %dma_start3A_45 = tpu.memref_squeeze %dma_start3A_44 : memref<1x32x1024xf32, #tpu.memory_space<vmem>> -> memref<32x1024xf32, #tpu.memory_space<vmem>>
    %dma_start3A_46 = arith.constant 0 : i32
    %dma_start3A_47 = tpu.memref_slice %arg2[%mul3A_39, %dma_start3A_46] : memref<8192x1024xf32, #tpu.memory_space<hbm>> -> memref<32x1024xf32, #tpu.memory_space<hbm>>
    %dma_start3A_48 = tpu.memref_slice %arg9[%dma_start3A_41] : memref<4x!tpu.dma_semaphore, #tpu.memory_space<semaphore_mem>> -> memref<1x!tpu.dma_semaphore, #tpu.memory_space<semaphore_mem>>
    %dma_start3A_49 = tpu.memref_squeeze %dma_start3A_48 : memref<1x!tpu.dma_semaphore, #tpu.memory_space<semaphore_mem>> -> memref<!tpu.dma_semaphore, #tpu.memory_space<semaphore_mem>>
    %dma_start3A_50 = arith.constant 0 : i32
    %dma_start3A_51 = arith.constant 0 : i32
    %dma_start3A_52 = tpu.memref_slice %arg5[%dma_start3A_40, %dma_start3A_50, %dma_start3A_51] : memref<2x32x1024xf32, #tpu.memory_space<vmem>> -> memref<1x32x1024xf32, #tpu.memory_space<vmem>>
    %dma_start3A_53 = tpu.memref_squeeze %dma_start3A_52 : memref<1x32x1024xf32, #tpu.memory_space<vmem>> -> memref<32x1024xf32, #tpu.memory_space<vmem>>
    %dma_start3A_54 = arith.constant 0 : i32
    %dma_start3A_55 = tpu.memref_slice %arg2[%mul3A_39, %dma_start3A_54] : memref<8192x1024xf32, #tpu.memory_space<hbm>> -> memref<32x1024xf32, #tpu.memory_space<hbm>>
    tpu.enqueue_dma source(%dma_start3A_55 : memref<32x1024xf32, #tpu.memory_space<hbm>>) target(%dma_start3A_53 : memref<32x1024xf32, #tpu.memory_space<vmem>>) target_semaphore(%dma_start3A_49 : memref<!tpu.dma_semaphore, #tpu.memory_space<semaphore_mem>>)
    %broadcast_in_dim3A = arith.constant 0.000000e+00 : f32
    %broadcast_in_dim3A_56 = vector.broadcast %broadcast_in_dim3A : f32 to vector<16xf32>
    %scan3A = arith.constant 0 : i32
    %scan3A_57 = arith.constant 16 : i32
    %scan3A_58 = arith.addi %scan3A, %scan3A_57 : i32
    %scan3A_59 = arith.constant 1 : i32
    scf.for %scan3A_518 = %scan3A to %scan3A_58 step %scan3A_59  : i32 {
      %scan3A_519 = arith.constant 0 : i32
      %scan3A_520 = arith.constant 64 : i32
      %scan3A_521 = arith.addi %scan3A_519, %scan3A_520 : i32
      %scan3A_522 = arith.constant 8 : i32
      scf.for %scan3A_524 = %scan3A_519 to %scan3A_521 step %scan3A_522  : i32 {
        %mul3A_525 = arith.constant 16 : i32
        %mul3A_526 = arith.muli %scan3A_524, %mul3A_525 : i32
        %swap3A = arith.index_cast %scan3A_518 : i32 to index
        %swap3A_527 = arith.index_cast %mul3A_526 : i32 to index
        %swap3A_528 = tpu.vector_load %arg8[%swap3A, %swap3A_527] {strides = array<i32>} : memref<16x1024xf32, #tpu.memory_space<vmem>>, vector<16xf32>,
        tpu.vector_store %arg8[%swap3A, %swap3A_527], %broadcast_in_dim3A_56 {strides = array<i32>} : memref<16x1024xf32, #tpu.memory_space<vmem>>, vector<16xf32>,
        %scan3A_529 = arith.constant 1 : i32
        %scan3A_530 = arith.addi %scan3A_524, %scan3A_529 : i32
        %mul3A_531 = arith.constant 16 : i32
        %mul3A_532 = arith.muli %scan3A_530, %mul3A_531 : i32
        %swap3A_533 = arith.index_cast %scan3A_518 : i32 to index
        %swap3A_534 = arith.index_cast %mul3A_532 : i32 to index
        %swap3A_535 = tpu.vector_load %arg8[%swap3A_533, %swap3A_534] {strides = array<i32>} : memref<16x1024xf32, #tpu.memory_space<vmem>>, vector<16xf32>,
        tpu.vector_store %arg8[%swap3A_533, %swap3A_534], %broadcast_in_dim3A_56 {strides = array<i32>} : memref<16x1024xf32, #tpu.memory_space<vmem>>, vector<16xf32>,
        %scan3A_536 = arith.constant 2 : i32
        %scan3A_537 = arith.addi %scan3A_524, %scan3A_536 : i32
        %mul3A_538 = arith.constant 16 : i32
        %mul3A_539 = arith.muli %scan3A_537, %mul3A_538 : i32
        %swap3A_540 = arith.index_cast %scan3A_518 : i32 to index
        %swap3A_541 = arith.index_cast %mul3A_539 : i32 to index
        %swap3A_542 = tpu.vector_load %arg8[%swap3A_540, %swap3A_541] {strides = array<i32>} : memref<16x1024xf32, #tpu.memory_space<vmem>>, vector<16xf32>,
        tpu.vector_store %arg8[%swap3A_540, %swap3A_541], %broadcast_in_dim3A_56 {strides = array<i32>} : memref<16x1024xf32, #tpu.memory_space<vmem>>, vector<16xf32>,
        %scan3A_543 = arith.constant 3 : i32
        %scan3A_544 = arith.addi %scan3A_524, %scan3A_543 : i32
        %mul3A_545 = arith.constant 16 : i32
        %mul3A_546 = arith.muli %scan3A_544, %mul3A_545 : i32
        %swap3A_547 = arith.index_cast %scan3A_518 : i32 to index
        %swap3A_548 = arith.index_cast %mul3A_546 : i32 to index
        %swap3A_549 = tpu.vector_load %arg8[%swap3A_547, %swap3A_548] {strides = array<i32>} : memref<16x1024xf32, #tpu.memory_space<vmem>>, vector<16xf32>,
        tpu.vector_store %arg8[%swap3A_547, %swap3A_548], %broadcast_in_dim3A_56 {strides = array<i32>} : memref<16x1024xf32, #tpu.memory_space<vmem>>, vector<16xf32>,
        %scan3A_550 = arith.constant 4 : i32
        %scan3A_551 = arith.addi %scan3A_524, %scan3A_550 : i32
        %mul3A_552 = arith.constant 16 : i32
        %mul3A_553 = arith.muli %scan3A_551, %mul3A_552 : i32
        %swap3A_554 = arith.index_cast %scan3A_518 : i32 to index
        %swap3A_555 = arith.index_cast %mul3A_553 : i32 to index
        %swap3A_556 = tpu.vector_load %arg8[%swap3A_554, %swap3A_555] {strides = array<i32>} : memref<16x1024xf32, #tpu.memory_space<vmem>>, vector<16xf32>,
        tpu.vector_store %arg8[%swap3A_554, %swap3A_555], %broadcast_in_dim3A_56 {strides = array<i32>} : memref<16x1024xf32, #tpu.memory_space<vmem>>, vector<16xf32>,
        %scan3A_557 = arith.constant 5 : i32
        %scan3A_558 = arith.addi %scan3A_524, %scan3A_557 : i32
        %mul3A_559 = arith.constant 16 : i32
        %mul3A_560 = arith.muli %scan3A_558, %mul3A_559 : i32
        %swap3A_561 = arith.index_cast %scan3A_518 : i32 to index
        %swap3A_562 = arith.index_cast %mul3A_560 : i32 to index
        %swap3A_563 = tpu.vector_load %arg8[%swap3A_561, %swap3A_562] {strides = array<i32>} : memref<16x1024xf32, #tpu.memory_space<vmem>>, vector<16xf32>,
        tpu.vector_store %arg8[%swap3A_561, %swap3A_562], %broadcast_in_dim3A_56 {strides = array<i32>} : memref<16x1024xf32, #tpu.memory_space<vmem>>, vector<16xf32>,
        %scan3A_564 = arith.constant 6 : i32
        %scan3A_565 = arith.addi %scan3A_524, %scan3A_564 : i32
        %mul3A_566 = arith.constant 16 : i32
        %mul3A_567 = arith.muli %scan3A_565, %mul3A_566 : i32
        %swap3A_568 = arith.index_cast %scan3A_518 : i32 to index
        %swap3A_569 = arith.index_cast %mul3A_567 : i32 to index
        %swap3A_570 = tpu.vector_load %arg8[%swap3A_568, %swap3A_569] {strides = array<i32>} : memref<16x1024xf32, #tpu.memory_space<vmem>>, vector<16xf32>,
        tpu.vector_store %arg8[%swap3A_568, %swap3A_569], %broadcast_in_dim3A_56 {strides = array<i32>} : memref<16x1024xf32, #tpu.memory_space<vmem>>, vector<16xf32>,
        %scan3A_571 = arith.constant 7 : i32
        %scan3A_572 = arith.addi %scan3A_524, %scan3A_571 : i32
        %mul3A_573 = arith.constant 16 : i32
        %mul3A_574 = arith.muli %scan3A_572, %mul3A_573 : i32
        %swap3A_575 = arith.index_cast %scan3A_518 : i32 to index
        %swap3A_576 = arith.index_cast %mul3A_574 : i32 to index
        %swap3A_577 = tpu.vector_load %arg8[%swap3A_575, %swap3A_576] {strides = array<i32>} : memref<16x1024xf32, #tpu.memory_space<vmem>>, vector<16xf32>,
        tpu.vector_store %arg8[%swap3A_575, %swap3A_576], %broadcast_in_dim3A_56 {strides = array<i32>} : memref<16x1024xf32, #tpu.memory_space<vmem>>, vector<16xf32>,
      }
      %scan3A_523 = arith.constant 64 : i32
    }
    %scan3A_60 = arith.constant 16 : i32
    %iota3A = tpu.iota {dimensions = array<i32: 0>} : vector<16xi32>
    %dma_wait3A = arith.constant 0 : i32
    %dma_wait3A_61 = arith.constant 2 : i32
    %dma_wait3A_62 = tpu.memref_slice %arg3[%dma_wait3A, %mul3A_20] : memref<8x8192xi32, #tpu.memory_space<hbm>> -> memref<1x256xi32, #tpu.memory_space<hbm>>
    %dma_wait3A_63 = tpu.memref_squeeze %dma_wait3A_62 : memref<1x256xi32, #tpu.memory_space<hbm>> -> memref<256xi32, #tpu.memory_space<hbm>>
    %dma_wait3A_64 = tpu.memref_slice %arg9[%dma_wait3A_61] : memref<4x!tpu.dma_semaphore, #tpu.memory_space<semaphore_mem>> -> memref<1x!tpu.dma_semaphore, #tpu.memory_space<semaphore_mem>>
    %dma_wait3A_65 = tpu.memref_squeeze %dma_wait3A_64 : memref<1x!tpu.dma_semaphore, #tpu.memory_space<semaphore_mem>> -> memref<!tpu.dma_semaphore, #tpu.memory_space<semaphore_mem>>
    %dma_wait3A_66 = tpu.memref_slice %arg3[%dma_wait3A, %mul3A_20] : memref<8x8192xi32, #tpu.memory_space<hbm>> -> memref<1x256xi32, #tpu.memory_space<hbm>>
    %dma_wait3A_67 = tpu.memref_squeeze %dma_wait3A_66 : memref<1x256xi32, #tpu.memory_space<hbm>> -> memref<256xi32, #tpu.memory_space<hbm>>
    tpu.wait_dma2 semaphore(%dma_wait3A_65 : memref<!tpu.dma_semaphore, #tpu.memory_space<semaphore_mem>>) src(%dma_wait3A_67 : memref<256xi32, #tpu.memory_space<hbm>>) dst(%arg6 : memref<256xi32, #tpu.memory_space<vmem>>)
    %dma_wait3A_68 = arith.constant 1 : i32
    %dma_wait3A_69 = arith.constant 3 : i32
    %dma_wait3A_70 = tpu.memref_slice %arg3[%dma_wait3A_68, %mul3A_29] : memref<8x8192xi32, #tpu.memory_space<hbm>> -> memref<1x256xi32, #tpu.memory_space<hbm>>
    %dma_wait3A_71 = tpu.memref_squeeze %dma_wait3A_70 : memref<1x256xi32, #tpu.memory_space<hbm>> -> memref<256xi32, #tpu.memory_space<hbm>>
    %dma_wait3A_72 = tpu.memref_slice %arg9[%dma_wait3A_69] : memref<4x!tpu.dma_semaphore, #tpu.memory_space<semaphore_mem>> -> memref<1x!tpu.dma_semaphore, #tpu.memory_space<semaphore_mem>>
    %dma_wait3A_73 = tpu.memref_squeeze %dma_wait3A_72 : memref<1x!tpu.dma_semaphore, #tpu.memory_space<semaphore_mem>> -> memref<!tpu.dma_semaphore, #tpu.memory_space<semaphore_mem>>
    %dma_wait3A_74 = tpu.memref_slice %arg3[%dma_wait3A_68, %mul3A_29] : memref<8x8192xi32, #tpu.memory_space<hbm>> -> memref<1x256xi32, #tpu.memory_space<hbm>>
    %dma_wait3A_75 = tpu.memref_squeeze %dma_wait3A_74 : memref<1x256xi32, #tpu.memory_space<hbm>> -> memref<256xi32, #tpu.memory_space<hbm>>
    tpu.wait_dma2 semaphore(%dma_wait3A_73 : memref<!tpu.dma_semaphore, #tpu.memory_space<semaphore_mem>>) src(%dma_wait3A_75 : memref<256xi32, #tpu.memory_space<hbm>>) dst(%arg7 : memref<256xi32, #tpu.memory_space<vmem>>)
    %mul3A_76 = arith.constant 256 : i32
    %mul3A_77 = arith.muli %add3A, %mul3A_76 : i32
    %add3A_78 = arith.constant 32 : i32
    %add3A_79 = arith.addi %mul3A_77, %add3A_78 : i32
    %dma_start3A_80 = arith.constant 1 : i32
    %dma_start3A_81 = arith.constant 1 : i32
    %dma_start3A_82 = arith.constant 0 : i32
    %dma_start3A_83 = arith.constant 0 : i32
    %dma_start3A_84 = tpu.memref_slice %arg5[%dma_start3A_80, %dma_start3A_82, %dma_start3A_83] : memref<2x32x1024xf32, #tpu.memory_space<vmem>> -> memref<1x32x1024xf32, #tpu.memory_space<vmem>>
    %dma_start3A_85 = tpu.memref_squeeze %dma_start3A_84 : memref<1x32x1024xf32, #tpu.memory_space<vmem>> -> memref<32x1024xf32, #tpu.memory_space<vmem>>
    %dma_start3A_86 = arith.constant 0 : i32
    %dma_start3A_87 = tpu.memref_slice %arg2[%add3A_79, %dma_start3A_86] : memref<8192x1024xf32, #tpu.memory_space<hbm>> -> memref<32x1024xf32, #tpu.memory_space<hbm>>
    %dma_start3A_88 = tpu.memref_slice %arg9[%dma_start3A_81] : memref<4x!tpu.dma_semaphore, #tpu.memory_space<semaphore_mem>> -> memref<1x!tpu.dma_semaphore, #tpu.memory_space<semaphore_mem>>
    %dma_start3A_89 = tpu.memref_squeeze %dma_start3A_88 : memref<1x!tpu.dma_semaphore, #tpu.memory_space<semaphore_mem>> -> memref<!tpu.dma_semaphore, #tpu.memory_space<semaphore_mem>>
    %dma_start3A_90 = arith.constant 0 : i32
    %dma_start3A_91 = arith.constant 0 : i32
    %dma_start3A_92 = tpu.memref_slice %arg5[%dma_start3A_80, %dma_start3A_90, %dma_start3A_91] : memref<2x32x1024xf32, #tpu.memory_space<vmem>> -> memref<1x32x1024xf32, #tpu.memory_space<vmem>>
    %dma_start3A_93 = tpu.memref_squeeze %dma_start3A_92 : memref<1x32x1024xf32, #tpu.memory_space<vmem>> -> memref<32x1024xf32, #tpu.memory_space<vmem>>
    %dma_start3A_94 = arith.constant 0 : i32
    %dma_start3A_95 = tpu.memref_slice %arg2[%add3A_79, %dma_start3A_94] : memref<8192x1024xf32, #tpu.memory_space<hbm>> -> memref<32x1024xf32, #tpu.memory_space<hbm>>
    tpu.enqueue_dma source(%dma_start3A_95 : memref<32x1024xf32, #tpu.memory_space<hbm>>) target(%dma_start3A_93 : memref<32x1024xf32, #tpu.memory_space<vmem>>) target_semaphore(%dma_start3A_89 : memref<!tpu.dma_semaphore, #tpu.memory_space<semaphore_mem>>)
    %dma_wait3A_96 = arith.constant 0 : i32
    %dma_wait3A_97 = arith.constant 0 : i32
    %dma_wait3A_98 = arith.constant 0 : i32
    %dma_wait3A_99 = arith.constant 0 : i32
    %dma_wait3A_100 = tpu.memref_slice %arg5[%dma_wait3A_96, %dma_wait3A_98, %dma_wait3A_99] : memref<2x32x1024xf32, #tpu.memory_space<vmem>> -> memref<1x32x1024xf32, #tpu.memory_space<vmem>>
    %dma_wait3A_101 = tpu.memref_squeeze %dma_wait3A_100 : memref<1x32x1024xf32, #tpu.memory_space<vmem>> -> memref<32x1024xf32, #tpu.memory_space<vmem>>
    %dma_wait3A_102 = arith.constant 0 : i32
    %dma_wait3A_103 = tpu.memref_slice %arg2[%mul3A_39, %dma_wait3A_102] : memref<8192x1024xf32, #tpu.memory_space<hbm>> -> memref<32x1024xf32, #tpu.memory_space<hbm>>
    %dma_wait3A_104 = tpu.memref_slice %arg9[%dma_wait3A_97] : memref<4x!tpu.dma_semaphore, #tpu.memory_space<semaphore_mem>> -> memref<1x!tpu.dma_semaphore, #tpu.memory_space<semaphore_mem>>
    %dma_wait3A_105 = tpu.memref_squeeze %dma_wait3A_104 : memref<1x!tpu.dma_semaphore, #tpu.memory_space<semaphore_mem>> -> memref<!tpu.dma_semaphore, #tpu.memory_space<semaphore_mem>>
    %dma_wait3A_106 = arith.constant 0 : i32
    %dma_wait3A_107 = arith.constant 0 : i32
    %dma_wait3A_108 = tpu.memref_slice %arg5[%dma_wait3A_96, %dma_wait3A_106, %dma_wait3A_107] : memref<2x32x1024xf32, #tpu.memory_space<vmem>> -> memref<1x32x1024xf32, #tpu.memory_space<vmem>>
    %dma_wait3A_109 = tpu.memref_squeeze %dma_wait3A_108 : memref<1x32x1024xf32, #tpu.memory_space<vmem>> -> memref<32x1024xf32, #tpu.memory_space<vmem>>
    %dma_wait3A_110 = arith.constant 0 : i32
    %dma_wait3A_111 = tpu.memref_slice %arg2[%mul3A_39, %dma_wait3A_110] : memref<8192x1024xf32, #tpu.memory_space<hbm>> -> memref<32x1024xf32, #tpu.memory_space<hbm>>
    tpu.wait_dma2 semaphore(%dma_wait3A_105 : memref<!tpu.dma_semaphore, #tpu.memory_space<semaphore_mem>>) src(%dma_wait3A_111 : memref<32x1024xf32, #tpu.memory_space<hbm>>) dst(%dma_wait3A_109 : memref<32x1024xf32, #tpu.memory_space<vmem>>)
    %get3A = arith.constant 0 : index
    %get3A_112 = tpu.vector_load %arg6[%get3A] {strides = array<i32>} : memref<256xi32, #tpu.memory_space<vmem>>, vector<16xi32>,
    %convert_element_type3A = arith.sitofp %get3A_112 : vector<16xi32> to vector<16xf32>
    %get3A_113 = arith.constant 0 : index
    %get3A_114 = tpu.vector_load %arg7[%get3A_113] {strides = array<i32>} : memref<256xi32, #tpu.memory_space<vmem>>, vector<16xi32>,
    %convert_element_type3A_115 = arith.sitofp %get3A_114 : vector<16xi32> to vector<16xf32>
    %scan3A_116 = arith.constant 0 : i32
    %scan3A_117 = arith.constant 16 : i32
    %scan3A_118 = arith.addi %scan3A_116, %scan3A_117 : i32
    %scan3A_119 = arith.constant 1 : i32
    scf.for %scan3A_518 = %scan3A_116 to %scan3A_118 step %scan3A_119  : i32 {
      %eq3A = vector.broadcast %scan3A_518 : i32 to vector<16xi32>
      %eq3A_519 = arith.cmpi eq, %iota3A, %eq3A : vector<16xi32>
      %jit3A_520 = arith.constant 0.000000e+00 : f32
      %broadcast_in_dim3A_521 = vector.broadcast %jit3A_520 : f32 to vector<16xf32>
      %select_n3A_522 = arith.select %eq3A_519, %convert_element_type3A, %broadcast_in_dim3A_521 : vector<16xi1>, vector<16xf32>
      %reduce_sum3A = arith.constant true
      %reduce_sum3A_523 = vector.broadcast %reduce_sum3A : i1 to vector<16xi1>
      %reduce_sum3A_524 = tpu.scan <sum>, %select_n3A_522 masked %reduce_sum3A_523 : vector<16xf32>, vector<16xi1> -> vector<16xf32>
      %reduce_sum3A_525 = vector.extract %reduce_sum3A_524[15] : f32 from vector<16xf32>
      %convert_element_type3A_526 = arith.fptosi %reduce_sum3A_525 : f32 to i32
      %sub3A_527 = arith.subi %convert_element_type3A_526, %mul3A_18 : i32
      %eq3A_528 = vector.broadcast %scan3A_518 : i32 to vector<16xi32>
      %eq3A_529 = arith.cmpi eq, %iota3A, %eq3A_528 : vector<16xi32>
      %jit3A_530 = arith.constant 0.000000e+00 : f32
      %broadcast_in_dim3A_531 = vector.broadcast %jit3A_530 : f32 to vector<16xf32>
      %select_n3A_532 = arith.select %eq3A_529, %convert_element_type3A_115, %broadcast_in_dim3A_531 : vector<16xi1>, vector<16xf32>
      %reduce_sum3A_533 = arith.constant true
      %reduce_sum3A_534 = vector.broadcast %reduce_sum3A_533 : i1 to vector<16xi1>
      %reduce_sum3A_535 = tpu.scan <sum>, %select_n3A_532 masked %reduce_sum3A_534 : vector<16xf32>, vector<16xi1> -> vector<16xf32>
      %reduce_sum3A_536 = vector.extract %reduce_sum3A_535[15] : f32 from vector<16xf32>
      %convert_element_type3A_537 = arith.fptosi %reduce_sum3A_536 : f32 to i32
      %sub3A_538 = arith.subi %convert_element_type3A_537, %mul3A_18 : i32
      %add3A_539 = arith.constant 0 : i32
      %add3A_540 = arith.addi %add3A_539, %scan3A_518 : i32
      %scan3A_541 = arith.constant 0 : i32
      %scan3A_542 = arith.constant 64 : i32
      %scan3A_543 = arith.addi %scan3A_541, %scan3A_542 : i32
      %scan3A_544 = arith.constant 4 : i32
      scf.for %scan3A_546 = %scan3A_541 to %scan3A_543 step %scan3A_544  : i32 {
        %mul3A_547 = arith.constant 16 : i32
        %mul3A_548 = arith.muli %scan3A_546, %mul3A_547 : i32
        %get3A_549 = arith.constant 0 : i32
        %get3A_550 = arith.index_cast %get3A_549 : i32 to index
        %get3A_551 = arith.index_cast %add3A_540 : i32 to index
        %get3A_552 = arith.index_cast %mul3A_548 : i32 to index
        %get3A_553 = tpu.vector_load %arg5[%get3A_550, %get3A_551, %get3A_552] {strides = array<i32>} : memref<2x32x1024xf32, #tpu.memory_space<vmem>>, vector<16xf32>,
        %mul3A_554 = arith.constant 16 : i32
        %mul3A_555 = arith.muli %scan3A_546, %mul3A_554 : i32
        %swap3A = arith.index_cast %sub3A_527 : i32 to index
        %swap3A_556 = arith.index_cast %mul3A_555 : i32 to index
        %swap3A_557 = tpu.vector_load %arg8[%swap3A, %swap3A_556] {strides = array<i32>} : memref<16x1024xf32, #tpu.memory_space<vmem>>, vector<16xf32>,
        tpu.vector_store %arg8[%swap3A, %swap3A_556], %get3A_553 {add = true, strides = array<i32>} : memref<16x1024xf32, #tpu.memory_space<vmem>>, vector<16xf32>,
        %mul3A_558 = arith.constant 16 : i32
        %mul3A_559 = arith.muli %scan3A_546, %mul3A_558 : i32
        %swap3A_560 = arith.index_cast %sub3A_538 : i32 to index
        %swap3A_561 = arith.index_cast %mul3A_559 : i32 to index
        %swap3A_562 = tpu.vector_load %arg8[%swap3A_560, %swap3A_561] {strides = array<i32>} : memref<16x1024xf32, #tpu.memory_space<vmem>>, vector<16xf32>,
        tpu.vector_store %arg8[%swap3A_560, %swap3A_561], %get3A_553 {add = true, strides = array<i32>} : memref<16x1024xf32, #tpu.memory_space<vmem>>, vector<16xf32>,
        %scan3A_563 = arith.constant 1 : i32
        %scan3A_564 = arith.addi %scan3A_546, %scan3A_563 : i32
        %mul3A_565 = arith.constant 16 : i32
        %mul3A_566 = arith.muli %scan3A_564, %mul3A_565 : i32
        %get3A_567 = arith.constant 0 : i32
        %get3A_568 = arith.index_cast %get3A_567 : i32 to index
        %get3A_569 = arith.index_cast %add3A_540 : i32 to index
        %get3A_570 = arith.index_cast %mul3A_566 : i32 to index
        %get3A_571 = tpu.vector_load %arg5[%get3A_568, %get3A_569, %get3A_570] {strides = array<i32>} : memref<2x32x1024xf32, #tpu.memory_space<vmem>>, vector<16xf32>,
        %mul3A_572 = arith.constant 16 : i32
        %mul3A_573 = arith.muli %scan3A_564, %mul3A_572 : i32
        %swap3A_574 = arith.index_cast %sub3A_527 : i32 to index
        %swap3A_575 = arith.index_cast %mul3A_573 : i32 to index
        %swap3A_576 = tpu.vector_load %arg8[%swap3A_574, %swap3A_575] {strides = array<i32>} : memref<16x1024xf32, #tpu.memory_space<vmem>>, vector<16xf32>,
        tpu.vector_store %arg8[%swap3A_574, %swap3A_575], %get3A_571 {add = true, strides = array<i32>} : memref<16x1024xf32, #tpu.memory_space<vmem>>, vector<16xf32>,
        %mul3A_577 = arith.constant 16 : i32
        %mul3A_578 = arith.muli %scan3A_564, %mul3A_577 : i32
        %swap3A_579 = arith.index_cast %sub3A_538 : i32 to index
        %swap3A_580 = arith.index_cast %mul3A_578 : i32 to index
        %swap3A_581 = tpu.vector_load %arg8[%swap3A_579, %swap3A_580] {strides = array<i32>} : memref<16x1024xf32, #tpu.memory_space<vmem>>, vector<16xf32>,
        tpu.vector_store %arg8[%swap3A_579, %swap3A_580], %get3A_571 {add = true, strides = array<i32>} : memref<16x1024xf32, #tpu.memory_space<vmem>>, vector<16xf32>,
        %scan3A_582 = arith.constant 2 : i32
        %scan3A_583 = arith.addi %scan3A_546, %scan3A_582 : i32
        %mul3A_584 = arith.constant 16 : i32
        %mul3A_585 = arith.muli %scan3A_583, %mul3A_584 : i32
        %get3A_586 = arith.constant 0 : i32
        %get3A_587 = arith.index_cast %get3A_586 : i32 to index
        %get3A_588 = arith.index_cast %add3A_540 : i32 to index
        %get3A_589 = arith.index_cast %mul3A_585 : i32 to index
        %get3A_590 = tpu.vector_load %arg5[%get3A_587, %get3A_588, %get3A_589] {strides = array<i32>} : memref<2x32x1024xf32, #tpu.memory_space<vmem>>, vector<16xf32>,
        %mul3A_591 = arith.constant 16 : i32
        %mul3A_592 = arith.muli %scan3A_583, %mul3A_591 : i32
        %swap3A_593 = arith.index_cast %sub3A_527 : i32 to index
        %swap3A_594 = arith.index_cast %mul3A_592 : i32 to index
        %swap3A_595 = tpu.vector_load %arg8[%swap3A_593, %swap3A_594] {strides = array<i32>} : memref<16x1024xf32, #tpu.memory_space<vmem>>, vector<16xf32>,
        tpu.vector_store %arg8[%swap3A_593, %swap3A_594], %get3A_590 {add = true, strides = array<i32>} : memref<16x1024xf32, #tpu.memory_space<vmem>>, vector<16xf32>,
        %mul3A_596 = arith.constant 16 : i32
        %mul3A_597 = arith.muli %scan3A_583, %mul3A_596 : i32
        %swap3A_598 = arith.index_cast %sub3A_538 : i32 to index
        %swap3A_599 = arith.index_cast %mul3A_597 : i32 to index
        %swap3A_600 = tpu.vector_load %arg8[%swap3A_598, %swap3A_599] {strides = array<i32>} : memref<16x1024xf32, #tpu.memory_space<vmem>>, vector<16xf32>,
        tpu.vector_store %arg8[%swap3A_598, %swap3A_599], %get3A_590 {add = true, strides = array<i32>} : memref<16x1024xf32, #tpu.memory_space<vmem>>, vector<16xf32>,
        %scan3A_601 = arith.constant 3 : i32
        %scan3A_602 = arith.addi %scan3A_546, %scan3A_601 : i32
        %mul3A_603 = arith.constant 16 : i32
        %mul3A_604 = arith.muli %scan3A_602, %mul3A_603 : i32
        %get3A_605 = arith.constant 0 : i32
        %get3A_606 = arith.index_cast %get3A_605 : i32 to index
        %get3A_607 = arith.index_cast %add3A_540 : i32 to index
        %get3A_608 = arith.index_cast %mul3A_604 : i32 to index
        %get3A_609 = tpu.vector_load %arg5[%get3A_606, %get3A_607, %get3A_608] {strides = array<i32>} : memref<2x32x1024xf32, #tpu.memory_space<vmem>>, vector<16xf32>,
        %mul3A_610 = arith.constant 16 : i32
        %mul3A_611 = arith.muli %scan3A_602, %mul3A_610 : i32
        %swap3A_612 = arith.index_cast %sub3A_527 : i32 to index
        %swap3A_613 = arith.index_cast %mul3A_611 : i32 to index
        %swap3A_614 = tpu.vector_load %arg8[%swap3A_612, %swap3A_613] {strides = array<i32>} : memref<16x1024xf32, #tpu.memory_space<vmem>>, vector<16xf32>,
        tpu.vector_store %arg8[%swap3A_612, %swap3A_613], %get3A_609 {add = true, strides = array<i32>} : memref<16x1024xf32, #tpu.memory_space<vmem>>, vector<16xf32>,
        %mul3A_615 = arith.constant 16 : i32
        %mul3A_616 = arith.muli %scan3A_602, %mul3A_615 : i32
        %swap3A_617 = arith.index_cast %sub3A_538 : i32 to index
        %swap3A_618 = arith.index_cast %mul3A_616 : i32 to index
        %swap3A_619 = tpu.vector_load %arg8[%swap3A_617, %swap3A_618] {strides = array<i32>} : memref<16x1024xf32, #tpu.memory_space<vmem>>, vector<16xf32>,
        tpu.vector_store %arg8[%swap3A_617, %swap3A_618], %get3A_609 {add = true, strides = array<i32>} : memref<16x1024xf32, #tpu.memory_space<vmem>>, vector<16xf32>,
      }
      %scan3A_545 = arith.constant 64 : i32
    }
    %scan3A_120 = arith.constant 16 : i32
    %get3A_121 = arith.constant 16 : index
    %get3A_122 = tpu.vector_load %arg6[%get3A_121] {strides = array<i32>} : memref<256xi32, #tpu.memory_space<vmem>>, vector<16xi32>,
    %convert_element_type3A_123 = arith.sitofp %get3A_122 : vector<16xi32> to vector<16xf32>
    %get3A_124 = arith.constant 16 : index
    %get3A_125 = tpu.vector_load %arg7[%get3A_124] {strides = array<i32>} : memref<256xi32, #tpu.memory_space<vmem>>, vector<16xi32>,
    %convert_element_type3A_126 = arith.sitofp %get3A_125 : vector<16xi32> to vector<16xf32>
    %scan3A_127 = arith.constant 0 : i32
    %scan3A_128 = arith.constant 16 : i32
    %scan3A_129 = arith.addi %scan3A_127, %scan3A_128 : i32
    %scan3A_130 = arith.constant 1 : i32
    scf.for %scan3A_518 = %scan3A_127 to %scan3A_129 step %scan3A_130  : i32 {
      %eq3A = vector.broadcast %scan3A_518 : i32 to vector<16xi32>
      %eq3A_519 = arith.cmpi eq, %iota3A, %eq3A : vector<16xi32>
      %jit3A_520 = arith.constant 0.000000e+00 : f32
      %broadcast_in_dim3A_521 = vector.broadcast %jit3A_520 : f32 to vector<16xf32>
      %select_n3A_522 = arith.select %eq3A_519, %convert_element_type3A_123, %broadcast_in_dim3A_521 : vector<16xi1>, vector<16xf32>
      %reduce_sum3A = arith.constant true
      %reduce_sum3A_523 = vector.broadcast %reduce_sum3A : i1 to vector<16xi1>
      %reduce_sum3A_524 = tpu.scan <sum>, %select_n3A_522 masked %reduce_sum3A_523 : vector<16xf32>, vector<16xi1> -> vector<16xf32>
      %reduce_sum3A_525 = vector.extract %reduce_sum3A_524[15] : f32 from vector<16xf32>
      %convert_element_type3A_526 = arith.fptosi %reduce_sum3A_525 : f32 to i32
      %sub3A_527 = arith.subi %convert_element_type3A_526, %mul3A_18 : i32
      %eq3A_528 = vector.broadcast %scan3A_518 : i32 to vector<16xi32>
      %eq3A_529 = arith.cmpi eq, %iota3A, %eq3A_528 : vector<16xi32>
      %jit3A_530 = arith.constant 0.000000e+00 : f32
      %broadcast_in_dim3A_531 = vector.broadcast %jit3A_530 : f32 to vector<16xf32>
      %select_n3A_532 = arith.select %eq3A_529, %convert_element_type3A_126, %broadcast_in_dim3A_531 : vector<16xi1>, vector<16xf32>
      %reduce_sum3A_533 = arith.constant true
      %reduce_sum3A_534 = vector.broadcast %reduce_sum3A_533 : i1 to vector<16xi1>
      %reduce_sum3A_535 = tpu.scan <sum>, %select_n3A_532 masked %reduce_sum3A_534 : vector<16xf32>, vector<16xi1> -> vector<16xf32>
      %reduce_sum3A_536 = vector.extract %reduce_sum3A_535[15] : f32 from vector<16xf32>
      %convert_element_type3A_537 = arith.fptosi %reduce_sum3A_536 : f32 to i32
      %sub3A_538 = arith.subi %convert_element_type3A_537, %mul3A_18 : i32
      %add3A_539 = arith.constant 16 : i32
      %add3A_540 = arith.addi %add3A_539, %scan3A_518 : i32
      %scan3A_541 = arith.constant 0 : i32
      %scan3A_542 = arith.constant 64 : i32
      %scan3A_543 = arith.addi %scan3A_541, %scan3A_542 : i32
      %scan3A_544 = arith.constant 4 : i32
      scf.for %scan3A_546 = %scan3A_541 to %scan3A_543 step %scan3A_544  : i32 {
        %mul3A_547 = arith.constant 16 : i32
        %mul3A_548 = arith.muli %scan3A_546, %mul3A_547 : i32
        %get3A_549 = arith.constant 0 : i32
        %get3A_550 = arith.index_cast %get3A_549 : i32 to index
        %get3A_551 = arith.index_cast %add3A_540 : i32 to index
        %get3A_552 = arith.index_cast %mul3A_548 : i32 to index
        %get3A_553 = tpu.vector_load %arg5[%get3A_550, %get3A_551, %get3A_552] {strides = array<i32>} : memref<2x32x1024xf32, #tpu.memory_space<vmem>>, vector<16xf32>,
        %mul3A_554 = arith.constant 16 : i32
        %mul3A_555 = arith.muli %scan3A_546, %mul3A_554 : i32
        %swap3A = arith.index_cast %sub3A_527 : i32 to index
        %swap3A_556 = arith.index_cast %mul3A_555 : i32 to index
        %swap3A_557 = tpu.vector_load %arg8[%swap3A, %swap3A_556] {strides = array<i32>} : memref<16x1024xf32, #tpu.memory_space<vmem>>, vector<16xf32>,
        tpu.vector_store %arg8[%swap3A, %swap3A_556], %get3A_553 {add = true, strides = array<i32>} : memref<16x1024xf32, #tpu.memory_space<vmem>>, vector<16xf32>,
        %mul3A_558 = arith.constant 16 : i32
        %mul3A_559 = arith.muli %scan3A_546, %mul3A_558 : i32
        %swap3A_560 = arith.index_cast %sub3A_538 : i32 to index
        %swap3A_561 = arith.index_cast %mul3A_559 : i32 to index
        %swap3A_562 = tpu.vector_load %arg8[%swap3A_560, %swap3A_561] {strides = array<i32>} : memref<16x1024xf32, #tpu.memory_space<vmem>>, vector<16xf32>,
        tpu.vector_store %arg8[%swap3A_560, %swap3A_561], %get3A_553 {add = true, strides = array<i32>} : memref<16x1024xf32, #tpu.memory_space<vmem>>, vector<16xf32>,
        %scan3A_563 = arith.constant 1 : i32
        %scan3A_564 = arith.addi %scan3A_546, %scan3A_563 : i32
        %mul3A_565 = arith.constant 16 : i32
        %mul3A_566 = arith.muli %scan3A_564, %mul3A_565 : i32
        %get3A_567 = arith.constant 0 : i32
        %get3A_568 = arith.index_cast %get3A_567 : i32 to index
        %get3A_569 = arith.index_cast %add3A_540 : i32 to index
        %get3A_570 = arith.index_cast %mul3A_566 : i32 to index
        %get3A_571 = tpu.vector_load %arg5[%get3A_568, %get3A_569, %get3A_570] {strides = array<i32>} : memref<2x32x1024xf32, #tpu.memory_space<vmem>>, vector<16xf32>,
        %mul3A_572 = arith.constant 16 : i32
        %mul3A_573 = arith.muli %scan3A_564, %mul3A_572 : i32
        %swap3A_574 = arith.index_cast %sub3A_527 : i32 to index
        %swap3A_575 = arith.index_cast %mul3A_573 : i32 to index
        %swap3A_576 = tpu.vector_load %arg8[%swap3A_574, %swap3A_575] {strides = array<i32>} : memref<16x1024xf32, #tpu.memory_space<vmem>>, vector<16xf32>,
        tpu.vector_store %arg8[%swap3A_574, %swap3A_575], %get3A_571 {add = true, strides = array<i32>} : memref<16x1024xf32, #tpu.memory_space<vmem>>, vector<16xf32>,
        %mul3A_577 = arith.constant 16 : i32
        %mul3A_578 = arith.muli %scan3A_564, %mul3A_577 : i32
        %swap3A_579 = arith.index_cast %sub3A_538 : i32 to index
        %swap3A_580 = arith.index_cast %mul3A_578 : i32 to index
        %swap3A_581 = tpu.vector_load %arg8[%swap3A_579, %swap3A_580] {strides = array<i32>} : memref<16x1024xf32, #tpu.memory_space<vmem>>, vector<16xf32>,
        tpu.vector_store %arg8[%swap3A_579, %swap3A_580], %get3A_571 {add = true, strides = array<i32>} : memref<16x1024xf32, #tpu.memory_space<vmem>>, vector<16xf32>,
        %scan3A_582 = arith.constant 2 : i32
        %scan3A_583 = arith.addi %scan3A_546, %scan3A_582 : i32
        %mul3A_584 = arith.constant 16 : i32
        %mul3A_585 = arith.muli %scan3A_583, %mul3A_584 : i32
        %get3A_586 = arith.constant 0 : i32
        %get3A_587 = arith.index_cast %get3A_586 : i32 to index
        %get3A_588 = arith.index_cast %add3A_540 : i32 to index
        %get3A_589 = arith.index_cast %mul3A_585 : i32 to index
        %get3A_590 = tpu.vector_load %arg5[%get3A_587, %get3A_588, %get3A_589] {strides = array<i32>} : memref<2x32x1024xf32, #tpu.memory_space<vmem>>, vector<16xf32>,
        %mul3A_591 = arith.constant 16 : i32
        %mul3A_592 = arith.muli %scan3A_583, %mul3A_591 : i32
        %swap3A_593 = arith.index_cast %sub3A_527 : i32 to index
        %swap3A_594 = arith.index_cast %mul3A_592 : i32 to index
        %swap3A_595 = tpu.vector_load %arg8[%swap3A_593, %swap3A_594] {strides = array<i32>} : memref<16x1024xf32, #tpu.memory_space<vmem>>, vector<16xf32>,
        tpu.vector_store %arg8[%swap3A_593, %swap3A_594], %get3A_590 {add = true, strides = array<i32>} : memref<16x1024xf32, #tpu.memory_space<vmem>>, vector<16xf32>,
        %mul3A_596 = arith.constant 16 : i32
        %mul3A_597 = arith.muli %scan3A_583, %mul3A_596 : i32
        %swap3A_598 = arith.index_cast %sub3A_538 : i32 to index
        %swap3A_599 = arith.index_cast %mul3A_597 : i32 to index
        %swap3A_600 = tpu.vector_load %arg8[%swap3A_598, %swap3A_599] {strides = array<i32>} : memref<16x1024xf32, #tpu.memory_space<vmem>>, vector<16xf32>,
        tpu.vector_store %arg8[%swap3A_598, %swap3A_599], %get3A_590 {add = true, strides = array<i32>} : memref<16x1024xf32, #tpu.memory_space<vmem>>, vector<16xf32>,
        %scan3A_601 = arith.constant 3 : i32
        %scan3A_602 = arith.addi %scan3A_546, %scan3A_601 : i32
        %mul3A_603 = arith.constant 16 : i32
        %mul3A_604 = arith.muli %scan3A_602, %mul3A_603 : i32
        %get3A_605 = arith.constant 0 : i32
        %get3A_606 = arith.index_cast %get3A_605 : i32 to index
        %get3A_607 = arith.index_cast %add3A_540 : i32 to index
        %get3A_608 = arith.index_cast %mul3A_604 : i32 to index
        %get3A_609 = tpu.vector_load %arg5[%get3A_606, %get3A_607, %get3A_608] {strides = array<i32>} : memref<2x32x1024xf32, #tpu.memory_space<vmem>>, vector<16xf32>,
        %mul3A_610 = arith.constant 16 : i32
        %mul3A_611 = arith.muli %scan3A_602, %mul3A_610 : i32
        %swap3A_612 = arith.index_cast %sub3A_527 : i32 to index
        %swap3A_613 = arith.index_cast %mul3A_611 : i32 to index
        %swap3A_614 = tpu.vector_load %arg8[%swap3A_612, %swap3A_613] {strides = array<i32>} : memref<16x1024xf32, #tpu.memory_space<vmem>>, vector<16xf32>,
        tpu.vector_store %arg8[%swap3A_612, %swap3A_613], %get3A_609 {add = true, strides = array<i32>} : memref<16x1024xf32, #tpu.memory_space<vmem>>, vector<16xf32>,
        %mul3A_615 = arith.constant 16 : i32
        %mul3A_616 = arith.muli %scan3A_602, %mul3A_615 : i32
        %swap3A_617 = arith.index_cast %sub3A_538 : i32 to index
        %swap3A_618 = arith.index_cast %mul3A_616 : i32 to index
        %swap3A_619 = tpu.vector_load %arg8[%swap3A_617, %swap3A_618] {strides = array<i32>} : memref<16x1024xf32, #tpu.memory_space<vmem>>, vector<16xf32>,
        tpu.vector_store %arg8[%swap3A_617, %swap3A_618], %get3A_609 {add = true, strides = array<i32>} : memref<16x1024xf32, #tpu.memory_space<vmem>>, vector<16xf32>,
      }
      %scan3A_545 = arith.constant 64 : i32
    }
    %scan3A_131 = arith.constant 16 : i32
    %mul3A_132 = arith.constant 256 : i32
    %mul3A_133 = arith.muli %add3A, %mul3A_132 : i32
    %add3A_134 = arith.constant 64 : i32
    %add3A_135 = arith.addi %mul3A_133, %add3A_134 : i32
    %dma_start3A_136 = arith.constant 0 : i32
    %dma_start3A_137 = arith.constant 0 : i32
    %dma_start3A_138 = arith.constant 0 : i32
    %dma_start3A_139 = arith.constant 0 : i32
    %dma_start3A_140 = tpu.memref_slice %arg5[%dma_start3A_136, %dma_start3A_138, %dma_start3A_139] : memref<2x32x1024xf32, #tpu.memory_space<vmem>> -> memref<1x32x1024xf32, #tpu.memory_space<vmem>>
    %dma_start3A_141 = tpu.memref_squeeze %dma_start3A_140 : memref<1x32x1024xf32, #tpu.memory_space<vmem>> -> memref<32x1024xf32, #tpu.memory_space<vmem>>
    %dma_start3A_142 = arith.constant 0 : i32
    %dma_start3A_143 = tpu.memref_slice %arg2[%add3A_135, %dma_start3A_142] : memref<8192x1024xf32, #tpu.memory_space<hbm>> -> memref<32x1024xf32, #tpu.memory_space<hbm>>
    %dma_start3A_144 = tpu.memref_slice %arg9[%dma_start3A_137] : memref<4x!tpu.dma_semaphore, #tpu.memory_space<semaphore_mem>> -> memref<1x!tpu.dma_semaphore, #tpu.memory_space<semaphore_mem>>
    %dma_start3A_145 = tpu.memref_squeeze %dma_start3A_144 : memref<1x!tpu.dma_semaphore, #tpu.memory_space<semaphore_mem>> -> memref<!tpu.dma_semaphore, #tpu.memory_space<semaphore_mem>>
    %dma_start3A_146 = arith.constant 0 : i32
    %dma_start3A_147 = arith.constant 0 : i32
    %dma_start3A_148 = tpu.memref_slice %arg5[%dma_start3A_136, %dma_start3A_146, %dma_start3A_147] : memref<2x32x1024xf32, #tpu.memory_space<vmem>> -> memref<1x32x1024xf32, #tpu.memory_space<vmem>>
    %dma_start3A_149 = tpu.memref_squeeze %dma_start3A_148 : memref<1x32x1024xf32, #tpu.memory_space<vmem>> -> memref<32x1024xf32, #tpu.memory_space<vmem>>
    %dma_start3A_150 = arith.constant 0 : i32
    %dma_start3A_151 = tpu.memref_slice %arg2[%add3A_135, %dma_start3A_150] : memref<8192x1024xf32, #tpu.memory_space<hbm>> -> memref<32x1024xf32, #tpu.memory_space<hbm>>
    tpu.enqueue_dma source(%dma_start3A_151 : memref<32x1024xf32, #tpu.memory_space<hbm>>) target(%dma_start3A_149 : memref<32x1024xf32, #tpu.memory_space<vmem>>) target_semaphore(%dma_start3A_145 : memref<!tpu.dma_semaphore, #tpu.memory_space<semaphore_mem>>)
    %dma_wait3A_152 = arith.constant 1 : i32
    %dma_wait3A_153 = arith.constant 1 : i32
    %dma_wait3A_154 = arith.constant 0 : i32
    %dma_wait3A_155 = arith.constant 0 : i32
    %dma_wait3A_156 = tpu.memref_slice %arg5[%dma_wait3A_152, %dma_wait3A_154, %dma_wait3A_155] : memref<2x32x1024xf32, #tpu.memory_space<vmem>> -> memref<1x32x1024xf32, #tpu.memory_space<vmem>>
    %dma_wait3A_157 = tpu.memref_squeeze %dma_wait3A_156 : memref<1x32x1024xf32, #tpu.memory_space<vmem>> -> memref<32x1024xf32, #tpu.memory_space<vmem>>
    %dma_wait3A_158 = arith.constant 0 : i32
    %dma_wait3A_159 = tpu.memref_slice %arg2[%add3A_79, %dma_wait3A_158] : memref<8192x1024xf32, #tpu.memory_space<hbm>> -> memref<32x1024xf32, #tpu.memory_space<hbm>>
    %dma_wait3A_160 = tpu.memref_slice %arg9[%dma_wait3A_153] : memref<4x!tpu.dma_semaphore, #tpu.memory_space<semaphore_mem>> -> memref<1x!tpu.dma_semaphore, #tpu.memory_space<semaphore_mem>>
    %dma_wait3A_161 = tpu.memref_squeeze %dma_wait3A_160 : memref<1x!tpu.dma_semaphore, #tpu.memory_space<semaphore_mem>> -> memref<!tpu.dma_semaphore, #tpu.memory_space<semaphore_mem>>
    %dma_wait3A_162 = arith.constant 0 : i32
    %dma_wait3A_163 = arith.constant 0 : i32
    %dma_wait3A_164 = tpu.memref_slice %arg5[%dma_wait3A_152, %dma_wait3A_162, %dma_wait3A_163] : memref<2x32x1024xf32, #tpu.memory_space<vmem>> -> memref<1x32x1024xf32, #tpu.memory_space<vmem>>
    %dma_wait3A_165 = tpu.memref_squeeze %dma_wait3A_164 : memref<1x32x1024xf32, #tpu.memory_space<vmem>> -> memref<32x1024xf32, #tpu.memory_space<vmem>>
    %dma_wait3A_166 = arith.constant 0 : i32
    %dma_wait3A_167 = tpu.memref_slice %arg2[%add3A_79, %dma_wait3A_166] : memref<8192x1024xf32, #tpu.memory_space<hbm>> -> memref<32x1024xf32, #tpu.memory_space<hbm>>
    tpu.wait_dma2 semaphore(%dma_wait3A_161 : memref<!tpu.dma_semaphore, #tpu.memory_space<semaphore_mem>>) src(%dma_wait3A_167 : memref<32x1024xf32, #tpu.memory_space<hbm>>) dst(%dma_wait3A_165 : memref<32x1024xf32, #tpu.memory_space<vmem>>)
    %get3A_168 = arith.constant 32 : index
    %get3A_169 = tpu.vector_load %arg6[%get3A_168] {strides = array<i32>} : memref<256xi32, #tpu.memory_space<vmem>>, vector<16xi32>,
    %convert_element_type3A_170 = arith.sitofp %get3A_169 : vector<16xi32> to vector<16xf32>
    %get3A_171 = arith.constant 32 : index
    %get3A_172 = tpu.vector_load %arg7[%get3A_171] {strides = array<i32>} : memref<256xi32, #tpu.memory_space<vmem>>, vector<16xi32>,
    %convert_element_type3A_173 = arith.sitofp %get3A_172 : vector<16xi32> to vector<16xf32>
    %scan3A_174 = arith.constant 0 : i32
    %scan3A_175 = arith.constant 16 : i32
    %scan3A_176 = arith.addi %scan3A_174, %scan3A_175 : i32
    %scan3A_177 = arith.constant 1 : i32
    scf.for %scan3A_518 = %scan3A_174 to %scan3A_176 step %scan3A_177  : i32 {
      %eq3A = vector.broadcast %scan3A_518 : i32 to vector<16xi32>
      %eq3A_519 = arith.cmpi eq, %iota3A, %eq3A : vector<16xi32>
      %jit3A_520 = arith.constant 0.000000e+00 : f32
      %broadcast_in_dim3A_521 = vector.broadcast %jit3A_520 : f32 to vector<16xf32>
      %select_n3A_522 = arith.select %eq3A_519, %convert_element_type3A_170, %broadcast_in_dim3A_521 : vector<16xi1>, vector<16xf32>
      %reduce_sum3A = arith.constant true
      %reduce_sum3A_523 = vector.broadcast %reduce_sum3A : i1 to vector<16xi1>
      %reduce_sum3A_524 = tpu.scan <sum>, %select_n3A_522 masked %reduce_sum3A_523 : vector<16xf32>, vector<16xi1> -> vector<16xf32>
      %reduce_sum3A_525 = vector.extract %reduce_sum3A_524[15] : f32 from vector<16xf32>
      %convert_element_type3A_526 = arith.fptosi %reduce_sum3A_525 : f32 to i32
      %sub3A_527 = arith.subi %convert_element_type3A_526, %mul3A_18 : i32
      %eq3A_528 = vector.broadcast %scan3A_518 : i32 to vector<16xi32>
      %eq3A_529 = arith.cmpi eq, %iota3A, %eq3A_528 : vector<16xi32>
      %jit3A_530 = arith.constant 0.000000e+00 : f32
      %broadcast_in_dim3A_531 = vector.broadcast %jit3A_530 : f32 to vector<16xf32>
      %select_n3A_532 = arith.select %eq3A_529, %convert_element_type3A_173, %broadcast_in_dim3A_531 : vector<16xi1>, vector<16xf32>
      %reduce_sum3A_533 = arith.constant true
      %reduce_sum3A_534 = vector.broadcast %reduce_sum3A_533 : i1 to vector<16xi1>
      %reduce_sum3A_535 = tpu.scan <sum>, %select_n3A_532 masked %reduce_sum3A_534 : vector<16xf32>, vector<16xi1> -> vector<16xf32>
      %reduce_sum3A_536 = vector.extract %reduce_sum3A_535[15] : f32 from vector<16xf32>
      %convert_element_type3A_537 = arith.fptosi %reduce_sum3A_536 : f32 to i32
      %sub3A_538 = arith.subi %convert_element_type3A_537, %mul3A_18 : i32
      %add3A_539 = arith.constant 0 : i32
      %add3A_540 = arith.addi %add3A_539, %scan3A_518 : i32
      %scan3A_541 = arith.constant 0 : i32
      %scan3A_542 = arith.constant 64 : i32
      %scan3A_543 = arith.addi %scan3A_541, %scan3A_542 : i32
      %scan3A_544 = arith.constant 4 : i32
      scf.for %scan3A_546 = %scan3A_541 to %scan3A_543 step %scan3A_544  : i32 {
        %mul3A_547 = arith.constant 16 : i32
        %mul3A_548 = arith.muli %scan3A_546, %mul3A_547 : i32
        %get3A_549 = arith.constant 1 : i32
        %get3A_550 = arith.index_cast %get3A_549 : i32 to index
        %get3A_551 = arith.index_cast %add3A_540 : i32 to index
        %get3A_552 = arith.index_cast %mul3A_548 : i32 to index
        %get3A_553 = tpu.vector_load %arg5[%get3A_550, %get3A_551, %get3A_552] {strides = array<i32>} : memref<2x32x1024xf32, #tpu.memory_space<vmem>>, vector<16xf32>,
        %mul3A_554 = arith.constant 16 : i32
        %mul3A_555 = arith.muli %scan3A_546, %mul3A_554 : i32
        %swap3A = arith.index_cast %sub3A_527 : i32 to index
        %swap3A_556 = arith.index_cast %mul3A_555 : i32 to index
        %swap3A_557 = tpu.vector_load %arg8[%swap3A, %swap3A_556] {strides = array<i32>} : memref<16x1024xf32, #tpu.memory_space<vmem>>, vector<16xf32>,
        tpu.vector_store %arg8[%swap3A, %swap3A_556], %get3A_553 {add = true, strides = array<i32>} : memref<16x1024xf32, #tpu.memory_space<vmem>>, vector<16xf32>,
        %mul3A_558 = arith.constant 16 : i32
        %mul3A_559 = arith.muli %scan3A_546, %mul3A_558 : i32
        %swap3A_560 = arith.index_cast %sub3A_538 : i32 to index
        %swap3A_561 = arith.index_cast %mul3A_559 : i32 to index
        %swap3A_562 = tpu.vector_load %arg8[%swap3A_560, %swap3A_561] {strides = array<i32>} : memref<16x1024xf32, #tpu.memory_space<vmem>>, vector<16xf32>,
        tpu.vector_store %arg8[%swap3A_560, %swap3A_561], %get3A_553 {add = true, strides = array<i32>} : memref<16x1024xf32, #tpu.memory_space<vmem>>, vector<16xf32>,
        %scan3A_563 = arith.constant 1 : i32
        %scan3A_564 = arith.addi %scan3A_546, %scan3A_563 : i32
        %mul3A_565 = arith.constant 16 : i32
        %mul3A_566 = arith.muli %scan3A_564, %mul3A_565 : i32
        %get3A_567 = arith.constant 1 : i32
        %get3A_568 = arith.index_cast %get3A_567 : i32 to index
        %get3A_569 = arith.index_cast %add3A_540 : i32 to index
        %get3A_570 = arith.index_cast %mul3A_566 : i32 to index
        %get3A_571 = tpu.vector_load %arg5[%get3A_568, %get3A_569, %get3A_570] {strides = array<i32>} : memref<2x32x1024xf32, #tpu.memory_space<vmem>>, vector<16xf32>,
        %mul3A_572 = arith.constant 16 : i32
        %mul3A_573 = arith.muli %scan3A_564, %mul3A_572 : i32
        %swap3A_574 = arith.index_cast %sub3A_527 : i32 to index
        %swap3A_575 = arith.index_cast %mul3A_573 : i32 to index
        %swap3A_576 = tpu.vector_load %arg8[%swap3A_574, %swap3A_575] {strides = array<i32>} : memref<16x1024xf32, #tpu.memory_space<vmem>>, vector<16xf32>,
        tpu.vector_store %arg8[%swap3A_574, %swap3A_575], %get3A_571 {add = true, strides = array<i32>} : memref<16x1024xf32, #tpu.memory_space<vmem>>, vector<16xf32>,
        %mul3A_577 = arith.constant 16 : i32
        %mul3A_578 = arith.muli %scan3A_564, %mul3A_577 : i32
        %swap3A_579 = arith.index_cast %sub3A_538 : i32 to index
        %swap3A_580 = arith.index_cast %mul3A_578 : i32 to index
        %swap3A_581 = tpu.vector_load %arg8[%swap3A_579, %swap3A_580] {strides = array<i32>} : memref<16x1024xf32, #tpu.memory_space<vmem>>, vector<16xf32>,
        tpu.vector_store %arg8[%swap3A_579, %swap3A_580], %get3A_571 {add = true, strides = array<i32>} : memref<16x1024xf32, #tpu.memory_space<vmem>>, vector<16xf32>,
        %scan3A_582 = arith.constant 2 : i32
        %scan3A_583 = arith.addi %scan3A_546, %scan3A_582 : i32
        %mul3A_584 = arith.constant 16 : i32
        %mul3A_585 = arith.muli %scan3A_583, %mul3A_584 : i32
        %get3A_586 = arith.constant 1 : i32
        %get3A_587 = arith.index_cast %get3A_586 : i32 to index
        %get3A_588 = arith.index_cast %add3A_540 : i32 to index
        %get3A_589 = arith.index_cast %mul3A_585 : i32 to index
        %get3A_590 = tpu.vector_load %arg5[%get3A_587, %get3A_588, %get3A_589] {strides = array<i32>} : memref<2x32x1024xf32, #tpu.memory_space<vmem>>, vector<16xf32>,
        %mul3A_591 = arith.constant 16 : i32
        %mul3A_592 = arith.muli %scan3A_583, %mul3A_591 : i32
        %swap3A_593 = arith.index_cast %sub3A_527 : i32 to index
        %swap3A_594 = arith.index_cast %mul3A_592 : i32 to index
        %swap3A_595 = tpu.vector_load %arg8[%swap3A_593, %swap3A_594] {strides = array<i32>} : memref<16x1024xf32, #tpu.memory_space<vmem>>, vector<16xf32>,
        tpu.vector_store %arg8[%swap3A_593, %swap3A_594], %get3A_590 {add = true, strides = array<i32>} : memref<16x1024xf32, #tpu.memory_space<vmem>>, vector<16xf32>,
        %mul3A_596 = arith.constant 16 : i32
        %mul3A_597 = arith.muli %scan3A_583, %mul3A_596 : i32
        %swap3A_598 = arith.index_cast %sub3A_538 : i32 to index
        %swap3A_599 = arith.index_cast %mul3A_597 : i32 to index
        %swap3A_600 = tpu.vector_load %arg8[%swap3A_598, %swap3A_599] {strides = array<i32>} : memref<16x1024xf32, #tpu.memory_space<vmem>>, vector<16xf32>,
        tpu.vector_store %arg8[%swap3A_598, %swap3A_599], %get3A_590 {add = true, strides = array<i32>} : memref<16x1024xf32, #tpu.memory_space<vmem>>, vector<16xf32>,
        %scan3A_601 = arith.constant 3 : i32
        %scan3A_602 = arith.addi %scan3A_546, %scan3A_601 : i32
        %mul3A_603 = arith.constant 16 : i32
        %mul3A_604 = arith.muli %scan3A_602, %mul3A_603 : i32
        %get3A_605 = arith.constant 1 : i32
        %get3A_606 = arith.index_cast %get3A_605 : i32 to index
        %get3A_607 = arith.index_cast %add3A_540 : i32 to index
        %get3A_608 = arith.index_cast %mul3A_604 : i32 to index
        %get3A_609 = tpu.vector_load %arg5[%get3A_606, %get3A_607, %get3A_608] {strides = array<i32>} : memref<2x32x1024xf32, #tpu.memory_space<vmem>>, vector<16xf32>,
        %mul3A_610 = arith.constant 16 : i32
        %mul3A_611 = arith.muli %scan3A_602, %mul3A_610 : i32
        %swap3A_612 = arith.index_cast %sub3A_527 : i32 to index
        %swap3A_613 = arith.index_cast %mul3A_611 : i32 to index
        %swap3A_614 = tpu.vector_load %arg8[%swap3A_612, %swap3A_613] {strides = array<i32>} : memref<16x1024xf32, #tpu.memory_space<vmem>>, vector<16xf32>,
        tpu.vector_store %arg8[%swap3A_612, %swap3A_613], %get3A_609 {add = true, strides = array<i32>} : memref<16x1024xf32, #tpu.memory_space<vmem>>, vector<16xf32>,
        %mul3A_615 = arith.constant 16 : i32
        %mul3A_616 = arith.muli %scan3A_602, %mul3A_615 : i32
        %swap3A_617 = arith.index_cast %sub3A_538 : i32 to index
        %swap3A_618 = arith.index_cast %mul3A_616 : i32 to index
        %swap3A_619 = tpu.vector_load %arg8[%swap3A_617, %swap3A_618] {strides = array<i32>} : memref<16x1024xf32, #tpu.memory_space<vmem>>, vector<16xf32>,
        tpu.vector_store %arg8[%swap3A_617, %swap3A_618], %get3A_609 {add = true, strides = array<i32>} : memref<16x1024xf32, #tpu.memory_space<vmem>>, vector<16xf32>,
      }
      %scan3A_545 = arith.constant 64 : i32
    }
    %scan3A_178 = arith.constant 16 : i32
    %get3A_179 = arith.constant 48 : index
    %get3A_180 = tpu.vector_load %arg6[%get3A_179] {strides = array<i32>} : memref<256xi32, #tpu.memory_space<vmem>>, vector<16xi32>,
    %convert_element_type3A_181 = arith.sitofp %get3A_180 : vector<16xi32> to vector<16xf32>
    %get3A_182 = arith.constant 48 : index
    %get3A_183 = tpu.vector_load %arg7[%get3A_182] {strides = array<i32>} : memref<256xi32, #tpu.memory_space<vmem>>, vector<16xi32>,
    %convert_element_type3A_184 = arith.sitofp %get3A_183 : vector<16xi32> to vector<16xf32>
    %scan3A_185 = arith.constant 0 : i32
    %scan3A_186 = arith.constant 16 : i32
    %scan3A_187 = arith.addi %scan3A_185, %scan3A_186 : i32
    %scan3A_188 = arith.constant 1 : i32
    scf.for %scan3A_518 = %scan3A_185 to %scan3A_187 step %scan3A_188  : i32 {
      %eq3A = vector.broadcast %scan3A_518 : i32 to vector<16xi32>
      %eq3A_519 = arith.cmpi eq, %iota3A, %eq3A : vector<16xi32>
      %jit3A_520 = arith.constant 0.000000e+00 : f32
      %broadcast_in_dim3A_521 = vector.broadcast %jit3A_520 : f32 to vector<16xf32>
      %select_n3A_522 = arith.select %eq3A_519, %convert_element_type3A_181, %broadcast_in_dim3A_521 : vector<16xi1>, vector<16xf32>
      %reduce_sum3A = arith.constant true
      %reduce_sum3A_523 = vector.broadcast %reduce_sum3A : i1 to vector<16xi1>
      %reduce_sum3A_524 = tpu.scan <sum>, %select_n3A_522 masked %reduce_sum3A_523 : vector<16xf32>, vector<16xi1> -> vector<16xf32>
      %reduce_sum3A_525 = vector.extract %reduce_sum3A_524[15] : f32 from vector<16xf32>
      %convert_element_type3A_526 = arith.fptosi %reduce_sum3A_525 : f32 to i32
      %sub3A_527 = arith.subi %convert_element_type3A_526, %mul3A_18 : i32
      %eq3A_528 = vector.broadcast %scan3A_518 : i32 to vector<16xi32>
      %eq3A_529 = arith.cmpi eq, %iota3A, %eq3A_528 : vector<16xi32>
      %jit3A_530 = arith.constant 0.000000e+00 : f32
      %broadcast_in_dim3A_531 = vector.broadcast %jit3A_530 : f32 to vector<16xf32>
      %select_n3A_532 = arith.select %eq3A_529, %convert_element_type3A_184, %broadcast_in_dim3A_531 : vector<16xi1>, vector<16xf32>
      %reduce_sum3A_533 = arith.constant true
      %reduce_sum3A_534 = vector.broadcast %reduce_sum3A_533 : i1 to vector<16xi1>
      %reduce_sum3A_535 = tpu.scan <sum>, %select_n3A_532 masked %reduce_sum3A_534 : vector<16xf32>, vector<16xi1> -> vector<16xf32>
      %reduce_sum3A_536 = vector.extract %reduce_sum3A_535[15] : f32 from vector<16xf32>
      %convert_element_type3A_537 = arith.fptosi %reduce_sum3A_536 : f32 to i32
      %sub3A_538 = arith.subi %convert_element_type3A_537, %mul3A_18 : i32
      %add3A_539 = arith.constant 16 : i32
      %add3A_540 = arith.addi %add3A_539, %scan3A_518 : i32
      %scan3A_541 = arith.constant 0 : i32
      %scan3A_542 = arith.constant 64 : i32
      %scan3A_543 = arith.addi %scan3A_541, %scan3A_542 : i32
      %scan3A_544 = arith.constant 4 : i32
      scf.for %scan3A_546 = %scan3A_541 to %scan3A_543 step %scan3A_544  : i32 {
        %mul3A_547 = arith.constant 16 : i32
        %mul3A_548 = arith.muli %scan3A_546, %mul3A_547 : i32
        %get3A_549 = arith.constant 1 : i32
        %get3A_550 = arith.index_cast %get3A_549 : i32 to index
        %get3A_551 = arith.index_cast %add3A_540 : i32 to index
        %get3A_552 = arith.index_cast %mul3A_548 : i32 to index
        %get3A_553 = tpu.vector_load %arg5[%get3A_550, %get3A_551, %get3A_552] {strides = array<i32>} : memref<2x32x1024xf32, #tpu.memory_space<vmem>>, vector<16xf32>,
        %mul3A_554 = arith.constant 16 : i32
        %mul3A_555 = arith.muli %scan3A_546, %mul3A_554 : i32
        %swap3A = arith.index_cast %sub3A_527 : i32 to index
        %swap3A_556 = arith.index_cast %mul3A_555 : i32 to index
        %swap3A_557 = tpu.vector_load %arg8[%swap3A, %swap3A_556] {strides = array<i32>} : memref<16x1024xf32, #tpu.memory_space<vmem>>, vector<16xf32>,
        tpu.vector_store %arg8[%swap3A, %swap3A_556], %get3A_553 {add = true, strides = array<i32>} : memref<16x1024xf32, #tpu.memory_space<vmem>>, vector<16xf32>,
        %mul3A_558 = arith.constant 16 : i32
        %mul3A_559 = arith.muli %scan3A_546, %mul3A_558 : i32
        %swap3A_560 = arith.index_cast %sub3A_538 : i32 to index
        %swap3A_561 = arith.index_cast %mul3A_559 : i32 to index
        %swap3A_562 = tpu.vector_load %arg8[%swap3A_560, %swap3A_561] {strides = array<i32>} : memref<16x1024xf32, #tpu.memory_space<vmem>>, vector<16xf32>,
        tpu.vector_store %arg8[%swap3A_560, %swap3A_561], %get3A_553 {add = true, strides = array<i32>} : memref<16x1024xf32, #tpu.memory_space<vmem>>, vector<16xf32>,
        %scan3A_563 = arith.constant 1 : i32
        %scan3A_564 = arith.addi %scan3A_546, %scan3A_563 : i32
        %mul3A_565 = arith.constant 16 : i32
        %mul3A_566 = arith.muli %scan3A_564, %mul3A_565 : i32
        %get3A_567 = arith.constant 1 : i32
        %get3A_568 = arith.index_cast %get3A_567 : i32 to index
        %get3A_569 = arith.index_cast %add3A_540 : i32 to index
        %get3A_570 = arith.index_cast %mul3A_566 : i32 to index
        %get3A_571 = tpu.vector_load %arg5[%get3A_568, %get3A_569, %get3A_570] {strides = array<i32>} : memref<2x32x1024xf32, #tpu.memory_space<vmem>>, vector<16xf32>,
        %mul3A_572 = arith.constant 16 : i32
        %mul3A_573 = arith.muli %scan3A_564, %mul3A_572 : i32
        %swap3A_574 = arith.index_cast %sub3A_527 : i32 to index
        %swap3A_575 = arith.index_cast %mul3A_573 : i32 to index
        %swap3A_576 = tpu.vector_load %arg8[%swap3A_574, %swap3A_575] {strides = array<i32>} : memref<16x1024xf32, #tpu.memory_space<vmem>>, vector<16xf32>,
        tpu.vector_store %arg8[%swap3A_574, %swap3A_575], %get3A_571 {add = true, strides = array<i32>} : memref<16x1024xf32, #tpu.memory_space<vmem>>, vector<16xf32>,
        %mul3A_577 = arith.constant 16 : i32
        %mul3A_578 = arith.muli %scan3A_564, %mul3A_577 : i32
        %swap3A_579 = arith.index_cast %sub3A_538 : i32 to index
        %swap3A_580 = arith.index_cast %mul3A_578 : i32 to index
        %swap3A_581 = tpu.vector_load %arg8[%swap3A_579, %swap3A_580] {strides = array<i32>} : memref<16x1024xf32, #tpu.memory_space<vmem>>, vector<16xf32>,
        tpu.vector_store %arg8[%swap3A_579, %swap3A_580], %get3A_571 {add = true, strides = array<i32>} : memref<16x1024xf32, #tpu.memory_space<vmem>>, vector<16xf32>,
        %scan3A_582 = arith.constant 2 : i32
        %scan3A_583 = arith.addi %scan3A_546, %scan3A_582 : i32
        %mul3A_584 = arith.constant 16 : i32
        %mul3A_585 = arith.muli %scan3A_583, %mul3A_584 : i32
        %get3A_586 = arith.constant 1 : i32
        %get3A_587 = arith.index_cast %get3A_586 : i32 to index
        %get3A_588 = arith.index_cast %add3A_540 : i32 to index
        %get3A_589 = arith.index_cast %mul3A_585 : i32 to index
        %get3A_590 = tpu.vector_load %arg5[%get3A_587, %get3A_588, %get3A_589] {strides = array<i32>} : memref<2x32x1024xf32, #tpu.memory_space<vmem>>, vector<16xf32>,
        %mul3A_591 = arith.constant 16 : i32
        %mul3A_592 = arith.muli %scan3A_583, %mul3A_591 : i32
        %swap3A_593 = arith.index_cast %sub3A_527 : i32 to index
        %swap3A_594 = arith.index_cast %mul3A_592 : i32 to index
        %swap3A_595 = tpu.vector_load %arg8[%swap3A_593, %swap3A_594] {strides = array<i32>} : memref<16x1024xf32, #tpu.memory_space<vmem>>, vector<16xf32>,
        tpu.vector_store %arg8[%swap3A_593, %swap3A_594], %get3A_590 {add = true, strides = array<i32>} : memref<16x1024xf32, #tpu.memory_space<vmem>>, vector<16xf32>,
        %mul3A_596 = arith.constant 16 : i32
        %mul3A_597 = arith.muli %scan3A_583, %mul3A_596 : i32
        %swap3A_598 = arith.index_cast %sub3A_538 : i32 to index
        %swap3A_599 = arith.index_cast %mul3A_597 : i32 to index
        %swap3A_600 = tpu.vector_load %arg8[%swap3A_598, %swap3A_599] {strides = array<i32>} : memref<16x1024xf32, #tpu.memory_space<vmem>>, vector<16xf32>,
        tpu.vector_store %arg8[%swap3A_598, %swap3A_599], %get3A_590 {add = true, strides = array<i32>} : memref<16x1024xf32, #tpu.memory_space<vmem>>, vector<16xf32>,
        %scan3A_601 = arith.constant 3 : i32
        %scan3A_602 = arith.addi %scan3A_546, %scan3A_601 : i32
        %mul3A_603 = arith.constant 16 : i32
        %mul3A_604 = arith.muli %scan3A_602, %mul3A_603 : i32
        %get3A_605 = arith.constant 1 : i32
        %get3A_606 = arith.index_cast %get3A_605 : i32 to index
        %get3A_607 = arith.index_cast %add3A_540 : i32 to index
        %get3A_608 = arith.index_cast %mul3A_604 : i32 to index
        %get3A_609 = tpu.vector_load %arg5[%get3A_606, %get3A_607, %get3A_608] {strides = array<i32>} : memref<2x32x1024xf32, #tpu.memory_space<vmem>>, vector<16xf32>,
        %mul3A_610 = arith.constant 16 : i32
        %mul3A_611 = arith.muli %scan3A_602, %mul3A_610 : i32
        %swap3A_612 = arith.index_cast %sub3A_527 : i32 to index
        %swap3A_613 = arith.index_cast %mul3A_611 : i32 to index
        %swap3A_614 = tpu.vector_load %arg8[%swap3A_612, %swap3A_613] {strides = array<i32>} : memref<16x1024xf32, #tpu.memory_space<vmem>>, vector<16xf32>,
        tpu.vector_store %arg8[%swap3A_612, %swap3A_613], %get3A_609 {add = true, strides = array<i32>} : memref<16x1024xf32, #tpu.memory_space<vmem>>, vector<16xf32>,
        %mul3A_615 = arith.constant 16 : i32
        %mul3A_616 = arith.muli %scan3A_602, %mul3A_615 : i32
        %swap3A_617 = arith.index_cast %sub3A_538 : i32 to index
        %swap3A_618 = arith.index_cast %mul3A_616 : i32 to index
        %swap3A_619 = tpu.vector_load %arg8[%swap3A_617, %swap3A_618] {strides = array<i32>} : memref<16x1024xf32, #tpu.memory_space<vmem>>, vector<16xf32>,
        tpu.vector_store %arg8[%swap3A_617, %swap3A_618], %get3A_609 {add = true, strides = array<i32>} : memref<16x1024xf32, #tpu.memory_space<vmem>>, vector<16xf32>,
      }
      %scan3A_545 = arith.constant 64 : i32
    }
    %scan3A_189 = arith.constant 16 : i32
    %mul3A_190 = arith.constant 256 : i32
    %mul3A_191 = arith.muli %add3A, %mul3A_190 : i32
    %add3A_192 = arith.constant 96 : i32
    %add3A_193 = arith.addi %mul3A_191, %add3A_192 : i32
    %dma_start3A_194 = arith.constant 1 : i32
    %dma_start3A_195 = arith.constant 1 : i32
    %dma_start3A_196 = arith.constant 0 : i32
    %dma_start3A_197 = arith.constant 0 : i32
    %dma_start3A_198 = tpu.memref_slice %arg5[%dma_start3A_194, %dma_start3A_196, %dma_start3A_197] : memref<2x32x1024xf32, #tpu.memory_space<vmem>> -> memref<1x32x1024xf32, #tpu.memory_space<vmem>>
    %dma_start3A_199 = tpu.memref_squeeze %dma_start3A_198 : memref<1x32x1024xf32, #tpu.memory_space<vmem>> -> memref<32x1024xf32, #tpu.memory_space<vmem>>
    %dma_start3A_200 = arith.constant 0 : i32
    %dma_start3A_201 = tpu.memref_slice %arg2[%add3A_193, %dma_start3A_200] : memref<8192x1024xf32, #tpu.memory_space<hbm>> -> memref<32x1024xf32, #tpu.memory_space<hbm>>
    %dma_start3A_202 = tpu.memref_slice %arg9[%dma_start3A_195] : memref<4x!tpu.dma_semaphore, #tpu.memory_space<semaphore_mem>> -> memref<1x!tpu.dma_semaphore, #tpu.memory_space<semaphore_mem>>
    %dma_start3A_203 = tpu.memref_squeeze %dma_start3A_202 : memref<1x!tpu.dma_semaphore, #tpu.memory_space<semaphore_mem>> -> memref<!tpu.dma_semaphore, #tpu.memory_space<semaphore_mem>>
    %dma_start3A_204 = arith.constant 0 : i32
    %dma_start3A_205 = arith.constant 0 : i32
    %dma_start3A_206 = tpu.memref_slice %arg5[%dma_start3A_194, %dma_start3A_204, %dma_start3A_205] : memref<2x32x1024xf32, #tpu.memory_space<vmem>> -> memref<1x32x1024xf32, #tpu.memory_space<vmem>>
    %dma_start3A_207 = tpu.memref_squeeze %dma_start3A_206 : memref<1x32x1024xf32, #tpu.memory_space<vmem>> -> memref<32x1024xf32, #tpu.memory_space<vmem>>
    %dma_start3A_208 = arith.constant 0 : i32
    %dma_start3A_209 = tpu.memref_slice %arg2[%add3A_193, %dma_start3A_208] : memref<8192x1024xf32, #tpu.memory_space<hbm>> -> memref<32x1024xf32, #tpu.memory_space<hbm>>
    tpu.enqueue_dma source(%dma_start3A_209 : memref<32x1024xf32, #tpu.memory_space<hbm>>) target(%dma_start3A_207 : memref<32x1024xf32, #tpu.memory_space<vmem>>) target_semaphore(%dma_start3A_203 : memref<!tpu.dma_semaphore, #tpu.memory_space<semaphore_mem>>)
    %dma_wait3A_210 = arith.constant 0 : i32
    %dma_wait3A_211 = arith.constant 0 : i32
    %dma_wait3A_212 = arith.constant 0 : i32
    %dma_wait3A_213 = arith.constant 0 : i32
    %dma_wait3A_214 = tpu.memref_slice %arg5[%dma_wait3A_210, %dma_wait3A_212, %dma_wait3A_213] : memref<2x32x1024xf32, #tpu.memory_space<vmem>> -> memref<1x32x1024xf32, #tpu.memory_space<vmem>>
    %dma_wait3A_215 = tpu.memref_squeeze %dma_wait3A_214 : memref<1x32x1024xf32, #tpu.memory_space<vmem>> -> memref<32x1024xf32, #tpu.memory_space<vmem>>
    %dma_wait3A_216 = arith.constant 0 : i32
    %dma_wait3A_217 = tpu.memref_slice %arg2[%add3A_135, %dma_wait3A_216] : memref<8192x1024xf32, #tpu.memory_space<hbm>> -> memref<32x1024xf32, #tpu.memory_space<hbm>>
    %dma_wait3A_218 = tpu.memref_slice %arg9[%dma_wait3A_211] : memref<4x!tpu.dma_semaphore, #tpu.memory_space<semaphore_mem>> -> memref<1x!tpu.dma_semaphore, #tpu.memory_space<semaphore_mem>>
    %dma_wait3A_219 = tpu.memref_squeeze %dma_wait3A_218 : memref<1x!tpu.dma_semaphore, #tpu.memory_space<semaphore_mem>> -> memref<!tpu.dma_semaphore, #tpu.memory_space<semaphore_mem>>
    %dma_wait3A_220 = arith.constant 0 : i32
    %dma_wait3A_221 = arith.constant 0 : i32
    %dma_wait3A_222 = tpu.memref_slice %arg5[%dma_wait3A_210, %dma_wait3A_220, %dma_wait3A_221] : memref<2x32x1024xf32, #tpu.memory_space<vmem>> -> memref<1x32x1024xf32, #tpu.memory_space<vmem>>
    %dma_wait3A_223 = tpu.memref_squeeze %dma_wait3A_222 : memref<1x32x1024xf32, #tpu.memory_space<vmem>> -> memref<32x1024xf32, #tpu.memory_space<vmem>>
    %dma_wait3A_224 = arith.constant 0 : i32
    %dma_wait3A_225 = tpu.memref_slice %arg2[%add3A_135, %dma_wait3A_224] : memref<8192x1024xf32, #tpu.memory_space<hbm>> -> memref<32x1024xf32, #tpu.memory_space<hbm>>
    tpu.wait_dma2 semaphore(%dma_wait3A_219 : memref<!tpu.dma_semaphore, #tpu.memory_space<semaphore_mem>>) src(%dma_wait3A_225 : memref<32x1024xf32, #tpu.memory_space<hbm>>) dst(%dma_wait3A_223 : memref<32x1024xf32, #tpu.memory_space<vmem>>)
    %get3A_226 = arith.constant 64 : index
    %get3A_227 = tpu.vector_load %arg6[%get3A_226] {strides = array<i32>} : memref<256xi32, #tpu.memory_space<vmem>>, vector<16xi32>,
    %convert_element_type3A_228 = arith.sitofp %get3A_227 : vector<16xi32> to vector<16xf32>
    %get3A_229 = arith.constant 64 : index
    %get3A_230 = tpu.vector_load %arg7[%get3A_229] {strides = array<i32>} : memref<256xi32, #tpu.memory_space<vmem>>, vector<16xi32>,
    %convert_element_type3A_231 = arith.sitofp %get3A_230 : vector<16xi32> to vector<16xf32>
    %scan3A_232 = arith.constant 0 : i32
    %scan3A_233 = arith.constant 16 : i32
    %scan3A_234 = arith.addi %scan3A_232, %scan3A_233 : i32
    %scan3A_235 = arith.constant 1 : i32
    scf.for %scan3A_518 = %scan3A_232 to %scan3A_234 step %scan3A_235  : i32 {
      %eq3A = vector.broadcast %scan3A_518 : i32 to vector<16xi32>
      %eq3A_519 = arith.cmpi eq, %iota3A, %eq3A : vector<16xi32>
      %jit3A_520 = arith.constant 0.000000e+00 : f32
      %broadcast_in_dim3A_521 = vector.broadcast %jit3A_520 : f32 to vector<16xf32>
      %select_n3A_522 = arith.select %eq3A_519, %convert_element_type3A_228, %broadcast_in_dim3A_521 : vector<16xi1>, vector<16xf32>
      %reduce_sum3A = arith.constant true
      %reduce_sum3A_523 = vector.broadcast %reduce_sum3A : i1 to vector<16xi1>
      %reduce_sum3A_524 = tpu.scan <sum>, %select_n3A_522 masked %reduce_sum3A_523 : vector<16xf32>, vector<16xi1> -> vector<16xf32>
      %reduce_sum3A_525 = vector.extract %reduce_sum3A_524[15] : f32 from vector<16xf32>
      %convert_element_type3A_526 = arith.fptosi %reduce_sum3A_525 : f32 to i32
      %sub3A_527 = arith.subi %convert_element_type3A_526, %mul3A_18 : i32
      %eq3A_528 = vector.broadcast %scan3A_518 : i32 to vector<16xi32>
      %eq3A_529 = arith.cmpi eq, %iota3A, %eq3A_528 : vector<16xi32>
      %jit3A_530 = arith.constant 0.000000e+00 : f32
      %broadcast_in_dim3A_531 = vector.broadcast %jit3A_530 : f32 to vector<16xf32>
      %select_n3A_532 = arith.select %eq3A_529, %convert_element_type3A_231, %broadcast_in_dim3A_531 : vector<16xi1>, vector<16xf32>
      %reduce_sum3A_533 = arith.constant true
      %reduce_sum3A_534 = vector.broadcast %reduce_sum3A_533 : i1 to vector<16xi1>
      %reduce_sum3A_535 = tpu.scan <sum>, %select_n3A_532 masked %reduce_sum3A_534 : vector<16xf32>, vector<16xi1> -> vector<16xf32>
      %reduce_sum3A_536 = vector.extract %reduce_sum3A_535[15] : f32 from vector<16xf32>
      %convert_element_type3A_537 = arith.fptosi %reduce_sum3A_536 : f32 to i32
      %sub3A_538 = arith.subi %convert_element_type3A_537, %mul3A_18 : i32
      %add3A_539 = arith.constant 0 : i32
      %add3A_540 = arith.addi %add3A_539, %scan3A_518 : i32
      %scan3A_541 = arith.constant 0 : i32
      %scan3A_542 = arith.constant 64 : i32
      %scan3A_543 = arith.addi %scan3A_541, %scan3A_542 : i32
      %scan3A_544 = arith.constant 4 : i32
      scf.for %scan3A_546 = %scan3A_541 to %scan3A_543 step %scan3A_544  : i32 {
        %mul3A_547 = arith.constant 16 : i32
        %mul3A_548 = arith.muli %scan3A_546, %mul3A_547 : i32
        %get3A_549 = arith.constant 0 : i32
        %get3A_550 = arith.index_cast %get3A_549 : i32 to index
        %get3A_551 = arith.index_cast %add3A_540 : i32 to index
        %get3A_552 = arith.index_cast %mul3A_548 : i32 to index
        %get3A_553 = tpu.vector_load %arg5[%get3A_550, %get3A_551, %get3A_552] {strides = array<i32>} : memref<2x32x1024xf32, #tpu.memory_space<vmem>>, vector<16xf32>,
        %mul3A_554 = arith.constant 16 : i32
        %mul3A_555 = arith.muli %scan3A_546, %mul3A_554 : i32
        %swap3A = arith.index_cast %sub3A_527 : i32 to index
        %swap3A_556 = arith.index_cast %mul3A_555 : i32 to index
        %swap3A_557 = tpu.vector_load %arg8[%swap3A, %swap3A_556] {strides = array<i32>} : memref<16x1024xf32, #tpu.memory_space<vmem>>, vector<16xf32>,
        tpu.vector_store %arg8[%swap3A, %swap3A_556], %get3A_553 {add = true, strides = array<i32>} : memref<16x1024xf32, #tpu.memory_space<vmem>>, vector<16xf32>,
        %mul3A_558 = arith.constant 16 : i32
        %mul3A_559 = arith.muli %scan3A_546, %mul3A_558 : i32
        %swap3A_560 = arith.index_cast %sub3A_538 : i32 to index
        %swap3A_561 = arith.index_cast %mul3A_559 : i32 to index
        %swap3A_562 = tpu.vector_load %arg8[%swap3A_560, %swap3A_561] {strides = array<i32>} : memref<16x1024xf32, #tpu.memory_space<vmem>>, vector<16xf32>,
        tpu.vector_store %arg8[%swap3A_560, %swap3A_561], %get3A_553 {add = true, strides = array<i32>} : memref<16x1024xf32, #tpu.memory_space<vmem>>, vector<16xf32>,
        %scan3A_563 = arith.constant 1 : i32
        %scan3A_564 = arith.addi %scan3A_546, %scan3A_563 : i32
        %mul3A_565 = arith.constant 16 : i32
        %mul3A_566 = arith.muli %scan3A_564, %mul3A_565 : i32
        %get3A_567 = arith.constant 0 : i32
        %get3A_568 = arith.index_cast %get3A_567 : i32 to index
        %get3A_569 = arith.index_cast %add3A_540 : i32 to index
        %get3A_570 = arith.index_cast %mul3A_566 : i32 to index
        %get3A_571 = tpu.vector_load %arg5[%get3A_568, %get3A_569, %get3A_570] {strides = array<i32>} : memref<2x32x1024xf32, #tpu.memory_space<vmem>>, vector<16xf32>,
        %mul3A_572 = arith.constant 16 : i32
        %mul3A_573 = arith.muli %scan3A_564, %mul3A_572 : i32
        %swap3A_574 = arith.index_cast %sub3A_527 : i32 to index
        %swap3A_575 = arith.index_cast %mul3A_573 : i32 to index
        %swap3A_576 = tpu.vector_load %arg8[%swap3A_574, %swap3A_575] {strides = array<i32>} : memref<16x1024xf32, #tpu.memory_space<vmem>>, vector<16xf32>,
        tpu.vector_store %arg8[%swap3A_574, %swap3A_575], %get3A_571 {add = true, strides = array<i32>} : memref<16x1024xf32, #tpu.memory_space<vmem>>, vector<16xf32>,
        %mul3A_577 = arith.constant 16 : i32
        %mul3A_578 = arith.muli %scan3A_564, %mul3A_577 : i32
        %swap3A_579 = arith.index_cast %sub3A_538 : i32 to index
        %swap3A_580 = arith.index_cast %mul3A_578 : i32 to index
        %swap3A_581 = tpu.vector_load %arg8[%swap3A_579, %swap3A_580] {strides = array<i32>} : memref<16x1024xf32, #tpu.memory_space<vmem>>, vector<16xf32>,
        tpu.vector_store %arg8[%swap3A_579, %swap3A_580], %get3A_571 {add = true, strides = array<i32>} : memref<16x1024xf32, #tpu.memory_space<vmem>>, vector<16xf32>,
        %scan3A_582 = arith.constant 2 : i32
        %scan3A_583 = arith.addi %scan3A_546, %scan3A_582 : i32
        %mul3A_584 = arith.constant 16 : i32
        %mul3A_585 = arith.muli %scan3A_583, %mul3A_584 : i32
        %get3A_586 = arith.constant 0 : i32
        %get3A_587 = arith.index_cast %get3A_586 : i32 to index
        %get3A_588 = arith.index_cast %add3A_540 : i32 to index
        %get3A_589 = arith.index_cast %mul3A_585 : i32 to index
        %get3A_590 = tpu.vector_load %arg5[%get3A_587, %get3A_588, %get3A_589] {strides = array<i32>} : memref<2x32x1024xf32, #tpu.memory_space<vmem>>, vector<16xf32>,
        %mul3A_591 = arith.constant 16 : i32
        %mul3A_592 = arith.muli %scan3A_583, %mul3A_591 : i32
        %swap3A_593 = arith.index_cast %sub3A_527 : i32 to index
        %swap3A_594 = arith.index_cast %mul3A_592 : i32 to index
        %swap3A_595 = tpu.vector_load %arg8[%swap3A_593, %swap3A_594] {strides = array<i32>} : memref<16x1024xf32, #tpu.memory_space<vmem>>, vector<16xf32>,
        tpu.vector_store %arg8[%swap3A_593, %swap3A_594], %get3A_590 {add = true, strides = array<i32>} : memref<16x1024xf32, #tpu.memory_space<vmem>>, vector<16xf32>,
        %mul3A_596 = arith.constant 16 : i32
        %mul3A_597 = arith.muli %scan3A_583, %mul3A_596 : i32
        %swap3A_598 = arith.index_cast %sub3A_538 : i32 to index
        %swap3A_599 = arith.index_cast %mul3A_597 : i32 to index
        %swap3A_600 = tpu.vector_load %arg8[%swap3A_598, %swap3A_599] {strides = array<i32>} : memref<16x1024xf32, #tpu.memory_space<vmem>>, vector<16xf32>,
        tpu.vector_store %arg8[%swap3A_598, %swap3A_599], %get3A_590 {add = true, strides = array<i32>} : memref<16x1024xf32, #tpu.memory_space<vmem>>, vector<16xf32>,
        %scan3A_601 = arith.constant 3 : i32
        %scan3A_602 = arith.addi %scan3A_546, %scan3A_601 : i32
        %mul3A_603 = arith.constant 16 : i32
        %mul3A_604 = arith.muli %scan3A_602, %mul3A_603 : i32
        %get3A_605 = arith.constant 0 : i32
        %get3A_606 = arith.index_cast %get3A_605 : i32 to index
        %get3A_607 = arith.index_cast %add3A_540 : i32 to index
        %get3A_608 = arith.index_cast %mul3A_604 : i32 to index
        %get3A_609 = tpu.vector_load %arg5[%get3A_606, %get3A_607, %get3A_608] {strides = array<i32>} : memref<2x32x1024xf32, #tpu.memory_space<vmem>>, vector<16xf32>,
        %mul3A_610 = arith.constant 16 : i32
        %mul3A_611 = arith.muli %scan3A_602, %mul3A_610 : i32
        %swap3A_612 = arith.index_cast %sub3A_527 : i32 to index
        %swap3A_613 = arith.index_cast %mul3A_611 : i32 to index
        %swap3A_614 = tpu.vector_load %arg8[%swap3A_612, %swap3A_613] {strides = array<i32>} : memref<16x1024xf32, #tpu.memory_space<vmem>>, vector<16xf32>,
        tpu.vector_store %arg8[%swap3A_612, %swap3A_613], %get3A_609 {add = true, strides = array<i32>} : memref<16x1024xf32, #tpu.memory_space<vmem>>, vector<16xf32>,
        %mul3A_615 = arith.constant 16 : i32
        %mul3A_616 = arith.muli %scan3A_602, %mul3A_615 : i32
        %swap3A_617 = arith.index_cast %sub3A_538 : i32 to index
        %swap3A_618 = arith.index_cast %mul3A_616 : i32 to index
        %swap3A_619 = tpu.vector_load %arg8[%swap3A_617, %swap3A_618] {strides = array<i32>} : memref<16x1024xf32, #tpu.memory_space<vmem>>, vector<16xf32>,
        tpu.vector_store %arg8[%swap3A_617, %swap3A_618], %get3A_609 {add = true, strides = array<i32>} : memref<16x1024xf32, #tpu.memory_space<vmem>>, vector<16xf32>,
      }
      %scan3A_545 = arith.constant 64 : i32
    }
    %scan3A_236 = arith.constant 16 : i32
    %get3A_237 = arith.constant 80 : index
    %get3A_238 = tpu.vector_load %arg6[%get3A_237] {strides = array<i32>} : memref<256xi32, #tpu.memory_space<vmem>>, vector<16xi32>,
    %convert_element_type3A_239 = arith.sitofp %get3A_238 : vector<16xi32> to vector<16xf32>
    %get3A_240 = arith.constant 80 : index
    %get3A_241 = tpu.vector_load %arg7[%get3A_240] {strides = array<i32>} : memref<256xi32, #tpu.memory_space<vmem>>, vector<16xi32>,
    %convert_element_type3A_242 = arith.sitofp %get3A_241 : vector<16xi32> to vector<16xf32>
    %scan3A_243 = arith.constant 0 : i32
    %scan3A_244 = arith.constant 16 : i32
    %scan3A_245 = arith.addi %scan3A_243, %scan3A_244 : i32
    %scan3A_246 = arith.constant 1 : i32
    scf.for %scan3A_518 = %scan3A_243 to %scan3A_245 step %scan3A_246  : i32 {
      %eq3A = vector.broadcast %scan3A_518 : i32 to vector<16xi32>
      %eq3A_519 = arith.cmpi eq, %iota3A, %eq3A : vector<16xi32>
      %jit3A_520 = arith.constant 0.000000e+00 : f32
      %broadcast_in_dim3A_521 = vector.broadcast %jit3A_520 : f32 to vector<16xf32>
      %select_n3A_522 = arith.select %eq3A_519, %convert_element_type3A_239, %broadcast_in_dim3A_521 : vector<16xi1>, vector<16xf32>
      %reduce_sum3A = arith.constant true
      %reduce_sum3A_523 = vector.broadcast %reduce_sum3A : i1 to vector<16xi1>
      %reduce_sum3A_524 = tpu.scan <sum>, %select_n3A_522 masked %reduce_sum3A_523 : vector<16xf32>, vector<16xi1> -> vector<16xf32>
      %reduce_sum3A_525 = vector.extract %reduce_sum3A_524[15] : f32 from vector<16xf32>
      %convert_element_type3A_526 = arith.fptosi %reduce_sum3A_525 : f32 to i32
      %sub3A_527 = arith.subi %convert_element_type3A_526, %mul3A_18 : i32
      %eq3A_528 = vector.broadcast %scan3A_518 : i32 to vector<16xi32>
      %eq3A_529 = arith.cmpi eq, %iota3A, %eq3A_528 : vector<16xi32>
      %jit3A_530 = arith.constant 0.000000e+00 : f32
      %broadcast_in_dim3A_531 = vector.broadcast %jit3A_530 : f32 to vector<16xf32>
      %select_n3A_532 = arith.select %eq3A_529, %convert_element_type3A_242, %broadcast_in_dim3A_531 : vector<16xi1>, vector<16xf32>
      %reduce_sum3A_533 = arith.constant true
      %reduce_sum3A_534 = vector.broadcast %reduce_sum3A_533 : i1 to vector<16xi1>
      %reduce_sum3A_535 = tpu.scan <sum>, %select_n3A_532 masked %reduce_sum3A_534 : vector<16xf32>, vector<16xi1> -> vector<16xf32>
      %reduce_sum3A_536 = vector.extract %reduce_sum3A_535[15] : f32 from vector<16xf32>
      %convert_element_type3A_537 = arith.fptosi %reduce_sum3A_536 : f32 to i32
      %sub3A_538 = arith.subi %convert_element_type3A_537, %mul3A_18 : i32
      %add3A_539 = arith.constant 16 : i32
      %add3A_540 = arith.addi %add3A_539, %scan3A_518 : i32
      %scan3A_541 = arith.constant 0 : i32
      %scan3A_542 = arith.constant 64 : i32
      %scan3A_543 = arith.addi %scan3A_541, %scan3A_542 : i32
      %scan3A_544 = arith.constant 4 : i32
      scf.for %scan3A_546 = %scan3A_541 to %scan3A_543 step %scan3A_544  : i32 {
        %mul3A_547 = arith.constant 16 : i32
        %mul3A_548 = arith.muli %scan3A_546, %mul3A_547 : i32
        %get3A_549 = arith.constant 0 : i32
        %get3A_550 = arith.index_cast %get3A_549 : i32 to index
        %get3A_551 = arith.index_cast %add3A_540 : i32 to index
        %get3A_552 = arith.index_cast %mul3A_548 : i32 to index
        %get3A_553 = tpu.vector_load %arg5[%get3A_550, %get3A_551, %get3A_552] {strides = array<i32>} : memref<2x32x1024xf32, #tpu.memory_space<vmem>>, vector<16xf32>,
        %mul3A_554 = arith.constant 16 : i32
        %mul3A_555 = arith.muli %scan3A_546, %mul3A_554 : i32
        %swap3A = arith.index_cast %sub3A_527 : i32 to index
        %swap3A_556 = arith.index_cast %mul3A_555 : i32 to index
        %swap3A_557 = tpu.vector_load %arg8[%swap3A, %swap3A_556] {strides = array<i32>} : memref<16x1024xf32, #tpu.memory_space<vmem>>, vector<16xf32>,
        tpu.vector_store %arg8[%swap3A, %swap3A_556], %get3A_553 {add = true, strides = array<i32>} : memref<16x1024xf32, #tpu.memory_space<vmem>>, vector<16xf32>,
        %mul3A_558 = arith.constant 16 : i32
        %mul3A_559 = arith.muli %scan3A_546, %mul3A_558 : i32
        %swap3A_560 = arith.index_cast %sub3A_538 : i32 to index
        %swap3A_561 = arith.index_cast %mul3A_559 : i32 to index
        %swap3A_562 = tpu.vector_load %arg8[%swap3A_560, %swap3A_561] {strides = array<i32>} : memref<16x1024xf32, #tpu.memory_space<vmem>>, vector<16xf32>,
        tpu.vector_store %arg8[%swap3A_560, %swap3A_561], %get3A_553 {add = true, strides = array<i32>} : memref<16x1024xf32, #tpu.memory_space<vmem>>, vector<16xf32>,
        %scan3A_563 = arith.constant 1 : i32
        %scan3A_564 = arith.addi %scan3A_546, %scan3A_563 : i32
        %mul3A_565 = arith.constant 16 : i32
        %mul3A_566 = arith.muli %scan3A_564, %mul3A_565 : i32
        %get3A_567 = arith.constant 0 : i32
        %get3A_568 = arith.index_cast %get3A_567 : i32 to index
        %get3A_569 = arith.index_cast %add3A_540 : i32 to index
        %get3A_570 = arith.index_cast %mul3A_566 : i32 to index
        %get3A_571 = tpu.vector_load %arg5[%get3A_568, %get3A_569, %get3A_570] {strides = array<i32>} : memref<2x32x1024xf32, #tpu.memory_space<vmem>>, vector<16xf32>,
        %mul3A_572 = arith.constant 16 : i32
        %mul3A_573 = arith.muli %scan3A_564, %mul3A_572 : i32
        %swap3A_574 = arith.index_cast %sub3A_527 : i32 to index
        %swap3A_575 = arith.index_cast %mul3A_573 : i32 to index
        %swap3A_576 = tpu.vector_load %arg8[%swap3A_574, %swap3A_575] {strides = array<i32>} : memref<16x1024xf32, #tpu.memory_space<vmem>>, vector<16xf32>,
        tpu.vector_store %arg8[%swap3A_574, %swap3A_575], %get3A_571 {add = true, strides = array<i32>} : memref<16x1024xf32, #tpu.memory_space<vmem>>, vector<16xf32>,
        %mul3A_577 = arith.constant 16 : i32
        %mul3A_578 = arith.muli %scan3A_564, %mul3A_577 : i32
        %swap3A_579 = arith.index_cast %sub3A_538 : i32 to index
        %swap3A_580 = arith.index_cast %mul3A_578 : i32 to index
        %swap3A_581 = tpu.vector_load %arg8[%swap3A_579, %swap3A_580] {strides = array<i32>} : memref<16x1024xf32, #tpu.memory_space<vmem>>, vector<16xf32>,
        tpu.vector_store %arg8[%swap3A_579, %swap3A_580], %get3A_571 {add = true, strides = array<i32>} : memref<16x1024xf32, #tpu.memory_space<vmem>>, vector<16xf32>,
        %scan3A_582 = arith.constant 2 : i32
        %scan3A_583 = arith.addi %scan3A_546, %scan3A_582 : i32
        %mul3A_584 = arith.constant 16 : i32
        %mul3A_585 = arith.muli %scan3A_583, %mul3A_584 : i32
        %get3A_586 = arith.constant 0 : i32
        %get3A_587 = arith.index_cast %get3A_586 : i32 to index
        %get3A_588 = arith.index_cast %add3A_540 : i32 to index
        %get3A_589 = arith.index_cast %mul3A_585 : i32 to index
        %get3A_590 = tpu.vector_load %arg5[%get3A_587, %get3A_588, %get3A_589] {strides = array<i32>} : memref<2x32x1024xf32, #tpu.memory_space<vmem>>, vector<16xf32>,
        %mul3A_591 = arith.constant 16 : i32
        %mul3A_592 = arith.muli %scan3A_583, %mul3A_591 : i32
        %swap3A_593 = arith.index_cast %sub3A_527 : i32 to index
        %swap3A_594 = arith.index_cast %mul3A_592 : i32 to index
        %swap3A_595 = tpu.vector_load %arg8[%swap3A_593, %swap3A_594] {strides = array<i32>} : memref<16x1024xf32, #tpu.memory_space<vmem>>, vector<16xf32>,
        tpu.vector_store %arg8[%swap3A_593, %swap3A_594], %get3A_590 {add = true, strides = array<i32>} : memref<16x1024xf32, #tpu.memory_space<vmem>>, vector<16xf32>,
        %mul3A_596 = arith.constant 16 : i32
        %mul3A_597 = arith.muli %scan3A_583, %mul3A_596 : i32
        %swap3A_598 = arith.index_cast %sub3A_538 : i32 to index
        %swap3A_599 = arith.index_cast %mul3A_597 : i32 to index
        %swap3A_600 = tpu.vector_load %arg8[%swap3A_598, %swap3A_599] {strides = array<i32>} : memref<16x1024xf32, #tpu.memory_space<vmem>>, vector<16xf32>,
        tpu.vector_store %arg8[%swap3A_598, %swap3A_599], %get3A_590 {add = true, strides = array<i32>} : memref<16x1024xf32, #tpu.memory_space<vmem>>, vector<16xf32>,
        %scan3A_601 = arith.constant 3 : i32
        %scan3A_602 = arith.addi %scan3A_546, %scan3A_601 : i32
        %mul3A_603 = arith.constant 16 : i32
        %mul3A_604 = arith.muli %scan3A_602, %mul3A_603 : i32
        %get3A_605 = arith.constant 0 : i32
        %get3A_606 = arith.index_cast %get3A_605 : i32 to index
        %get3A_607 = arith.index_cast %add3A_540 : i32 to index
        %get3A_608 = arith.index_cast %mul3A_604 : i32 to index
        %get3A_609 = tpu.vector_load %arg5[%get3A_606, %get3A_607, %get3A_608] {strides = array<i32>} : memref<2x32x1024xf32, #tpu.memory_space<vmem>>, vector<16xf32>,
        %mul3A_610 = arith.constant 16 : i32
        %mul3A_611 = arith.muli %scan3A_602, %mul3A_610 : i32
        %swap3A_612 = arith.index_cast %sub3A_527 : i32 to index
        %swap3A_613 = arith.index_cast %mul3A_611 : i32 to index
        %swap3A_614 = tpu.vector_load %arg8[%swap3A_612, %swap3A_613] {strides = array<i32>} : memref<16x1024xf32, #tpu.memory_space<vmem>>, vector<16xf32>,
        tpu.vector_store %arg8[%swap3A_612, %swap3A_613], %get3A_609 {add = true, strides = array<i32>} : memref<16x1024xf32, #tpu.memory_space<vmem>>, vector<16xf32>,
        %mul3A_615 = arith.constant 16 : i32
        %mul3A_616 = arith.muli %scan3A_602, %mul3A_615 : i32
        %swap3A_617 = arith.index_cast %sub3A_538 : i32 to index
        %swap3A_618 = arith.index_cast %mul3A_616 : i32 to index
        %swap3A_619 = tpu.vector_load %arg8[%swap3A_617, %swap3A_618] {strides = array<i32>} : memref<16x1024xf32, #tpu.memory_space<vmem>>, vector<16xf32>,
        tpu.vector_store %arg8[%swap3A_617, %swap3A_618], %get3A_609 {add = true, strides = array<i32>} : memref<16x1024xf32, #tpu.memory_space<vmem>>, vector<16xf32>,
      }
      %scan3A_545 = arith.constant 64 : i32
    }
    %scan3A_247 = arith.constant 16 : i32
    %mul3A_248 = arith.constant 256 : i32
    %mul3A_249 = arith.muli %add3A, %mul3A_248 : i32
    %add3A_250 = arith.constant 128 : i32
    %add3A_251 = arith.addi %mul3A_249, %add3A_250 : i32
    %dma_start3A_252 = arith.constant 0 : i32
    %dma_start3A_253 = arith.constant 0 : i32
    %dma_start3A_254 = arith.constant 0 : i32
    %dma_start3A_255 = arith.constant 0 : i32
    %dma_start3A_256 = tpu.memref_slice %arg5[%dma_start3A_252, %dma_start3A_254, %dma_start3A_255] : memref<2x32x1024xf32, #tpu.memory_space<vmem>> -> memref<1x32x1024xf32, #tpu.memory_space<vmem>>
    %dma_start3A_257 = tpu.memref_squeeze %dma_start3A_256 : memref<1x32x1024xf32, #tpu.memory_space<vmem>> -> memref<32x1024xf32, #tpu.memory_space<vmem>>
    %dma_start3A_258 = arith.constant 0 : i32
    %dma_start3A_259 = tpu.memref_slice %arg2[%add3A_251, %dma_start3A_258] : memref<8192x1024xf32, #tpu.memory_space<hbm>> -> memref<32x1024xf32, #tpu.memory_space<hbm>>
    %dma_start3A_260 = tpu.memref_slice %arg9[%dma_start3A_253] : memref<4x!tpu.dma_semaphore, #tpu.memory_space<semaphore_mem>> -> memref<1x!tpu.dma_semaphore, #tpu.memory_space<semaphore_mem>>
    %dma_start3A_261 = tpu.memref_squeeze %dma_start3A_260 : memref<1x!tpu.dma_semaphore, #tpu.memory_space<semaphore_mem>> -> memref<!tpu.dma_semaphore, #tpu.memory_space<semaphore_mem>>
    %dma_start3A_262 = arith.constant 0 : i32
    %dma_start3A_263 = arith.constant 0 : i32
    %dma_start3A_264 = tpu.memref_slice %arg5[%dma_start3A_252, %dma_start3A_262, %dma_start3A_263] : memref<2x32x1024xf32, #tpu.memory_space<vmem>> -> memref<1x32x1024xf32, #tpu.memory_space<vmem>>
    %dma_start3A_265 = tpu.memref_squeeze %dma_start3A_264 : memref<1x32x1024xf32, #tpu.memory_space<vmem>> -> memref<32x1024xf32, #tpu.memory_space<vmem>>
    %dma_start3A_266 = arith.constant 0 : i32
    %dma_start3A_267 = tpu.memref_slice %arg2[%add3A_251, %dma_start3A_266] : memref<8192x1024xf32, #tpu.memory_space<hbm>> -> memref<32x1024xf32, #tpu.memory_space<hbm>>
    tpu.enqueue_dma source(%dma_start3A_267 : memref<32x1024xf32, #tpu.memory_space<hbm>>) target(%dma_start3A_265 : memref<32x1024xf32, #tpu.memory_space<vmem>>) target_semaphore(%dma_start3A_261 : memref<!tpu.dma_semaphore, #tpu.memory_space<semaphore_mem>>)
    %dma_wait3A_268 = arith.constant 1 : i32
    %dma_wait3A_269 = arith.constant 1 : i32
    %dma_wait3A_270 = arith.constant 0 : i32
    %dma_wait3A_271 = arith.constant 0 : i32
    %dma_wait3A_272 = tpu.memref_slice %arg5[%dma_wait3A_268, %dma_wait3A_270, %dma_wait3A_271] : memref<2x32x1024xf32, #tpu.memory_space<vmem>> -> memref<1x32x1024xf32, #tpu.memory_space<vmem>>
    %dma_wait3A_273 = tpu.memref_squeeze %dma_wait3A_272 : memref<1x32x1024xf32, #tpu.memory_space<vmem>> -> memref<32x1024xf32, #tpu.memory_space<vmem>>
    %dma_wait3A_274 = arith.constant 0 : i32
    %dma_wait3A_275 = tpu.memref_slice %arg2[%add3A_193, %dma_wait3A_274] : memref<8192x1024xf32, #tpu.memory_space<hbm>> -> memref<32x1024xf32, #tpu.memory_space<hbm>>
    %dma_wait3A_276 = tpu.memref_slice %arg9[%dma_wait3A_269] : memref<4x!tpu.dma_semaphore, #tpu.memory_space<semaphore_mem>> -> memref<1x!tpu.dma_semaphore, #tpu.memory_space<semaphore_mem>>
    %dma_wait3A_277 = tpu.memref_squeeze %dma_wait3A_276 : memref<1x!tpu.dma_semaphore, #tpu.memory_space<semaphore_mem>> -> memref<!tpu.dma_semaphore, #tpu.memory_space<semaphore_mem>>
    %dma_wait3A_278 = arith.constant 0 : i32
    %dma_wait3A_279 = arith.constant 0 : i32
    %dma_wait3A_280 = tpu.memref_slice %arg5[%dma_wait3A_268, %dma_wait3A_278, %dma_wait3A_279] : memref<2x32x1024xf32, #tpu.memory_space<vmem>> -> memref<1x32x1024xf32, #tpu.memory_space<vmem>>
    %dma_wait3A_281 = tpu.memref_squeeze %dma_wait3A_280 : memref<1x32x1024xf32, #tpu.memory_space<vmem>> -> memref<32x1024xf32, #tpu.memory_space<vmem>>
    %dma_wait3A_282 = arith.constant 0 : i32
    %dma_wait3A_283 = tpu.memref_slice %arg2[%add3A_193, %dma_wait3A_282] : memref<8192x1024xf32, #tpu.memory_space<hbm>> -> memref<32x1024xf32, #tpu.memory_space<hbm>>
    tpu.wait_dma2 semaphore(%dma_wait3A_277 : memref<!tpu.dma_semaphore, #tpu.memory_space<semaphore_mem>>) src(%dma_wait3A_283 : memref<32x1024xf32, #tpu.memory_space<hbm>>) dst(%dma_wait3A_281 : memref<32x1024xf32, #tpu.memory_space<vmem>>)
    %get3A_284 = arith.constant 96 : index
    %get3A_285 = tpu.vector_load %arg6[%get3A_284] {strides = array<i32>} : memref<256xi32, #tpu.memory_space<vmem>>, vector<16xi32>,
    %convert_element_type3A_286 = arith.sitofp %get3A_285 : vector<16xi32> to vector<16xf32>
    %get3A_287 = arith.constant 96 : index
    %get3A_288 = tpu.vector_load %arg7[%get3A_287] {strides = array<i32>} : memref<256xi32, #tpu.memory_space<vmem>>, vector<16xi32>,
    %convert_element_type3A_289 = arith.sitofp %get3A_288 : vector<16xi32> to vector<16xf32>
    %scan3A_290 = arith.constant 0 : i32
    %scan3A_291 = arith.constant 16 : i32
    %scan3A_292 = arith.addi %scan3A_290, %scan3A_291 : i32
    %scan3A_293 = arith.constant 1 : i32
    scf.for %scan3A_518 = %scan3A_290 to %scan3A_292 step %scan3A_293  : i32 {
      %eq3A = vector.broadcast %scan3A_518 : i32 to vector<16xi32>
      %eq3A_519 = arith.cmpi eq, %iota3A, %eq3A : vector<16xi32>
      %jit3A_520 = arith.constant 0.000000e+00 : f32
      %broadcast_in_dim3A_521 = vector.broadcast %jit3A_520 : f32 to vector<16xf32>
      %select_n3A_522 = arith.select %eq3A_519, %convert_element_type3A_286, %broadcast_in_dim3A_521 : vector<16xi1>, vector<16xf32>
      %reduce_sum3A = arith.constant true
      %reduce_sum3A_523 = vector.broadcast %reduce_sum3A : i1 to vector<16xi1>
      %reduce_sum3A_524 = tpu.scan <sum>, %select_n3A_522 masked %reduce_sum3A_523 : vector<16xf32>, vector<16xi1> -> vector<16xf32>
      %reduce_sum3A_525 = vector.extract %reduce_sum3A_524[15] : f32 from vector<16xf32>
      %convert_element_type3A_526 = arith.fptosi %reduce_sum3A_525 : f32 to i32
      %sub3A_527 = arith.subi %convert_element_type3A_526, %mul3A_18 : i32
      %eq3A_528 = vector.broadcast %scan3A_518 : i32 to vector<16xi32>
      %eq3A_529 = arith.cmpi eq, %iota3A, %eq3A_528 : vector<16xi32>
      %jit3A_530 = arith.constant 0.000000e+00 : f32
      %broadcast_in_dim3A_531 = vector.broadcast %jit3A_530 : f32 to vector<16xf32>
      %select_n3A_532 = arith.select %eq3A_529, %convert_element_type3A_289, %broadcast_in_dim3A_531 : vector<16xi1>, vector<16xf32>
      %reduce_sum3A_533 = arith.constant true
      %reduce_sum3A_534 = vector.broadcast %reduce_sum3A_533 : i1 to vector<16xi1>
      %reduce_sum3A_535 = tpu.scan <sum>, %select_n3A_532 masked %reduce_sum3A_534 : vector<16xf32>, vector<16xi1> -> vector<16xf32>
      %reduce_sum3A_536 = vector.extract %reduce_sum3A_535[15] : f32 from vector<16xf32>
      %convert_element_type3A_537 = arith.fptosi %reduce_sum3A_536 : f32 to i32
      %sub3A_538 = arith.subi %convert_element_type3A_537, %mul3A_18 : i32
      %add3A_539 = arith.constant 0 : i32
      %add3A_540 = arith.addi %add3A_539, %scan3A_518 : i32
      %scan3A_541 = arith.constant 0 : i32
      %scan3A_542 = arith.constant 64 : i32
      %scan3A_543 = arith.addi %scan3A_541, %scan3A_542 : i32
      %scan3A_544 = arith.constant 4 : i32
      scf.for %scan3A_546 = %scan3A_541 to %scan3A_543 step %scan3A_544  : i32 {
        %mul3A_547 = arith.constant 16 : i32
        %mul3A_548 = arith.muli %scan3A_546, %mul3A_547 : i32
        %get3A_549 = arith.constant 1 : i32
        %get3A_550 = arith.index_cast %get3A_549 : i32 to index
        %get3A_551 = arith.index_cast %add3A_540 : i32 to index
        %get3A_552 = arith.index_cast %mul3A_548 : i32 to index
        %get3A_553 = tpu.vector_load %arg5[%get3A_550, %get3A_551, %get3A_552] {strides = array<i32>} : memref<2x32x1024xf32, #tpu.memory_space<vmem>>, vector<16xf32>,
        %mul3A_554 = arith.constant 16 : i32
        %mul3A_555 = arith.muli %scan3A_546, %mul3A_554 : i32
        %swap3A = arith.index_cast %sub3A_527 : i32 to index
        %swap3A_556 = arith.index_cast %mul3A_555 : i32 to index
        %swap3A_557 = tpu.vector_load %arg8[%swap3A, %swap3A_556] {strides = array<i32>} : memref<16x1024xf32, #tpu.memory_space<vmem>>, vector<16xf32>,
        tpu.vector_store %arg8[%swap3A, %swap3A_556], %get3A_553 {add = true, strides = array<i32>} : memref<16x1024xf32, #tpu.memory_space<vmem>>, vector<16xf32>,
        %mul3A_558 = arith.constant 16 : i32
        %mul3A_559 = arith.muli %scan3A_546, %mul3A_558 : i32
        %swap3A_560 = arith.index_cast %sub3A_538 : i32 to index
        %swap3A_561 = arith.index_cast %mul3A_559 : i32 to index
        %swap3A_562 = tpu.vector_load %arg8[%swap3A_560, %swap3A_561] {strides = array<i32>} : memref<16x1024xf32, #tpu.memory_space<vmem>>, vector<16xf32>,
        tpu.vector_store %arg8[%swap3A_560, %swap3A_561], %get3A_553 {add = true, strides = array<i32>} : memref<16x1024xf32, #tpu.memory_space<vmem>>, vector<16xf32>,
        %scan3A_563 = arith.constant 1 : i32
        %scan3A_564 = arith.addi %scan3A_546, %scan3A_563 : i32
        %mul3A_565 = arith.constant 16 : i32
        %mul3A_566 = arith.muli %scan3A_564, %mul3A_565 : i32
        %get3A_567 = arith.constant 1 : i32
        %get3A_568 = arith.index_cast %get3A_567 : i32 to index
        %get3A_569 = arith.index_cast %add3A_540 : i32 to index
        %get3A_570 = arith.index_cast %mul3A_566 : i32 to index
        %get3A_571 = tpu.vector_load %arg5[%get3A_568, %get3A_569, %get3A_570] {strides = array<i32>} : memref<2x32x1024xf32, #tpu.memory_space<vmem>>, vector<16xf32>,
        %mul3A_572 = arith.constant 16 : i32
        %mul3A_573 = arith.muli %scan3A_564, %mul3A_572 : i32
        %swap3A_574 = arith.index_cast %sub3A_527 : i32 to index
        %swap3A_575 = arith.index_cast %mul3A_573 : i32 to index
        %swap3A_576 = tpu.vector_load %arg8[%swap3A_574, %swap3A_575] {strides = array<i32>} : memref<16x1024xf32, #tpu.memory_space<vmem>>, vector<16xf32>,
        tpu.vector_store %arg8[%swap3A_574, %swap3A_575], %get3A_571 {add = true, strides = array<i32>} : memref<16x1024xf32, #tpu.memory_space<vmem>>, vector<16xf32>,
        %mul3A_577 = arith.constant 16 : i32
        %mul3A_578 = arith.muli %scan3A_564, %mul3A_577 : i32
        %swap3A_579 = arith.index_cast %sub3A_538 : i32 to index
        %swap3A_580 = arith.index_cast %mul3A_578 : i32 to index
        %swap3A_581 = tpu.vector_load %arg8[%swap3A_579, %swap3A_580] {strides = array<i32>} : memref<16x1024xf32, #tpu.memory_space<vmem>>, vector<16xf32>,
        tpu.vector_store %arg8[%swap3A_579, %swap3A_580], %get3A_571 {add = true, strides = array<i32>} : memref<16x1024xf32, #tpu.memory_space<vmem>>, vector<16xf32>,
        %scan3A_582 = arith.constant 2 : i32
        %scan3A_583 = arith.addi %scan3A_546, %scan3A_582 : i32
        %mul3A_584 = arith.constant 16 : i32
        %mul3A_585 = arith.muli %scan3A_583, %mul3A_584 : i32
        %get3A_586 = arith.constant 1 : i32
        %get3A_587 = arith.index_cast %get3A_586 : i32 to index
        %get3A_588 = arith.index_cast %add3A_540 : i32 to index
        %get3A_589 = arith.index_cast %mul3A_585 : i32 to index
        %get3A_590 = tpu.vector_load %arg5[%get3A_587, %get3A_588, %get3A_589] {strides = array<i32>} : memref<2x32x1024xf32, #tpu.memory_space<vmem>>, vector<16xf32>,
        %mul3A_591 = arith.constant 16 : i32
        %mul3A_592 = arith.muli %scan3A_583, %mul3A_591 : i32
        %swap3A_593 = arith.index_cast %sub3A_527 : i32 to index
        %swap3A_594 = arith.index_cast %mul3A_592 : i32 to index
        %swap3A_595 = tpu.vector_load %arg8[%swap3A_593, %swap3A_594] {strides = array<i32>} : memref<16x1024xf32, #tpu.memory_space<vmem>>, vector<16xf32>,
        tpu.vector_store %arg8[%swap3A_593, %swap3A_594], %get3A_590 {add = true, strides = array<i32>} : memref<16x1024xf32, #tpu.memory_space<vmem>>, vector<16xf32>,
        %mul3A_596 = arith.constant 16 : i32
        %mul3A_597 = arith.muli %scan3A_583, %mul3A_596 : i32
        %swap3A_598 = arith.index_cast %sub3A_538 : i32 to index
        %swap3A_599 = arith.index_cast %mul3A_597 : i32 to index
        %swap3A_600 = tpu.vector_load %arg8[%swap3A_598, %swap3A_599] {strides = array<i32>} : memref<16x1024xf32, #tpu.memory_space<vmem>>, vector<16xf32>,
        tpu.vector_store %arg8[%swap3A_598, %swap3A_599], %get3A_590 {add = true, strides = array<i32>} : memref<16x1024xf32, #tpu.memory_space<vmem>>, vector<16xf32>,
        %scan3A_601 = arith.constant 3 : i32
        %scan3A_602 = arith.addi %scan3A_546, %scan3A_601 : i32
        %mul3A_603 = arith.constant 16 : i32
        %mul3A_604 = arith.muli %scan3A_602, %mul3A_603 : i32
        %get3A_605 = arith.constant 1 : i32
        %get3A_606 = arith.index_cast %get3A_605 : i32 to index
        %get3A_607 = arith.index_cast %add3A_540 : i32 to index
        %get3A_608 = arith.index_cast %mul3A_604 : i32 to index
        %get3A_609 = tpu.vector_load %arg5[%get3A_606, %get3A_607, %get3A_608] {strides = array<i32>} : memref<2x32x1024xf32, #tpu.memory_space<vmem>>, vector<16xf32>,
        %mul3A_610 = arith.constant 16 : i32
        %mul3A_611 = arith.muli %scan3A_602, %mul3A_610 : i32
        %swap3A_612 = arith.index_cast %sub3A_527 : i32 to index
        %swap3A_613 = arith.index_cast %mul3A_611 : i32 to index
        %swap3A_614 = tpu.vector_load %arg8[%swap3A_612, %swap3A_613] {strides = array<i32>} : memref<16x1024xf32, #tpu.memory_space<vmem>>, vector<16xf32>,
        tpu.vector_store %arg8[%swap3A_612, %swap3A_613], %get3A_609 {add = true, strides = array<i32>} : memref<16x1024xf32, #tpu.memory_space<vmem>>, vector<16xf32>,
        %mul3A_615 = arith.constant 16 : i32
        %mul3A_616 = arith.muli %scan3A_602, %mul3A_615 : i32
        %swap3A_617 = arith.index_cast %sub3A_538 : i32 to index
        %swap3A_618 = arith.index_cast %mul3A_616 : i32 to index
        %swap3A_619 = tpu.vector_load %arg8[%swap3A_617, %swap3A_618] {strides = array<i32>} : memref<16x1024xf32, #tpu.memory_space<vmem>>, vector<16xf32>,
        tpu.vector_store %arg8[%swap3A_617, %swap3A_618], %get3A_609 {add = true, strides = array<i32>} : memref<16x1024xf32, #tpu.memory_space<vmem>>, vector<16xf32>,
      }
      %scan3A_545 = arith.constant 64 : i32
    }
    %scan3A_294 = arith.constant 16 : i32
    %get3A_295 = arith.constant 112 : index
    %get3A_296 = tpu.vector_load %arg6[%get3A_295] {strides = array<i32>} : memref<256xi32, #tpu.memory_space<vmem>>, vector<16xi32>,
    %convert_element_type3A_297 = arith.sitofp %get3A_296 : vector<16xi32> to vector<16xf32>
    %get3A_298 = arith.constant 112 : index
    %get3A_299 = tpu.vector_load %arg7[%get3A_298] {strides = array<i32>} : memref<256xi32, #tpu.memory_space<vmem>>, vector<16xi32>,
    %convert_element_type3A_300 = arith.sitofp %get3A_299 : vector<16xi32> to vector<16xf32>
    %scan3A_301 = arith.constant 0 : i32
    %scan3A_302 = arith.constant 16 : i32
    %scan3A_303 = arith.addi %scan3A_301, %scan3A_302 : i32
    %scan3A_304 = arith.constant 1 : i32
    scf.for %scan3A_518 = %scan3A_301 to %scan3A_303 step %scan3A_304  : i32 {
      %eq3A = vector.broadcast %scan3A_518 : i32 to vector<16xi32>
      %eq3A_519 = arith.cmpi eq, %iota3A, %eq3A : vector<16xi32>
      %jit3A_520 = arith.constant 0.000000e+00 : f32
      %broadcast_in_dim3A_521 = vector.broadcast %jit3A_520 : f32 to vector<16xf32>
      %select_n3A_522 = arith.select %eq3A_519, %convert_element_type3A_297, %broadcast_in_dim3A_521 : vector<16xi1>, vector<16xf32>
      %reduce_sum3A = arith.constant true
      %reduce_sum3A_523 = vector.broadcast %reduce_sum3A : i1 to vector<16xi1>
      %reduce_sum3A_524 = tpu.scan <sum>, %select_n3A_522 masked %reduce_sum3A_523 : vector<16xf32>, vector<16xi1> -> vector<16xf32>
      %reduce_sum3A_525 = vector.extract %reduce_sum3A_524[15] : f32 from vector<16xf32>
      %convert_element_type3A_526 = arith.fptosi %reduce_sum3A_525 : f32 to i32
      %sub3A_527 = arith.subi %convert_element_type3A_526, %mul3A_18 : i32
      %eq3A_528 = vector.broadcast %scan3A_518 : i32 to vector<16xi32>
      %eq3A_529 = arith.cmpi eq, %iota3A, %eq3A_528 : vector<16xi32>
      %jit3A_530 = arith.constant 0.000000e+00 : f32
      %broadcast_in_dim3A_531 = vector.broadcast %jit3A_530 : f32 to vector<16xf32>
      %select_n3A_532 = arith.select %eq3A_529, %convert_element_type3A_300, %broadcast_in_dim3A_531 : vector<16xi1>, vector<16xf32>
      %reduce_sum3A_533 = arith.constant true
      %reduce_sum3A_534 = vector.broadcast %reduce_sum3A_533 : i1 to vector<16xi1>
      %reduce_sum3A_535 = tpu.scan <sum>, %select_n3A_532 masked %reduce_sum3A_534 : vector<16xf32>, vector<16xi1> -> vector<16xf32>
      %reduce_sum3A_536 = vector.extract %reduce_sum3A_535[15] : f32 from vector<16xf32>
      %convert_element_type3A_537 = arith.fptosi %reduce_sum3A_536 : f32 to i32
      %sub3A_538 = arith.subi %convert_element_type3A_537, %mul3A_18 : i32
      %add3A_539 = arith.constant 16 : i32
      %add3A_540 = arith.addi %add3A_539, %scan3A_518 : i32
      %scan3A_541 = arith.constant 0 : i32
      %scan3A_542 = arith.constant 64 : i32
      %scan3A_543 = arith.addi %scan3A_541, %scan3A_542 : i32
      %scan3A_544 = arith.constant 4 : i32
      scf.for %scan3A_546 = %scan3A_541 to %scan3A_543 step %scan3A_544  : i32 {
        %mul3A_547 = arith.constant 16 : i32
        %mul3A_548 = arith.muli %scan3A_546, %mul3A_547 : i32
        %get3A_549 = arith.constant 1 : i32
        %get3A_550 = arith.index_cast %get3A_549 : i32 to index
        %get3A_551 = arith.index_cast %add3A_540 : i32 to index
        %get3A_552 = arith.index_cast %mul3A_548 : i32 to index
        %get3A_553 = tpu.vector_load %arg5[%get3A_550, %get3A_551, %get3A_552] {strides = array<i32>} : memref<2x32x1024xf32, #tpu.memory_space<vmem>>, vector<16xf32>,
        %mul3A_554 = arith.constant 16 : i32
        %mul3A_555 = arith.muli %scan3A_546, %mul3A_554 : i32
        %swap3A = arith.index_cast %sub3A_527 : i32 to index
        %swap3A_556 = arith.index_cast %mul3A_555 : i32 to index
        %swap3A_557 = tpu.vector_load %arg8[%swap3A, %swap3A_556] {strides = array<i32>} : memref<16x1024xf32, #tpu.memory_space<vmem>>, vector<16xf32>,
        tpu.vector_store %arg8[%swap3A, %swap3A_556], %get3A_553 {add = true, strides = array<i32>} : memref<16x1024xf32, #tpu.memory_space<vmem>>, vector<16xf32>,
        %mul3A_558 = arith.constant 16 : i32
        %mul3A_559 = arith.muli %scan3A_546, %mul3A_558 : i32
        %swap3A_560 = arith.index_cast %sub3A_538 : i32 to index
        %swap3A_561 = arith.index_cast %mul3A_559 : i32 to index
        %swap3A_562 = tpu.vector_load %arg8[%swap3A_560, %swap3A_561] {strides = array<i32>} : memref<16x1024xf32, #tpu.memory_space<vmem>>, vector<16xf32>,
        tpu.vector_store %arg8[%swap3A_560, %swap3A_561], %get3A_553 {add = true, strides = array<i32>} : memref<16x1024xf32, #tpu.memory_space<vmem>>, vector<16xf32>,
        %scan3A_563 = arith.constant 1 : i32
        %scan3A_564 = arith.addi %scan3A_546, %scan3A_563 : i32
        %mul3A_565 = arith.constant 16 : i32
        %mul3A_566 = arith.muli %scan3A_564, %mul3A_565 : i32
        %get3A_567 = arith.constant 1 : i32
        %get3A_568 = arith.index_cast %get3A_567 : i32 to index
        %get3A_569 = arith.index_cast %add3A_540 : i32 to index
        %get3A_570 = arith.index_cast %mul3A_566 : i32 to index
        %get3A_571 = tpu.vector_load %arg5[%get3A_568, %get3A_569, %get3A_570] {strides = array<i32>} : memref<2x32x1024xf32, #tpu.memory_space<vmem>>, vector<16xf32>,
        %mul3A_572 = arith.constant 16 : i32
        %mul3A_573 = arith.muli %scan3A_564, %mul3A_572 : i32
        %swap3A_574 = arith.index_cast %sub3A_527 : i32 to index
        %swap3A_575 = arith.index_cast %mul3A_573 : i32 to index
        %swap3A_576 = tpu.vector_load %arg8[%swap3A_574, %swap3A_575] {strides = array<i32>} : memref<16x1024xf32, #tpu.memory_space<vmem>>, vector<16xf32>,
        tpu.vector_store %arg8[%swap3A_574, %swap3A_575], %get3A_571 {add = true, strides = array<i32>} : memref<16x1024xf32, #tpu.memory_space<vmem>>, vector<16xf32>,
        %mul3A_577 = arith.constant 16 : i32
        %mul3A_578 = arith.muli %scan3A_564, %mul3A_577 : i32
        %swap3A_579 = arith.index_cast %sub3A_538 : i32 to index
        %swap3A_580 = arith.index_cast %mul3A_578 : i32 to index
        %swap3A_581 = tpu.vector_load %arg8[%swap3A_579, %swap3A_580] {strides = array<i32>} : memref<16x1024xf32, #tpu.memory_space<vmem>>, vector<16xf32>,
        tpu.vector_store %arg8[%swap3A_579, %swap3A_580], %get3A_571 {add = true, strides = array<i32>} : memref<16x1024xf32, #tpu.memory_space<vmem>>, vector<16xf32>,
        %scan3A_582 = arith.constant 2 : i32
        %scan3A_583 = arith.addi %scan3A_546, %scan3A_582 : i32
        %mul3A_584 = arith.constant 16 : i32
        %mul3A_585 = arith.muli %scan3A_583, %mul3A_584 : i32
        %get3A_586 = arith.constant 1 : i32
        %get3A_587 = arith.index_cast %get3A_586 : i32 to index
        %get3A_588 = arith.index_cast %add3A_540 : i32 to index
        %get3A_589 = arith.index_cast %mul3A_585 : i32 to index
        %get3A_590 = tpu.vector_load %arg5[%get3A_587, %get3A_588, %get3A_589] {strides = array<i32>} : memref<2x32x1024xf32, #tpu.memory_space<vmem>>, vector<16xf32>,
        %mul3A_591 = arith.constant 16 : i32
        %mul3A_592 = arith.muli %scan3A_583, %mul3A_591 : i32
        %swap3A_593 = arith.index_cast %sub3A_527 : i32 to index
        %swap3A_594 = arith.index_cast %mul3A_592 : i32 to index
        %swap3A_595 = tpu.vector_load %arg8[%swap3A_593, %swap3A_594] {strides = array<i32>} : memref<16x1024xf32, #tpu.memory_space<vmem>>, vector<16xf32>,
        tpu.vector_store %arg8[%swap3A_593, %swap3A_594], %get3A_590 {add = true, strides = array<i32>} : memref<16x1024xf32, #tpu.memory_space<vmem>>, vector<16xf32>,
        %mul3A_596 = arith.constant 16 : i32
        %mul3A_597 = arith.muli %scan3A_583, %mul3A_596 : i32
        %swap3A_598 = arith.index_cast %sub3A_538 : i32 to index
        %swap3A_599 = arith.index_cast %mul3A_597 : i32 to index
        %swap3A_600 = tpu.vector_load %arg8[%swap3A_598, %swap3A_599] {strides = array<i32>} : memref<16x1024xf32, #tpu.memory_space<vmem>>, vector<16xf32>,
        tpu.vector_store %arg8[%swap3A_598, %swap3A_599], %get3A_590 {add = true, strides = array<i32>} : memref<16x1024xf32, #tpu.memory_space<vmem>>, vector<16xf32>,
        %scan3A_601 = arith.constant 3 : i32
        %scan3A_602 = arith.addi %scan3A_546, %scan3A_601 : i32
        %mul3A_603 = arith.constant 16 : i32
        %mul3A_604 = arith.muli %scan3A_602, %mul3A_603 : i32
        %get3A_605 = arith.constant 1 : i32
        %get3A_606 = arith.index_cast %get3A_605 : i32 to index
        %get3A_607 = arith.index_cast %add3A_540 : i32 to index
        %get3A_608 = arith.index_cast %mul3A_604 : i32 to index
        %get3A_609 = tpu.vector_load %arg5[%get3A_606, %get3A_607, %get3A_608] {strides = array<i32>} : memref<2x32x1024xf32, #tpu.memory_space<vmem>>, vector<16xf32>,
        %mul3A_610 = arith.constant 16 : i32
        %mul3A_611 = arith.muli %scan3A_602, %mul3A_610 : i32
        %swap3A_612 = arith.index_cast %sub3A_527 : i32 to index
        %swap3A_613 = arith.index_cast %mul3A_611 : i32 to index
        %swap3A_614 = tpu.vector_load %arg8[%swap3A_612, %swap3A_613] {strides = array<i32>} : memref<16x1024xf32, #tpu.memory_space<vmem>>, vector<16xf32>,
        tpu.vector_store %arg8[%swap3A_612, %swap3A_613], %get3A_609 {add = true, strides = array<i32>} : memref<16x1024xf32, #tpu.memory_space<vmem>>, vector<16xf32>,
        %mul3A_615 = arith.constant 16 : i32
        %mul3A_616 = arith.muli %scan3A_602, %mul3A_615 : i32
        %swap3A_617 = arith.index_cast %sub3A_538 : i32 to index
        %swap3A_618 = arith.index_cast %mul3A_616 : i32 to index
        %swap3A_619 = tpu.vector_load %arg8[%swap3A_617, %swap3A_618] {strides = array<i32>} : memref<16x1024xf32, #tpu.memory_space<vmem>>, vector<16xf32>,
        tpu.vector_store %arg8[%swap3A_617, %swap3A_618], %get3A_609 {add = true, strides = array<i32>} : memref<16x1024xf32, #tpu.memory_space<vmem>>, vector<16xf32>,
      }
      %scan3A_545 = arith.constant 64 : i32
    }
    %scan3A_305 = arith.constant 16 : i32
    %mul3A_306 = arith.constant 256 : i32
    %mul3A_307 = arith.muli %add3A, %mul3A_306 : i32
    %add3A_308 = arith.constant 160 : i32
    %add3A_309 = arith.addi %mul3A_307, %add3A_308 : i32
    %dma_start3A_310 = arith.constant 1 : i32
    %dma_start3A_311 = arith.constant 1 : i32
    %dma_start3A_312 = arith.constant 0 : i32
    %dma_start3A_313 = arith.constant 0 : i32
    %dma_start3A_314 = tpu.memref_slice %arg5[%dma_start3A_310, %dma_start3A_312, %dma_start3A_313] : memref<2x32x1024xf32, #tpu.memory_space<vmem>> -> memref<1x32x1024xf32, #tpu.memory_space<vmem>>
    %dma_start3A_315 = tpu.memref_squeeze %dma_start3A_314 : memref<1x32x1024xf32, #tpu.memory_space<vmem>> -> memref<32x1024xf32, #tpu.memory_space<vmem>>
    %dma_start3A_316 = arith.constant 0 : i32
    %dma_start3A_317 = tpu.memref_slice %arg2[%add3A_309, %dma_start3A_316] : memref<8192x1024xf32, #tpu.memory_space<hbm>> -> memref<32x1024xf32, #tpu.memory_space<hbm>>
    %dma_start3A_318 = tpu.memref_slice %arg9[%dma_start3A_311] : memref<4x!tpu.dma_semaphore, #tpu.memory_space<semaphore_mem>> -> memref<1x!tpu.dma_semaphore, #tpu.memory_space<semaphore_mem>>
    %dma_start3A_319 = tpu.memref_squeeze %dma_start3A_318 : memref<1x!tpu.dma_semaphore, #tpu.memory_space<semaphore_mem>> -> memref<!tpu.dma_semaphore, #tpu.memory_space<semaphore_mem>>
    %dma_start3A_320 = arith.constant 0 : i32
    %dma_start3A_321 = arith.constant 0 : i32
    %dma_start3A_322 = tpu.memref_slice %arg5[%dma_start3A_310, %dma_start3A_320, %dma_start3A_321] : memref<2x32x1024xf32, #tpu.memory_space<vmem>> -> memref<1x32x1024xf32, #tpu.memory_space<vmem>>
    %dma_start3A_323 = tpu.memref_squeeze %dma_start3A_322 : memref<1x32x1024xf32, #tpu.memory_space<vmem>> -> memref<32x1024xf32, #tpu.memory_space<vmem>>
    %dma_start3A_324 = arith.constant 0 : i32
    %dma_start3A_325 = tpu.memref_slice %arg2[%add3A_309, %dma_start3A_324] : memref<8192x1024xf32, #tpu.memory_space<hbm>> -> memref<32x1024xf32, #tpu.memory_space<hbm>>
    tpu.enqueue_dma source(%dma_start3A_325 : memref<32x1024xf32, #tpu.memory_space<hbm>>) target(%dma_start3A_323 : memref<32x1024xf32, #tpu.memory_space<vmem>>) target_semaphore(%dma_start3A_319 : memref<!tpu.dma_semaphore, #tpu.memory_space<semaphore_mem>>)
    %dma_wait3A_326 = arith.constant 0 : i32
    %dma_wait3A_327 = arith.constant 0 : i32
    %dma_wait3A_328 = arith.constant 0 : i32
    %dma_wait3A_329 = arith.constant 0 : i32
    %dma_wait3A_330 = tpu.memref_slice %arg5[%dma_wait3A_326, %dma_wait3A_328, %dma_wait3A_329] : memref<2x32x1024xf32, #tpu.memory_space<vmem>> -> memref<1x32x1024xf32, #tpu.memory_space<vmem>>
    %dma_wait3A_331 = tpu.memref_squeeze %dma_wait3A_330 : memref<1x32x1024xf32, #tpu.memory_space<vmem>> -> memref<32x1024xf32, #tpu.memory_space<vmem>>
    %dma_wait3A_332 = arith.constant 0 : i32
    %dma_wait3A_333 = tpu.memref_slice %arg2[%add3A_251, %dma_wait3A_332] : memref<8192x1024xf32, #tpu.memory_space<hbm>> -> memref<32x1024xf32, #tpu.memory_space<hbm>>
    %dma_wait3A_334 = tpu.memref_slice %arg9[%dma_wait3A_327] : memref<4x!tpu.dma_semaphore, #tpu.memory_space<semaphore_mem>> -> memref<1x!tpu.dma_semaphore, #tpu.memory_space<semaphore_mem>>
    %dma_wait3A_335 = tpu.memref_squeeze %dma_wait3A_334 : memref<1x!tpu.dma_semaphore, #tpu.memory_space<semaphore_mem>> -> memref<!tpu.dma_semaphore, #tpu.memory_space<semaphore_mem>>
    %dma_wait3A_336 = arith.constant 0 : i32
    %dma_wait3A_337 = arith.constant 0 : i32
    %dma_wait3A_338 = tpu.memref_slice %arg5[%dma_wait3A_326, %dma_wait3A_336, %dma_wait3A_337] : memref<2x32x1024xf32, #tpu.memory_space<vmem>> -> memref<1x32x1024xf32, #tpu.memory_space<vmem>>
    %dma_wait3A_339 = tpu.memref_squeeze %dma_wait3A_338 : memref<1x32x1024xf32, #tpu.memory_space<vmem>> -> memref<32x1024xf32, #tpu.memory_space<vmem>>
    %dma_wait3A_340 = arith.constant 0 : i32
    %dma_wait3A_341 = tpu.memref_slice %arg2[%add3A_251, %dma_wait3A_340] : memref<8192x1024xf32, #tpu.memory_space<hbm>> -> memref<32x1024xf32, #tpu.memory_space<hbm>>
    tpu.wait_dma2 semaphore(%dma_wait3A_335 : memref<!tpu.dma_semaphore, #tpu.memory_space<semaphore_mem>>) src(%dma_wait3A_341 : memref<32x1024xf32, #tpu.memory_space<hbm>>) dst(%dma_wait3A_339 : memref<32x1024xf32, #tpu.memory_space<vmem>>)
    %get3A_342 = arith.constant 128 : index
    %get3A_343 = tpu.vector_load %arg6[%get3A_342] {strides = array<i32>} : memref<256xi32, #tpu.memory_space<vmem>>, vector<16xi32>,
    %convert_element_type3A_344 = arith.sitofp %get3A_343 : vector<16xi32> to vector<16xf32>
    %get3A_345 = arith.constant 128 : index
    %get3A_346 = tpu.vector_load %arg7[%get3A_345] {strides = array<i32>} : memref<256xi32, #tpu.memory_space<vmem>>, vector<16xi32>,
    %convert_element_type3A_347 = arith.sitofp %get3A_346 : vector<16xi32> to vector<16xf32>
    %scan3A_348 = arith.constant 0 : i32
    %scan3A_349 = arith.constant 16 : i32
    %scan3A_350 = arith.addi %scan3A_348, %scan3A_349 : i32
    %scan3A_351 = arith.constant 1 : i32
    scf.for %scan3A_518 = %scan3A_348 to %scan3A_350 step %scan3A_351  : i32 {
      %eq3A = vector.broadcast %scan3A_518 : i32 to vector<16xi32>
      %eq3A_519 = arith.cmpi eq, %iota3A, %eq3A : vector<16xi32>
      %jit3A_520 = arith.constant 0.000000e+00 : f32
      %broadcast_in_dim3A_521 = vector.broadcast %jit3A_520 : f32 to vector<16xf32>
      %select_n3A_522 = arith.select %eq3A_519, %convert_element_type3A_344, %broadcast_in_dim3A_521 : vector<16xi1>, vector<16xf32>
      %reduce_sum3A = arith.constant true
      %reduce_sum3A_523 = vector.broadcast %reduce_sum3A : i1 to vector<16xi1>
      %reduce_sum3A_524 = tpu.scan <sum>, %select_n3A_522 masked %reduce_sum3A_523 : vector<16xf32>, vector<16xi1> -> vector<16xf32>
      %reduce_sum3A_525 = vector.extract %reduce_sum3A_524[15] : f32 from vector<16xf32>
      %convert_element_type3A_526 = arith.fptosi %reduce_sum3A_525 : f32 to i32
      %sub3A_527 = arith.subi %convert_element_type3A_526, %mul3A_18 : i32
      %eq3A_528 = vector.broadcast %scan3A_518 : i32 to vector<16xi32>
      %eq3A_529 = arith.cmpi eq, %iota3A, %eq3A_528 : vector<16xi32>
      %jit3A_530 = arith.constant 0.000000e+00 : f32
      %broadcast_in_dim3A_531 = vector.broadcast %jit3A_530 : f32 to vector<16xf32>
      %select_n3A_532 = arith.select %eq3A_529, %convert_element_type3A_347, %broadcast_in_dim3A_531 : vector<16xi1>, vector<16xf32>
      %reduce_sum3A_533 = arith.constant true
      %reduce_sum3A_534 = vector.broadcast %reduce_sum3A_533 : i1 to vector<16xi1>
      %reduce_sum3A_535 = tpu.scan <sum>, %select_n3A_532 masked %reduce_sum3A_534 : vector<16xf32>, vector<16xi1> -> vector<16xf32>
      %reduce_sum3A_536 = vector.extract %reduce_sum3A_535[15] : f32 from vector<16xf32>
      %convert_element_type3A_537 = arith.fptosi %reduce_sum3A_536 : f32 to i32
      %sub3A_538 = arith.subi %convert_element_type3A_537, %mul3A_18 : i32
      %add3A_539 = arith.constant 0 : i32
      %add3A_540 = arith.addi %add3A_539, %scan3A_518 : i32
      %scan3A_541 = arith.constant 0 : i32
      %scan3A_542 = arith.constant 64 : i32
      %scan3A_543 = arith.addi %scan3A_541, %scan3A_542 : i32
      %scan3A_544 = arith.constant 4 : i32
      scf.for %scan3A_546 = %scan3A_541 to %scan3A_543 step %scan3A_544  : i32 {
        %mul3A_547 = arith.constant 16 : i32
        %mul3A_548 = arith.muli %scan3A_546, %mul3A_547 : i32
        %get3A_549 = arith.constant 0 : i32
        %get3A_550 = arith.index_cast %get3A_549 : i32 to index
        %get3A_551 = arith.index_cast %add3A_540 : i32 to index
        %get3A_552 = arith.index_cast %mul3A_548 : i32 to index
        %get3A_553 = tpu.vector_load %arg5[%get3A_550, %get3A_551, %get3A_552] {strides = array<i32>} : memref<2x32x1024xf32, #tpu.memory_space<vmem>>, vector<16xf32>,
        %mul3A_554 = arith.constant 16 : i32
        %mul3A_555 = arith.muli %scan3A_546, %mul3A_554 : i32
        %swap3A = arith.index_cast %sub3A_527 : i32 to index
        %swap3A_556 = arith.index_cast %mul3A_555 : i32 to index
        %swap3A_557 = tpu.vector_load %arg8[%swap3A, %swap3A_556] {strides = array<i32>} : memref<16x1024xf32, #tpu.memory_space<vmem>>, vector<16xf32>,
        tpu.vector_store %arg8[%swap3A, %swap3A_556], %get3A_553 {add = true, strides = array<i32>} : memref<16x1024xf32, #tpu.memory_space<vmem>>, vector<16xf32>,
        %mul3A_558 = arith.constant 16 : i32
        %mul3A_559 = arith.muli %scan3A_546, %mul3A_558 : i32
        %swap3A_560 = arith.index_cast %sub3A_538 : i32 to index
        %swap3A_561 = arith.index_cast %mul3A_559 : i32 to index
        %swap3A_562 = tpu.vector_load %arg8[%swap3A_560, %swap3A_561] {strides = array<i32>} : memref<16x1024xf32, #tpu.memory_space<vmem>>, vector<16xf32>,
        tpu.vector_store %arg8[%swap3A_560, %swap3A_561], %get3A_553 {add = true, strides = array<i32>} : memref<16x1024xf32, #tpu.memory_space<vmem>>, vector<16xf32>,
        %scan3A_563 = arith.constant 1 : i32
        %scan3A_564 = arith.addi %scan3A_546, %scan3A_563 : i32
        %mul3A_565 = arith.constant 16 : i32
        %mul3A_566 = arith.muli %scan3A_564, %mul3A_565 : i32
        %get3A_567 = arith.constant 0 : i32
        %get3A_568 = arith.index_cast %get3A_567 : i32 to index
        %get3A_569 = arith.index_cast %add3A_540 : i32 to index
        %get3A_570 = arith.index_cast %mul3A_566 : i32 to index
        %get3A_571 = tpu.vector_load %arg5[%get3A_568, %get3A_569, %get3A_570] {strides = array<i32>} : memref<2x32x1024xf32, #tpu.memory_space<vmem>>, vector<16xf32>,
        %mul3A_572 = arith.constant 16 : i32
        %mul3A_573 = arith.muli %scan3A_564, %mul3A_572 : i32
        %swap3A_574 = arith.index_cast %sub3A_527 : i32 to index
        %swap3A_575 = arith.index_cast %mul3A_573 : i32 to index
        %swap3A_576 = tpu.vector_load %arg8[%swap3A_574, %swap3A_575] {strides = array<i32>} : memref<16x1024xf32, #tpu.memory_space<vmem>>, vector<16xf32>,
        tpu.vector_store %arg8[%swap3A_574, %swap3A_575], %get3A_571 {add = true, strides = array<i32>} : memref<16x1024xf32, #tpu.memory_space<vmem>>, vector<16xf32>,
        %mul3A_577 = arith.constant 16 : i32
        %mul3A_578 = arith.muli %scan3A_564, %mul3A_577 : i32
        %swap3A_579 = arith.index_cast %sub3A_538 : i32 to index
        %swap3A_580 = arith.index_cast %mul3A_578 : i32 to index
        %swap3A_581 = tpu.vector_load %arg8[%swap3A_579, %swap3A_580] {strides = array<i32>} : memref<16x1024xf32, #tpu.memory_space<vmem>>, vector<16xf32>,
        tpu.vector_store %arg8[%swap3A_579, %swap3A_580], %get3A_571 {add = true, strides = array<i32>} : memref<16x1024xf32, #tpu.memory_space<vmem>>, vector<16xf32>,
        %scan3A_582 = arith.constant 2 : i32
        %scan3A_583 = arith.addi %scan3A_546, %scan3A_582 : i32
        %mul3A_584 = arith.constant 16 : i32
        %mul3A_585 = arith.muli %scan3A_583, %mul3A_584 : i32
        %get3A_586 = arith.constant 0 : i32
        %get3A_587 = arith.index_cast %get3A_586 : i32 to index
        %get3A_588 = arith.index_cast %add3A_540 : i32 to index
        %get3A_589 = arith.index_cast %mul3A_585 : i32 to index
        %get3A_590 = tpu.vector_load %arg5[%get3A_587, %get3A_588, %get3A_589] {strides = array<i32>} : memref<2x32x1024xf32, #tpu.memory_space<vmem>>, vector<16xf32>,
        %mul3A_591 = arith.constant 16 : i32
        %mul3A_592 = arith.muli %scan3A_583, %mul3A_591 : i32
        %swap3A_593 = arith.index_cast %sub3A_527 : i32 to index
        %swap3A_594 = arith.index_cast %mul3A_592 : i32 to index
        %swap3A_595 = tpu.vector_load %arg8[%swap3A_593, %swap3A_594] {strides = array<i32>} : memref<16x1024xf32, #tpu.memory_space<vmem>>, vector<16xf32>,
        tpu.vector_store %arg8[%swap3A_593, %swap3A_594], %get3A_590 {add = true, strides = array<i32>} : memref<16x1024xf32, #tpu.memory_space<vmem>>, vector<16xf32>,
        %mul3A_596 = arith.constant 16 : i32
        %mul3A_597 = arith.muli %scan3A_583, %mul3A_596 : i32
        %swap3A_598 = arith.index_cast %sub3A_538 : i32 to index
        %swap3A_599 = arith.index_cast %mul3A_597 : i32 to index
        %swap3A_600 = tpu.vector_load %arg8[%swap3A_598, %swap3A_599] {strides = array<i32>} : memref<16x1024xf32, #tpu.memory_space<vmem>>, vector<16xf32>,
        tpu.vector_store %arg8[%swap3A_598, %swap3A_599], %get3A_590 {add = true, strides = array<i32>} : memref<16x1024xf32, #tpu.memory_space<vmem>>, vector<16xf32>,
        %scan3A_601 = arith.constant 3 : i32
        %scan3A_602 = arith.addi %scan3A_546, %scan3A_601 : i32
        %mul3A_603 = arith.constant 16 : i32
        %mul3A_604 = arith.muli %scan3A_602, %mul3A_603 : i32
        %get3A_605 = arith.constant 0 : i32
        %get3A_606 = arith.index_cast %get3A_605 : i32 to index
        %get3A_607 = arith.index_cast %add3A_540 : i32 to index
        %get3A_608 = arith.index_cast %mul3A_604 : i32 to index
        %get3A_609 = tpu.vector_load %arg5[%get3A_606, %get3A_607, %get3A_608] {strides = array<i32>} : memref<2x32x1024xf32, #tpu.memory_space<vmem>>, vector<16xf32>,
        %mul3A_610 = arith.constant 16 : i32
        %mul3A_611 = arith.muli %scan3A_602, %mul3A_610 : i32
        %swap3A_612 = arith.index_cast %sub3A_527 : i32 to index
        %swap3A_613 = arith.index_cast %mul3A_611 : i32 to index
        %swap3A_614 = tpu.vector_load %arg8[%swap3A_612, %swap3A_613] {strides = array<i32>} : memref<16x1024xf32, #tpu.memory_space<vmem>>, vector<16xf32>,
        tpu.vector_store %arg8[%swap3A_612, %swap3A_613], %get3A_609 {add = true, strides = array<i32>} : memref<16x1024xf32, #tpu.memory_space<vmem>>, vector<16xf32>,
        %mul3A_615 = arith.constant 16 : i32
        %mul3A_616 = arith.muli %scan3A_602, %mul3A_615 : i32
        %swap3A_617 = arith.index_cast %sub3A_538 : i32 to index
        %swap3A_618 = arith.index_cast %mul3A_616 : i32 to index
        %swap3A_619 = tpu.vector_load %arg8[%swap3A_617, %swap3A_618] {strides = array<i32>} : memref<16x1024xf32, #tpu.memory_space<vmem>>, vector<16xf32>,
        tpu.vector_store %arg8[%swap3A_617, %swap3A_618], %get3A_609 {add = true, strides = array<i32>} : memref<16x1024xf32, #tpu.memory_space<vmem>>, vector<16xf32>,
      }
      %scan3A_545 = arith.constant 64 : i32
    }
    %scan3A_352 = arith.constant 16 : i32
    %get3A_353 = arith.constant 144 : index
    %get3A_354 = tpu.vector_load %arg6[%get3A_353] {strides = array<i32>} : memref<256xi32, #tpu.memory_space<vmem>>, vector<16xi32>,
    %convert_element_type3A_355 = arith.sitofp %get3A_354 : vector<16xi32> to vector<16xf32>
    %get3A_356 = arith.constant 144 : index
    %get3A_357 = tpu.vector_load %arg7[%get3A_356] {strides = array<i32>} : memref<256xi32, #tpu.memory_space<vmem>>, vector<16xi32>,
    %convert_element_type3A_358 = arith.sitofp %get3A_357 : vector<16xi32> to vector<16xf32>
    %scan3A_359 = arith.constant 0 : i32
    %scan3A_360 = arith.constant 16 : i32
    %scan3A_361 = arith.addi %scan3A_359, %scan3A_360 : i32
    %scan3A_362 = arith.constant 1 : i32
    scf.for %scan3A_518 = %scan3A_359 to %scan3A_361 step %scan3A_362  : i32 {
      %eq3A = vector.broadcast %scan3A_518 : i32 to vector<16xi32>
      %eq3A_519 = arith.cmpi eq, %iota3A, %eq3A : vector<16xi32>
      %jit3A_520 = arith.constant 0.000000e+00 : f32
      %broadcast_in_dim3A_521 = vector.broadcast %jit3A_520 : f32 to vector<16xf32>
      %select_n3A_522 = arith.select %eq3A_519, %convert_element_type3A_355, %broadcast_in_dim3A_521 : vector<16xi1>, vector<16xf32>
      %reduce_sum3A = arith.constant true
      %reduce_sum3A_523 = vector.broadcast %reduce_sum3A : i1 to vector<16xi1>
      %reduce_sum3A_524 = tpu.scan <sum>, %select_n3A_522 masked %reduce_sum3A_523 : vector<16xf32>, vector<16xi1> -> vector<16xf32>
      %reduce_sum3A_525 = vector.extract %reduce_sum3A_524[15] : f32 from vector<16xf32>
      %convert_element_type3A_526 = arith.fptosi %reduce_sum3A_525 : f32 to i32
      %sub3A_527 = arith.subi %convert_element_type3A_526, %mul3A_18 : i32
      %eq3A_528 = vector.broadcast %scan3A_518 : i32 to vector<16xi32>
      %eq3A_529 = arith.cmpi eq, %iota3A, %eq3A_528 : vector<16xi32>
      %jit3A_530 = arith.constant 0.000000e+00 : f32
      %broadcast_in_dim3A_531 = vector.broadcast %jit3A_530 : f32 to vector<16xf32>
      %select_n3A_532 = arith.select %eq3A_529, %convert_element_type3A_358, %broadcast_in_dim3A_531 : vector<16xi1>, vector<16xf32>
      %reduce_sum3A_533 = arith.constant true
      %reduce_sum3A_534 = vector.broadcast %reduce_sum3A_533 : i1 to vector<16xi1>
      %reduce_sum3A_535 = tpu.scan <sum>, %select_n3A_532 masked %reduce_sum3A_534 : vector<16xf32>, vector<16xi1> -> vector<16xf32>
      %reduce_sum3A_536 = vector.extract %reduce_sum3A_535[15] : f32 from vector<16xf32>
      %convert_element_type3A_537 = arith.fptosi %reduce_sum3A_536 : f32 to i32
      %sub3A_538 = arith.subi %convert_element_type3A_537, %mul3A_18 : i32
      %add3A_539 = arith.constant 16 : i32
      %add3A_540 = arith.addi %add3A_539, %scan3A_518 : i32
      %scan3A_541 = arith.constant 0 : i32
      %scan3A_542 = arith.constant 64 : i32
      %scan3A_543 = arith.addi %scan3A_541, %scan3A_542 : i32
      %scan3A_544 = arith.constant 4 : i32
      scf.for %scan3A_546 = %scan3A_541 to %scan3A_543 step %scan3A_544  : i32 {
        %mul3A_547 = arith.constant 16 : i32
        %mul3A_548 = arith.muli %scan3A_546, %mul3A_547 : i32
        %get3A_549 = arith.constant 0 : i32
        %get3A_550 = arith.index_cast %get3A_549 : i32 to index
        %get3A_551 = arith.index_cast %add3A_540 : i32 to index
        %get3A_552 = arith.index_cast %mul3A_548 : i32 to index
        %get3A_553 = tpu.vector_load %arg5[%get3A_550, %get3A_551, %get3A_552] {strides = array<i32>} : memref<2x32x1024xf32, #tpu.memory_space<vmem>>, vector<16xf32>,
        %mul3A_554 = arith.constant 16 : i32
        %mul3A_555 = arith.muli %scan3A_546, %mul3A_554 : i32
        %swap3A = arith.index_cast %sub3A_527 : i32 to index
        %swap3A_556 = arith.index_cast %mul3A_555 : i32 to index
        %swap3A_557 = tpu.vector_load %arg8[%swap3A, %swap3A_556] {strides = array<i32>} : memref<16x1024xf32, #tpu.memory_space<vmem>>, vector<16xf32>,
        tpu.vector_store %arg8[%swap3A, %swap3A_556], %get3A_553 {add = true, strides = array<i32>} : memref<16x1024xf32, #tpu.memory_space<vmem>>, vector<16xf32>,
        %mul3A_558 = arith.constant 16 : i32
        %mul3A_559 = arith.muli %scan3A_546, %mul3A_558 : i32
        %swap3A_560 = arith.index_cast %sub3A_538 : i32 to index
        %swap3A_561 = arith.index_cast %mul3A_559 : i32 to index
        %swap3A_562 = tpu.vector_load %arg8[%swap3A_560, %swap3A_561] {strides = array<i32>} : memref<16x1024xf32, #tpu.memory_space<vmem>>, vector<16xf32>,
        tpu.vector_store %arg8[%swap3A_560, %swap3A_561], %get3A_553 {add = true, strides = array<i32>} : memref<16x1024xf32, #tpu.memory_space<vmem>>, vector<16xf32>,
        %scan3A_563 = arith.constant 1 : i32
        %scan3A_564 = arith.addi %scan3A_546, %scan3A_563 : i32
        %mul3A_565 = arith.constant 16 : i32
        %mul3A_566 = arith.muli %scan3A_564, %mul3A_565 : i32
        %get3A_567 = arith.constant 0 : i32
        %get3A_568 = arith.index_cast %get3A_567 : i32 to index
        %get3A_569 = arith.index_cast %add3A_540 : i32 to index
        %get3A_570 = arith.index_cast %mul3A_566 : i32 to index
        %get3A_571 = tpu.vector_load %arg5[%get3A_568, %get3A_569, %get3A_570] {strides = array<i32>} : memref<2x32x1024xf32, #tpu.memory_space<vmem>>, vector<16xf32>,
        %mul3A_572 = arith.constant 16 : i32
        %mul3A_573 = arith.muli %scan3A_564, %mul3A_572 : i32
        %swap3A_574 = arith.index_cast %sub3A_527 : i32 to index
        %swap3A_575 = arith.index_cast %mul3A_573 : i32 to index
        %swap3A_576 = tpu.vector_load %arg8[%swap3A_574, %swap3A_575] {strides = array<i32>} : memref<16x1024xf32, #tpu.memory_space<vmem>>, vector<16xf32>,
        tpu.vector_store %arg8[%swap3A_574, %swap3A_575], %get3A_571 {add = true, strides = array<i32>} : memref<16x1024xf32, #tpu.memory_space<vmem>>, vector<16xf32>,
        %mul3A_577 = arith.constant 16 : i32
        %mul3A_578 = arith.muli %scan3A_564, %mul3A_577 : i32
        %swap3A_579 = arith.index_cast %sub3A_538 : i32 to index
        %swap3A_580 = arith.index_cast %mul3A_578 : i32 to index
        %swap3A_581 = tpu.vector_load %arg8[%swap3A_579, %swap3A_580] {strides = array<i32>} : memref<16x1024xf32, #tpu.memory_space<vmem>>, vector<16xf32>,
        tpu.vector_store %arg8[%swap3A_579, %swap3A_580], %get3A_571 {add = true, strides = array<i32>} : memref<16x1024xf32, #tpu.memory_space<vmem>>, vector<16xf32>,
        %scan3A_582 = arith.constant 2 : i32
        %scan3A_583 = arith.addi %scan3A_546, %scan3A_582 : i32
        %mul3A_584 = arith.constant 16 : i32
        %mul3A_585 = arith.muli %scan3A_583, %mul3A_584 : i32
        %get3A_586 = arith.constant 0 : i32
        %get3A_587 = arith.index_cast %get3A_586 : i32 to index
        %get3A_588 = arith.index_cast %add3A_540 : i32 to index
        %get3A_589 = arith.index_cast %mul3A_585 : i32 to index
        %get3A_590 = tpu.vector_load %arg5[%get3A_587, %get3A_588, %get3A_589] {strides = array<i32>} : memref<2x32x1024xf32, #tpu.memory_space<vmem>>, vector<16xf32>,
        %mul3A_591 = arith.constant 16 : i32
        %mul3A_592 = arith.muli %scan3A_583, %mul3A_591 : i32
        %swap3A_593 = arith.index_cast %sub3A_527 : i32 to index
        %swap3A_594 = arith.index_cast %mul3A_592 : i32 to index
        %swap3A_595 = tpu.vector_load %arg8[%swap3A_593, %swap3A_594] {strides = array<i32>} : memref<16x1024xf32, #tpu.memory_space<vmem>>, vector<16xf32>,
        tpu.vector_store %arg8[%swap3A_593, %swap3A_594], %get3A_590 {add = true, strides = array<i32>} : memref<16x1024xf32, #tpu.memory_space<vmem>>, vector<16xf32>,
        %mul3A_596 = arith.constant 16 : i32
        %mul3A_597 = arith.muli %scan3A_583, %mul3A_596 : i32
        %swap3A_598 = arith.index_cast %sub3A_538 : i32 to index
        %swap3A_599 = arith.index_cast %mul3A_597 : i32 to index
        %swap3A_600 = tpu.vector_load %arg8[%swap3A_598, %swap3A_599] {strides = array<i32>} : memref<16x1024xf32, #tpu.memory_space<vmem>>, vector<16xf32>,
        tpu.vector_store %arg8[%swap3A_598, %swap3A_599], %get3A_590 {add = true, strides = array<i32>} : memref<16x1024xf32, #tpu.memory_space<vmem>>, vector<16xf32>,
        %scan3A_601 = arith.constant 3 : i32
        %scan3A_602 = arith.addi %scan3A_546, %scan3A_601 : i32
        %mul3A_603 = arith.constant 16 : i32
        %mul3A_604 = arith.muli %scan3A_602, %mul3A_603 : i32
        %get3A_605 = arith.constant 0 : i32
        %get3A_606 = arith.index_cast %get3A_605 : i32 to index
        %get3A_607 = arith.index_cast %add3A_540 : i32 to index
        %get3A_608 = arith.index_cast %mul3A_604 : i32 to index
        %get3A_609 = tpu.vector_load %arg5[%get3A_606, %get3A_607, %get3A_608] {strides = array<i32>} : memref<2x32x1024xf32, #tpu.memory_space<vmem>>, vector<16xf32>,
        %mul3A_610 = arith.constant 16 : i32
        %mul3A_611 = arith.muli %scan3A_602, %mul3A_610 : i32
        %swap3A_612 = arith.index_cast %sub3A_527 : i32 to index
        %swap3A_613 = arith.index_cast %mul3A_611 : i32 to index
        %swap3A_614 = tpu.vector_load %arg8[%swap3A_612, %swap3A_613] {strides = array<i32>} : memref<16x1024xf32, #tpu.memory_space<vmem>>, vector<16xf32>,
        tpu.vector_store %arg8[%swap3A_612, %swap3A_613], %get3A_609 {add = true, strides = array<i32>} : memref<16x1024xf32, #tpu.memory_space<vmem>>, vector<16xf32>,
        %mul3A_615 = arith.constant 16 : i32
        %mul3A_616 = arith.muli %scan3A_602, %mul3A_615 : i32
        %swap3A_617 = arith.index_cast %sub3A_538 : i32 to index
        %swap3A_618 = arith.index_cast %mul3A_616 : i32 to index
        %swap3A_619 = tpu.vector_load %arg8[%swap3A_617, %swap3A_618] {strides = array<i32>} : memref<16x1024xf32, #tpu.memory_space<vmem>>, vector<16xf32>,
        tpu.vector_store %arg8[%swap3A_617, %swap3A_618], %get3A_609 {add = true, strides = array<i32>} : memref<16x1024xf32, #tpu.memory_space<vmem>>, vector<16xf32>,
      }
      %scan3A_545 = arith.constant 64 : i32
    }
    %scan3A_363 = arith.constant 16 : i32
    %mul3A_364 = arith.constant 256 : i32
    %mul3A_365 = arith.muli %add3A, %mul3A_364 : i32
    %add3A_366 = arith.constant 192 : i32
    %add3A_367 = arith.addi %mul3A_365, %add3A_366 : i32
    %dma_start3A_368 = arith.constant 0 : i32
    %dma_start3A_369 = arith.constant 0 : i32
    %dma_start3A_370 = arith.constant 0 : i32
    %dma_start3A_371 = arith.constant 0 : i32
    %dma_start3A_372 = tpu.memref_slice %arg5[%dma_start3A_368, %dma_start3A_370, %dma_start3A_371] : memref<2x32x1024xf32, #tpu.memory_space<vmem>> -> memref<1x32x1024xf32, #tpu.memory_space<vmem>>
    %dma_start3A_373 = tpu.memref_squeeze %dma_start3A_372 : memref<1x32x1024xf32, #tpu.memory_space<vmem>> -> memref<32x1024xf32, #tpu.memory_space<vmem>>
    %dma_start3A_374 = arith.constant 0 : i32
    %dma_start3A_375 = tpu.memref_slice %arg2[%add3A_367, %dma_start3A_374] : memref<8192x1024xf32, #tpu.memory_space<hbm>> -> memref<32x1024xf32, #tpu.memory_space<hbm>>
    %dma_start3A_376 = tpu.memref_slice %arg9[%dma_start3A_369] : memref<4x!tpu.dma_semaphore, #tpu.memory_space<semaphore_mem>> -> memref<1x!tpu.dma_semaphore, #tpu.memory_space<semaphore_mem>>
    %dma_start3A_377 = tpu.memref_squeeze %dma_start3A_376 : memref<1x!tpu.dma_semaphore, #tpu.memory_space<semaphore_mem>> -> memref<!tpu.dma_semaphore, #tpu.memory_space<semaphore_mem>>
    %dma_start3A_378 = arith.constant 0 : i32
    %dma_start3A_379 = arith.constant 0 : i32
    %dma_start3A_380 = tpu.memref_slice %arg5[%dma_start3A_368, %dma_start3A_378, %dma_start3A_379] : memref<2x32x1024xf32, #tpu.memory_space<vmem>> -> memref<1x32x1024xf32, #tpu.memory_space<vmem>>
    %dma_start3A_381 = tpu.memref_squeeze %dma_start3A_380 : memref<1x32x1024xf32, #tpu.memory_space<vmem>> -> memref<32x1024xf32, #tpu.memory_space<vmem>>
    %dma_start3A_382 = arith.constant 0 : i32
    %dma_start3A_383 = tpu.memref_slice %arg2[%add3A_367, %dma_start3A_382] : memref<8192x1024xf32, #tpu.memory_space<hbm>> -> memref<32x1024xf32, #tpu.memory_space<hbm>>
    tpu.enqueue_dma source(%dma_start3A_383 : memref<32x1024xf32, #tpu.memory_space<hbm>>) target(%dma_start3A_381 : memref<32x1024xf32, #tpu.memory_space<vmem>>) target_semaphore(%dma_start3A_377 : memref<!tpu.dma_semaphore, #tpu.memory_space<semaphore_mem>>)
    %dma_wait3A_384 = arith.constant 1 : i32
    %dma_wait3A_385 = arith.constant 1 : i32
    %dma_wait3A_386 = arith.constant 0 : i32
    %dma_wait3A_387 = arith.constant 0 : i32
    %dma_wait3A_388 = tpu.memref_slice %arg5[%dma_wait3A_384, %dma_wait3A_386, %dma_wait3A_387] : memref<2x32x1024xf32, #tpu.memory_space<vmem>> -> memref<1x32x1024xf32, #tpu.memory_space<vmem>>
    %dma_wait3A_389 = tpu.memref_squeeze %dma_wait3A_388 : memref<1x32x1024xf32, #tpu.memory_space<vmem>> -> memref<32x1024xf32, #tpu.memory_space<vmem>>
    %dma_wait3A_390 = arith.constant 0 : i32
    %dma_wait3A_391 = tpu.memref_slice %arg2[%add3A_309, %dma_wait3A_390] : memref<8192x1024xf32, #tpu.memory_space<hbm>> -> memref<32x1024xf32, #tpu.memory_space<hbm>>
    %dma_wait3A_392 = tpu.memref_slice %arg9[%dma_wait3A_385] : memref<4x!tpu.dma_semaphore, #tpu.memory_space<semaphore_mem>> -> memref<1x!tpu.dma_semaphore, #tpu.memory_space<semaphore_mem>>
    %dma_wait3A_393 = tpu.memref_squeeze %dma_wait3A_392 : memref<1x!tpu.dma_semaphore, #tpu.memory_space<semaphore_mem>> -> memref<!tpu.dma_semaphore, #tpu.memory_space<semaphore_mem>>
    %dma_wait3A_394 = arith.constant 0 : i32
    %dma_wait3A_395 = arith.constant 0 : i32
    %dma_wait3A_396 = tpu.memref_slice %arg5[%dma_wait3A_384, %dma_wait3A_394, %dma_wait3A_395] : memref<2x32x1024xf32, #tpu.memory_space<vmem>> -> memref<1x32x1024xf32, #tpu.memory_space<vmem>>
    %dma_wait3A_397 = tpu.memref_squeeze %dma_wait3A_396 : memref<1x32x1024xf32, #tpu.memory_space<vmem>> -> memref<32x1024xf32, #tpu.memory_space<vmem>>
    %dma_wait3A_398 = arith.constant 0 : i32
    %dma_wait3A_399 = tpu.memref_slice %arg2[%add3A_309, %dma_wait3A_398] : memref<8192x1024xf32, #tpu.memory_space<hbm>> -> memref<32x1024xf32, #tpu.memory_space<hbm>>
    tpu.wait_dma2 semaphore(%dma_wait3A_393 : memref<!tpu.dma_semaphore, #tpu.memory_space<semaphore_mem>>) src(%dma_wait3A_399 : memref<32x1024xf32, #tpu.memory_space<hbm>>) dst(%dma_wait3A_397 : memref<32x1024xf32, #tpu.memory_space<vmem>>)
    %get3A_400 = arith.constant 160 : index
    %get3A_401 = tpu.vector_load %arg6[%get3A_400] {strides = array<i32>} : memref<256xi32, #tpu.memory_space<vmem>>, vector<16xi32>,
    %convert_element_type3A_402 = arith.sitofp %get3A_401 : vector<16xi32> to vector<16xf32>
    %get3A_403 = arith.constant 160 : index
    %get3A_404 = tpu.vector_load %arg7[%get3A_403] {strides = array<i32>} : memref<256xi32, #tpu.memory_space<vmem>>, vector<16xi32>,
    %convert_element_type3A_405 = arith.sitofp %get3A_404 : vector<16xi32> to vector<16xf32>
    %scan3A_406 = arith.constant 0 : i32
    %scan3A_407 = arith.constant 16 : i32
    %scan3A_408 = arith.addi %scan3A_406, %scan3A_407 : i32
    %scan3A_409 = arith.constant 1 : i32
    scf.for %scan3A_518 = %scan3A_406 to %scan3A_408 step %scan3A_409  : i32 {
      %eq3A = vector.broadcast %scan3A_518 : i32 to vector<16xi32>
      %eq3A_519 = arith.cmpi eq, %iota3A, %eq3A : vector<16xi32>
      %jit3A_520 = arith.constant 0.000000e+00 : f32
      %broadcast_in_dim3A_521 = vector.broadcast %jit3A_520 : f32 to vector<16xf32>
      %select_n3A_522 = arith.select %eq3A_519, %convert_element_type3A_402, %broadcast_in_dim3A_521 : vector<16xi1>, vector<16xf32>
      %reduce_sum3A = arith.constant true
      %reduce_sum3A_523 = vector.broadcast %reduce_sum3A : i1 to vector<16xi1>
      %reduce_sum3A_524 = tpu.scan <sum>, %select_n3A_522 masked %reduce_sum3A_523 : vector<16xf32>, vector<16xi1> -> vector<16xf32>
      %reduce_sum3A_525 = vector.extract %reduce_sum3A_524[15] : f32 from vector<16xf32>
      %convert_element_type3A_526 = arith.fptosi %reduce_sum3A_525 : f32 to i32
      %sub3A_527 = arith.subi %convert_element_type3A_526, %mul3A_18 : i32
      %eq3A_528 = vector.broadcast %scan3A_518 : i32 to vector<16xi32>
      %eq3A_529 = arith.cmpi eq, %iota3A, %eq3A_528 : vector<16xi32>
      %jit3A_530 = arith.constant 0.000000e+00 : f32
      %broadcast_in_dim3A_531 = vector.broadcast %jit3A_530 : f32 to vector<16xf32>
      %select_n3A_532 = arith.select %eq3A_529, %convert_element_type3A_405, %broadcast_in_dim3A_531 : vector<16xi1>, vector<16xf32>
      %reduce_sum3A_533 = arith.constant true
      %reduce_sum3A_534 = vector.broadcast %reduce_sum3A_533 : i1 to vector<16xi1>
      %reduce_sum3A_535 = tpu.scan <sum>, %select_n3A_532 masked %reduce_sum3A_534 : vector<16xf32>, vector<16xi1> -> vector<16xf32>
      %reduce_sum3A_536 = vector.extract %reduce_sum3A_535[15] : f32 from vector<16xf32>
      %convert_element_type3A_537 = arith.fptosi %reduce_sum3A_536 : f32 to i32
      %sub3A_538 = arith.subi %convert_element_type3A_537, %mul3A_18 : i32
      %add3A_539 = arith.constant 0 : i32
      %add3A_540 = arith.addi %add3A_539, %scan3A_518 : i32
      %scan3A_541 = arith.constant 0 : i32
      %scan3A_542 = arith.constant 64 : i32
      %scan3A_543 = arith.addi %scan3A_541, %scan3A_542 : i32
      %scan3A_544 = arith.constant 4 : i32
      scf.for %scan3A_546 = %scan3A_541 to %scan3A_543 step %scan3A_544  : i32 {
        %mul3A_547 = arith.constant 16 : i32
        %mul3A_548 = arith.muli %scan3A_546, %mul3A_547 : i32
        %get3A_549 = arith.constant 1 : i32
        %get3A_550 = arith.index_cast %get3A_549 : i32 to index
        %get3A_551 = arith.index_cast %add3A_540 : i32 to index
        %get3A_552 = arith.index_cast %mul3A_548 : i32 to index
        %get3A_553 = tpu.vector_load %arg5[%get3A_550, %get3A_551, %get3A_552] {strides = array<i32>} : memref<2x32x1024xf32, #tpu.memory_space<vmem>>, vector<16xf32>,
        %mul3A_554 = arith.constant 16 : i32
        %mul3A_555 = arith.muli %scan3A_546, %mul3A_554 : i32
        %swap3A = arith.index_cast %sub3A_527 : i32 to index
        %swap3A_556 = arith.index_cast %mul3A_555 : i32 to index
        %swap3A_557 = tpu.vector_load %arg8[%swap3A, %swap3A_556] {strides = array<i32>} : memref<16x1024xf32, #tpu.memory_space<vmem>>, vector<16xf32>,
        tpu.vector_store %arg8[%swap3A, %swap3A_556], %get3A_553 {add = true, strides = array<i32>} : memref<16x1024xf32, #tpu.memory_space<vmem>>, vector<16xf32>,
        %mul3A_558 = arith.constant 16 : i32
        %mul3A_559 = arith.muli %scan3A_546, %mul3A_558 : i32
        %swap3A_560 = arith.index_cast %sub3A_538 : i32 to index
        %swap3A_561 = arith.index_cast %mul3A_559 : i32 to index
        %swap3A_562 = tpu.vector_load %arg8[%swap3A_560, %swap3A_561] {strides = array<i32>} : memref<16x1024xf32, #tpu.memory_space<vmem>>, vector<16xf32>,
        tpu.vector_store %arg8[%swap3A_560, %swap3A_561], %get3A_553 {add = true, strides = array<i32>} : memref<16x1024xf32, #tpu.memory_space<vmem>>, vector<16xf32>,
        %scan3A_563 = arith.constant 1 : i32
        %scan3A_564 = arith.addi %scan3A_546, %scan3A_563 : i32
        %mul3A_565 = arith.constant 16 : i32
        %mul3A_566 = arith.muli %scan3A_564, %mul3A_565 : i32
        %get3A_567 = arith.constant 1 : i32
        %get3A_568 = arith.index_cast %get3A_567 : i32 to index
        %get3A_569 = arith.index_cast %add3A_540 : i32 to index
        %get3A_570 = arith.index_cast %mul3A_566 : i32 to index
        %get3A_571 = tpu.vector_load %arg5[%get3A_568, %get3A_569, %get3A_570] {strides = array<i32>} : memref<2x32x1024xf32, #tpu.memory_space<vmem>>, vector<16xf32>,
        %mul3A_572 = arith.constant 16 : i32
        %mul3A_573 = arith.muli %scan3A_564, %mul3A_572 : i32
        %swap3A_574 = arith.index_cast %sub3A_527 : i32 to index
        %swap3A_575 = arith.index_cast %mul3A_573 : i32 to index
        %swap3A_576 = tpu.vector_load %arg8[%swap3A_574, %swap3A_575] {strides = array<i32>} : memref<16x1024xf32, #tpu.memory_space<vmem>>, vector<16xf32>,
        tpu.vector_store %arg8[%swap3A_574, %swap3A_575], %get3A_571 {add = true, strides = array<i32>} : memref<16x1024xf32, #tpu.memory_space<vmem>>, vector<16xf32>,
        %mul3A_577 = arith.constant 16 : i32
        %mul3A_578 = arith.muli %scan3A_564, %mul3A_577 : i32
        %swap3A_579 = arith.index_cast %sub3A_538 : i32 to index
        %swap3A_580 = arith.index_cast %mul3A_578 : i32 to index
        %swap3A_581 = tpu.vector_load %arg8[%swap3A_579, %swap3A_580] {strides = array<i32>} : memref<16x1024xf32, #tpu.memory_space<vmem>>, vector<16xf32>,
        tpu.vector_store %arg8[%swap3A_579, %swap3A_580], %get3A_571 {add = true, strides = array<i32>} : memref<16x1024xf32, #tpu.memory_space<vmem>>, vector<16xf32>,
        %scan3A_582 = arith.constant 2 : i32
        %scan3A_583 = arith.addi %scan3A_546, %scan3A_582 : i32
        %mul3A_584 = arith.constant 16 : i32
        %mul3A_585 = arith.muli %scan3A_583, %mul3A_584 : i32
        %get3A_586 = arith.constant 1 : i32
        %get3A_587 = arith.index_cast %get3A_586 : i32 to index
        %get3A_588 = arith.index_cast %add3A_540 : i32 to index
        %get3A_589 = arith.index_cast %mul3A_585 : i32 to index
        %get3A_590 = tpu.vector_load %arg5[%get3A_587, %get3A_588, %get3A_589] {strides = array<i32>} : memref<2x32x1024xf32, #tpu.memory_space<vmem>>, vector<16xf32>,
        %mul3A_591 = arith.constant 16 : i32
        %mul3A_592 = arith.muli %scan3A_583, %mul3A_591 : i32
        %swap3A_593 = arith.index_cast %sub3A_527 : i32 to index
        %swap3A_594 = arith.index_cast %mul3A_592 : i32 to index
        %swap3A_595 = tpu.vector_load %arg8[%swap3A_593, %swap3A_594] {strides = array<i32>} : memref<16x1024xf32, #tpu.memory_space<vmem>>, vector<16xf32>,
        tpu.vector_store %arg8[%swap3A_593, %swap3A_594], %get3A_590 {add = true, strides = array<i32>} : memref<16x1024xf32, #tpu.memory_space<vmem>>, vector<16xf32>,
        %mul3A_596 = arith.constant 16 : i32
        %mul3A_597 = arith.muli %scan3A_583, %mul3A_596 : i32
        %swap3A_598 = arith.index_cast %sub3A_538 : i32 to index
        %swap3A_599 = arith.index_cast %mul3A_597 : i32 to index
        %swap3A_600 = tpu.vector_load %arg8[%swap3A_598, %swap3A_599] {strides = array<i32>} : memref<16x1024xf32, #tpu.memory_space<vmem>>, vector<16xf32>,
        tpu.vector_store %arg8[%swap3A_598, %swap3A_599], %get3A_590 {add = true, strides = array<i32>} : memref<16x1024xf32, #tpu.memory_space<vmem>>, vector<16xf32>,
        %scan3A_601 = arith.constant 3 : i32
        %scan3A_602 = arith.addi %scan3A_546, %scan3A_601 : i32
        %mul3A_603 = arith.constant 16 : i32
        %mul3A_604 = arith.muli %scan3A_602, %mul3A_603 : i32
        %get3A_605 = arith.constant 1 : i32
        %get3A_606 = arith.index_cast %get3A_605 : i32 to index
        %get3A_607 = arith.index_cast %add3A_540 : i32 to index
        %get3A_608 = arith.index_cast %mul3A_604 : i32 to index
        %get3A_609 = tpu.vector_load %arg5[%get3A_606, %get3A_607, %get3A_608] {strides = array<i32>} : memref<2x32x1024xf32, #tpu.memory_space<vmem>>, vector<16xf32>,
        %mul3A_610 = arith.constant 16 : i32
        %mul3A_611 = arith.muli %scan3A_602, %mul3A_610 : i32
        %swap3A_612 = arith.index_cast %sub3A_527 : i32 to index
        %swap3A_613 = arith.index_cast %mul3A_611 : i32 to index
        %swap3A_614 = tpu.vector_load %arg8[%swap3A_612, %swap3A_613] {strides = array<i32>} : memref<16x1024xf32, #tpu.memory_space<vmem>>, vector<16xf32>,
        tpu.vector_store %arg8[%swap3A_612, %swap3A_613], %get3A_609 {add = true, strides = array<i32>} : memref<16x1024xf32, #tpu.memory_space<vmem>>, vector<16xf32>,
        %mul3A_615 = arith.constant 16 : i32
        %mul3A_616 = arith.muli %scan3A_602, %mul3A_615 : i32
        %swap3A_617 = arith.index_cast %sub3A_538 : i32 to index
        %swap3A_618 = arith.index_cast %mul3A_616 : i32 to index
        %swap3A_619 = tpu.vector_load %arg8[%swap3A_617, %swap3A_618] {strides = array<i32>} : memref<16x1024xf32, #tpu.memory_space<vmem>>, vector<16xf32>,
        tpu.vector_store %arg8[%swap3A_617, %swap3A_618], %get3A_609 {add = true, strides = array<i32>} : memref<16x1024xf32, #tpu.memory_space<vmem>>, vector<16xf32>,
      }
      %scan3A_545 = arith.constant 64 : i32
    }
    %scan3A_410 = arith.constant 16 : i32
    %get3A_411 = arith.constant 176 : index
    %get3A_412 = tpu.vector_load %arg6[%get3A_411] {strides = array<i32>} : memref<256xi32, #tpu.memory_space<vmem>>, vector<16xi32>,
    %convert_element_type3A_413 = arith.sitofp %get3A_412 : vector<16xi32> to vector<16xf32>
    %get3A_414 = arith.constant 176 : index
    %get3A_415 = tpu.vector_load %arg7[%get3A_414] {strides = array<i32>} : memref<256xi32, #tpu.memory_space<vmem>>, vector<16xi32>,
    %convert_element_type3A_416 = arith.sitofp %get3A_415 : vector<16xi32> to vector<16xf32>
    %scan3A_417 = arith.constant 0 : i32
    %scan3A_418 = arith.constant 16 : i32
    %scan3A_419 = arith.addi %scan3A_417, %scan3A_418 : i32
    %scan3A_420 = arith.constant 1 : i32
    scf.for %scan3A_518 = %scan3A_417 to %scan3A_419 step %scan3A_420  : i32 {
      %eq3A = vector.broadcast %scan3A_518 : i32 to vector<16xi32>
      %eq3A_519 = arith.cmpi eq, %iota3A, %eq3A : vector<16xi32>
      %jit3A_520 = arith.constant 0.000000e+00 : f32
      %broadcast_in_dim3A_521 = vector.broadcast %jit3A_520 : f32 to vector<16xf32>
      %select_n3A_522 = arith.select %eq3A_519, %convert_element_type3A_413, %broadcast_in_dim3A_521 : vector<16xi1>, vector<16xf32>
      %reduce_sum3A = arith.constant true
      %reduce_sum3A_523 = vector.broadcast %reduce_sum3A : i1 to vector<16xi1>
      %reduce_sum3A_524 = tpu.scan <sum>, %select_n3A_522 masked %reduce_sum3A_523 : vector<16xf32>, vector<16xi1> -> vector<16xf32>
      %reduce_sum3A_525 = vector.extract %reduce_sum3A_524[15] : f32 from vector<16xf32>
      %convert_element_type3A_526 = arith.fptosi %reduce_sum3A_525 : f32 to i32
      %sub3A_527 = arith.subi %convert_element_type3A_526, %mul3A_18 : i32
      %eq3A_528 = vector.broadcast %scan3A_518 : i32 to vector<16xi32>
      %eq3A_529 = arith.cmpi eq, %iota3A, %eq3A_528 : vector<16xi32>
      %jit3A_530 = arith.constant 0.000000e+00 : f32
      %broadcast_in_dim3A_531 = vector.broadcast %jit3A_530 : f32 to vector<16xf32>
      %select_n3A_532 = arith.select %eq3A_529, %convert_element_type3A_416, %broadcast_in_dim3A_531 : vector<16xi1>, vector<16xf32>
      %reduce_sum3A_533 = arith.constant true
      %reduce_sum3A_534 = vector.broadcast %reduce_sum3A_533 : i1 to vector<16xi1>
      %reduce_sum3A_535 = tpu.scan <sum>, %select_n3A_532 masked %reduce_sum3A_534 : vector<16xf32>, vector<16xi1> -> vector<16xf32>
      %reduce_sum3A_536 = vector.extract %reduce_sum3A_535[15] : f32 from vector<16xf32>
      %convert_element_type3A_537 = arith.fptosi %reduce_sum3A_536 : f32 to i32
      %sub3A_538 = arith.subi %convert_element_type3A_537, %mul3A_18 : i32
      %add3A_539 = arith.constant 16 : i32
      %add3A_540 = arith.addi %add3A_539, %scan3A_518 : i32
      %scan3A_541 = arith.constant 0 : i32
      %scan3A_542 = arith.constant 64 : i32
      %scan3A_543 = arith.addi %scan3A_541, %scan3A_542 : i32
      %scan3A_544 = arith.constant 4 : i32
      scf.for %scan3A_546 = %scan3A_541 to %scan3A_543 step %scan3A_544  : i32 {
        %mul3A_547 = arith.constant 16 : i32
        %mul3A_548 = arith.muli %scan3A_546, %mul3A_547 : i32
        %get3A_549 = arith.constant 1 : i32
        %get3A_550 = arith.index_cast %get3A_549 : i32 to index
        %get3A_551 = arith.index_cast %add3A_540 : i32 to index
        %get3A_552 = arith.index_cast %mul3A_548 : i32 to index
        %get3A_553 = tpu.vector_load %arg5[%get3A_550, %get3A_551, %get3A_552] {strides = array<i32>} : memref<2x32x1024xf32, #tpu.memory_space<vmem>>, vector<16xf32>,
        %mul3A_554 = arith.constant 16 : i32
        %mul3A_555 = arith.muli %scan3A_546, %mul3A_554 : i32
        %swap3A = arith.index_cast %sub3A_527 : i32 to index
        %swap3A_556 = arith.index_cast %mul3A_555 : i32 to index
        %swap3A_557 = tpu.vector_load %arg8[%swap3A, %swap3A_556] {strides = array<i32>} : memref<16x1024xf32, #tpu.memory_space<vmem>>, vector<16xf32>,
        tpu.vector_store %arg8[%swap3A, %swap3A_556], %get3A_553 {add = true, strides = array<i32>} : memref<16x1024xf32, #tpu.memory_space<vmem>>, vector<16xf32>,
        %mul3A_558 = arith.constant 16 : i32
        %mul3A_559 = arith.muli %scan3A_546, %mul3A_558 : i32
        %swap3A_560 = arith.index_cast %sub3A_538 : i32 to index
        %swap3A_561 = arith.index_cast %mul3A_559 : i32 to index
        %swap3A_562 = tpu.vector_load %arg8[%swap3A_560, %swap3A_561] {strides = array<i32>} : memref<16x1024xf32, #tpu.memory_space<vmem>>, vector<16xf32>,
        tpu.vector_store %arg8[%swap3A_560, %swap3A_561], %get3A_553 {add = true, strides = array<i32>} : memref<16x1024xf32, #tpu.memory_space<vmem>>, vector<16xf32>,
        %scan3A_563 = arith.constant 1 : i32
        %scan3A_564 = arith.addi %scan3A_546, %scan3A_563 : i32
        %mul3A_565 = arith.constant 16 : i32
        %mul3A_566 = arith.muli %scan3A_564, %mul3A_565 : i32
        %get3A_567 = arith.constant 1 : i32
        %get3A_568 = arith.index_cast %get3A_567 : i32 to index
        %get3A_569 = arith.index_cast %add3A_540 : i32 to index
        %get3A_570 = arith.index_cast %mul3A_566 : i32 to index
        %get3A_571 = tpu.vector_load %arg5[%get3A_568, %get3A_569, %get3A_570] {strides = array<i32>} : memref<2x32x1024xf32, #tpu.memory_space<vmem>>, vector<16xf32>,
        %mul3A_572 = arith.constant 16 : i32
        %mul3A_573 = arith.muli %scan3A_564, %mul3A_572 : i32
        %swap3A_574 = arith.index_cast %sub3A_527 : i32 to index
        %swap3A_575 = arith.index_cast %mul3A_573 : i32 to index
        %swap3A_576 = tpu.vector_load %arg8[%swap3A_574, %swap3A_575] {strides = array<i32>} : memref<16x1024xf32, #tpu.memory_space<vmem>>, vector<16xf32>,
        tpu.vector_store %arg8[%swap3A_574, %swap3A_575], %get3A_571 {add = true, strides = array<i32>} : memref<16x1024xf32, #tpu.memory_space<vmem>>, vector<16xf32>,
        %mul3A_577 = arith.constant 16 : i32
        %mul3A_578 = arith.muli %scan3A_564, %mul3A_577 : i32
        %swap3A_579 = arith.index_cast %sub3A_538 : i32 to index
        %swap3A_580 = arith.index_cast %mul3A_578 : i32 to index
        %swap3A_581 = tpu.vector_load %arg8[%swap3A_579, %swap3A_580] {strides = array<i32>} : memref<16x1024xf32, #tpu.memory_space<vmem>>, vector<16xf32>,
        tpu.vector_store %arg8[%swap3A_579, %swap3A_580], %get3A_571 {add = true, strides = array<i32>} : memref<16x1024xf32, #tpu.memory_space<vmem>>, vector<16xf32>,
        %scan3A_582 = arith.constant 2 : i32
        %scan3A_583 = arith.addi %scan3A_546, %scan3A_582 : i32
        %mul3A_584 = arith.constant 16 : i32
        %mul3A_585 = arith.muli %scan3A_583, %mul3A_584 : i32
        %get3A_586 = arith.constant 1 : i32
        %get3A_587 = arith.index_cast %get3A_586 : i32 to index
        %get3A_588 = arith.index_cast %add3A_540 : i32 to index
        %get3A_589 = arith.index_cast %mul3A_585 : i32 to index
        %get3A_590 = tpu.vector_load %arg5[%get3A_587, %get3A_588, %get3A_589] {strides = array<i32>} : memref<2x32x1024xf32, #tpu.memory_space<vmem>>, vector<16xf32>,
        %mul3A_591 = arith.constant 16 : i32
        %mul3A_592 = arith.muli %scan3A_583, %mul3A_591 : i32
        %swap3A_593 = arith.index_cast %sub3A_527 : i32 to index
        %swap3A_594 = arith.index_cast %mul3A_592 : i32 to index
        %swap3A_595 = tpu.vector_load %arg8[%swap3A_593, %swap3A_594] {strides = array<i32>} : memref<16x1024xf32, #tpu.memory_space<vmem>>, vector<16xf32>,
        tpu.vector_store %arg8[%swap3A_593, %swap3A_594], %get3A_590 {add = true, strides = array<i32>} : memref<16x1024xf32, #tpu.memory_space<vmem>>, vector<16xf32>,
        %mul3A_596 = arith.constant 16 : i32
        %mul3A_597 = arith.muli %scan3A_583, %mul3A_596 : i32
        %swap3A_598 = arith.index_cast %sub3A_538 : i32 to index
        %swap3A_599 = arith.index_cast %mul3A_597 : i32 to index
        %swap3A_600 = tpu.vector_load %arg8[%swap3A_598, %swap3A_599] {strides = array<i32>} : memref<16x1024xf32, #tpu.memory_space<vmem>>, vector<16xf32>,
        tpu.vector_store %arg8[%swap3A_598, %swap3A_599], %get3A_590 {add = true, strides = array<i32>} : memref<16x1024xf32, #tpu.memory_space<vmem>>, vector<16xf32>,
        %scan3A_601 = arith.constant 3 : i32
        %scan3A_602 = arith.addi %scan3A_546, %scan3A_601 : i32
        %mul3A_603 = arith.constant 16 : i32
        %mul3A_604 = arith.muli %scan3A_602, %mul3A_603 : i32
        %get3A_605 = arith.constant 1 : i32
        %get3A_606 = arith.index_cast %get3A_605 : i32 to index
        %get3A_607 = arith.index_cast %add3A_540 : i32 to index
        %get3A_608 = arith.index_cast %mul3A_604 : i32 to index
        %get3A_609 = tpu.vector_load %arg5[%get3A_606, %get3A_607, %get3A_608] {strides = array<i32>} : memref<2x32x1024xf32, #tpu.memory_space<vmem>>, vector<16xf32>,
        %mul3A_610 = arith.constant 16 : i32
        %mul3A_611 = arith.muli %scan3A_602, %mul3A_610 : i32
        %swap3A_612 = arith.index_cast %sub3A_527 : i32 to index
        %swap3A_613 = arith.index_cast %mul3A_611 : i32 to index
        %swap3A_614 = tpu.vector_load %arg8[%swap3A_612, %swap3A_613] {strides = array<i32>} : memref<16x1024xf32, #tpu.memory_space<vmem>>, vector<16xf32>,
        tpu.vector_store %arg8[%swap3A_612, %swap3A_613], %get3A_609 {add = true, strides = array<i32>} : memref<16x1024xf32, #tpu.memory_space<vmem>>, vector<16xf32>,
        %mul3A_615 = arith.constant 16 : i32
        %mul3A_616 = arith.muli %scan3A_602, %mul3A_615 : i32
        %swap3A_617 = arith.index_cast %sub3A_538 : i32 to index
        %swap3A_618 = arith.index_cast %mul3A_616 : i32 to index
        %swap3A_619 = tpu.vector_load %arg8[%swap3A_617, %swap3A_618] {strides = array<i32>} : memref<16x1024xf32, #tpu.memory_space<vmem>>, vector<16xf32>,
        tpu.vector_store %arg8[%swap3A_617, %swap3A_618], %get3A_609 {add = true, strides = array<i32>} : memref<16x1024xf32, #tpu.memory_space<vmem>>, vector<16xf32>,
      }
      %scan3A_545 = arith.constant 64 : i32
    }
    %scan3A_421 = arith.constant 16 : i32
    %mul3A_422 = arith.constant 256 : i32
    %mul3A_423 = arith.muli %add3A, %mul3A_422 : i32
    %add3A_424 = arith.constant 224 : i32
    %add3A_425 = arith.addi %mul3A_423, %add3A_424 : i32
    %dma_start3A_426 = arith.constant 1 : i32
    %dma_start3A_427 = arith.constant 1 : i32
    %dma_start3A_428 = arith.constant 0 : i32
    %dma_start3A_429 = arith.constant 0 : i32
    %dma_start3A_430 = tpu.memref_slice %arg5[%dma_start3A_426, %dma_start3A_428, %dma_start3A_429] : memref<2x32x1024xf32, #tpu.memory_space<vmem>> -> memref<1x32x1024xf32, #tpu.memory_space<vmem>>
    %dma_start3A_431 = tpu.memref_squeeze %dma_start3A_430 : memref<1x32x1024xf32, #tpu.memory_space<vmem>> -> memref<32x1024xf32, #tpu.memory_space<vmem>>
    %dma_start3A_432 = arith.constant 0 : i32
    %dma_start3A_433 = tpu.memref_slice %arg2[%add3A_425, %dma_start3A_432] : memref<8192x1024xf32, #tpu.memory_space<hbm>> -> memref<32x1024xf32, #tpu.memory_space<hbm>>
    %dma_start3A_434 = tpu.memref_slice %arg9[%dma_start3A_427] : memref<4x!tpu.dma_semaphore, #tpu.memory_space<semaphore_mem>> -> memref<1x!tpu.dma_semaphore, #tpu.memory_space<semaphore_mem>>
    %dma_start3A_435 = tpu.memref_squeeze %dma_start3A_434 : memref<1x!tpu.dma_semaphore, #tpu.memory_space<semaphore_mem>> -> memref<!tpu.dma_semaphore, #tpu.memory_space<semaphore_mem>>
    %dma_start3A_436 = arith.constant 0 : i32
    %dma_start3A_437 = arith.constant 0 : i32
    %dma_start3A_438 = tpu.memref_slice %arg5[%dma_start3A_426, %dma_start3A_436, %dma_start3A_437] : memref<2x32x1024xf32, #tpu.memory_space<vmem>> -> memref<1x32x1024xf32, #tpu.memory_space<vmem>>
    %dma_start3A_439 = tpu.memref_squeeze %dma_start3A_438 : memref<1x32x1024xf32, #tpu.memory_space<vmem>> -> memref<32x1024xf32, #tpu.memory_space<vmem>>
    %dma_start3A_440 = arith.constant 0 : i32
    %dma_start3A_441 = tpu.memref_slice %arg2[%add3A_425, %dma_start3A_440] : memref<8192x1024xf32, #tpu.memory_space<hbm>> -> memref<32x1024xf32, #tpu.memory_space<hbm>>
    tpu.enqueue_dma source(%dma_start3A_441 : memref<32x1024xf32, #tpu.memory_space<hbm>>) target(%dma_start3A_439 : memref<32x1024xf32, #tpu.memory_space<vmem>>) target_semaphore(%dma_start3A_435 : memref<!tpu.dma_semaphore, #tpu.memory_space<semaphore_mem>>)
    %dma_wait3A_442 = arith.constant 0 : i32
    %dma_wait3A_443 = arith.constant 0 : i32
    %dma_wait3A_444 = arith.constant 0 : i32
    %dma_wait3A_445 = arith.constant 0 : i32
    %dma_wait3A_446 = tpu.memref_slice %arg5[%dma_wait3A_442, %dma_wait3A_444, %dma_wait3A_445] : memref<2x32x1024xf32, #tpu.memory_space<vmem>> -> memref<1x32x1024xf32, #tpu.memory_space<vmem>>
    %dma_wait3A_447 = tpu.memref_squeeze %dma_wait3A_446 : memref<1x32x1024xf32, #tpu.memory_space<vmem>> -> memref<32x1024xf32, #tpu.memory_space<vmem>>
    %dma_wait3A_448 = arith.constant 0 : i32
    %dma_wait3A_449 = tpu.memref_slice %arg2[%add3A_367, %dma_wait3A_448] : memref<8192x1024xf32, #tpu.memory_space<hbm>> -> memref<32x1024xf32, #tpu.memory_space<hbm>>
    %dma_wait3A_450 = tpu.memref_slice %arg9[%dma_wait3A_443] : memref<4x!tpu.dma_semaphore, #tpu.memory_space<semaphore_mem>> -> memref<1x!tpu.dma_semaphore, #tpu.memory_space<semaphore_mem>>
    %dma_wait3A_451 = tpu.memref_squeeze %dma_wait3A_450 : memref<1x!tpu.dma_semaphore, #tpu.memory_space<semaphore_mem>> -> memref<!tpu.dma_semaphore, #tpu.memory_space<semaphore_mem>>
    %dma_wait3A_452 = arith.constant 0 : i32
    %dma_wait3A_453 = arith.constant 0 : i32
    %dma_wait3A_454 = tpu.memref_slice %arg5[%dma_wait3A_442, %dma_wait3A_452, %dma_wait3A_453] : memref<2x32x1024xf32, #tpu.memory_space<vmem>> -> memref<1x32x1024xf32, #tpu.memory_space<vmem>>
    %dma_wait3A_455 = tpu.memref_squeeze %dma_wait3A_454 : memref<1x32x1024xf32, #tpu.memory_space<vmem>> -> memref<32x1024xf32, #tpu.memory_space<vmem>>
    %dma_wait3A_456 = arith.constant 0 : i32
    %dma_wait3A_457 = tpu.memref_slice %arg2[%add3A_367, %dma_wait3A_456] : memref<8192x1024xf32, #tpu.memory_space<hbm>> -> memref<32x1024xf32, #tpu.memory_space<hbm>>
    tpu.wait_dma2 semaphore(%dma_wait3A_451 : memref<!tpu.dma_semaphore, #tpu.memory_space<semaphore_mem>>) src(%dma_wait3A_457 : memref<32x1024xf32, #tpu.memory_space<hbm>>) dst(%dma_wait3A_455 : memref<32x1024xf32, #tpu.memory_space<vmem>>)
    %get3A_458 = arith.constant 192 : index
    %get3A_459 = tpu.vector_load %arg6[%get3A_458] {strides = array<i32>} : memref<256xi32, #tpu.memory_space<vmem>>, vector<16xi32>,
    %convert_element_type3A_460 = arith.sitofp %get3A_459 : vector<16xi32> to vector<16xf32>
    %get3A_461 = arith.constant 192 : index
    %get3A_462 = tpu.vector_load %arg7[%get3A_461] {strides = array<i32>} : memref<256xi32, #tpu.memory_space<vmem>>, vector<16xi32>,
    %convert_element_type3A_463 = arith.sitofp %get3A_462 : vector<16xi32> to vector<16xf32>
    %scan3A_464 = arith.constant 0 : i32
    %scan3A_465 = arith.constant 16 : i32
    %scan3A_466 = arith.addi %scan3A_464, %scan3A_465 : i32
    %scan3A_467 = arith.constant 1 : i32
    scf.for %scan3A_518 = %scan3A_464 to %scan3A_466 step %scan3A_467  : i32 {
      %eq3A = vector.broadcast %scan3A_518 : i32 to vector<16xi32>
      %eq3A_519 = arith.cmpi eq, %iota3A, %eq3A : vector<16xi32>
      %jit3A_520 = arith.constant 0.000000e+00 : f32
      %broadcast_in_dim3A_521 = vector.broadcast %jit3A_520 : f32 to vector<16xf32>
      %select_n3A_522 = arith.select %eq3A_519, %convert_element_type3A_460, %broadcast_in_dim3A_521 : vector<16xi1>, vector<16xf32>
      %reduce_sum3A = arith.constant true
      %reduce_sum3A_523 = vector.broadcast %reduce_sum3A : i1 to vector<16xi1>
      %reduce_sum3A_524 = tpu.scan <sum>, %select_n3A_522 masked %reduce_sum3A_523 : vector<16xf32>, vector<16xi1> -> vector<16xf32>
      %reduce_sum3A_525 = vector.extract %reduce_sum3A_524[15] : f32 from vector<16xf32>
      %convert_element_type3A_526 = arith.fptosi %reduce_sum3A_525 : f32 to i32
      %sub3A_527 = arith.subi %convert_element_type3A_526, %mul3A_18 : i32
      %eq3A_528 = vector.broadcast %scan3A_518 : i32 to vector<16xi32>
      %eq3A_529 = arith.cmpi eq, %iota3A, %eq3A_528 : vector<16xi32>
      %jit3A_530 = arith.constant 0.000000e+00 : f32
      %broadcast_in_dim3A_531 = vector.broadcast %jit3A_530 : f32 to vector<16xf32>
      %select_n3A_532 = arith.select %eq3A_529, %convert_element_type3A_463, %broadcast_in_dim3A_531 : vector<16xi1>, vector<16xf32>
      %reduce_sum3A_533 = arith.constant true
      %reduce_sum3A_534 = vector.broadcast %reduce_sum3A_533 : i1 to vector<16xi1>
      %reduce_sum3A_535 = tpu.scan <sum>, %select_n3A_532 masked %reduce_sum3A_534 : vector<16xf32>, vector<16xi1> -> vector<16xf32>
      %reduce_sum3A_536 = vector.extract %reduce_sum3A_535[15] : f32 from vector<16xf32>
      %convert_element_type3A_537 = arith.fptosi %reduce_sum3A_536 : f32 to i32
      %sub3A_538 = arith.subi %convert_element_type3A_537, %mul3A_18 : i32
      %add3A_539 = arith.constant 0 : i32
      %add3A_540 = arith.addi %add3A_539, %scan3A_518 : i32
      %scan3A_541 = arith.constant 0 : i32
      %scan3A_542 = arith.constant 64 : i32
      %scan3A_543 = arith.addi %scan3A_541, %scan3A_542 : i32
      %scan3A_544 = arith.constant 4 : i32
      scf.for %scan3A_546 = %scan3A_541 to %scan3A_543 step %scan3A_544  : i32 {
        %mul3A_547 = arith.constant 16 : i32
        %mul3A_548 = arith.muli %scan3A_546, %mul3A_547 : i32
        %get3A_549 = arith.constant 0 : i32
        %get3A_550 = arith.index_cast %get3A_549 : i32 to index
        %get3A_551 = arith.index_cast %add3A_540 : i32 to index
        %get3A_552 = arith.index_cast %mul3A_548 : i32 to index
        %get3A_553 = tpu.vector_load %arg5[%get3A_550, %get3A_551, %get3A_552] {strides = array<i32>} : memref<2x32x1024xf32, #tpu.memory_space<vmem>>, vector<16xf32>,
        %mul3A_554 = arith.constant 16 : i32
        %mul3A_555 = arith.muli %scan3A_546, %mul3A_554 : i32
        %swap3A = arith.index_cast %sub3A_527 : i32 to index
        %swap3A_556 = arith.index_cast %mul3A_555 : i32 to index
        %swap3A_557 = tpu.vector_load %arg8[%swap3A, %swap3A_556] {strides = array<i32>} : memref<16x1024xf32, #tpu.memory_space<vmem>>, vector<16xf32>,
        tpu.vector_store %arg8[%swap3A, %swap3A_556], %get3A_553 {add = true, strides = array<i32>} : memref<16x1024xf32, #tpu.memory_space<vmem>>, vector<16xf32>,
        %mul3A_558 = arith.constant 16 : i32
        %mul3A_559 = arith.muli %scan3A_546, %mul3A_558 : i32
        %swap3A_560 = arith.index_cast %sub3A_538 : i32 to index
        %swap3A_561 = arith.index_cast %mul3A_559 : i32 to index
        %swap3A_562 = tpu.vector_load %arg8[%swap3A_560, %swap3A_561] {strides = array<i32>} : memref<16x1024xf32, #tpu.memory_space<vmem>>, vector<16xf32>,
        tpu.vector_store %arg8[%swap3A_560, %swap3A_561], %get3A_553 {add = true, strides = array<i32>} : memref<16x1024xf32, #tpu.memory_space<vmem>>, vector<16xf32>,
        %scan3A_563 = arith.constant 1 : i32
        %scan3A_564 = arith.addi %scan3A_546, %scan3A_563 : i32
        %mul3A_565 = arith.constant 16 : i32
        %mul3A_566 = arith.muli %scan3A_564, %mul3A_565 : i32
        %get3A_567 = arith.constant 0 : i32
        %get3A_568 = arith.index_cast %get3A_567 : i32 to index
        %get3A_569 = arith.index_cast %add3A_540 : i32 to index
        %get3A_570 = arith.index_cast %mul3A_566 : i32 to index
        %get3A_571 = tpu.vector_load %arg5[%get3A_568, %get3A_569, %get3A_570] {strides = array<i32>} : memref<2x32x1024xf32, #tpu.memory_space<vmem>>, vector<16xf32>,
        %mul3A_572 = arith.constant 16 : i32
        %mul3A_573 = arith.muli %scan3A_564, %mul3A_572 : i32
        %swap3A_574 = arith.index_cast %sub3A_527 : i32 to index
        %swap3A_575 = arith.index_cast %mul3A_573 : i32 to index
        %swap3A_576 = tpu.vector_load %arg8[%swap3A_574, %swap3A_575] {strides = array<i32>} : memref<16x1024xf32, #tpu.memory_space<vmem>>, vector<16xf32>,
        tpu.vector_store %arg8[%swap3A_574, %swap3A_575], %get3A_571 {add = true, strides = array<i32>} : memref<16x1024xf32, #tpu.memory_space<vmem>>, vector<16xf32>,
        %mul3A_577 = arith.constant 16 : i32
        %mul3A_578 = arith.muli %scan3A_564, %mul3A_577 : i32
        %swap3A_579 = arith.index_cast %sub3A_538 : i32 to index
        %swap3A_580 = arith.index_cast %mul3A_578 : i32 to index
        %swap3A_581 = tpu.vector_load %arg8[%swap3A_579, %swap3A_580] {strides = array<i32>} : memref<16x1024xf32, #tpu.memory_space<vmem>>, vector<16xf32>,
        tpu.vector_store %arg8[%swap3A_579, %swap3A_580], %get3A_571 {add = true, strides = array<i32>} : memref<16x1024xf32, #tpu.memory_space<vmem>>, vector<16xf32>,
        %scan3A_582 = arith.constant 2 : i32
        %scan3A_583 = arith.addi %scan3A_546, %scan3A_582 : i32
        %mul3A_584 = arith.constant 16 : i32
        %mul3A_585 = arith.muli %scan3A_583, %mul3A_584 : i32
        %get3A_586 = arith.constant 0 : i32
        %get3A_587 = arith.index_cast %get3A_586 : i32 to index
        %get3A_588 = arith.index_cast %add3A_540 : i32 to index
        %get3A_589 = arith.index_cast %mul3A_585 : i32 to index
        %get3A_590 = tpu.vector_load %arg5[%get3A_587, %get3A_588, %get3A_589] {strides = array<i32>} : memref<2x32x1024xf32, #tpu.memory_space<vmem>>, vector<16xf32>,
        %mul3A_591 = arith.constant 16 : i32
        %mul3A_592 = arith.muli %scan3A_583, %mul3A_591 : i32
        %swap3A_593 = arith.index_cast %sub3A_527 : i32 to index
        %swap3A_594 = arith.index_cast %mul3A_592 : i32 to index
        %swap3A_595 = tpu.vector_load %arg8[%swap3A_593, %swap3A_594] {strides = array<i32>} : memref<16x1024xf32, #tpu.memory_space<vmem>>, vector<16xf32>,
        tpu.vector_store %arg8[%swap3A_593, %swap3A_594], %get3A_590 {add = true, strides = array<i32>} : memref<16x1024xf32, #tpu.memory_space<vmem>>, vector<16xf32>,
        %mul3A_596 = arith.constant 16 : i32
        %mul3A_597 = arith.muli %scan3A_583, %mul3A_596 : i32
        %swap3A_598 = arith.index_cast %sub3A_538 : i32 to index
        %swap3A_599 = arith.index_cast %mul3A_597 : i32 to index
        %swap3A_600 = tpu.vector_load %arg8[%swap3A_598, %swap3A_599] {strides = array<i32>} : memref<16x1024xf32, #tpu.memory_space<vmem>>, vector<16xf32>,
        tpu.vector_store %arg8[%swap3A_598, %swap3A_599], %get3A_590 {add = true, strides = array<i32>} : memref<16x1024xf32, #tpu.memory_space<vmem>>, vector<16xf32>,
        %scan3A_601 = arith.constant 3 : i32
        %scan3A_602 = arith.addi %scan3A_546, %scan3A_601 : i32
        %mul3A_603 = arith.constant 16 : i32
        %mul3A_604 = arith.muli %scan3A_602, %mul3A_603 : i32
        %get3A_605 = arith.constant 0 : i32
        %get3A_606 = arith.index_cast %get3A_605 : i32 to index
        %get3A_607 = arith.index_cast %add3A_540 : i32 to index
        %get3A_608 = arith.index_cast %mul3A_604 : i32 to index
        %get3A_609 = tpu.vector_load %arg5[%get3A_606, %get3A_607, %get3A_608] {strides = array<i32>} : memref<2x32x1024xf32, #tpu.memory_space<vmem>>, vector<16xf32>,
        %mul3A_610 = arith.constant 16 : i32
        %mul3A_611 = arith.muli %scan3A_602, %mul3A_610 : i32
        %swap3A_612 = arith.index_cast %sub3A_527 : i32 to index
        %swap3A_613 = arith.index_cast %mul3A_611 : i32 to index
        %swap3A_614 = tpu.vector_load %arg8[%swap3A_612, %swap3A_613] {strides = array<i32>} : memref<16x1024xf32, #tpu.memory_space<vmem>>, vector<16xf32>,
        tpu.vector_store %arg8[%swap3A_612, %swap3A_613], %get3A_609 {add = true, strides = array<i32>} : memref<16x1024xf32, #tpu.memory_space<vmem>>, vector<16xf32>,
        %mul3A_615 = arith.constant 16 : i32
        %mul3A_616 = arith.muli %scan3A_602, %mul3A_615 : i32
        %swap3A_617 = arith.index_cast %sub3A_538 : i32 to index
        %swap3A_618 = arith.index_cast %mul3A_616 : i32 to index
        %swap3A_619 = tpu.vector_load %arg8[%swap3A_617, %swap3A_618] {strides = array<i32>} : memref<16x1024xf32, #tpu.memory_space<vmem>>, vector<16xf32>,
        tpu.vector_store %arg8[%swap3A_617, %swap3A_618], %get3A_609 {add = true, strides = array<i32>} : memref<16x1024xf32, #tpu.memory_space<vmem>>, vector<16xf32>,
      }
      %scan3A_545 = arith.constant 64 : i32
    }
    %scan3A_468 = arith.constant 16 : i32
    %get3A_469 = arith.constant 208 : index
    %get3A_470 = tpu.vector_load %arg6[%get3A_469] {strides = array<i32>} : memref<256xi32, #tpu.memory_space<vmem>>, vector<16xi32>,
    %convert_element_type3A_471 = arith.sitofp %get3A_470 : vector<16xi32> to vector<16xf32>
    %get3A_472 = arith.constant 208 : index
    %get3A_473 = tpu.vector_load %arg7[%get3A_472] {strides = array<i32>} : memref<256xi32, #tpu.memory_space<vmem>>, vector<16xi32>,
    %convert_element_type3A_474 = arith.sitofp %get3A_473 : vector<16xi32> to vector<16xf32>
    %scan3A_475 = arith.constant 0 : i32
    %scan3A_476 = arith.constant 16 : i32
    %scan3A_477 = arith.addi %scan3A_475, %scan3A_476 : i32
    %scan3A_478 = arith.constant 1 : i32
    scf.for %scan3A_518 = %scan3A_475 to %scan3A_477 step %scan3A_478  : i32 {
      %eq3A = vector.broadcast %scan3A_518 : i32 to vector<16xi32>
      %eq3A_519 = arith.cmpi eq, %iota3A, %eq3A : vector<16xi32>
      %jit3A_520 = arith.constant 0.000000e+00 : f32
      %broadcast_in_dim3A_521 = vector.broadcast %jit3A_520 : f32 to vector<16xf32>
      %select_n3A_522 = arith.select %eq3A_519, %convert_element_type3A_471, %broadcast_in_dim3A_521 : vector<16xi1>, vector<16xf32>
      %reduce_sum3A = arith.constant true
      %reduce_sum3A_523 = vector.broadcast %reduce_sum3A : i1 to vector<16xi1>
      %reduce_sum3A_524 = tpu.scan <sum>, %select_n3A_522 masked %reduce_sum3A_523 : vector<16xf32>, vector<16xi1> -> vector<16xf32>
      %reduce_sum3A_525 = vector.extract %reduce_sum3A_524[15] : f32 from vector<16xf32>
      %convert_element_type3A_526 = arith.fptosi %reduce_sum3A_525 : f32 to i32
      %sub3A_527 = arith.subi %convert_element_type3A_526, %mul3A_18 : i32
      %eq3A_528 = vector.broadcast %scan3A_518 : i32 to vector<16xi32>
      %eq3A_529 = arith.cmpi eq, %iota3A, %eq3A_528 : vector<16xi32>
      %jit3A_530 = arith.constant 0.000000e+00 : f32
      %broadcast_in_dim3A_531 = vector.broadcast %jit3A_530 : f32 to vector<16xf32>
      %select_n3A_532 = arith.select %eq3A_529, %convert_element_type3A_474, %broadcast_in_dim3A_531 : vector<16xi1>, vector<16xf32>
      %reduce_sum3A_533 = arith.constant true
      %reduce_sum3A_534 = vector.broadcast %reduce_sum3A_533 : i1 to vector<16xi1>
      %reduce_sum3A_535 = tpu.scan <sum>, %select_n3A_532 masked %reduce_sum3A_534 : vector<16xf32>, vector<16xi1> -> vector<16xf32>
      %reduce_sum3A_536 = vector.extract %reduce_sum3A_535[15] : f32 from vector<16xf32>
      %convert_element_type3A_537 = arith.fptosi %reduce_sum3A_536 : f32 to i32
      %sub3A_538 = arith.subi %convert_element_type3A_537, %mul3A_18 : i32
      %add3A_539 = arith.constant 16 : i32
      %add3A_540 = arith.addi %add3A_539, %scan3A_518 : i32
      %scan3A_541 = arith.constant 0 : i32
      %scan3A_542 = arith.constant 64 : i32
      %scan3A_543 = arith.addi %scan3A_541, %scan3A_542 : i32
      %scan3A_544 = arith.constant 4 : i32
      scf.for %scan3A_546 = %scan3A_541 to %scan3A_543 step %scan3A_544  : i32 {
        %mul3A_547 = arith.constant 16 : i32
        %mul3A_548 = arith.muli %scan3A_546, %mul3A_547 : i32
        %get3A_549 = arith.constant 0 : i32
        %get3A_550 = arith.index_cast %get3A_549 : i32 to index
        %get3A_551 = arith.index_cast %add3A_540 : i32 to index
        %get3A_552 = arith.index_cast %mul3A_548 : i32 to index
        %get3A_553 = tpu.vector_load %arg5[%get3A_550, %get3A_551, %get3A_552] {strides = array<i32>} : memref<2x32x1024xf32, #tpu.memory_space<vmem>>, vector<16xf32>,
        %mul3A_554 = arith.constant 16 : i32
        %mul3A_555 = arith.muli %scan3A_546, %mul3A_554 : i32
        %swap3A = arith.index_cast %sub3A_527 : i32 to index
        %swap3A_556 = arith.index_cast %mul3A_555 : i32 to index
        %swap3A_557 = tpu.vector_load %arg8[%swap3A, %swap3A_556] {strides = array<i32>} : memref<16x1024xf32, #tpu.memory_space<vmem>>, vector<16xf32>,
        tpu.vector_store %arg8[%swap3A, %swap3A_556], %get3A_553 {add = true, strides = array<i32>} : memref<16x1024xf32, #tpu.memory_space<vmem>>, vector<16xf32>,
        %mul3A_558 = arith.constant 16 : i32
        %mul3A_559 = arith.muli %scan3A_546, %mul3A_558 : i32
        %swap3A_560 = arith.index_cast %sub3A_538 : i32 to index
        %swap3A_561 = arith.index_cast %mul3A_559 : i32 to index
        %swap3A_562 = tpu.vector_load %arg8[%swap3A_560, %swap3A_561] {strides = array<i32>} : memref<16x1024xf32, #tpu.memory_space<vmem>>, vector<16xf32>,
        tpu.vector_store %arg8[%swap3A_560, %swap3A_561], %get3A_553 {add = true, strides = array<i32>} : memref<16x1024xf32, #tpu.memory_space<vmem>>, vector<16xf32>,
        %scan3A_563 = arith.constant 1 : i32
        %scan3A_564 = arith.addi %scan3A_546, %scan3A_563 : i32
        %mul3A_565 = arith.constant 16 : i32
        %mul3A_566 = arith.muli %scan3A_564, %mul3A_565 : i32
        %get3A_567 = arith.constant 0 : i32
        %get3A_568 = arith.index_cast %get3A_567 : i32 to index
        %get3A_569 = arith.index_cast %add3A_540 : i32 to index
        %get3A_570 = arith.index_cast %mul3A_566 : i32 to index
        %get3A_571 = tpu.vector_load %arg5[%get3A_568, %get3A_569, %get3A_570] {strides = array<i32>} : memref<2x32x1024xf32, #tpu.memory_space<vmem>>, vector<16xf32>,
        %mul3A_572 = arith.constant 16 : i32
        %mul3A_573 = arith.muli %scan3A_564, %mul3A_572 : i32
        %swap3A_574 = arith.index_cast %sub3A_527 : i32 to index
        %swap3A_575 = arith.index_cast %mul3A_573 : i32 to index
        %swap3A_576 = tpu.vector_load %arg8[%swap3A_574, %swap3A_575] {strides = array<i32>} : memref<16x1024xf32, #tpu.memory_space<vmem>>, vector<16xf32>,
        tpu.vector_store %arg8[%swap3A_574, %swap3A_575], %get3A_571 {add = true, strides = array<i32>} : memref<16x1024xf32, #tpu.memory_space<vmem>>, vector<16xf32>,
        %mul3A_577 = arith.constant 16 : i32
        %mul3A_578 = arith.muli %scan3A_564, %mul3A_577 : i32
        %swap3A_579 = arith.index_cast %sub3A_538 : i32 to index
        %swap3A_580 = arith.index_cast %mul3A_578 : i32 to index
        %swap3A_581 = tpu.vector_load %arg8[%swap3A_579, %swap3A_580] {strides = array<i32>} : memref<16x1024xf32, #tpu.memory_space<vmem>>, vector<16xf32>,
        tpu.vector_store %arg8[%swap3A_579, %swap3A_580], %get3A_571 {add = true, strides = array<i32>} : memref<16x1024xf32, #tpu.memory_space<vmem>>, vector<16xf32>,
        %scan3A_582 = arith.constant 2 : i32
        %scan3A_583 = arith.addi %scan3A_546, %scan3A_582 : i32
        %mul3A_584 = arith.constant 16 : i32
        %mul3A_585 = arith.muli %scan3A_583, %mul3A_584 : i32
        %get3A_586 = arith.constant 0 : i32
        %get3A_587 = arith.index_cast %get3A_586 : i32 to index
        %get3A_588 = arith.index_cast %add3A_540 : i32 to index
        %get3A_589 = arith.index_cast %mul3A_585 : i32 to index
        %get3A_590 = tpu.vector_load %arg5[%get3A_587, %get3A_588, %get3A_589] {strides = array<i32>} : memref<2x32x1024xf32, #tpu.memory_space<vmem>>, vector<16xf32>,
        %mul3A_591 = arith.constant 16 : i32
        %mul3A_592 = arith.muli %scan3A_583, %mul3A_591 : i32
        %swap3A_593 = arith.index_cast %sub3A_527 : i32 to index
        %swap3A_594 = arith.index_cast %mul3A_592 : i32 to index
        %swap3A_595 = tpu.vector_load %arg8[%swap3A_593, %swap3A_594] {strides = array<i32>} : memref<16x1024xf32, #tpu.memory_space<vmem>>, vector<16xf32>,
        tpu.vector_store %arg8[%swap3A_593, %swap3A_594], %get3A_590 {add = true, strides = array<i32>} : memref<16x1024xf32, #tpu.memory_space<vmem>>, vector<16xf32>,
        %mul3A_596 = arith.constant 16 : i32
        %mul3A_597 = arith.muli %scan3A_583, %mul3A_596 : i32
        %swap3A_598 = arith.index_cast %sub3A_538 : i32 to index
        %swap3A_599 = arith.index_cast %mul3A_597 : i32 to index
        %swap3A_600 = tpu.vector_load %arg8[%swap3A_598, %swap3A_599] {strides = array<i32>} : memref<16x1024xf32, #tpu.memory_space<vmem>>, vector<16xf32>,
        tpu.vector_store %arg8[%swap3A_598, %swap3A_599], %get3A_590 {add = true, strides = array<i32>} : memref<16x1024xf32, #tpu.memory_space<vmem>>, vector<16xf32>,
        %scan3A_601 = arith.constant 3 : i32
        %scan3A_602 = arith.addi %scan3A_546, %scan3A_601 : i32
        %mul3A_603 = arith.constant 16 : i32
        %mul3A_604 = arith.muli %scan3A_602, %mul3A_603 : i32
        %get3A_605 = arith.constant 0 : i32
        %get3A_606 = arith.index_cast %get3A_605 : i32 to index
        %get3A_607 = arith.index_cast %add3A_540 : i32 to index
        %get3A_608 = arith.index_cast %mul3A_604 : i32 to index
        %get3A_609 = tpu.vector_load %arg5[%get3A_606, %get3A_607, %get3A_608] {strides = array<i32>} : memref<2x32x1024xf32, #tpu.memory_space<vmem>>, vector<16xf32>,
        %mul3A_610 = arith.constant 16 : i32
        %mul3A_611 = arith.muli %scan3A_602, %mul3A_610 : i32
        %swap3A_612 = arith.index_cast %sub3A_527 : i32 to index
        %swap3A_613 = arith.index_cast %mul3A_611 : i32 to index
        %swap3A_614 = tpu.vector_load %arg8[%swap3A_612, %swap3A_613] {strides = array<i32>} : memref<16x1024xf32, #tpu.memory_space<vmem>>, vector<16xf32>,
        tpu.vector_store %arg8[%swap3A_612, %swap3A_613], %get3A_609 {add = true, strides = array<i32>} : memref<16x1024xf32, #tpu.memory_space<vmem>>, vector<16xf32>,
        %mul3A_615 = arith.constant 16 : i32
        %mul3A_616 = arith.muli %scan3A_602, %mul3A_615 : i32
        %swap3A_617 = arith.index_cast %sub3A_538 : i32 to index
        %swap3A_618 = arith.index_cast %mul3A_616 : i32 to index
        %swap3A_619 = tpu.vector_load %arg8[%swap3A_617, %swap3A_618] {strides = array<i32>} : memref<16x1024xf32, #tpu.memory_space<vmem>>, vector<16xf32>,
        tpu.vector_store %arg8[%swap3A_617, %swap3A_618], %get3A_609 {add = true, strides = array<i32>} : memref<16x1024xf32, #tpu.memory_space<vmem>>, vector<16xf32>,
      }
      %scan3A_545 = arith.constant 64 : i32
    }
    %scan3A_479 = arith.constant 16 : i32
    %dma_wait3A_480 = arith.constant 1 : i32
    %dma_wait3A_481 = arith.constant 1 : i32
    %dma_wait3A_482 = arith.constant 0 : i32
    %dma_wait3A_483 = arith.constant 0 : i32
    %dma_wait3A_484 = tpu.memref_slice %arg5[%dma_wait3A_480, %dma_wait3A_482, %dma_wait3A_483] : memref<2x32x1024xf32, #tpu.memory_space<vmem>> -> memref<1x32x1024xf32, #tpu.memory_space<vmem>>
    %dma_wait3A_485 = tpu.memref_squeeze %dma_wait3A_484 : memref<1x32x1024xf32, #tpu.memory_space<vmem>> -> memref<32x1024xf32, #tpu.memory_space<vmem>>
    %dma_wait3A_486 = arith.constant 0 : i32
    %dma_wait3A_487 = tpu.memref_slice %arg2[%add3A_425, %dma_wait3A_486] : memref<8192x1024xf32, #tpu.memory_space<hbm>> -> memref<32x1024xf32, #tpu.memory_space<hbm>>
    %dma_wait3A_488 = tpu.memref_slice %arg9[%dma_wait3A_481] : memref<4x!tpu.dma_semaphore, #tpu.memory_space<semaphore_mem>> -> memref<1x!tpu.dma_semaphore, #tpu.memory_space<semaphore_mem>>
    %dma_wait3A_489 = tpu.memref_squeeze %dma_wait3A_488 : memref<1x!tpu.dma_semaphore, #tpu.memory_space<semaphore_mem>> -> memref<!tpu.dma_semaphore, #tpu.memory_space<semaphore_mem>>
    %dma_wait3A_490 = arith.constant 0 : i32
    %dma_wait3A_491 = arith.constant 0 : i32
    %dma_wait3A_492 = tpu.memref_slice %arg5[%dma_wait3A_480, %dma_wait3A_490, %dma_wait3A_491] : memref<2x32x1024xf32, #tpu.memory_space<vmem>> -> memref<1x32x1024xf32, #tpu.memory_space<vmem>>
    %dma_wait3A_493 = tpu.memref_squeeze %dma_wait3A_492 : memref<1x32x1024xf32, #tpu.memory_space<vmem>> -> memref<32x1024xf32, #tpu.memory_space<vmem>>
    %dma_wait3A_494 = arith.constant 0 : i32
    %dma_wait3A_495 = tpu.memref_slice %arg2[%add3A_425, %dma_wait3A_494] : memref<8192x1024xf32, #tpu.memory_space<hbm>> -> memref<32x1024xf32, #tpu.memory_space<hbm>>
    tpu.wait_dma2 semaphore(%dma_wait3A_489 : memref<!tpu.dma_semaphore, #tpu.memory_space<semaphore_mem>>) src(%dma_wait3A_495 : memref<32x1024xf32, #tpu.memory_space<hbm>>) dst(%dma_wait3A_493 : memref<32x1024xf32, #tpu.memory_space<vmem>>)
    %get3A_496 = arith.constant 224 : index
    %get3A_497 = tpu.vector_load %arg6[%get3A_496] {strides = array<i32>} : memref<256xi32, #tpu.memory_space<vmem>>, vector<16xi32>,
    %convert_element_type3A_498 = arith.sitofp %get3A_497 : vector<16xi32> to vector<16xf32>
    %get3A_499 = arith.constant 224 : index
    %get3A_500 = tpu.vector_load %arg7[%get3A_499] {strides = array<i32>} : memref<256xi32, #tpu.memory_space<vmem>>, vector<16xi32>,
    %convert_element_type3A_501 = arith.sitofp %get3A_500 : vector<16xi32> to vector<16xf32>
    %scan3A_502 = arith.constant 0 : i32
    %scan3A_503 = arith.constant 16 : i32
    %scan3A_504 = arith.addi %scan3A_502, %scan3A_503 : i32
    %scan3A_505 = arith.constant 1 : i32
    scf.for %scan3A_518 = %scan3A_502 to %scan3A_504 step %scan3A_505  : i32 {
      %eq3A = vector.broadcast %scan3A_518 : i32 to vector<16xi32>
      %eq3A_519 = arith.cmpi eq, %iota3A, %eq3A : vector<16xi32>
      %jit3A_520 = arith.constant 0.000000e+00 : f32
      %broadcast_in_dim3A_521 = vector.broadcast %jit3A_520 : f32 to vector<16xf32>
      %select_n3A_522 = arith.select %eq3A_519, %convert_element_type3A_498, %broadcast_in_dim3A_521 : vector<16xi1>, vector<16xf32>
      %reduce_sum3A = arith.constant true
      %reduce_sum3A_523 = vector.broadcast %reduce_sum3A : i1 to vector<16xi1>
      %reduce_sum3A_524 = tpu.scan <sum>, %select_n3A_522 masked %reduce_sum3A_523 : vector<16xf32>, vector<16xi1> -> vector<16xf32>
      %reduce_sum3A_525 = vector.extract %reduce_sum3A_524[15] : f32 from vector<16xf32>
      %convert_element_type3A_526 = arith.fptosi %reduce_sum3A_525 : f32 to i32
      %sub3A_527 = arith.subi %convert_element_type3A_526, %mul3A_18 : i32
      %eq3A_528 = vector.broadcast %scan3A_518 : i32 to vector<16xi32>
      %eq3A_529 = arith.cmpi eq, %iota3A, %eq3A_528 : vector<16xi32>
      %jit3A_530 = arith.constant 0.000000e+00 : f32
      %broadcast_in_dim3A_531 = vector.broadcast %jit3A_530 : f32 to vector<16xf32>
      %select_n3A_532 = arith.select %eq3A_529, %convert_element_type3A_501, %broadcast_in_dim3A_531 : vector<16xi1>, vector<16xf32>
      %reduce_sum3A_533 = arith.constant true
      %reduce_sum3A_534 = vector.broadcast %reduce_sum3A_533 : i1 to vector<16xi1>
      %reduce_sum3A_535 = tpu.scan <sum>, %select_n3A_532 masked %reduce_sum3A_534 : vector<16xf32>, vector<16xi1> -> vector<16xf32>
      %reduce_sum3A_536 = vector.extract %reduce_sum3A_535[15] : f32 from vector<16xf32>
      %convert_element_type3A_537 = arith.fptosi %reduce_sum3A_536 : f32 to i32
      %sub3A_538 = arith.subi %convert_element_type3A_537, %mul3A_18 : i32
      %add3A_539 = arith.constant 0 : i32
      %add3A_540 = arith.addi %add3A_539, %scan3A_518 : i32
      %scan3A_541 = arith.constant 0 : i32
      %scan3A_542 = arith.constant 64 : i32
      %scan3A_543 = arith.addi %scan3A_541, %scan3A_542 : i32
      %scan3A_544 = arith.constant 4 : i32
      scf.for %scan3A_546 = %scan3A_541 to %scan3A_543 step %scan3A_544  : i32 {
        %mul3A_547 = arith.constant 16 : i32
        %mul3A_548 = arith.muli %scan3A_546, %mul3A_547 : i32
        %get3A_549 = arith.constant 1 : i32
        %get3A_550 = arith.index_cast %get3A_549 : i32 to index
        %get3A_551 = arith.index_cast %add3A_540 : i32 to index
        %get3A_552 = arith.index_cast %mul3A_548 : i32 to index
        %get3A_553 = tpu.vector_load %arg5[%get3A_550, %get3A_551, %get3A_552] {strides = array<i32>} : memref<2x32x1024xf32, #tpu.memory_space<vmem>>, vector<16xf32>,
        %mul3A_554 = arith.constant 16 : i32
        %mul3A_555 = arith.muli %scan3A_546, %mul3A_554 : i32
        %swap3A = arith.index_cast %sub3A_527 : i32 to index
        %swap3A_556 = arith.index_cast %mul3A_555 : i32 to index
        %swap3A_557 = tpu.vector_load %arg8[%swap3A, %swap3A_556] {strides = array<i32>} : memref<16x1024xf32, #tpu.memory_space<vmem>>, vector<16xf32>,
        tpu.vector_store %arg8[%swap3A, %swap3A_556], %get3A_553 {add = true, strides = array<i32>} : memref<16x1024xf32, #tpu.memory_space<vmem>>, vector<16xf32>,
        %mul3A_558 = arith.constant 16 : i32
        %mul3A_559 = arith.muli %scan3A_546, %mul3A_558 : i32
        %swap3A_560 = arith.index_cast %sub3A_538 : i32 to index
        %swap3A_561 = arith.index_cast %mul3A_559 : i32 to index
        %swap3A_562 = tpu.vector_load %arg8[%swap3A_560, %swap3A_561] {strides = array<i32>} : memref<16x1024xf32, #tpu.memory_space<vmem>>, vector<16xf32>,
        tpu.vector_store %arg8[%swap3A_560, %swap3A_561], %get3A_553 {add = true, strides = array<i32>} : memref<16x1024xf32, #tpu.memory_space<vmem>>, vector<16xf32>,
        %scan3A_563 = arith.constant 1 : i32
        %scan3A_564 = arith.addi %scan3A_546, %scan3A_563 : i32
        %mul3A_565 = arith.constant 16 : i32
        %mul3A_566 = arith.muli %scan3A_564, %mul3A_565 : i32
        %get3A_567 = arith.constant 1 : i32
        %get3A_568 = arith.index_cast %get3A_567 : i32 to index
        %get3A_569 = arith.index_cast %add3A_540 : i32 to index
        %get3A_570 = arith.index_cast %mul3A_566 : i32 to index
        %get3A_571 = tpu.vector_load %arg5[%get3A_568, %get3A_569, %get3A_570] {strides = array<i32>} : memref<2x32x1024xf32, #tpu.memory_space<vmem>>, vector<16xf32>,
        %mul3A_572 = arith.constant 16 : i32
        %mul3A_573 = arith.muli %scan3A_564, %mul3A_572 : i32
        %swap3A_574 = arith.index_cast %sub3A_527 : i32 to index
        %swap3A_575 = arith.index_cast %mul3A_573 : i32 to index
        %swap3A_576 = tpu.vector_load %arg8[%swap3A_574, %swap3A_575] {strides = array<i32>} : memref<16x1024xf32, #tpu.memory_space<vmem>>, vector<16xf32>,
        tpu.vector_store %arg8[%swap3A_574, %swap3A_575], %get3A_571 {add = true, strides = array<i32>} : memref<16x1024xf32, #tpu.memory_space<vmem>>, vector<16xf32>,
        %mul3A_577 = arith.constant 16 : i32
        %mul3A_578 = arith.muli %scan3A_564, %mul3A_577 : i32
        %swap3A_579 = arith.index_cast %sub3A_538 : i32 to index
        %swap3A_580 = arith.index_cast %mul3A_578 : i32 to index
        %swap3A_581 = tpu.vector_load %arg8[%swap3A_579, %swap3A_580] {strides = array<i32>} : memref<16x1024xf32, #tpu.memory_space<vmem>>, vector<16xf32>,
        tpu.vector_store %arg8[%swap3A_579, %swap3A_580], %get3A_571 {add = true, strides = array<i32>} : memref<16x1024xf32, #tpu.memory_space<vmem>>, vector<16xf32>,
        %scan3A_582 = arith.constant 2 : i32
        %scan3A_583 = arith.addi %scan3A_546, %scan3A_582 : i32
        %mul3A_584 = arith.constant 16 : i32
        %mul3A_585 = arith.muli %scan3A_583, %mul3A_584 : i32
        %get3A_586 = arith.constant 1 : i32
        %get3A_587 = arith.index_cast %get3A_586 : i32 to index
        %get3A_588 = arith.index_cast %add3A_540 : i32 to index
        %get3A_589 = arith.index_cast %mul3A_585 : i32 to index
        %get3A_590 = tpu.vector_load %arg5[%get3A_587, %get3A_588, %get3A_589] {strides = array<i32>} : memref<2x32x1024xf32, #tpu.memory_space<vmem>>, vector<16xf32>,
        %mul3A_591 = arith.constant 16 : i32
        %mul3A_592 = arith.muli %scan3A_583, %mul3A_591 : i32
        %swap3A_593 = arith.index_cast %sub3A_527 : i32 to index
        %swap3A_594 = arith.index_cast %mul3A_592 : i32 to index
        %swap3A_595 = tpu.vector_load %arg8[%swap3A_593, %swap3A_594] {strides = array<i32>} : memref<16x1024xf32, #tpu.memory_space<vmem>>, vector<16xf32>,
        tpu.vector_store %arg8[%swap3A_593, %swap3A_594], %get3A_590 {add = true, strides = array<i32>} : memref<16x1024xf32, #tpu.memory_space<vmem>>, vector<16xf32>,
        %mul3A_596 = arith.constant 16 : i32
        %mul3A_597 = arith.muli %scan3A_583, %mul3A_596 : i32
        %swap3A_598 = arith.index_cast %sub3A_538 : i32 to index
        %swap3A_599 = arith.index_cast %mul3A_597 : i32 to index
        %swap3A_600 = tpu.vector_load %arg8[%swap3A_598, %swap3A_599] {strides = array<i32>} : memref<16x1024xf32, #tpu.memory_space<vmem>>, vector<16xf32>,
        tpu.vector_store %arg8[%swap3A_598, %swap3A_599], %get3A_590 {add = true, strides = array<i32>} : memref<16x1024xf32, #tpu.memory_space<vmem>>, vector<16xf32>,
        %scan3A_601 = arith.constant 3 : i32
        %scan3A_602 = arith.addi %scan3A_546, %scan3A_601 : i32
        %mul3A_603 = arith.constant 16 : i32
        %mul3A_604 = arith.muli %scan3A_602, %mul3A_603 : i32
        %get3A_605 = arith.constant 1 : i32
        %get3A_606 = arith.index_cast %get3A_605 : i32 to index
        %get3A_607 = arith.index_cast %add3A_540 : i32 to index
        %get3A_608 = arith.index_cast %mul3A_604 : i32 to index
        %get3A_609 = tpu.vector_load %arg5[%get3A_606, %get3A_607, %get3A_608] {strides = array<i32>} : memref<2x32x1024xf32, #tpu.memory_space<vmem>>, vector<16xf32>,
        %mul3A_610 = arith.constant 16 : i32
        %mul3A_611 = arith.muli %scan3A_602, %mul3A_610 : i32
        %swap3A_612 = arith.index_cast %sub3A_527 : i32 to index
        %swap3A_613 = arith.index_cast %mul3A_611 : i32 to index
        %swap3A_614 = tpu.vector_load %arg8[%swap3A_612, %swap3A_613] {strides = array<i32>} : memref<16x1024xf32, #tpu.memory_space<vmem>>, vector<16xf32>,
        tpu.vector_store %arg8[%swap3A_612, %swap3A_613], %get3A_609 {add = true, strides = array<i32>} : memref<16x1024xf32, #tpu.memory_space<vmem>>, vector<16xf32>,
        %mul3A_615 = arith.constant 16 : i32
        %mul3A_616 = arith.muli %scan3A_602, %mul3A_615 : i32
        %swap3A_617 = arith.index_cast %sub3A_538 : i32 to index
        %swap3A_618 = arith.index_cast %mul3A_616 : i32 to index
        %swap3A_619 = tpu.vector_load %arg8[%swap3A_617, %swap3A_618] {strides = array<i32>} : memref<16x1024xf32, #tpu.memory_space<vmem>>, vector<16xf32>,
        tpu.vector_store %arg8[%swap3A_617, %swap3A_618], %get3A_609 {add = true, strides = array<i32>} : memref<16x1024xf32, #tpu.memory_space<vmem>>, vector<16xf32>,
      }
      %scan3A_545 = arith.constant 64 : i32
    }
    %scan3A_506 = arith.constant 16 : i32
    %get3A_507 = arith.constant 240 : index
    %get3A_508 = tpu.vector_load %arg6[%get3A_507] {strides = array<i32>} : memref<256xi32, #tpu.memory_space<vmem>>, vector<16xi32>,
    %convert_element_type3A_509 = arith.sitofp %get3A_508 : vector<16xi32> to vector<16xf32>
    %get3A_510 = arith.constant 240 : index
    %get3A_511 = tpu.vector_load %arg7[%get3A_510] {strides = array<i32>} : memref<256xi32, #tpu.memory_space<vmem>>, vector<16xi32>,
    %convert_element_type3A_512 = arith.sitofp %get3A_511 : vector<16xi32> to vector<16xf32>
    %scan3A_513 = arith.constant 0 : i32
    %scan3A_514 = arith.constant 16 : i32
    %scan3A_515 = arith.addi %scan3A_513, %scan3A_514 : i32
    %scan3A_516 = arith.constant 1 : i32
    scf.for %scan3A_518 = %scan3A_513 to %scan3A_515 step %scan3A_516  : i32 {
      %eq3A = vector.broadcast %scan3A_518 : i32 to vector<16xi32>
      %eq3A_519 = arith.cmpi eq, %iota3A, %eq3A : vector<16xi32>
      %jit3A_520 = arith.constant 0.000000e+00 : f32
      %broadcast_in_dim3A_521 = vector.broadcast %jit3A_520 : f32 to vector<16xf32>
      %select_n3A_522 = arith.select %eq3A_519, %convert_element_type3A_509, %broadcast_in_dim3A_521 : vector<16xi1>, vector<16xf32>
      %reduce_sum3A = arith.constant true
      %reduce_sum3A_523 = vector.broadcast %reduce_sum3A : i1 to vector<16xi1>
      %reduce_sum3A_524 = tpu.scan <sum>, %select_n3A_522 masked %reduce_sum3A_523 : vector<16xf32>, vector<16xi1> -> vector<16xf32>
      %reduce_sum3A_525 = vector.extract %reduce_sum3A_524[15] : f32 from vector<16xf32>
      %convert_element_type3A_526 = arith.fptosi %reduce_sum3A_525 : f32 to i32
      %sub3A_527 = arith.subi %convert_element_type3A_526, %mul3A_18 : i32
      %eq3A_528 = vector.broadcast %scan3A_518 : i32 to vector<16xi32>
      %eq3A_529 = arith.cmpi eq, %iota3A, %eq3A_528 : vector<16xi32>
      %jit3A_530 = arith.constant 0.000000e+00 : f32
      %broadcast_in_dim3A_531 = vector.broadcast %jit3A_530 : f32 to vector<16xf32>
      %select_n3A_532 = arith.select %eq3A_529, %convert_element_type3A_512, %broadcast_in_dim3A_531 : vector<16xi1>, vector<16xf32>
      %reduce_sum3A_533 = arith.constant true
      %reduce_sum3A_534 = vector.broadcast %reduce_sum3A_533 : i1 to vector<16xi1>
      %reduce_sum3A_535 = tpu.scan <sum>, %select_n3A_532 masked %reduce_sum3A_534 : vector<16xf32>, vector<16xi1> -> vector<16xf32>
      %reduce_sum3A_536 = vector.extract %reduce_sum3A_535[15] : f32 from vector<16xf32>
      %convert_element_type3A_537 = arith.fptosi %reduce_sum3A_536 : f32 to i32
      %sub3A_538 = arith.subi %convert_element_type3A_537, %mul3A_18 : i32
      %add3A_539 = arith.constant 16 : i32
      %add3A_540 = arith.addi %add3A_539, %scan3A_518 : i32
      %scan3A_541 = arith.constant 0 : i32
      %scan3A_542 = arith.constant 64 : i32
      %scan3A_543 = arith.addi %scan3A_541, %scan3A_542 : i32
      %scan3A_544 = arith.constant 4 : i32
      scf.for %scan3A_546 = %scan3A_541 to %scan3A_543 step %scan3A_544  : i32 {
        %mul3A_547 = arith.constant 16 : i32
        %mul3A_548 = arith.muli %scan3A_546, %mul3A_547 : i32
        %get3A_549 = arith.constant 1 : i32
        %get3A_550 = arith.index_cast %get3A_549 : i32 to index
        %get3A_551 = arith.index_cast %add3A_540 : i32 to index
        %get3A_552 = arith.index_cast %mul3A_548 : i32 to index
        %get3A_553 = tpu.vector_load %arg5[%get3A_550, %get3A_551, %get3A_552] {strides = array<i32>} : memref<2x32x1024xf32, #tpu.memory_space<vmem>>, vector<16xf32>,
        %mul3A_554 = arith.constant 16 : i32
        %mul3A_555 = arith.muli %scan3A_546, %mul3A_554 : i32
        %swap3A = arith.index_cast %sub3A_527 : i32 to index
        %swap3A_556 = arith.index_cast %mul3A_555 : i32 to index
        %swap3A_557 = tpu.vector_load %arg8[%swap3A, %swap3A_556] {strides = array<i32>} : memref<16x1024xf32, #tpu.memory_space<vmem>>, vector<16xf32>,
        tpu.vector_store %arg8[%swap3A, %swap3A_556], %get3A_553 {add = true, strides = array<i32>} : memref<16x1024xf32, #tpu.memory_space<vmem>>, vector<16xf32>,
        %mul3A_558 = arith.constant 16 : i32
        %mul3A_559 = arith.muli %scan3A_546, %mul3A_558 : i32
        %swap3A_560 = arith.index_cast %sub3A_538 : i32 to index
        %swap3A_561 = arith.index_cast %mul3A_559 : i32 to index
        %swap3A_562 = tpu.vector_load %arg8[%swap3A_560, %swap3A_561] {strides = array<i32>} : memref<16x1024xf32, #tpu.memory_space<vmem>>, vector<16xf32>,
        tpu.vector_store %arg8[%swap3A_560, %swap3A_561], %get3A_553 {add = true, strides = array<i32>} : memref<16x1024xf32, #tpu.memory_space<vmem>>, vector<16xf32>,
        %scan3A_563 = arith.constant 1 : i32
        %scan3A_564 = arith.addi %scan3A_546, %scan3A_563 : i32
        %mul3A_565 = arith.constant 16 : i32
        %mul3A_566 = arith.muli %scan3A_564, %mul3A_565 : i32
        %get3A_567 = arith.constant 1 : i32
        %get3A_568 = arith.index_cast %get3A_567 : i32 to index
        %get3A_569 = arith.index_cast %add3A_540 : i32 to index
        %get3A_570 = arith.index_cast %mul3A_566 : i32 to index
        %get3A_571 = tpu.vector_load %arg5[%get3A_568, %get3A_569, %get3A_570] {strides = array<i32>} : memref<2x32x1024xf32, #tpu.memory_space<vmem>>, vector<16xf32>,
        %mul3A_572 = arith.constant 16 : i32
        %mul3A_573 = arith.muli %scan3A_564, %mul3A_572 : i32
        %swap3A_574 = arith.index_cast %sub3A_527 : i32 to index
        %swap3A_575 = arith.index_cast %mul3A_573 : i32 to index
        %swap3A_576 = tpu.vector_load %arg8[%swap3A_574, %swap3A_575] {strides = array<i32>} : memref<16x1024xf32, #tpu.memory_space<vmem>>, vector<16xf32>,
        tpu.vector_store %arg8[%swap3A_574, %swap3A_575], %get3A_571 {add = true, strides = array<i32>} : memref<16x1024xf32, #tpu.memory_space<vmem>>, vector<16xf32>,
        %mul3A_577 = arith.constant 16 : i32
        %mul3A_578 = arith.muli %scan3A_564, %mul3A_577 : i32
        %swap3A_579 = arith.index_cast %sub3A_538 : i32 to index
        %swap3A_580 = arith.index_cast %mul3A_578 : i32 to index
        %swap3A_581 = tpu.vector_load %arg8[%swap3A_579, %swap3A_580] {strides = array<i32>} : memref<16x1024xf32, #tpu.memory_space<vmem>>, vector<16xf32>,
        tpu.vector_store %arg8[%swap3A_579, %swap3A_580], %get3A_571 {add = true, strides = array<i32>} : memref<16x1024xf32, #tpu.memory_space<vmem>>, vector<16xf32>,
        %scan3A_582 = arith.constant 2 : i32
        %scan3A_583 = arith.addi %scan3A_546, %scan3A_582 : i32
        %mul3A_584 = arith.constant 16 : i32
        %mul3A_585 = arith.muli %scan3A_583, %mul3A_584 : i32
        %get3A_586 = arith.constant 1 : i32
        %get3A_587 = arith.index_cast %get3A_586 : i32 to index
        %get3A_588 = arith.index_cast %add3A_540 : i32 to index
        %get3A_589 = arith.index_cast %mul3A_585 : i32 to index
        %get3A_590 = tpu.vector_load %arg5[%get3A_587, %get3A_588, %get3A_589] {strides = array<i32>} : memref<2x32x1024xf32, #tpu.memory_space<vmem>>, vector<16xf32>,
        %mul3A_591 = arith.constant 16 : i32
        %mul3A_592 = arith.muli %scan3A_583, %mul3A_591 : i32
        %swap3A_593 = arith.index_cast %sub3A_527 : i32 to index
        %swap3A_594 = arith.index_cast %mul3A_592 : i32 to index
        %swap3A_595 = tpu.vector_load %arg8[%swap3A_593, %swap3A_594] {strides = array<i32>} : memref<16x1024xf32, #tpu.memory_space<vmem>>, vector<16xf32>,
        tpu.vector_store %arg8[%swap3A_593, %swap3A_594], %get3A_590 {add = true, strides = array<i32>} : memref<16x1024xf32, #tpu.memory_space<vmem>>, vector<16xf32>,
        %mul3A_596 = arith.constant 16 : i32
        %mul3A_597 = arith.muli %scan3A_583, %mul3A_596 : i32
        %swap3A_598 = arith.index_cast %sub3A_538 : i32 to index
        %swap3A_599 = arith.index_cast %mul3A_597 : i32 to index
        %swap3A_600 = tpu.vector_load %arg8[%swap3A_598, %swap3A_599] {strides = array<i32>} : memref<16x1024xf32, #tpu.memory_space<vmem>>, vector<16xf32>,
        tpu.vector_store %arg8[%swap3A_598, %swap3A_599], %get3A_590 {add = true, strides = array<i32>} : memref<16x1024xf32, #tpu.memory_space<vmem>>, vector<16xf32>,
        %scan3A_601 = arith.constant 3 : i32
        %scan3A_602 = arith.addi %scan3A_546, %scan3A_601 : i32
        %mul3A_603 = arith.constant 16 : i32
        %mul3A_604 = arith.muli %scan3A_602, %mul3A_603 : i32
        %get3A_605 = arith.constant 1 : i32
        %get3A_606 = arith.index_cast %get3A_605 : i32 to index
        %get3A_607 = arith.index_cast %add3A_540 : i32 to index
        %get3A_608 = arith.index_cast %mul3A_604 : i32 to index
        %get3A_609 = tpu.vector_load %arg5[%get3A_606, %get3A_607, %get3A_608] {strides = array<i32>} : memref<2x32x1024xf32, #tpu.memory_space<vmem>>, vector<16xf32>,
        %mul3A_610 = arith.constant 16 : i32
        %mul3A_611 = arith.muli %scan3A_602, %mul3A_610 : i32
        %swap3A_612 = arith.index_cast %sub3A_527 : i32 to index
        %swap3A_613 = arith.index_cast %mul3A_611 : i32 to index
        %swap3A_614 = tpu.vector_load %arg8[%swap3A_612, %swap3A_613] {strides = array<i32>} : memref<16x1024xf32, #tpu.memory_space<vmem>>, vector<16xf32>,
        tpu.vector_store %arg8[%swap3A_612, %swap3A_613], %get3A_609 {add = true, strides = array<i32>} : memref<16x1024xf32, #tpu.memory_space<vmem>>, vector<16xf32>,
        %mul3A_615 = arith.constant 16 : i32
        %mul3A_616 = arith.muli %scan3A_602, %mul3A_615 : i32
        %swap3A_617 = arith.index_cast %sub3A_538 : i32 to index
        %swap3A_618 = arith.index_cast %mul3A_616 : i32 to index
        %swap3A_619 = tpu.vector_load %arg8[%swap3A_617, %swap3A_618] {strides = array<i32>} : memref<16x1024xf32, #tpu.memory_space<vmem>>, vector<16xf32>,
        tpu.vector_store %arg8[%swap3A_617, %swap3A_618], %get3A_609 {add = true, strides = array<i32>} : memref<16x1024xf32, #tpu.memory_space<vmem>>, vector<16xf32>,
      }
      %scan3A_545 = arith.constant 64 : i32
    }
    %scan3A_517 = arith.constant 16 : i32
    "tpu.region"() ({
      %run_scoped3A = tpu.sem_alloc : memref<!tpu.dma_semaphore, #tpu.memory_space<semaphore_mem>>
      %dma_start3A_518 = arith.constant 0 : i32
      %dma_start3A_519 = arith.constant 0 : i32
      %dma_start3A_520 = tpu.memref_slice %arg4[%add3A, %dma_start3A_518, %dma_start3A_519] : memref<32x16x1024xf32, #tpu.memory_space<hbm>> -> memref<1x16x1024xf32, #tpu.memory_space<hbm>>
      %dma_start3A_521 = tpu.memref_squeeze %dma_start3A_520 : memref<1x16x1024xf32, #tpu.memory_space<hbm>> -> memref<16x1024xf32, #tpu.memory_space<hbm>>
      %dma_start3A_522 = arith.constant 0 : i32
      %dma_start3A_523 = arith.constant 0 : i32
      %dma_start3A_524 = tpu.memref_slice %arg4[%add3A, %dma_start3A_522, %dma_start3A_523] : memref<32x16x1024xf32, #tpu.memory_space<hbm>> -> memref<1x16x1024xf32, #tpu.memory_space<hbm>>
      %dma_start3A_525 = tpu.memref_squeeze %dma_start3A_524 : memref<1x16x1024xf32, #tpu.memory_space<hbm>> -> memref<16x1024xf32, #tpu.memory_space<hbm>>
      tpu.enqueue_dma source(%arg8 : memref<16x1024xf32, #tpu.memory_space<vmem>>) target(%dma_start3A_525 : memref<16x1024xf32, #tpu.memory_space<hbm>>) target_semaphore(%run_scoped3A : memref<!tpu.dma_semaphore, #tpu.memory_space<semaphore_mem>>)
      %dma_wait3A_526 = arith.constant 0 : i32
      %dma_wait3A_527 = arith.constant 0 : i32
      %dma_wait3A_528 = tpu.memref_slice %arg4[%add3A, %dma_wait3A_526, %dma_wait3A_527] : memref<32x16x1024xf32, #tpu.memory_space<hbm>> -> memref<1x16x1024xf32, #tpu.memory_space<hbm>>
      %dma_wait3A_529 = tpu.memref_squeeze %dma_wait3A_528 : memref<1x16x1024xf32, #tpu.memory_space<hbm>> -> memref<16x1024xf32, #tpu.memory_space<hbm>>
      %dma_wait3A_530 = arith.constant 0 : i32
      %dma_wait3A_531 = arith.constant 0 : i32
      %dma_wait3A_532 = tpu.memref_slice %arg4[%add3A, %dma_wait3A_530, %dma_wait3A_531] : memref<32x16x1024xf32, #tpu.memory_space<hbm>> -> memref<1x16x1024xf32, #tpu.memory_space<hbm>>
      %dma_wait3A_533 = tpu.memref_squeeze %dma_wait3A_532 : memref<1x16x1024xf32, #tpu.memory_space<hbm>> -> memref<16x1024xf32, #tpu.memory_space<hbm>>
      tpu.wait_dma2 semaphore(%run_scoped3A : memref<!tpu.dma_semaphore, #tpu.memory_space<semaphore_mem>>) src(%arg8 : memref<16x1024xf32, #tpu.memory_space<vmem>>) dst(%dma_wait3A_533 : memref<16x1024xf32, #tpu.memory_space<hbm>>)
      tpu.yield
    }) : () -> ()
    return
  }
}

module attributes {stable_mosaic.version = 14 : i64} {
  func.func @_p1a_body(%arg0: i32, %arg1: memref<512x1024xf32, #tpu.memory_space<vmem>>, %arg2: memref<1x1024xf32, #tpu.memory_space<vmem>>, %arg3: memref<1x1024xf32, #tpu.memory_space<vmem>>, %arg4: memref<1024x16xf32, #tpu.memory_space<vmem>>, %arg5: memref<512x1024xf32, #tpu.memory_space<vmem>>, %arg6: memref<8x512xi32, #tpu.memory_space<vmem>>, %arg7: memref<1x16x1024xf32, #tpu.memory_space<vmem>>, %arg8: memref<1x32x128xf32, #tpu.memory_space<vmem>>) attributes {dimension_semantics = [#tpu.dimension_semantics<arbitrary>], iteration_bounds = array<i64: 16>, scalar_prefetch = 0 : i64, scratch_operands = 0 : i64, tpu.core_type = #tpu.core_type<tc>, window_params = [{transform_indices = @transform_0, window_bounds = array<i64: 512, 1024>}, {pipeline_mode = #tpu.pipeline_mode<synchronous>, transform_indices = @transform_1, window_bounds = array<i64: 1, 1024>}, {pipeline_mode = #tpu.pipeline_mode<synchronous>, transform_indices = @transform_2, window_bounds = array<i64: 1, 1024>}, {pipeline_mode = #tpu.pipeline_mode<synchronous>, transform_indices = @transform_3, window_bounds = array<i64: 1024, 16>}, {transform_indices = @transform_4, window_bounds = array<i64: 512, 1024>}, {transform_indices = @transform_5, window_bounds = array<i64: 8, 512>}, {transform_indices = @transform_6, window_bounds = array<i64: 1, 16, 1024>}, {transform_indices = @transform_7, window_bounds = array<i64: 1, 32, 128>}]} {
    %jit3A = arith.constant 8 : i32
    %div3A = arith.divsi %arg0, %jit3A : i32
    %sign3A = arith.constant 0 : i32
    %sign3A_0 = arith.cmpi sgt, %arg0, %sign3A : i32
    %sign3A_1 = arith.extui %sign3A_0 : i1 to i32
    %sign3A_2 = arith.constant 0 : i32
    %sign3A_3 = arith.cmpi slt, %arg0, %sign3A_2 : i32
    %sign3A_4 = arith.extui %sign3A_3 : i1 to i32
    %sign3A_5 = arith.subi %sign3A_1, %sign3A_4 : i32
    %sign3A_6 = arith.constant 0 : i32
    %sign3A_7 = arith.cmpi sgt, %jit3A, %sign3A_6 : i32
    %sign3A_8 = arith.extui %sign3A_7 : i1 to i32
    %sign3A_9 = arith.constant 0 : i32
    %sign3A_10 = arith.cmpi slt, %jit3A, %sign3A_9 : i32
    %sign3A_11 = arith.extui %sign3A_10 : i1 to i32
    %sign3A_12 = arith.subi %sign3A_8, %sign3A_11 : i32
    %ne3A = arith.cmpi ne, %sign3A_5, %sign3A_12 : i32
    %rem3A = arith.remsi %arg0, %jit3A : i32
    %ne3A_13 = arith.constant 0 : i32
    %ne3A_14 = arith.cmpi ne, %rem3A, %ne3A_13 : i32
    %and3A = arith.andi %ne3A, %ne3A_14 : i1
    %sub3A = arith.constant 1 : i32
    %sub3A_15 = arith.subi %div3A, %sub3A : i32
    %select_n3A = arith.select %and3A, %sub3A_15, %div3A : i32
    %get3A = arith.constant 0 : index
    %get3A_16 = arith.constant 0 : index
    %get3A_17 = vector.load %arg1[%get3A, %get3A_16] : memref<512x1024xf32, #tpu.memory_space<vmem>>, vector<512x1024xf32>
    %get3A_18 = arith.constant 0 : index
    %get3A_19 = arith.constant 0 : index
    %get3A_20 = vector.load %arg2[%get3A_18, %get3A_19] : memref<1x1024xf32, #tpu.memory_space<vmem>>, vector<1x1024xf32>
    %get3A_21 = arith.constant 0 : index
    %get3A_22 = arith.constant 0 : index
    %get3A_23 = vector.load %arg3[%get3A_21, %get3A_22] : memref<1x1024xf32, #tpu.memory_space<vmem>>, vector<1x1024xf32>
    %reduce_sum3A = arith.constant dense<0.000000e+00> : vector<512xf32>
    %reduce_sum3A_24 = vector.multi_reduction <add>, %get3A_17, %reduce_sum3A [1] : vector<512x1024xf32> to vector<512xf32>
    %broadcast_in_dim3A = vector.shape_cast %reduce_sum3A_24 : vector<512xf32> to vector<512x1xf32>
    %div3A_25 = arith.constant 1.024000e+03 : f32
    %div3A_26 = vector.broadcast %div3A_25 : f32 to vector<512x1xf32>
    %div3A_27 = arith.divf %broadcast_in_dim3A, %div3A_26 : vector<512x1xf32>
    %sub3A_28 = vector.broadcast %div3A_27 : vector<512x1xf32> to vector<512x1024xf32>
    %sub3A_29 = arith.subf %get3A_17, %sub3A_28 : vector<512x1024xf32>
    %integer_pow3A = arith.mulf %sub3A_29, %sub3A_29 : vector<512x1024xf32>
    %reduce_sum3A_30 = arith.constant dense<0.000000e+00> : vector<512xf32>
    %reduce_sum3A_31 = vector.multi_reduction <add>, %integer_pow3A, %reduce_sum3A_30 [1] : vector<512x1024xf32> to vector<512xf32>
    %broadcast_in_dim3A_32 = vector.shape_cast %reduce_sum3A_31 : vector<512xf32> to vector<512x1xf32>
    %div3A_33 = arith.constant 1.024000e+03 : f32
    %div3A_34 = vector.broadcast %div3A_33 : f32 to vector<512x1xf32>
    %div3A_35 = arith.divf %broadcast_in_dim3A_32, %div3A_34 : vector<512x1xf32>
    %sub3A_36 = vector.broadcast %div3A_27 : vector<512x1xf32> to vector<512x1024xf32>
    %sub3A_37 = arith.subf %get3A_17, %sub3A_36 : vector<512x1024xf32>
    %add3A = arith.constant 9.99999974E-6 : f32
    %add3A_38 = vector.broadcast %add3A : f32 to vector<512x1xf32>
    %add3A_39 = arith.addf %div3A_35, %add3A_38 : vector<512x1xf32>
    %sqrt3A = math.sqrt %add3A_39 : vector<512x1xf32>
    %div3A_40 = vector.broadcast %sqrt3A : vector<512x1xf32> to vector<512x1024xf32>
    %div3A_41 = arith.divf %sub3A_37, %div3A_40 : vector<512x1024xf32>
    %mul3A = vector.broadcast %get3A_20 : vector<1x1024xf32> to vector<512x1024xf32>
    %mul3A_42 = arith.mulf %div3A_41, %mul3A : vector<512x1024xf32>
    %add3A_43 = vector.broadcast %get3A_23 : vector<1x1024xf32> to vector<512x1024xf32>
    %add3A_44 = arith.addf %mul3A_42, %add3A_43 : vector<512x1024xf32>
    %swap3A = arith.constant 0 : index
    %swap3A_45 = arith.constant 0 : index
    %swap3A_46 = vector.load %arg5[%swap3A, %swap3A_45] : memref<512x1024xf32, #tpu.memory_space<vmem>>, vector<512x1024xf32>
    tpu.vector_store %arg5[%swap3A, %swap3A_45], %add3A_44 {strides = array<i32>} : memref<512x1024xf32, #tpu.memory_space<vmem>>, vector<512x1024xf32>,
    %get3A_47 = arith.constant 0 : index
    %get3A_48 = arith.constant 0 : index
    %get3A_49 = vector.load %arg4[%get3A_47, %get3A_48] : memref<1024x16xf32, #tpu.memory_space<vmem>>, vector<1024x16xf32>
    %dot_general3A = arith.constant dense<0.000000e+00> : vector<16x512xf32>
    %dot_general3A_50 = tpu.matmul %get3A_49, %add3A_44, %dot_general3A {dimension_numbers = #tpu.dot_dimension_numbers<[0], [1], [1], [0], [0, 1, 1, 0], [], []>, transpose_lhs_hint = false} : vector<1024x16xf32>, vector<512x1024xf32>, vector<16x512xf32> -> vector<16x512xf32>
    %iota3A = tpu.iota {dimensions = array<i32: 0>} : vector<8x512xi32>
    %slice3A = vector.extract_strided_slice %dot_general3A_50 {offsets = [0, 0], sizes = [4, 512], strides = [1, 1]} : vector<16x512xf32> to vector<4x512xf32>
    %neg3A = arith.constant 0.000000e+00 : f32
    %neg3A_51 = vector.broadcast %neg3A : f32 to vector<4x512xf32>
    %neg3A_52 = arith.subf %neg3A_51, %slice3A : vector<4x512xf32>
    %concatenate3A = tpu.concatenate %slice3A, %neg3A_52 in 0 : vector<4x512xf32>, vector<4x512xf32> -> vector<8x512xf32>
    %reduce_max3A = arith.constant dense<0xFF800000> : vector<512xf32>
    %reduce_max3A_53 = vector.multi_reduction <maximumf>, %concatenate3A, %reduce_max3A [0] : vector<8x512xf32> to vector<512xf32>
    %broadcast_in_dim3A_54 = vector.shape_cast %reduce_max3A_53 : vector<512xf32> to vector<1x512xf32>
    %ge3A = vector.broadcast %broadcast_in_dim3A_54 : vector<1x512xf32> to vector<8x512xf32>
    %ge3A_55 = arith.cmpf oge, %concatenate3A, %ge3A : vector<8x512xf32>
    %jit3A_56 = arith.constant 8 : i32
    %broadcast_in_dim3A_57 = vector.broadcast %jit3A_56 : i32 to vector<8x512xi32>
    %select_n3A_58 = arith.select %ge3A_55, %iota3A, %broadcast_in_dim3A_57 : vector<8x512xi1>, vector<8x512xi32>
    %reduce_min3A = arith.constant dense<2147483647> : vector<512xi32>
    %reduce_min3A_59 = vector.multi_reduction <minsi>, %select_n3A_58, %reduce_min3A [0] : vector<8x512xi32> to vector<512xi32>
    %mul3A_60 = arith.constant 32 : i32
    %mul3A_61 = arith.muli %select_n3A, %mul3A_60 : i32
    %add3A_62 = arith.constant 0 : i32
    %add3A_63 = arith.addi %mul3A_61, %add3A_62 : i32
    %add3A_64 = vector.broadcast %add3A_63 : i32 to vector<512xi32>
    %add3A_65 = arith.addi %add3A_64, %reduce_min3A_59 : vector<512xi32>
    %swap3A_66 = arith.constant 0 : index
    %swap3A_67 = arith.constant 0 : index
    %swap3A_68 = vector.load %arg6[%swap3A_66, %swap3A_67] : memref<8x512xi32, #tpu.memory_space<vmem>>, vector<1x512xi32>
    %swap3A_69 = vector.shape_cast %swap3A_68 : vector<1x512xi32> to vector<512xi32>
    %swap3A_70 = vector.shape_cast %add3A_65 : vector<512xi32> to vector<1x512xi32>
    tpu.vector_store %arg6[%swap3A_66, %swap3A_67], %swap3A_70 {strides = array<i32>} : memref<8x512xi32, #tpu.memory_space<vmem>>, vector<1x512xi32>,
    %broadcast_in_dim3A_71 = vector.shape_cast %reduce_min3A_59 : vector<512xi32> to vector<1x512xi32>
    %eq3A = vector.broadcast %broadcast_in_dim3A_71 : vector<1x512xi32> to vector<8x512xi32>
    %eq3A_72 = arith.cmpi eq, %iota3A, %eq3A : vector<8x512xi32>
    %convert_element_type3A = arith.extui %eq3A_72 : vector<8x512xi1> to vector<8x512xi32>
    %convert_element_type3A_73 = arith.sitofp %convert_element_type3A : vector<8x512xi32> to vector<8x512xf32>
    %slice3A_74 = vector.extract_strided_slice %dot_general3A_50 {offsets = [4, 0], sizes = [4, 512], strides = [1, 1]} : vector<16x512xf32> to vector<4x512xf32>
    %neg3A_75 = arith.constant 0.000000e+00 : f32
    %neg3A_76 = vector.broadcast %neg3A_75 : f32 to vector<4x512xf32>
    %neg3A_77 = arith.subf %neg3A_76, %slice3A_74 : vector<4x512xf32>
    %concatenate3A_78 = tpu.concatenate %slice3A_74, %neg3A_77 in 0 : vector<4x512xf32>, vector<4x512xf32> -> vector<8x512xf32>
    %reduce_max3A_79 = arith.constant dense<0xFF800000> : vector<512xf32>
    %reduce_max3A_80 = vector.multi_reduction <maximumf>, %concatenate3A_78, %reduce_max3A_79 [0] : vector<8x512xf32> to vector<512xf32>
    %broadcast_in_dim3A_81 = vector.shape_cast %reduce_max3A_80 : vector<512xf32> to vector<1x512xf32>
    %ge3A_82 = vector.broadcast %broadcast_in_dim3A_81 : vector<1x512xf32> to vector<8x512xf32>
    %ge3A_83 = arith.cmpf oge, %concatenate3A_78, %ge3A_82 : vector<8x512xf32>
    %jit3A_84 = arith.constant 8 : i32
    %broadcast_in_dim3A_85 = vector.broadcast %jit3A_84 : i32 to vector<8x512xi32>
    %select_n3A_86 = arith.select %ge3A_83, %iota3A, %broadcast_in_dim3A_85 : vector<8x512xi1>, vector<8x512xi32>
    %reduce_min3A_87 = arith.constant dense<2147483647> : vector<512xi32>
    %reduce_min3A_88 = vector.multi_reduction <minsi>, %select_n3A_86, %reduce_min3A_87 [0] : vector<8x512xi32> to vector<512xi32>
    %mul3A_89 = arith.constant 32 : i32
    %mul3A_90 = arith.muli %select_n3A, %mul3A_89 : i32
    %add3A_91 = arith.constant 8 : i32
    %add3A_92 = arith.addi %mul3A_90, %add3A_91 : i32
    %add3A_93 = vector.broadcast %add3A_92 : i32 to vector<512xi32>
    %add3A_94 = arith.addi %add3A_93, %reduce_min3A_88 : vector<512xi32>
    %swap3A_95 = arith.constant 1 : index
    %swap3A_96 = arith.constant 0 : index
    %swap3A_97 = vector.load %arg6[%swap3A_95, %swap3A_96] : memref<8x512xi32, #tpu.memory_space<vmem>>, vector<1x512xi32>
    %swap3A_98 = vector.shape_cast %swap3A_97 : vector<1x512xi32> to vector<512xi32>
    %swap3A_99 = vector.shape_cast %add3A_94 : vector<512xi32> to vector<1x512xi32>
    tpu.vector_store %arg6[%swap3A_95, %swap3A_96], %swap3A_99 {strides = array<i32>} : memref<8x512xi32, #tpu.memory_space<vmem>>, vector<1x512xi32>,
    %broadcast_in_dim3A_100 = vector.shape_cast %reduce_min3A_88 : vector<512xi32> to vector<1x512xi32>
    %eq3A_101 = vector.broadcast %broadcast_in_dim3A_100 : vector<1x512xi32> to vector<8x512xi32>
    %eq3A_102 = arith.cmpi eq, %iota3A, %eq3A_101 : vector<8x512xi32>
    %convert_element_type3A_103 = arith.extui %eq3A_102 : vector<8x512xi1> to vector<8x512xi32>
    %convert_element_type3A_104 = arith.sitofp %convert_element_type3A_103 : vector<8x512xi32> to vector<8x512xf32>
    %slice3A_105 = vector.extract_strided_slice %dot_general3A_50 {offsets = [8, 0], sizes = [4, 512], strides = [1, 1]} : vector<16x512xf32> to vector<4x512xf32>
    %neg3A_106 = arith.constant 0.000000e+00 : f32
    %neg3A_107 = vector.broadcast %neg3A_106 : f32 to vector<4x512xf32>
    %neg3A_108 = arith.subf %neg3A_107, %slice3A_105 : vector<4x512xf32>
    %concatenate3A_109 = tpu.concatenate %slice3A_105, %neg3A_108 in 0 : vector<4x512xf32>, vector<4x512xf32> -> vector<8x512xf32>
    %reduce_max3A_110 = arith.constant dense<0xFF800000> : vector<512xf32>
    %reduce_max3A_111 = vector.multi_reduction <maximumf>, %concatenate3A_109, %reduce_max3A_110 [0] : vector<8x512xf32> to vector<512xf32>
    %broadcast_in_dim3A_112 = vector.shape_cast %reduce_max3A_111 : vector<512xf32> to vector<1x512xf32>
    %ge3A_113 = vector.broadcast %broadcast_in_dim3A_112 : vector<1x512xf32> to vector<8x512xf32>
    %ge3A_114 = arith.cmpf oge, %concatenate3A_109, %ge3A_113 : vector<8x512xf32>
    %jit3A_115 = arith.constant 8 : i32
    %broadcast_in_dim3A_116 = vector.broadcast %jit3A_115 : i32 to vector<8x512xi32>
    %select_n3A_117 = arith.select %ge3A_114, %iota3A, %broadcast_in_dim3A_116 : vector<8x512xi1>, vector<8x512xi32>
    %reduce_min3A_118 = arith.constant dense<2147483647> : vector<512xi32>
    %reduce_min3A_119 = vector.multi_reduction <minsi>, %select_n3A_117, %reduce_min3A_118 [0] : vector<8x512xi32> to vector<512xi32>
    %mul3A_120 = arith.constant 32 : i32
    %mul3A_121 = arith.muli %select_n3A, %mul3A_120 : i32
    %add3A_122 = arith.constant 16 : i32
    %add3A_123 = arith.addi %mul3A_121, %add3A_122 : i32
    %add3A_124 = vector.broadcast %add3A_123 : i32 to vector<512xi32>
    %add3A_125 = arith.addi %add3A_124, %reduce_min3A_119 : vector<512xi32>
    %swap3A_126 = arith.constant 2 : index
    %swap3A_127 = arith.constant 0 : index
    %swap3A_128 = vector.load %arg6[%swap3A_126, %swap3A_127] : memref<8x512xi32, #tpu.memory_space<vmem>>, vector<1x512xi32>
    %swap3A_129 = vector.shape_cast %swap3A_128 : vector<1x512xi32> to vector<512xi32>
    %swap3A_130 = vector.shape_cast %add3A_125 : vector<512xi32> to vector<1x512xi32>
    tpu.vector_store %arg6[%swap3A_126, %swap3A_127], %swap3A_130 {strides = array<i32>} : memref<8x512xi32, #tpu.memory_space<vmem>>, vector<1x512xi32>,
    %broadcast_in_dim3A_131 = vector.shape_cast %reduce_min3A_119 : vector<512xi32> to vector<1x512xi32>
    %eq3A_132 = vector.broadcast %broadcast_in_dim3A_131 : vector<1x512xi32> to vector<8x512xi32>
    %eq3A_133 = arith.cmpi eq, %iota3A, %eq3A_132 : vector<8x512xi32>
    %convert_element_type3A_134 = arith.extui %eq3A_133 : vector<8x512xi1> to vector<8x512xi32>
    %convert_element_type3A_135 = arith.sitofp %convert_element_type3A_134 : vector<8x512xi32> to vector<8x512xf32>
    %slice3A_136 = vector.extract_strided_slice %dot_general3A_50 {offsets = [12, 0], sizes = [4, 512], strides = [1, 1]} : vector<16x512xf32> to vector<4x512xf32>
    %neg3A_137 = arith.constant 0.000000e+00 : f32
    %neg3A_138 = vector.broadcast %neg3A_137 : f32 to vector<4x512xf32>
    %neg3A_139 = arith.subf %neg3A_138, %slice3A_136 : vector<4x512xf32>
    %concatenate3A_140 = tpu.concatenate %slice3A_136, %neg3A_139 in 0 : vector<4x512xf32>, vector<4x512xf32> -> vector<8x512xf32>
    %reduce_max3A_141 = arith.constant dense<0xFF800000> : vector<512xf32>
    %reduce_max3A_142 = vector.multi_reduction <maximumf>, %concatenate3A_140, %reduce_max3A_141 [0] : vector<8x512xf32> to vector<512xf32>
    %broadcast_in_dim3A_143 = vector.shape_cast %reduce_max3A_142 : vector<512xf32> to vector<1x512xf32>
    %ge3A_144 = vector.broadcast %broadcast_in_dim3A_143 : vector<1x512xf32> to vector<8x512xf32>
    %ge3A_145 = arith.cmpf oge, %concatenate3A_140, %ge3A_144 : vector<8x512xf32>
    %jit3A_146 = arith.constant 8 : i32
    %broadcast_in_dim3A_147 = vector.broadcast %jit3A_146 : i32 to vector<8x512xi32>
    %select_n3A_148 = arith.select %ge3A_145, %iota3A, %broadcast_in_dim3A_147 : vector<8x512xi1>, vector<8x512xi32>
    %reduce_min3A_149 = arith.constant dense<2147483647> : vector<512xi32>
    %reduce_min3A_150 = vector.multi_reduction <minsi>, %select_n3A_148, %reduce_min3A_149 [0] : vector<8x512xi32> to vector<512xi32>
    %mul3A_151 = arith.constant 32 : i32
    %mul3A_152 = arith.muli %select_n3A, %mul3A_151 : i32
    %add3A_153 = arith.constant 24 : i32
    %add3A_154 = arith.addi %mul3A_152, %add3A_153 : i32
    %add3A_155 = vector.broadcast %add3A_154 : i32 to vector<512xi32>
    %add3A_156 = arith.addi %add3A_155, %reduce_min3A_150 : vector<512xi32>
    %swap3A_157 = arith.constant 3 : index
    %swap3A_158 = arith.constant 0 : index
    %swap3A_159 = vector.load %arg6[%swap3A_157, %swap3A_158] : memref<8x512xi32, #tpu.memory_space<vmem>>, vector<1x512xi32>
    %swap3A_160 = vector.shape_cast %swap3A_159 : vector<1x512xi32> to vector<512xi32>
    %swap3A_161 = vector.shape_cast %add3A_156 : vector<512xi32> to vector<1x512xi32>
    tpu.vector_store %arg6[%swap3A_157, %swap3A_158], %swap3A_161 {strides = array<i32>} : memref<8x512xi32, #tpu.memory_space<vmem>>, vector<1x512xi32>,
    %broadcast_in_dim3A_162 = vector.shape_cast %reduce_min3A_150 : vector<512xi32> to vector<1x512xi32>
    %eq3A_163 = vector.broadcast %broadcast_in_dim3A_162 : vector<1x512xi32> to vector<8x512xi32>
    %eq3A_164 = arith.cmpi eq, %iota3A, %eq3A_163 : vector<8x512xi32>
    %convert_element_type3A_165 = arith.extui %eq3A_164 : vector<8x512xi1> to vector<8x512xi32>
    %convert_element_type3A_166 = arith.sitofp %convert_element_type3A_165 : vector<8x512xi32> to vector<8x512xf32>
    %broadcast_in_dim3A_167 = arith.constant 0 : i32
    %broadcast_in_dim3A_168 = vector.broadcast %broadcast_in_dim3A_167 : i32 to vector<512xi32>
    %swap3A_169 = arith.constant 4 : index
    %swap3A_170 = arith.constant 0 : index
    %swap3A_171 = vector.load %arg6[%swap3A_169, %swap3A_170] : memref<8x512xi32, #tpu.memory_space<vmem>>, vector<1x512xi32>
    %swap3A_172 = vector.shape_cast %swap3A_171 : vector<1x512xi32> to vector<512xi32>
    %swap3A_173 = vector.shape_cast %broadcast_in_dim3A_168 : vector<512xi32> to vector<1x512xi32>
    tpu.vector_store %arg6[%swap3A_169, %swap3A_170], %swap3A_173 {strides = array<i32>} : memref<8x512xi32, #tpu.memory_space<vmem>>, vector<1x512xi32>,
    %broadcast_in_dim3A_174 = arith.constant 0 : i32
    %broadcast_in_dim3A_175 = vector.broadcast %broadcast_in_dim3A_174 : i32 to vector<512xi32>
    %swap3A_176 = arith.constant 5 : index
    %swap3A_177 = arith.constant 0 : index
    %swap3A_178 = vector.load %arg6[%swap3A_176, %swap3A_177] : memref<8x512xi32, #tpu.memory_space<vmem>>, vector<1x512xi32>
    %swap3A_179 = vector.shape_cast %swap3A_178 : vector<1x512xi32> to vector<512xi32>
    %swap3A_180 = vector.shape_cast %broadcast_in_dim3A_175 : vector<512xi32> to vector<1x512xi32>
    tpu.vector_store %arg6[%swap3A_176, %swap3A_177], %swap3A_180 {strides = array<i32>} : memref<8x512xi32, #tpu.memory_space<vmem>>, vector<1x512xi32>,
    %broadcast_in_dim3A_181 = arith.constant 0 : i32
    %broadcast_in_dim3A_182 = vector.broadcast %broadcast_in_dim3A_181 : i32 to vector<512xi32>
    %swap3A_183 = arith.constant 6 : index
    %swap3A_184 = arith.constant 0 : index
    %swap3A_185 = vector.load %arg6[%swap3A_183, %swap3A_184] : memref<8x512xi32, #tpu.memory_space<vmem>>, vector<1x512xi32>
    %swap3A_186 = vector.shape_cast %swap3A_185 : vector<1x512xi32> to vector<512xi32>
    %swap3A_187 = vector.shape_cast %broadcast_in_dim3A_182 : vector<512xi32> to vector<1x512xi32>
    tpu.vector_store %arg6[%swap3A_183, %swap3A_184], %swap3A_187 {strides = array<i32>} : memref<8x512xi32, #tpu.memory_space<vmem>>, vector<1x512xi32>,
    %broadcast_in_dim3A_188 = arith.constant 0 : i32
    %broadcast_in_dim3A_189 = vector.broadcast %broadcast_in_dim3A_188 : i32 to vector<512xi32>
    %swap3A_190 = arith.constant 7 : index
    %swap3A_191 = arith.constant 0 : index
    %swap3A_192 = vector.load %arg6[%swap3A_190, %swap3A_191] : memref<8x512xi32, #tpu.memory_space<vmem>>, vector<1x512xi32>
    %swap3A_193 = vector.shape_cast %swap3A_192 : vector<1x512xi32> to vector<512xi32>
    %swap3A_194 = vector.shape_cast %broadcast_in_dim3A_189 : vector<512xi32> to vector<1x512xi32>
    tpu.vector_store %arg6[%swap3A_190, %swap3A_191], %swap3A_194 {strides = array<i32>} : memref<8x512xi32, #tpu.memory_space<vmem>>, vector<1x512xi32>,
    %concatenate3A_195 = tpu.concatenate %convert_element_type3A_73, %convert_element_type3A_104, %convert_element_type3A_135, %convert_element_type3A_166 in 0 : vector<8x512xf32>, vector<8x512xf32>, vector<8x512xf32>, vector<8x512xf32> -> vector<32x512xf32>
    %reduce_sum3A_196 = arith.constant dense<0.000000e+00> : vector<32xf32>
    %reduce_sum3A_197 = vector.multi_reduction <add>, %concatenate3A_195, %reduce_sum3A_196 [1] : vector<32x512xf32> to vector<32xf32>
    %broadcast_in_dim3A_198 = vector.shape_cast %reduce_sum3A_197 : vector<32xf32> to vector<32x1xf32>
    %broadcast_in_dim3A_199 = vector.shape_cast %broadcast_in_dim3A_198 : vector<32x1xf32> to vector<32x1xf32>
    %broadcast_in_dim3A_200 = vector.broadcast %broadcast_in_dim3A_199 : vector<32x1xf32> to vector<32x128xf32>
    %slice3A_201 = vector.extract_strided_slice %concatenate3A_195 {offsets = [16, 0], sizes = [16, 512], strides = [1, 1]} : vector<32x512xf32> to vector<16x512xf32>
    %convert_element_type3A_202 = arith.truncf %slice3A_201 : vector<16x512xf32> to vector<16x512xbf16>
    %convert_element_type3A_203 = arith.truncf %add3A_44 : vector<512x1024xf32> to vector<512x1024xbf16>
    %dot_general3A_204 = arith.constant dense<0.000000e+00> : vector<16x1024xf32>
    %dot_general3A_205 = tpu.matmul %convert_element_type3A_202, %convert_element_type3A_203, %dot_general3A_204 {dimension_numbers = #tpu.dot_dimension_numbers<[1], [0], [0], [1], [0, 0, 1, 1], [], []>, transpose_lhs_hint = false} : vector<16x512xbf16>, vector<512x1024xbf16>, vector<16x1024xf32> -> vector<16x1024xf32>
    %jit3A_206 = arith.constant 8 : i32
    %eq3A_207 = arith.constant 0 : i32
    %eq3A_208 = arith.cmpi eq, %jit3A_206, %eq3A_207 : i32
    %jit3A_209 = arith.constant 1 : i32
    %select_n3A_210 = arith.select %eq3A_208, %jit3A_209, %jit3A_206 : i32
    %rem3A_211 = arith.remsi %arg0, %select_n3A_210 : i32
    %ne3A_212 = arith.constant 0 : i32
    %ne3A_213 = arith.cmpi ne, %rem3A_211, %ne3A_212 : i32
    %lt3A = arith.constant 0 : i32
    %lt3A_214 = arith.cmpi slt, %rem3A_211, %lt3A : i32
    %lt3A_215 = arith.constant 0 : i32
    %lt3A_216 = arith.cmpi slt, %select_n3A_210, %lt3A_215 : i32
    %ne3A_217 = arith.xori %lt3A_214, %lt3A_216 : i1
    %and3A_218 = arith.andi %ne3A_217, %ne3A_213 : i1
    %add3A_219 = arith.addi %rem3A_211, %select_n3A_210 : i32
    %select_n3A_220 = arith.select %and3A_218, %add3A_219, %rem3A_211 : i32
    %eq3A_221 = arith.constant 0 : i32
    %eq3A_222 = arith.cmpi eq, %select_n3A_220, %eq3A_221 : i32
    %convert_element_type3A_223 = arith.extui %eq3A_222 : i1 to i32
    %cond3A = arith.constant 0 : i32
    %cond3A_224 = arith.cmpi ne, %convert_element_type3A_223, %cond3A : i32
    scf.if %cond3A_224 {
      %swap3A_246 = arith.constant 0 : index
      %swap3A_247 = arith.constant 0 : index
      %swap3A_248 = arith.constant 0 : index
      %swap3A_249 = vector.load %arg7[%swap3A_246, %swap3A_247, %swap3A_248] : memref<1x16x1024xf32, #tpu.memory_space<vmem>>, vector<1x16x1024xf32>
      %swap3A_250 = vector.shape_cast %swap3A_249 : vector<1x16x1024xf32> to vector<16x1024xf32>
      %swap3A_251 = vector.shape_cast %dot_general3A_205 : vector<16x1024xf32> to vector<1x16x1024xf32>
      tpu.vector_store %arg7[%swap3A_246, %swap3A_247, %swap3A_248], %swap3A_251 {strides = array<i32>} : memref<1x16x1024xf32, #tpu.memory_space<vmem>>, vector<1x16x1024xf32>,
      %swap3A_252 = arith.constant 0 : index
      %swap3A_253 = arith.constant 0 : index
      %swap3A_254 = arith.constant 0 : index
      %swap3A_255 = vector.load %arg8[%swap3A_252, %swap3A_253, %swap3A_254] : memref<1x32x128xf32, #tpu.memory_space<vmem>>, vector<1x32x128xf32>
      %swap3A_256 = vector.shape_cast %swap3A_255 : vector<1x32x128xf32> to vector<32x128xf32>
      %swap3A_257 = vector.shape_cast %broadcast_in_dim3A_200 : vector<32x128xf32> to vector<1x32x128xf32>
      tpu.vector_store %arg8[%swap3A_252, %swap3A_253, %swap3A_254], %swap3A_257 {strides = array<i32>} : memref<1x32x128xf32, #tpu.memory_space<vmem>>, vector<1x32x128xf32>,
    } else {
    }
    %jit3A_225 = arith.constant 8 : i32
    %eq3A_226 = arith.constant 0 : i32
    %eq3A_227 = arith.cmpi eq, %jit3A_225, %eq3A_226 : i32
    %jit3A_228 = arith.constant 1 : i32
    %select_n3A_229 = arith.select %eq3A_227, %jit3A_228, %jit3A_225 : i32
    %rem3A_230 = arith.remsi %arg0, %select_n3A_229 : i32
    %ne3A_231 = arith.constant 0 : i32
    %ne3A_232 = arith.cmpi ne, %rem3A_230, %ne3A_231 : i32
    %lt3A_233 = arith.constant 0 : i32
    %lt3A_234 = arith.cmpi slt, %rem3A_230, %lt3A_233 : i32
    %lt3A_235 = arith.constant 0 : i32
    %lt3A_236 = arith.cmpi slt, %select_n3A_229, %lt3A_235 : i32
    %ne3A_237 = arith.xori %lt3A_234, %lt3A_236 : i1
    %and3A_238 = arith.andi %ne3A_237, %ne3A_232 : i1
    %add3A_239 = arith.addi %rem3A_230, %select_n3A_229 : i32
    %select_n3A_240 = arith.select %and3A_238, %add3A_239, %rem3A_230 : i32
    %ne3A_241 = arith.constant 0 : i32
    %ne3A_242 = arith.cmpi ne, %select_n3A_240, %ne3A_241 : i32
    %convert_element_type3A_243 = arith.extui %ne3A_242 : i1 to i32
    %cond3A_244 = arith.constant 0 : i32
    %cond3A_245 = arith.cmpi ne, %convert_element_type3A_243, %cond3A_244 : i32
    scf.if %cond3A_245 {
      %get3A_246 = arith.constant 0 : index
      %get3A_247 = arith.constant 0 : index
      %get3A_248 = arith.constant 0 : index
      %get3A_249 = vector.load %arg7[%get3A_246, %get3A_247, %get3A_248] : memref<1x16x1024xf32, #tpu.memory_space<vmem>>, vector<1x16x1024xf32>
      %get3A_250 = vector.shape_cast %get3A_249 : vector<1x16x1024xf32> to vector<16x1024xf32>
      %add3A_251 = arith.addf %get3A_250, %dot_general3A_205 : vector<16x1024xf32>
      %swap3A_252 = arith.constant 0 : index
      %swap3A_253 = arith.constant 0 : index
      %swap3A_254 = arith.constant 0 : index
      %swap3A_255 = vector.load %arg7[%swap3A_252, %swap3A_253, %swap3A_254] : memref<1x16x1024xf32, #tpu.memory_space<vmem>>, vector<1x16x1024xf32>
      %swap3A_256 = vector.shape_cast %swap3A_255 : vector<1x16x1024xf32> to vector<16x1024xf32>
      %swap3A_257 = vector.shape_cast %add3A_251 : vector<16x1024xf32> to vector<1x16x1024xf32>
      tpu.vector_store %arg7[%swap3A_252, %swap3A_253, %swap3A_254], %swap3A_257 {strides = array<i32>} : memref<1x16x1024xf32, #tpu.memory_space<vmem>>, vector<1x16x1024xf32>,
      %get3A_258 = arith.constant 0 : index
      %get3A_259 = arith.constant 0 : index
      %get3A_260 = arith.constant 0 : index
      %get3A_261 = vector.load %arg8[%get3A_258, %get3A_259, %get3A_260] : memref<1x32x128xf32, #tpu.memory_space<vmem>>, vector<1x32x128xf32>
      %get3A_262 = vector.shape_cast %get3A_261 : vector<1x32x128xf32> to vector<32x128xf32>
      %add3A_263 = arith.addf %get3A_262, %broadcast_in_dim3A_200 : vector<32x128xf32>
      %swap3A_264 = arith.constant 0 : index
      %swap3A_265 = arith.constant 0 : index
      %swap3A_266 = arith.constant 0 : index
      %swap3A_267 = vector.load %arg8[%swap3A_264, %swap3A_265, %swap3A_266] : memref<1x32x128xf32, #tpu.memory_space<vmem>>, vector<1x32x128xf32>
      %swap3A_268 = vector.shape_cast %swap3A_267 : vector<1x32x128xf32> to vector<32x128xf32>
      %swap3A_269 = vector.shape_cast %add3A_263 : vector<32x128xf32> to vector<1x32x128xf32>
      tpu.vector_store %arg8[%swap3A_264, %swap3A_265, %swap3A_266], %swap3A_269 {strides = array<i32>} : memref<1x32x128xf32, #tpu.memory_space<vmem>>, vector<1x32x128xf32>,
    } else {
    }
    return
  }
  func.func @transform_0(%arg0: i32) -> (i32, i32) {
    %c0_i32 = arith.constant 0 : i32
    %c0_i32_0 = arith.constant 0 : i32
    return %arg0, %c0_i32 : i32, i32
  }
  func.func @transform_1(%arg0: i32) -> (i32, i32) {
    %c0_i32 = arith.constant 0 : i32
    %c0_i32_0 = arith.constant 0 : i32
    %c0_i32_1 = arith.constant 0 : i32
    return %c0_i32, %c0_i32_0 : i32, i32
  }
  func.func @transform_2(%arg0: i32) -> (i32, i32) {
    %c0_i32 = arith.constant 0 : i32
    %c0_i32_0 = arith.constant 0 : i32
    %c0_i32_1 = arith.constant 0 : i32
    return %c0_i32, %c0_i32_0 : i32, i32
  }
  func.func @transform_3(%arg0: i32) -> (i32, i32) {
    %c0_i32 = arith.constant 0 : i32
    %c0_i32_0 = arith.constant 0 : i32
    %c0_i32_1 = arith.constant 0 : i32
    return %c0_i32, %c0_i32_0 : i32, i32
  }
  func.func @transform_4(%arg0: i32) -> (i32, i32) {
    %c0_i32 = arith.constant 0 : i32
    %c0_i32_0 = arith.constant 0 : i32
    return %arg0, %c0_i32 : i32, i32
  }
  func.func @transform_5(%arg0: i32) -> (i32, i32) {
    %c0_i32 = arith.constant 0 : i32
    %c0_i32_0 = arith.constant 0 : i32
    return %c0_i32, %arg0 : i32, i32
  }
  func.func @transform_6(%arg0: i32) -> (i32, i32, i32) {
    %jit3A = arith.constant 8 : i32
    %div3A = arith.divsi %arg0, %jit3A : i32
    %sign3A = arith.constant 0 : i32
    %sign3A_0 = arith.cmpi sgt, %arg0, %sign3A : i32
    %sign3A_1 = arith.extui %sign3A_0 : i1 to i32
    %sign3A_2 = arith.constant 0 : i32
    %sign3A_3 = arith.cmpi slt, %arg0, %sign3A_2 : i32
    %sign3A_4 = arith.extui %sign3A_3 : i1 to i32
    %sign3A_5 = arith.subi %sign3A_1, %sign3A_4 : i32
    %sign3A_6 = arith.constant 0 : i32
    %sign3A_7 = arith.cmpi sgt, %jit3A, %sign3A_6 : i32
    %sign3A_8 = arith.extui %sign3A_7 : i1 to i32
    %sign3A_9 = arith.constant 0 : i32
    %sign3A_10 = arith.cmpi slt, %jit3A, %sign3A_9 : i32
    %sign3A_11 = arith.extui %sign3A_10 : i1 to i32
    %sign3A_12 = arith.subi %sign3A_8, %sign3A_11 : i32
    %ne3A = arith.cmpi ne, %sign3A_5, %sign3A_12 : i32
    %rem3A = arith.remsi %arg0, %jit3A : i32
    %ne3A_13 = arith.constant 0 : i32
    %ne3A_14 = arith.cmpi ne, %rem3A, %ne3A_13 : i32
    %and3A = arith.andi %ne3A, %ne3A_14 : i1
    %sub3A = arith.constant 1 : i32
    %sub3A_15 = arith.subi %div3A, %sub3A : i32
    %select_n3A = arith.select %and3A, %sub3A_15, %div3A : i32
    %c0_i32 = arith.constant 0 : i32
    %c0_i32_16 = arith.constant 0 : i32
    %c0_i32_17 = arith.constant 0 : i32
    return %select_n3A, %c0_i32, %c0_i32_16 : i32, i32, i32
  }
  func.func @transform_7(%arg0: i32) -> (i32, i32, i32) {
    %jit3A = arith.constant 8 : i32
    %div3A = arith.divsi %arg0, %jit3A : i32
    %sign3A = arith.constant 0 : i32
    %sign3A_0 = arith.cmpi sgt, %arg0, %sign3A : i32
    %sign3A_1 = arith.extui %sign3A_0 : i1 to i32
    %sign3A_2 = arith.constant 0 : i32
    %sign3A_3 = arith.cmpi slt, %arg0, %sign3A_2 : i32
    %sign3A_4 = arith.extui %sign3A_3 : i1 to i32
    %sign3A_5 = arith.subi %sign3A_1, %sign3A_4 : i32
    %sign3A_6 = arith.constant 0 : i32
    %sign3A_7 = arith.cmpi sgt, %jit3A, %sign3A_6 : i32
    %sign3A_8 = arith.extui %sign3A_7 : i1 to i32
    %sign3A_9 = arith.constant 0 : i32
    %sign3A_10 = arith.cmpi slt, %jit3A, %sign3A_9 : i32
    %sign3A_11 = arith.extui %sign3A_10 : i1 to i32
    %sign3A_12 = arith.subi %sign3A_8, %sign3A_11 : i32
    %ne3A = arith.cmpi ne, %sign3A_5, %sign3A_12 : i32
    %rem3A = arith.remsi %arg0, %jit3A : i32
    %ne3A_13 = arith.constant 0 : i32
    %ne3A_14 = arith.cmpi ne, %rem3A, %ne3A_13 : i32
    %and3A = arith.andi %ne3A, %ne3A_14 : i1
    %sub3A = arith.constant 1 : i32
    %sub3A_15 = arith.subi %div3A, %sub3A : i32
    %select_n3A = arith.select %and3A, %sub3A_15, %div3A : i32
    %c0_i32 = arith.constant 0 : i32
    %c0_i32_16 = arith.constant 0 : i32
    %c0_i32_17 = arith.constant 0 : i32
    return %select_n3A, %c0_i32, %c0_i32_16 : i32, i32, i32
  }
}

module attributes {stable_mosaic.version = 14 : i64} {
  func.func @_p1b_body(%arg0: i32, %arg1: memref<512x1024xf32, #tpu.memory_space<vmem>>, %arg2: memref<1024x1024xbf16, #tpu.memory_space<vmem>>, %arg3: memref<512x1024xbf16, #tpu.memory_space<vmem>>) attributes {dimension_semantics = [#tpu.dimension_semantics<arbitrary>], iteration_bounds = array<i64: 16>, scalar_prefetch = 0 : i64, scratch_operands = 0 : i64, tpu.core_type = #tpu.core_type<tc>, window_params = [{transform_indices = @transform_0, window_bounds = array<i64: 512, 1024>}, {pipeline_mode = #tpu.pipeline_mode<synchronous>, transform_indices = @transform_1, window_bounds = array<i64: 1024, 1024>}, {transform_indices = @transform_2, window_bounds = array<i64: 512, 1024>}]} {
    %get3A = arith.constant 0 : index
    %get3A_0 = arith.constant 0 : index
    %get3A_1 = vector.load %arg1[%get3A, %get3A_0] : memref<512x1024xf32, #tpu.memory_space<vmem>>, vector<512x1024xf32>
    %convert_element_type3A = arith.truncf %get3A_1 : vector<512x1024xf32> to vector<512x1024xbf16>
    %get3A_2 = arith.constant 0 : index
    %get3A_3 = arith.constant 0 : index
    %get3A_4 = vector.load %arg2[%get3A_2, %get3A_3] : memref<1024x1024xbf16, #tpu.memory_space<vmem>>, vector<1024x1024xbf16>
    %dot_general3A = arith.constant dense<0.000000e+00> : vector<512x1024xf32>
    %dot_general3A_5 = tpu.matmul %convert_element_type3A, %get3A_4, %dot_general3A {dimension_numbers = #tpu.dot_dimension_numbers<[1], [1], [0], [0], [0, 0, 1, 0], [], []>, transpose_lhs_hint = false} : vector<512x1024xbf16>, vector<1024x1024xbf16>, vector<512x1024xf32> -> vector<512x1024xf32>
    %convert_element_type3A_6 = arith.truncf %dot_general3A_5 : vector<512x1024xf32> to vector<512x1024xbf16>
    %swap3A = arith.constant 0 : index
    %swap3A_7 = arith.constant 0 : index
    %swap3A_8 = vector.load %arg3[%swap3A, %swap3A_7] : memref<512x1024xbf16, #tpu.memory_space<vmem>>, vector<512x1024xbf16>
    tpu.vector_store %arg3[%swap3A, %swap3A_7], %convert_element_type3A_6 {strides = array<i32>} : memref<512x1024xbf16, #tpu.memory_space<vmem>>, vector<512x1024xbf16>,
    return
  }
  func.func @transform_0(%arg0: i32) -> (i32, i32) {
    %c0_i32 = arith.constant 0 : i32
    %c0_i32_0 = arith.constant 0 : i32
    return %arg0, %c0_i32 : i32, i32
  }
  func.func @transform_1(%arg0: i32) -> (i32, i32) {
    %c0_i32 = arith.constant 0 : i32
    %c0_i32_0 = arith.constant 0 : i32
    %c0_i32_1 = arith.constant 0 : i32
    return %c0_i32, %c0_i32_0 : i32, i32
  }
  func.func @transform_2(%arg0: i32) -> (i32, i32) {
    %c0_i32 = arith.constant 0 : i32
    %c0_i32_0 = arith.constant 0 : i32
    return %arg0, %c0_i32 : i32, i32
  }
}

module attributes {stable_mosaic.version = 14 : i64} {
  func.func @_p34_body(%arg0: i32, %arg1: memref<512x1024xf32, #tpu.memory_space<vmem>>, %arg2: memref<512x1024xbf16, #tpu.memory_space<vmem>>, %arg3: memref<64x1024xf32, #tpu.memory_space<vmem>>, %arg4: memref<64x1024xf32, #tpu.memory_space<vmem>>, %arg5: memref<64x16xf32, #tpu.memory_space<vmem>>, %arg6: memref<1x1024xf32, #tpu.memory_space<vmem>>, %arg7: memref<1x1024xf32, #tpu.memory_space<vmem>>, %arg8: memref<4096x1024xbf16, #tpu.memory_space<vmem>>, %arg9: memref<1x4096xf32, #tpu.memory_space<vmem>>, %arg10: memref<1024x4096xbf16, #tpu.memory_space<vmem>>, %arg11: memref<1x1024xf32, #tpu.memory_space<vmem>>, %arg12: memref<512x1024xf32, #tpu.memory_space<vmem>>) attributes {dimension_semantics = [#tpu.dimension_semantics<arbitrary>], iteration_bounds = array<i64: 16>, scalar_prefetch = 0 : i64, scratch_operands = 0 : i64, tpu.core_type = #tpu.core_type<tc>, window_params = [{transform_indices = @transform_0, window_bounds = array<i64: 512, 1024>}, {transform_indices = @transform_1, window_bounds = array<i64: 512, 1024>}, {pipeline_mode = #tpu.pipeline_mode<synchronous>, transform_indices = @transform_2, window_bounds = array<i64: 64, 1024>}, {pipeline_mode = #tpu.pipeline_mode<synchronous>, transform_indices = @transform_3, window_bounds = array<i64: 64, 1024>}, {pipeline_mode = #tpu.pipeline_mode<synchronous>, transform_indices = @transform_4, window_bounds = array<i64: 64, 16>}, {pipeline_mode = #tpu.pipeline_mode<synchronous>, transform_indices = @transform_5, window_bounds = array<i64: 1, 1024>}, {pipeline_mode = #tpu.pipeline_mode<synchronous>, transform_indices = @transform_6, window_bounds = array<i64: 1, 1024>}, {pipeline_mode = #tpu.pipeline_mode<synchronous>, transform_indices = @transform_7, window_bounds = array<i64: 4096, 1024>}, {pipeline_mode = #tpu.pipeline_mode<synchronous>, transform_indices = @transform_8, window_bounds = array<i64: 1, 4096>}, {pipeline_mode = #tpu.pipeline_mode<synchronous>, transform_indices = @transform_9, window_bounds = array<i64: 1024, 4096>}, {pipeline_mode = #tpu.pipeline_mode<synchronous>, transform_indices = @transform_10, window_bounds = array<i64: 1, 1024>}, {transform_indices = @transform_11, window_bounds = array<i64: 512, 1024>}]} {
    %jit3A = arith.constant 8 : i32
    %div3A = arith.divsi %arg0, %jit3A : i32
    %sign3A = arith.constant 0 : i32
    %sign3A_0 = arith.cmpi sgt, %arg0, %sign3A : i32
    %sign3A_1 = arith.extui %sign3A_0 : i1 to i32
    %sign3A_2 = arith.constant 0 : i32
    %sign3A_3 = arith.cmpi slt, %arg0, %sign3A_2 : i32
    %sign3A_4 = arith.extui %sign3A_3 : i1 to i32
    %sign3A_5 = arith.subi %sign3A_1, %sign3A_4 : i32
    %sign3A_6 = arith.constant 0 : i32
    %sign3A_7 = arith.cmpi sgt, %jit3A, %sign3A_6 : i32
    %sign3A_8 = arith.extui %sign3A_7 : i1 to i32
    %sign3A_9 = arith.constant 0 : i32
    %sign3A_10 = arith.cmpi slt, %jit3A, %sign3A_9 : i32
    %sign3A_11 = arith.extui %sign3A_10 : i1 to i32
    %sign3A_12 = arith.subi %sign3A_8, %sign3A_11 : i32
    %ne3A = arith.cmpi ne, %sign3A_5, %sign3A_12 : i32
    %rem3A = arith.remsi %arg0, %jit3A : i32
    %ne3A_13 = arith.constant 0 : i32
    %ne3A_14 = arith.cmpi ne, %rem3A, %ne3A_13 : i32
    %and3A = arith.andi %ne3A, %ne3A_14 : i1
    %sub3A = arith.constant 1 : i32
    %sub3A_15 = arith.subi %div3A, %sub3A : i32
    %select_n3A = arith.select %and3A, %sub3A_15, %div3A : i32
    %mul3A = arith.constant 32 : i32
    %mul3A_16 = arith.muli %select_n3A, %mul3A : i32
    %get3A = arith.index_cast %mul3A_16 : i32 to index
    %get3A_17 = arith.constant 0 : index
    %get3A_18 = vector.load %arg3[%get3A, %get3A_17] : memref<64x1024xf32, #tpu.memory_space<vmem>>, vector<32x1024xf32>
    %get3A_19 = arith.index_cast %mul3A_16 : i32 to index
    %get3A_20 = arith.constant 0 : index
    %get3A_21 = vector.load %arg4[%get3A_19, %get3A_20] : memref<64x1024xf32, #tpu.memory_space<vmem>>, vector<32x1024xf32>
    %get3A_22 = arith.index_cast %mul3A_16 : i32 to index
    %get3A_23 = arith.constant 0 : index
    %get3A_24 = vector.load %arg5[%get3A_22, %get3A_23] : memref<64x16xf32, #tpu.memory_space<vmem>>, vector<32x1xf32>
    %ge3A = arith.constant 1.000000e+00 : f32
    %ge3A_25 = vector.broadcast %ge3A : f32 to vector<32x1xf32>
    %ge3A_26 = arith.cmpf oge, %get3A_24, %ge3A_25 : vector<32x1xf32>
    %jit3A_27 = arith.constant 0.000000e+00 : f32
    %jit3A_28 = arith.constant -3.40282347E+38 : f32
    %broadcast_in_dim3A = vector.broadcast %jit3A_27 : f32 to vector<32x1xf32>
    %broadcast_in_dim3A_29 = vector.broadcast %jit3A_28 : f32 to vector<32x1xf32>
    %select_n3A_30 = arith.select %ge3A_26, %broadcast_in_dim3A, %broadcast_in_dim3A_29 : vector<32x1xi1>, vector<32x1xf32>
    %convert_element_type3A = arith.truncf %get3A_18 : vector<32x1024xf32> to vector<32x1024xbf16>
    %convert_element_type3A_31 = arith.truncf %get3A_21 : vector<32x1024xf32> to vector<32x1024xbf16>
    %get3A_32 = arith.constant 0 : index
    %get3A_33 = arith.constant 0 : index
    %get3A_34 = vector.load %arg2[%get3A_32, %get3A_33] : memref<512x1024xbf16, #tpu.memory_space<vmem>>, vector<512x1024xbf16>
    %slice3A = vector.extract_strided_slice %convert_element_type3A {offsets = [0, 0], sizes = [32, 64], strides = [1, 1]} : vector<32x1024xbf16> to vector<32x64xbf16>
    %slice3A_35 = vector.extract_strided_slice %get3A_34 {offsets = [0, 0], sizes = [512, 64], strides = [1, 1]} : vector<512x1024xbf16> to vector<512x64xbf16>
    %dot_general3A = arith.constant dense<0.000000e+00> : vector<32x512xf32>
    %dot_general3A_36 = tpu.matmul %slice3A, %slice3A_35, %dot_general3A {dimension_numbers = #tpu.dot_dimension_numbers<[1], [1], [0], [0], [0, 0, 1, 0], [], []>, transpose_lhs_hint = false} : vector<32x64xbf16>, vector<512x64xbf16>, vector<32x512xf32> -> vector<32x512xf32>
    %mul3A_37 = arith.constant 1.250000e-01 : f32
    %mul3A_38 = vector.broadcast %mul3A_37 : f32 to vector<32x512xf32>
    %mul3A_39 = arith.mulf %dot_general3A_36, %mul3A_38 : vector<32x512xf32>
    %add3A = vector.broadcast %select_n3A_30 : vector<32x1xf32> to vector<32x512xf32>
    %add3A_40 = arith.addf %mul3A_39, %add3A : vector<32x512xf32>
    %reduce_max3A = arith.constant dense<0xFF800000> : vector<512xf32>
    %reduce_max3A_41 = vector.multi_reduction <maximumf>, %add3A_40, %reduce_max3A [0] : vector<32x512xf32> to vector<512xf32>
    %broadcast_in_dim3A_42 = vector.shape_cast %reduce_max3A_41 : vector<512xf32> to vector<1x512xf32>
    %sub3A_43 = vector.broadcast %broadcast_in_dim3A_42 : vector<1x512xf32> to vector<32x512xf32>
    %sub3A_44 = arith.subf %add3A_40, %sub3A_43 : vector<32x512xf32>
    %exp3A = math.exp %sub3A_44 : vector<32x512xf32>
    %reduce_sum3A = arith.constant dense<0.000000e+00> : vector<512xf32>
    %reduce_sum3A_45 = vector.multi_reduction <add>, %exp3A, %reduce_sum3A [0] : vector<32x512xf32> to vector<512xf32>
    %broadcast_in_dim3A_46 = vector.shape_cast %reduce_sum3A_45 : vector<512xf32> to vector<1x512xf32>
    %div3A_47 = arith.constant 1.000000e+00 : f32
    %div3A_48 = vector.broadcast %div3A_47 : f32 to vector<1x512xf32>
    %div3A_49 = arith.divf %div3A_48, %broadcast_in_dim3A_46 : vector<1x512xf32>
    %mul3A_50 = vector.broadcast %div3A_49 : vector<1x512xf32> to vector<32x512xf32>
    %mul3A_51 = arith.mulf %exp3A, %mul3A_50 : vector<32x512xf32>
    %convert_element_type3A_52 = arith.truncf %mul3A_51 : vector<32x512xf32> to vector<32x512xbf16>
    %slice3A_53 = vector.extract_strided_slice %convert_element_type3A_31 {offsets = [0, 0], sizes = [32, 64], strides = [1, 1]} : vector<32x1024xbf16> to vector<32x64xbf16>
    %dot_general3A_54 = arith.constant dense<0.000000e+00> : vector<512x64xf32>
    %dot_general3A_55 = tpu.matmul %convert_element_type3A_52, %slice3A_53, %dot_general3A_54 {dimension_numbers = #tpu.dot_dimension_numbers<[0], [0], [1], [1], [0, 1, 1, 1], [], []>, transpose_lhs_hint = false} : vector<32x512xbf16>, vector<32x64xbf16>, vector<512x64xf32> -> vector<512x64xf32>
    %slice3A_56 = vector.extract_strided_slice %convert_element_type3A {offsets = [0, 64], sizes = [32, 64], strides = [1, 1]} : vector<32x1024xbf16> to vector<32x64xbf16>
    %slice3A_57 = vector.extract_strided_slice %get3A_34 {offsets = [0, 64], sizes = [512, 64], strides = [1, 1]} : vector<512x1024xbf16> to vector<512x64xbf16>
    %dot_general3A_58 = arith.constant dense<0.000000e+00> : vector<32x512xf32>
    %dot_general3A_59 = tpu.matmul %slice3A_56, %slice3A_57, %dot_general3A_58 {dimension_numbers = #tpu.dot_dimension_numbers<[1], [1], [0], [0], [0, 0, 1, 0], [], []>, transpose_lhs_hint = false} : vector<32x64xbf16>, vector<512x64xbf16>, vector<32x512xf32> -> vector<32x512xf32>
    %mul3A_60 = arith.constant 1.250000e-01 : f32
    %mul3A_61 = vector.broadcast %mul3A_60 : f32 to vector<32x512xf32>
    %mul3A_62 = arith.mulf %dot_general3A_59, %mul3A_61 : vector<32x512xf32>
    %add3A_63 = vector.broadcast %select_n3A_30 : vector<32x1xf32> to vector<32x512xf32>
    %add3A_64 = arith.addf %mul3A_62, %add3A_63 : vector<32x512xf32>
    %reduce_max3A_65 = arith.constant dense<0xFF800000> : vector<512xf32>
    %reduce_max3A_66 = vector.multi_reduction <maximumf>, %add3A_64, %reduce_max3A_65 [0] : vector<32x512xf32> to vector<512xf32>
    %broadcast_in_dim3A_67 = vector.shape_cast %reduce_max3A_66 : vector<512xf32> to vector<1x512xf32>
    %sub3A_68 = vector.broadcast %broadcast_in_dim3A_67 : vector<1x512xf32> to vector<32x512xf32>
    %sub3A_69 = arith.subf %add3A_64, %sub3A_68 : vector<32x512xf32>
    %exp3A_70 = math.exp %sub3A_69 : vector<32x512xf32>
    %reduce_sum3A_71 = arith.constant dense<0.000000e+00> : vector<512xf32>
    %reduce_sum3A_72 = vector.multi_reduction <add>, %exp3A_70, %reduce_sum3A_71 [0] : vector<32x512xf32> to vector<512xf32>
    %broadcast_in_dim3A_73 = vector.shape_cast %reduce_sum3A_72 : vector<512xf32> to vector<1x512xf32>
    %div3A_74 = arith.constant 1.000000e+00 : f32
    %div3A_75 = vector.broadcast %div3A_74 : f32 to vector<1x512xf32>
    %div3A_76 = arith.divf %div3A_75, %broadcast_in_dim3A_73 : vector<1x512xf32>
    %mul3A_77 = vector.broadcast %div3A_76 : vector<1x512xf32> to vector<32x512xf32>
    %mul3A_78 = arith.mulf %exp3A_70, %mul3A_77 : vector<32x512xf32>
    %convert_element_type3A_79 = arith.truncf %mul3A_78 : vector<32x512xf32> to vector<32x512xbf16>
    %slice3A_80 = vector.extract_strided_slice %convert_element_type3A_31 {offsets = [0, 64], sizes = [32, 64], strides = [1, 1]} : vector<32x1024xbf16> to vector<32x64xbf16>
    %dot_general3A_81 = arith.constant dense<0.000000e+00> : vector<512x64xf32>
    %dot_general3A_82 = tpu.matmul %convert_element_type3A_79, %slice3A_80, %dot_general3A_81 {dimension_numbers = #tpu.dot_dimension_numbers<[0], [0], [1], [1], [0, 1, 1, 1], [], []>, transpose_lhs_hint = false} : vector<32x512xbf16>, vector<32x64xbf16>, vector<512x64xf32> -> vector<512x64xf32>
    %slice3A_83 = vector.extract_strided_slice %convert_element_type3A {offsets = [0, 128], sizes = [32, 64], strides = [1, 1]} : vector<32x1024xbf16> to vector<32x64xbf16>
    %slice3A_84 = vector.extract_strided_slice %get3A_34 {offsets = [0, 128], sizes = [512, 64], strides = [1, 1]} : vector<512x1024xbf16> to vector<512x64xbf16>
    %dot_general3A_85 = arith.constant dense<0.000000e+00> : vector<32x512xf32>
    %dot_general3A_86 = tpu.matmul %slice3A_83, %slice3A_84, %dot_general3A_85 {dimension_numbers = #tpu.dot_dimension_numbers<[1], [1], [0], [0], [0, 0, 1, 0], [], []>, transpose_lhs_hint = false} : vector<32x64xbf16>, vector<512x64xbf16>, vector<32x512xf32> -> vector<32x512xf32>
    %mul3A_87 = arith.constant 1.250000e-01 : f32
    %mul3A_88 = vector.broadcast %mul3A_87 : f32 to vector<32x512xf32>
    %mul3A_89 = arith.mulf %dot_general3A_86, %mul3A_88 : vector<32x512xf32>
    %add3A_90 = vector.broadcast %select_n3A_30 : vector<32x1xf32> to vector<32x512xf32>
    %add3A_91 = arith.addf %mul3A_89, %add3A_90 : vector<32x512xf32>
    %reduce_max3A_92 = arith.constant dense<0xFF800000> : vector<512xf32>
    %reduce_max3A_93 = vector.multi_reduction <maximumf>, %add3A_91, %reduce_max3A_92 [0] : vector<32x512xf32> to vector<512xf32>
    %broadcast_in_dim3A_94 = vector.shape_cast %reduce_max3A_93 : vector<512xf32> to vector<1x512xf32>
    %sub3A_95 = vector.broadcast %broadcast_in_dim3A_94 : vector<1x512xf32> to vector<32x512xf32>
    %sub3A_96 = arith.subf %add3A_91, %sub3A_95 : vector<32x512xf32>
    %exp3A_97 = math.exp %sub3A_96 : vector<32x512xf32>
    %reduce_sum3A_98 = arith.constant dense<0.000000e+00> : vector<512xf32>
    %reduce_sum3A_99 = vector.multi_reduction <add>, %exp3A_97, %reduce_sum3A_98 [0] : vector<32x512xf32> to vector<512xf32>
    %broadcast_in_dim3A_100 = vector.shape_cast %reduce_sum3A_99 : vector<512xf32> to vector<1x512xf32>
    %div3A_101 = arith.constant 1.000000e+00 : f32
    %div3A_102 = vector.broadcast %div3A_101 : f32 to vector<1x512xf32>
    %div3A_103 = arith.divf %div3A_102, %broadcast_in_dim3A_100 : vector<1x512xf32>
    %mul3A_104 = vector.broadcast %div3A_103 : vector<1x512xf32> to vector<32x512xf32>
    %mul3A_105 = arith.mulf %exp3A_97, %mul3A_104 : vector<32x512xf32>
    %convert_element_type3A_106 = arith.truncf %mul3A_105 : vector<32x512xf32> to vector<32x512xbf16>
    %slice3A_107 = vector.extract_strided_slice %convert_element_type3A_31 {offsets = [0, 128], sizes = [32, 64], strides = [1, 1]} : vector<32x1024xbf16> to vector<32x64xbf16>
    %dot_general3A_108 = arith.constant dense<0.000000e+00> : vector<512x64xf32>
    %dot_general3A_109 = tpu.matmul %convert_element_type3A_106, %slice3A_107, %dot_general3A_108 {dimension_numbers = #tpu.dot_dimension_numbers<[0], [0], [1], [1], [0, 1, 1, 1], [], []>, transpose_lhs_hint = false} : vector<32x512xbf16>, vector<32x64xbf16>, vector<512x64xf32> -> vector<512x64xf32>
    %slice3A_110 = vector.extract_strided_slice %convert_element_type3A {offsets = [0, 192], sizes = [32, 64], strides = [1, 1]} : vector<32x1024xbf16> to vector<32x64xbf16>
    %slice3A_111 = vector.extract_strided_slice %get3A_34 {offsets = [0, 192], sizes = [512, 64], strides = [1, 1]} : vector<512x1024xbf16> to vector<512x64xbf16>
    %dot_general3A_112 = arith.constant dense<0.000000e+00> : vector<32x512xf32>
    %dot_general3A_113 = tpu.matmul %slice3A_110, %slice3A_111, %dot_general3A_112 {dimension_numbers = #tpu.dot_dimension_numbers<[1], [1], [0], [0], [0, 0, 1, 0], [], []>, transpose_lhs_hint = false} : vector<32x64xbf16>, vector<512x64xbf16>, vector<32x512xf32> -> vector<32x512xf32>
    %mul3A_114 = arith.constant 1.250000e-01 : f32
    %mul3A_115 = vector.broadcast %mul3A_114 : f32 to vector<32x512xf32>
    %mul3A_116 = arith.mulf %dot_general3A_113, %mul3A_115 : vector<32x512xf32>
    %add3A_117 = vector.broadcast %select_n3A_30 : vector<32x1xf32> to vector<32x512xf32>
    %add3A_118 = arith.addf %mul3A_116, %add3A_117 : vector<32x512xf32>
    %reduce_max3A_119 = arith.constant dense<0xFF800000> : vector<512xf32>
    %reduce_max3A_120 = vector.multi_reduction <maximumf>, %add3A_118, %reduce_max3A_119 [0] : vector<32x512xf32> to vector<512xf32>
    %broadcast_in_dim3A_121 = vector.shape_cast %reduce_max3A_120 : vector<512xf32> to vector<1x512xf32>
    %sub3A_122 = vector.broadcast %broadcast_in_dim3A_121 : vector<1x512xf32> to vector<32x512xf32>
    %sub3A_123 = arith.subf %add3A_118, %sub3A_122 : vector<32x512xf32>
    %exp3A_124 = math.exp %sub3A_123 : vector<32x512xf32>
    %reduce_sum3A_125 = arith.constant dense<0.000000e+00> : vector<512xf32>
    %reduce_sum3A_126 = vector.multi_reduction <add>, %exp3A_124, %reduce_sum3A_125 [0] : vector<32x512xf32> to vector<512xf32>
    %broadcast_in_dim3A_127 = vector.shape_cast %reduce_sum3A_126 : vector<512xf32> to vector<1x512xf32>
    %div3A_128 = arith.constant 1.000000e+00 : f32
    %div3A_129 = vector.broadcast %div3A_128 : f32 to vector<1x512xf32>
    %div3A_130 = arith.divf %div3A_129, %broadcast_in_dim3A_127 : vector<1x512xf32>
    %mul3A_131 = vector.broadcast %div3A_130 : vector<1x512xf32> to vector<32x512xf32>
    %mul3A_132 = arith.mulf %exp3A_124, %mul3A_131 : vector<32x512xf32>
    %convert_element_type3A_133 = arith.truncf %mul3A_132 : vector<32x512xf32> to vector<32x512xbf16>
    %slice3A_134 = vector.extract_strided_slice %convert_element_type3A_31 {offsets = [0, 192], sizes = [32, 64], strides = [1, 1]} : vector<32x1024xbf16> to vector<32x64xbf16>
    %dot_general3A_135 = arith.constant dense<0.000000e+00> : vector<512x64xf32>
    %dot_general3A_136 = tpu.matmul %convert_element_type3A_133, %slice3A_134, %dot_general3A_135 {dimension_numbers = #tpu.dot_dimension_numbers<[0], [0], [1], [1], [0, 1, 1, 1], [], []>, transpose_lhs_hint = false} : vector<32x512xbf16>, vector<32x64xbf16>, vector<512x64xf32> -> vector<512x64xf32>
    %slice3A_137 = vector.extract_strided_slice %convert_element_type3A {offsets = [0, 256], sizes = [32, 64], strides = [1, 1]} : vector<32x1024xbf16> to vector<32x64xbf16>
    %slice3A_138 = vector.extract_strided_slice %get3A_34 {offsets = [0, 256], sizes = [512, 64], strides = [1, 1]} : vector<512x1024xbf16> to vector<512x64xbf16>
    %dot_general3A_139 = arith.constant dense<0.000000e+00> : vector<32x512xf32>
    %dot_general3A_140 = tpu.matmul %slice3A_137, %slice3A_138, %dot_general3A_139 {dimension_numbers = #tpu.dot_dimension_numbers<[1], [1], [0], [0], [0, 0, 1, 0], [], []>, transpose_lhs_hint = false} : vector<32x64xbf16>, vector<512x64xbf16>, vector<32x512xf32> -> vector<32x512xf32>
    %mul3A_141 = arith.constant 1.250000e-01 : f32
    %mul3A_142 = vector.broadcast %mul3A_141 : f32 to vector<32x512xf32>
    %mul3A_143 = arith.mulf %dot_general3A_140, %mul3A_142 : vector<32x512xf32>
    %add3A_144 = vector.broadcast %select_n3A_30 : vector<32x1xf32> to vector<32x512xf32>
    %add3A_145 = arith.addf %mul3A_143, %add3A_144 : vector<32x512xf32>
    %reduce_max3A_146 = arith.constant dense<0xFF800000> : vector<512xf32>
    %reduce_max3A_147 = vector.multi_reduction <maximumf>, %add3A_145, %reduce_max3A_146 [0] : vector<32x512xf32> to vector<512xf32>
    %broadcast_in_dim3A_148 = vector.shape_cast %reduce_max3A_147 : vector<512xf32> to vector<1x512xf32>
    %sub3A_149 = vector.broadcast %broadcast_in_dim3A_148 : vector<1x512xf32> to vector<32x512xf32>
    %sub3A_150 = arith.subf %add3A_145, %sub3A_149 : vector<32x512xf32>
    %exp3A_151 = math.exp %sub3A_150 : vector<32x512xf32>
    %reduce_sum3A_152 = arith.constant dense<0.000000e+00> : vector<512xf32>
    %reduce_sum3A_153 = vector.multi_reduction <add>, %exp3A_151, %reduce_sum3A_152 [0] : vector<32x512xf32> to vector<512xf32>
    %broadcast_in_dim3A_154 = vector.shape_cast %reduce_sum3A_153 : vector<512xf32> to vector<1x512xf32>
    %div3A_155 = arith.constant 1.000000e+00 : f32
    %div3A_156 = vector.broadcast %div3A_155 : f32 to vector<1x512xf32>
    %div3A_157 = arith.divf %div3A_156, %broadcast_in_dim3A_154 : vector<1x512xf32>
    %mul3A_158 = vector.broadcast %div3A_157 : vector<1x512xf32> to vector<32x512xf32>
    %mul3A_159 = arith.mulf %exp3A_151, %mul3A_158 : vector<32x512xf32>
    %convert_element_type3A_160 = arith.truncf %mul3A_159 : vector<32x512xf32> to vector<32x512xbf16>
    %slice3A_161 = vector.extract_strided_slice %convert_element_type3A_31 {offsets = [0, 256], sizes = [32, 64], strides = [1, 1]} : vector<32x1024xbf16> to vector<32x64xbf16>
    %dot_general3A_162 = arith.constant dense<0.000000e+00> : vector<512x64xf32>
    %dot_general3A_163 = tpu.matmul %convert_element_type3A_160, %slice3A_161, %dot_general3A_162 {dimension_numbers = #tpu.dot_dimension_numbers<[0], [0], [1], [1], [0, 1, 1, 1], [], []>, transpose_lhs_hint = false} : vector<32x512xbf16>, vector<32x64xbf16>, vector<512x64xf32> -> vector<512x64xf32>
    %slice3A_164 = vector.extract_strided_slice %convert_element_type3A {offsets = [0, 320], sizes = [32, 64], strides = [1, 1]} : vector<32x1024xbf16> to vector<32x64xbf16>
    %slice3A_165 = vector.extract_strided_slice %get3A_34 {offsets = [0, 320], sizes = [512, 64], strides = [1, 1]} : vector<512x1024xbf16> to vector<512x64xbf16>
    %dot_general3A_166 = arith.constant dense<0.000000e+00> : vector<32x512xf32>
    %dot_general3A_167 = tpu.matmul %slice3A_164, %slice3A_165, %dot_general3A_166 {dimension_numbers = #tpu.dot_dimension_numbers<[1], [1], [0], [0], [0, 0, 1, 0], [], []>, transpose_lhs_hint = false} : vector<32x64xbf16>, vector<512x64xbf16>, vector<32x512xf32> -> vector<32x512xf32>
    %mul3A_168 = arith.constant 1.250000e-01 : f32
    %mul3A_169 = vector.broadcast %mul3A_168 : f32 to vector<32x512xf32>
    %mul3A_170 = arith.mulf %dot_general3A_167, %mul3A_169 : vector<32x512xf32>
    %add3A_171 = vector.broadcast %select_n3A_30 : vector<32x1xf32> to vector<32x512xf32>
    %add3A_172 = arith.addf %mul3A_170, %add3A_171 : vector<32x512xf32>
    %reduce_max3A_173 = arith.constant dense<0xFF800000> : vector<512xf32>
    %reduce_max3A_174 = vector.multi_reduction <maximumf>, %add3A_172, %reduce_max3A_173 [0] : vector<32x512xf32> to vector<512xf32>
    %broadcast_in_dim3A_175 = vector.shape_cast %reduce_max3A_174 : vector<512xf32> to vector<1x512xf32>
    %sub3A_176 = vector.broadcast %broadcast_in_dim3A_175 : vector<1x512xf32> to vector<32x512xf32>
    %sub3A_177 = arith.subf %add3A_172, %sub3A_176 : vector<32x512xf32>
    %exp3A_178 = math.exp %sub3A_177 : vector<32x512xf32>
    %reduce_sum3A_179 = arith.constant dense<0.000000e+00> : vector<512xf32>
    %reduce_sum3A_180 = vector.multi_reduction <add>, %exp3A_178, %reduce_sum3A_179 [0] : vector<32x512xf32> to vector<512xf32>
    %broadcast_in_dim3A_181 = vector.shape_cast %reduce_sum3A_180 : vector<512xf32> to vector<1x512xf32>
    %div3A_182 = arith.constant 1.000000e+00 : f32
    %div3A_183 = vector.broadcast %div3A_182 : f32 to vector<1x512xf32>
    %div3A_184 = arith.divf %div3A_183, %broadcast_in_dim3A_181 : vector<1x512xf32>
    %mul3A_185 = vector.broadcast %div3A_184 : vector<1x512xf32> to vector<32x512xf32>
    %mul3A_186 = arith.mulf %exp3A_178, %mul3A_185 : vector<32x512xf32>
    %convert_element_type3A_187 = arith.truncf %mul3A_186 : vector<32x512xf32> to vector<32x512xbf16>
    %slice3A_188 = vector.extract_strided_slice %convert_element_type3A_31 {offsets = [0, 320], sizes = [32, 64], strides = [1, 1]} : vector<32x1024xbf16> to vector<32x64xbf16>
    %dot_general3A_189 = arith.constant dense<0.000000e+00> : vector<512x64xf32>
    %dot_general3A_190 = tpu.matmul %convert_element_type3A_187, %slice3A_188, %dot_general3A_189 {dimension_numbers = #tpu.dot_dimension_numbers<[0], [0], [1], [1], [0, 1, 1, 1], [], []>, transpose_lhs_hint = false} : vector<32x512xbf16>, vector<32x64xbf16>, vector<512x64xf32> -> vector<512x64xf32>
    %slice3A_191 = vector.extract_strided_slice %convert_element_type3A {offsets = [0, 384], sizes = [32, 64], strides = [1, 1]} : vector<32x1024xbf16> to vector<32x64xbf16>
    %slice3A_192 = vector.extract_strided_slice %get3A_34 {offsets = [0, 384], sizes = [512, 64], strides = [1, 1]} : vector<512x1024xbf16> to vector<512x64xbf16>
    %dot_general3A_193 = arith.constant dense<0.000000e+00> : vector<32x512xf32>
    %dot_general3A_194 = tpu.matmul %slice3A_191, %slice3A_192, %dot_general3A_193 {dimension_numbers = #tpu.dot_dimension_numbers<[1], [1], [0], [0], [0, 0, 1, 0], [], []>, transpose_lhs_hint = false} : vector<32x64xbf16>, vector<512x64xbf16>, vector<32x512xf32> -> vector<32x512xf32>
    %mul3A_195 = arith.constant 1.250000e-01 : f32
    %mul3A_196 = vector.broadcast %mul3A_195 : f32 to vector<32x512xf32>
    %mul3A_197 = arith.mulf %dot_general3A_194, %mul3A_196 : vector<32x512xf32>
    %add3A_198 = vector.broadcast %select_n3A_30 : vector<32x1xf32> to vector<32x512xf32>
    %add3A_199 = arith.addf %mul3A_197, %add3A_198 : vector<32x512xf32>
    %reduce_max3A_200 = arith.constant dense<0xFF800000> : vector<512xf32>
    %reduce_max3A_201 = vector.multi_reduction <maximumf>, %add3A_199, %reduce_max3A_200 [0] : vector<32x512xf32> to vector<512xf32>
    %broadcast_in_dim3A_202 = vector.shape_cast %reduce_max3A_201 : vector<512xf32> to vector<1x512xf32>
    %sub3A_203 = vector.broadcast %broadcast_in_dim3A_202 : vector<1x512xf32> to vector<32x512xf32>
    %sub3A_204 = arith.subf %add3A_199, %sub3A_203 : vector<32x512xf32>
    %exp3A_205 = math.exp %sub3A_204 : vector<32x512xf32>
    %reduce_sum3A_206 = arith.constant dense<0.000000e+00> : vector<512xf32>
    %reduce_sum3A_207 = vector.multi_reduction <add>, %exp3A_205, %reduce_sum3A_206 [0] : vector<32x512xf32> to vector<512xf32>
    %broadcast_in_dim3A_208 = vector.shape_cast %reduce_sum3A_207 : vector<512xf32> to vector<1x512xf32>
    %div3A_209 = arith.constant 1.000000e+00 : f32
    %div3A_210 = vector.broadcast %div3A_209 : f32 to vector<1x512xf32>
    %div3A_211 = arith.divf %div3A_210, %broadcast_in_dim3A_208 : vector<1x512xf32>
    %mul3A_212 = vector.broadcast %div3A_211 : vector<1x512xf32> to vector<32x512xf32>
    %mul3A_213 = arith.mulf %exp3A_205, %mul3A_212 : vector<32x512xf32>
    %convert_element_type3A_214 = arith.truncf %mul3A_213 : vector<32x512xf32> to vector<32x512xbf16>
    %slice3A_215 = vector.extract_strided_slice %convert_element_type3A_31 {offsets = [0, 384], sizes = [32, 64], strides = [1, 1]} : vector<32x1024xbf16> to vector<32x64xbf16>
    %dot_general3A_216 = arith.constant dense<0.000000e+00> : vector<512x64xf32>
    %dot_general3A_217 = tpu.matmul %convert_element_type3A_214, %slice3A_215, %dot_general3A_216 {dimension_numbers = #tpu.dot_dimension_numbers<[0], [0], [1], [1], [0, 1, 1, 1], [], []>, transpose_lhs_hint = false} : vector<32x512xbf16>, vector<32x64xbf16>, vector<512x64xf32> -> vector<512x64xf32>
    %slice3A_218 = vector.extract_strided_slice %convert_element_type3A {offsets = [0, 448], sizes = [32, 64], strides = [1, 1]} : vector<32x1024xbf16> to vector<32x64xbf16>
    %slice3A_219 = vector.extract_strided_slice %get3A_34 {offsets = [0, 448], sizes = [512, 64], strides = [1, 1]} : vector<512x1024xbf16> to vector<512x64xbf16>
    %dot_general3A_220 = arith.constant dense<0.000000e+00> : vector<32x512xf32>
    %dot_general3A_221 = tpu.matmul %slice3A_218, %slice3A_219, %dot_general3A_220 {dimension_numbers = #tpu.dot_dimension_numbers<[1], [1], [0], [0], [0, 0, 1, 0], [], []>, transpose_lhs_hint = false} : vector<32x64xbf16>, vector<512x64xbf16>, vector<32x512xf32> -> vector<32x512xf32>
    %mul3A_222 = arith.constant 1.250000e-01 : f32
    %mul3A_223 = vector.broadcast %mul3A_222 : f32 to vector<32x512xf32>
    %mul3A_224 = arith.mulf %dot_general3A_221, %mul3A_223 : vector<32x512xf32>
    %add3A_225 = vector.broadcast %select_n3A_30 : vector<32x1xf32> to vector<32x512xf32>
    %add3A_226 = arith.addf %mul3A_224, %add3A_225 : vector<32x512xf32>
    %reduce_max3A_227 = arith.constant dense<0xFF800000> : vector<512xf32>
    %reduce_max3A_228 = vector.multi_reduction <maximumf>, %add3A_226, %reduce_max3A_227 [0] : vector<32x512xf32> to vector<512xf32>
    %broadcast_in_dim3A_229 = vector.shape_cast %reduce_max3A_228 : vector<512xf32> to vector<1x512xf32>
    %sub3A_230 = vector.broadcast %broadcast_in_dim3A_229 : vector<1x512xf32> to vector<32x512xf32>
    %sub3A_231 = arith.subf %add3A_226, %sub3A_230 : vector<32x512xf32>
    %exp3A_232 = math.exp %sub3A_231 : vector<32x512xf32>
    %reduce_sum3A_233 = arith.constant dense<0.000000e+00> : vector<512xf32>
    %reduce_sum3A_234 = vector.multi_reduction <add>, %exp3A_232, %reduce_sum3A_233 [0] : vector<32x512xf32> to vector<512xf32>
    %broadcast_in_dim3A_235 = vector.shape_cast %reduce_sum3A_234 : vector<512xf32> to vector<1x512xf32>
    %div3A_236 = arith.constant 1.000000e+00 : f32
    %div3A_237 = vector.broadcast %div3A_236 : f32 to vector<1x512xf32>
    %div3A_238 = arith.divf %div3A_237, %broadcast_in_dim3A_235 : vector<1x512xf32>
    %mul3A_239 = vector.broadcast %div3A_238 : vector<1x512xf32> to vector<32x512xf32>
    %mul3A_240 = arith.mulf %exp3A_232, %mul3A_239 : vector<32x512xf32>
    %convert_element_type3A_241 = arith.truncf %mul3A_240 : vector<32x512xf32> to vector<32x512xbf16>
    %slice3A_242 = vector.extract_strided_slice %convert_element_type3A_31 {offsets = [0, 448], sizes = [32, 64], strides = [1, 1]} : vector<32x1024xbf16> to vector<32x64xbf16>
    %dot_general3A_243 = arith.constant dense<0.000000e+00> : vector<512x64xf32>
    %dot_general3A_244 = tpu.matmul %convert_element_type3A_241, %slice3A_242, %dot_general3A_243 {dimension_numbers = #tpu.dot_dimension_numbers<[0], [0], [1], [1], [0, 1, 1, 1], [], []>, transpose_lhs_hint = false} : vector<32x512xbf16>, vector<32x64xbf16>, vector<512x64xf32> -> vector<512x64xf32>
    %slice3A_245 = vector.extract_strided_slice %convert_element_type3A {offsets = [0, 512], sizes = [32, 64], strides = [1, 1]} : vector<32x1024xbf16> to vector<32x64xbf16>
    %slice3A_246 = vector.extract_strided_slice %get3A_34 {offsets = [0, 512], sizes = [512, 64], strides = [1, 1]} : vector<512x1024xbf16> to vector<512x64xbf16>
    %dot_general3A_247 = arith.constant dense<0.000000e+00> : vector<32x512xf32>
    %dot_general3A_248 = tpu.matmul %slice3A_245, %slice3A_246, %dot_general3A_247 {dimension_numbers = #tpu.dot_dimension_numbers<[1], [1], [0], [0], [0, 0, 1, 0], [], []>, transpose_lhs_hint = false} : vector<32x64xbf16>, vector<512x64xbf16>, vector<32x512xf32> -> vector<32x512xf32>
    %mul3A_249 = arith.constant 1.250000e-01 : f32
    %mul3A_250 = vector.broadcast %mul3A_249 : f32 to vector<32x512xf32>
    %mul3A_251 = arith.mulf %dot_general3A_248, %mul3A_250 : vector<32x512xf32>
    %add3A_252 = vector.broadcast %select_n3A_30 : vector<32x1xf32> to vector<32x512xf32>
    %add3A_253 = arith.addf %mul3A_251, %add3A_252 : vector<32x512xf32>
    %reduce_max3A_254 = arith.constant dense<0xFF800000> : vector<512xf32>
    %reduce_max3A_255 = vector.multi_reduction <maximumf>, %add3A_253, %reduce_max3A_254 [0] : vector<32x512xf32> to vector<512xf32>
    %broadcast_in_dim3A_256 = vector.shape_cast %reduce_max3A_255 : vector<512xf32> to vector<1x512xf32>
    %sub3A_257 = vector.broadcast %broadcast_in_dim3A_256 : vector<1x512xf32> to vector<32x512xf32>
    %sub3A_258 = arith.subf %add3A_253, %sub3A_257 : vector<32x512xf32>
    %exp3A_259 = math.exp %sub3A_258 : vector<32x512xf32>
    %reduce_sum3A_260 = arith.constant dense<0.000000e+00> : vector<512xf32>
    %reduce_sum3A_261 = vector.multi_reduction <add>, %exp3A_259, %reduce_sum3A_260 [0] : vector<32x512xf32> to vector<512xf32>
    %broadcast_in_dim3A_262 = vector.shape_cast %reduce_sum3A_261 : vector<512xf32> to vector<1x512xf32>
    %div3A_263 = arith.constant 1.000000e+00 : f32
    %div3A_264 = vector.broadcast %div3A_263 : f32 to vector<1x512xf32>
    %div3A_265 = arith.divf %div3A_264, %broadcast_in_dim3A_262 : vector<1x512xf32>
    %mul3A_266 = vector.broadcast %div3A_265 : vector<1x512xf32> to vector<32x512xf32>
    %mul3A_267 = arith.mulf %exp3A_259, %mul3A_266 : vector<32x512xf32>
    %convert_element_type3A_268 = arith.truncf %mul3A_267 : vector<32x512xf32> to vector<32x512xbf16>
    %slice3A_269 = vector.extract_strided_slice %convert_element_type3A_31 {offsets = [0, 512], sizes = [32, 64], strides = [1, 1]} : vector<32x1024xbf16> to vector<32x64xbf16>
    %dot_general3A_270 = arith.constant dense<0.000000e+00> : vector<512x64xf32>
    %dot_general3A_271 = tpu.matmul %convert_element_type3A_268, %slice3A_269, %dot_general3A_270 {dimension_numbers = #tpu.dot_dimension_numbers<[0], [0], [1], [1], [0, 1, 1, 1], [], []>, transpose_lhs_hint = false} : vector<32x512xbf16>, vector<32x64xbf16>, vector<512x64xf32> -> vector<512x64xf32>
    %slice3A_272 = vector.extract_strided_slice %convert_element_type3A {offsets = [0, 576], sizes = [32, 64], strides = [1, 1]} : vector<32x1024xbf16> to vector<32x64xbf16>
    %slice3A_273 = vector.extract_strided_slice %get3A_34 {offsets = [0, 576], sizes = [512, 64], strides = [1, 1]} : vector<512x1024xbf16> to vector<512x64xbf16>
    %dot_general3A_274 = arith.constant dense<0.000000e+00> : vector<32x512xf32>
    %dot_general3A_275 = tpu.matmul %slice3A_272, %slice3A_273, %dot_general3A_274 {dimension_numbers = #tpu.dot_dimension_numbers<[1], [1], [0], [0], [0, 0, 1, 0], [], []>, transpose_lhs_hint = false} : vector<32x64xbf16>, vector<512x64xbf16>, vector<32x512xf32> -> vector<32x512xf32>
    %mul3A_276 = arith.constant 1.250000e-01 : f32
    %mul3A_277 = vector.broadcast %mul3A_276 : f32 to vector<32x512xf32>
    %mul3A_278 = arith.mulf %dot_general3A_275, %mul3A_277 : vector<32x512xf32>
    %add3A_279 = vector.broadcast %select_n3A_30 : vector<32x1xf32> to vector<32x512xf32>
    %add3A_280 = arith.addf %mul3A_278, %add3A_279 : vector<32x512xf32>
    %reduce_max3A_281 = arith.constant dense<0xFF800000> : vector<512xf32>
    %reduce_max3A_282 = vector.multi_reduction <maximumf>, %add3A_280, %reduce_max3A_281 [0] : vector<32x512xf32> to vector<512xf32>
    %broadcast_in_dim3A_283 = vector.shape_cast %reduce_max3A_282 : vector<512xf32> to vector<1x512xf32>
    %sub3A_284 = vector.broadcast %broadcast_in_dim3A_283 : vector<1x512xf32> to vector<32x512xf32>
    %sub3A_285 = arith.subf %add3A_280, %sub3A_284 : vector<32x512xf32>
    %exp3A_286 = math.exp %sub3A_285 : vector<32x512xf32>
    %reduce_sum3A_287 = arith.constant dense<0.000000e+00> : vector<512xf32>
    %reduce_sum3A_288 = vector.multi_reduction <add>, %exp3A_286, %reduce_sum3A_287 [0] : vector<32x512xf32> to vector<512xf32>
    %broadcast_in_dim3A_289 = vector.shape_cast %reduce_sum3A_288 : vector<512xf32> to vector<1x512xf32>
    %div3A_290 = arith.constant 1.000000e+00 : f32
    %div3A_291 = vector.broadcast %div3A_290 : f32 to vector<1x512xf32>
    %div3A_292 = arith.divf %div3A_291, %broadcast_in_dim3A_289 : vector<1x512xf32>
    %mul3A_293 = vector.broadcast %div3A_292 : vector<1x512xf32> to vector<32x512xf32>
    %mul3A_294 = arith.mulf %exp3A_286, %mul3A_293 : vector<32x512xf32>
    %convert_element_type3A_295 = arith.truncf %mul3A_294 : vector<32x512xf32> to vector<32x512xbf16>
    %slice3A_296 = vector.extract_strided_slice %convert_element_type3A_31 {offsets = [0, 576], sizes = [32, 64], strides = [1, 1]} : vector<32x1024xbf16> to vector<32x64xbf16>
    %dot_general3A_297 = arith.constant dense<0.000000e+00> : vector<512x64xf32>
    %dot_general3A_298 = tpu.matmul %convert_element_type3A_295, %slice3A_296, %dot_general3A_297 {dimension_numbers = #tpu.dot_dimension_numbers<[0], [0], [1], [1], [0, 1, 1, 1], [], []>, transpose_lhs_hint = false} : vector<32x512xbf16>, vector<32x64xbf16>, vector<512x64xf32> -> vector<512x64xf32>
    %slice3A_299 = vector.extract_strided_slice %convert_element_type3A {offsets = [0, 640], sizes = [32, 64], strides = [1, 1]} : vector<32x1024xbf16> to vector<32x64xbf16>
    %slice3A_300 = vector.extract_strided_slice %get3A_34 {offsets = [0, 640], sizes = [512, 64], strides = [1, 1]} : vector<512x1024xbf16> to vector<512x64xbf16>
    %dot_general3A_301 = arith.constant dense<0.000000e+00> : vector<32x512xf32>
    %dot_general3A_302 = tpu.matmul %slice3A_299, %slice3A_300, %dot_general3A_301 {dimension_numbers = #tpu.dot_dimension_numbers<[1], [1], [0], [0], [0, 0, 1, 0], [], []>, transpose_lhs_hint = false} : vector<32x64xbf16>, vector<512x64xbf16>, vector<32x512xf32> -> vector<32x512xf32>
    %mul3A_303 = arith.constant 1.250000e-01 : f32
    %mul3A_304 = vector.broadcast %mul3A_303 : f32 to vector<32x512xf32>
    %mul3A_305 = arith.mulf %dot_general3A_302, %mul3A_304 : vector<32x512xf32>
    %add3A_306 = vector.broadcast %select_n3A_30 : vector<32x1xf32> to vector<32x512xf32>
    %add3A_307 = arith.addf %mul3A_305, %add3A_306 : vector<32x512xf32>
    %reduce_max3A_308 = arith.constant dense<0xFF800000> : vector<512xf32>
    %reduce_max3A_309 = vector.multi_reduction <maximumf>, %add3A_307, %reduce_max3A_308 [0] : vector<32x512xf32> to vector<512xf32>
    %broadcast_in_dim3A_310 = vector.shape_cast %reduce_max3A_309 : vector<512xf32> to vector<1x512xf32>
    %sub3A_311 = vector.broadcast %broadcast_in_dim3A_310 : vector<1x512xf32> to vector<32x512xf32>
    %sub3A_312 = arith.subf %add3A_307, %sub3A_311 : vector<32x512xf32>
    %exp3A_313 = math.exp %sub3A_312 : vector<32x512xf32>
    %reduce_sum3A_314 = arith.constant dense<0.000000e+00> : vector<512xf32>
    %reduce_sum3A_315 = vector.multi_reduction <add>, %exp3A_313, %reduce_sum3A_314 [0] : vector<32x512xf32> to vector<512xf32>
    %broadcast_in_dim3A_316 = vector.shape_cast %reduce_sum3A_315 : vector<512xf32> to vector<1x512xf32>
    %div3A_317 = arith.constant 1.000000e+00 : f32
    %div3A_318 = vector.broadcast %div3A_317 : f32 to vector<1x512xf32>
    %div3A_319 = arith.divf %div3A_318, %broadcast_in_dim3A_316 : vector<1x512xf32>
    %mul3A_320 = vector.broadcast %div3A_319 : vector<1x512xf32> to vector<32x512xf32>
    %mul3A_321 = arith.mulf %exp3A_313, %mul3A_320 : vector<32x512xf32>
    %convert_element_type3A_322 = arith.truncf %mul3A_321 : vector<32x512xf32> to vector<32x512xbf16>
    %slice3A_323 = vector.extract_strided_slice %convert_element_type3A_31 {offsets = [0, 640], sizes = [32, 64], strides = [1, 1]} : vector<32x1024xbf16> to vector<32x64xbf16>
    %dot_general3A_324 = arith.constant dense<0.000000e+00> : vector<512x64xf32>
    %dot_general3A_325 = tpu.matmul %convert_element_type3A_322, %slice3A_323, %dot_general3A_324 {dimension_numbers = #tpu.dot_dimension_numbers<[0], [0], [1], [1], [0, 1, 1, 1], [], []>, transpose_lhs_hint = false} : vector<32x512xbf16>, vector<32x64xbf16>, vector<512x64xf32> -> vector<512x64xf32>
    %slice3A_326 = vector.extract_strided_slice %convert_element_type3A {offsets = [0, 704], sizes = [32, 64], strides = [1, 1]} : vector<32x1024xbf16> to vector<32x64xbf16>
    %slice3A_327 = vector.extract_strided_slice %get3A_34 {offsets = [0, 704], sizes = [512, 64], strides = [1, 1]} : vector<512x1024xbf16> to vector<512x64xbf16>
    %dot_general3A_328 = arith.constant dense<0.000000e+00> : vector<32x512xf32>
    %dot_general3A_329 = tpu.matmul %slice3A_326, %slice3A_327, %dot_general3A_328 {dimension_numbers = #tpu.dot_dimension_numbers<[1], [1], [0], [0], [0, 0, 1, 0], [], []>, transpose_lhs_hint = false} : vector<32x64xbf16>, vector<512x64xbf16>, vector<32x512xf32> -> vector<32x512xf32>
    %mul3A_330 = arith.constant 1.250000e-01 : f32
    %mul3A_331 = vector.broadcast %mul3A_330 : f32 to vector<32x512xf32>
    %mul3A_332 = arith.mulf %dot_general3A_329, %mul3A_331 : vector<32x512xf32>
    %add3A_333 = vector.broadcast %select_n3A_30 : vector<32x1xf32> to vector<32x512xf32>
    %add3A_334 = arith.addf %mul3A_332, %add3A_333 : vector<32x512xf32>
    %reduce_max3A_335 = arith.constant dense<0xFF800000> : vector<512xf32>
    %reduce_max3A_336 = vector.multi_reduction <maximumf>, %add3A_334, %reduce_max3A_335 [0] : vector<32x512xf32> to vector<512xf32>
    %broadcast_in_dim3A_337 = vector.shape_cast %reduce_max3A_336 : vector<512xf32> to vector<1x512xf32>
    %sub3A_338 = vector.broadcast %broadcast_in_dim3A_337 : vector<1x512xf32> to vector<32x512xf32>
    %sub3A_339 = arith.subf %add3A_334, %sub3A_338 : vector<32x512xf32>
    %exp3A_340 = math.exp %sub3A_339 : vector<32x512xf32>
    %reduce_sum3A_341 = arith.constant dense<0.000000e+00> : vector<512xf32>
    %reduce_sum3A_342 = vector.multi_reduction <add>, %exp3A_340, %reduce_sum3A_341 [0] : vector<32x512xf32> to vector<512xf32>
    %broadcast_in_dim3A_343 = vector.shape_cast %reduce_sum3A_342 : vector<512xf32> to vector<1x512xf32>
    %div3A_344 = arith.constant 1.000000e+00 : f32
    %div3A_345 = vector.broadcast %div3A_344 : f32 to vector<1x512xf32>
    %div3A_346 = arith.divf %div3A_345, %broadcast_in_dim3A_343 : vector<1x512xf32>
    %mul3A_347 = vector.broadcast %div3A_346 : vector<1x512xf32> to vector<32x512xf32>
    %mul3A_348 = arith.mulf %exp3A_340, %mul3A_347 : vector<32x512xf32>
    %convert_element_type3A_349 = arith.truncf %mul3A_348 : vector<32x512xf32> to vector<32x512xbf16>
    %slice3A_350 = vector.extract_strided_slice %convert_element_type3A_31 {offsets = [0, 704], sizes = [32, 64], strides = [1, 1]} : vector<32x1024xbf16> to vector<32x64xbf16>
    %dot_general3A_351 = arith.constant dense<0.000000e+00> : vector<512x64xf32>
    %dot_general3A_352 = tpu.matmul %convert_element_type3A_349, %slice3A_350, %dot_general3A_351 {dimension_numbers = #tpu.dot_dimension_numbers<[0], [0], [1], [1], [0, 1, 1, 1], [], []>, transpose_lhs_hint = false} : vector<32x512xbf16>, vector<32x64xbf16>, vector<512x64xf32> -> vector<512x64xf32>
    %slice3A_353 = vector.extract_strided_slice %convert_element_type3A {offsets = [0, 768], sizes = [32, 64], strides = [1, 1]} : vector<32x1024xbf16> to vector<32x64xbf16>
    %slice3A_354 = vector.extract_strided_slice %get3A_34 {offsets = [0, 768], sizes = [512, 64], strides = [1, 1]} : vector<512x1024xbf16> to vector<512x64xbf16>
    %dot_general3A_355 = arith.constant dense<0.000000e+00> : vector<32x512xf32>
    %dot_general3A_356 = tpu.matmul %slice3A_353, %slice3A_354, %dot_general3A_355 {dimension_numbers = #tpu.dot_dimension_numbers<[1], [1], [0], [0], [0, 0, 1, 0], [], []>, transpose_lhs_hint = false} : vector<32x64xbf16>, vector<512x64xbf16>, vector<32x512xf32> -> vector<32x512xf32>
    %mul3A_357 = arith.constant 1.250000e-01 : f32
    %mul3A_358 = vector.broadcast %mul3A_357 : f32 to vector<32x512xf32>
    %mul3A_359 = arith.mulf %dot_general3A_356, %mul3A_358 : vector<32x512xf32>
    %add3A_360 = vector.broadcast %select_n3A_30 : vector<32x1xf32> to vector<32x512xf32>
    %add3A_361 = arith.addf %mul3A_359, %add3A_360 : vector<32x512xf32>
    %reduce_max3A_362 = arith.constant dense<0xFF800000> : vector<512xf32>
    %reduce_max3A_363 = vector.multi_reduction <maximumf>, %add3A_361, %reduce_max3A_362 [0] : vector<32x512xf32> to vector<512xf32>
    %broadcast_in_dim3A_364 = vector.shape_cast %reduce_max3A_363 : vector<512xf32> to vector<1x512xf32>
    %sub3A_365 = vector.broadcast %broadcast_in_dim3A_364 : vector<1x512xf32> to vector<32x512xf32>
    %sub3A_366 = arith.subf %add3A_361, %sub3A_365 : vector<32x512xf32>
    %exp3A_367 = math.exp %sub3A_366 : vector<32x512xf32>
    %reduce_sum3A_368 = arith.constant dense<0.000000e+00> : vector<512xf32>
    %reduce_sum3A_369 = vector.multi_reduction <add>, %exp3A_367, %reduce_sum3A_368 [0] : vector<32x512xf32> to vector<512xf32>
    %broadcast_in_dim3A_370 = vector.shape_cast %reduce_sum3A_369 : vector<512xf32> to vector<1x512xf32>
    %div3A_371 = arith.constant 1.000000e+00 : f32
    %div3A_372 = vector.broadcast %div3A_371 : f32 to vector<1x512xf32>
    %div3A_373 = arith.divf %div3A_372, %broadcast_in_dim3A_370 : vector<1x512xf32>
    %mul3A_374 = vector.broadcast %div3A_373 : vector<1x512xf32> to vector<32x512xf32>
    %mul3A_375 = arith.mulf %exp3A_367, %mul3A_374 : vector<32x512xf32>
    %convert_element_type3A_376 = arith.truncf %mul3A_375 : vector<32x512xf32> to vector<32x512xbf16>
    %slice3A_377 = vector.extract_strided_slice %convert_element_type3A_31 {offsets = [0, 768], sizes = [32, 64], strides = [1, 1]} : vector<32x1024xbf16> to vector<32x64xbf16>
    %dot_general3A_378 = arith.constant dense<0.000000e+00> : vector<512x64xf32>
    %dot_general3A_379 = tpu.matmul %convert_element_type3A_376, %slice3A_377, %dot_general3A_378 {dimension_numbers = #tpu.dot_dimension_numbers<[0], [0], [1], [1], [0, 1, 1, 1], [], []>, transpose_lhs_hint = false} : vector<32x512xbf16>, vector<32x64xbf16>, vector<512x64xf32> -> vector<512x64xf32>
    %slice3A_380 = vector.extract_strided_slice %convert_element_type3A {offsets = [0, 832], sizes = [32, 64], strides = [1, 1]} : vector<32x1024xbf16> to vector<32x64xbf16>
    %slice3A_381 = vector.extract_strided_slice %get3A_34 {offsets = [0, 832], sizes = [512, 64], strides = [1, 1]} : vector<512x1024xbf16> to vector<512x64xbf16>
    %dot_general3A_382 = arith.constant dense<0.000000e+00> : vector<32x512xf32>
    %dot_general3A_383 = tpu.matmul %slice3A_380, %slice3A_381, %dot_general3A_382 {dimension_numbers = #tpu.dot_dimension_numbers<[1], [1], [0], [0], [0, 0, 1, 0], [], []>, transpose_lhs_hint = false} : vector<32x64xbf16>, vector<512x64xbf16>, vector<32x512xf32> -> vector<32x512xf32>
    %mul3A_384 = arith.constant 1.250000e-01 : f32
    %mul3A_385 = vector.broadcast %mul3A_384 : f32 to vector<32x512xf32>
    %mul3A_386 = arith.mulf %dot_general3A_383, %mul3A_385 : vector<32x512xf32>
    %add3A_387 = vector.broadcast %select_n3A_30 : vector<32x1xf32> to vector<32x512xf32>
    %add3A_388 = arith.addf %mul3A_386, %add3A_387 : vector<32x512xf32>
    %reduce_max3A_389 = arith.constant dense<0xFF800000> : vector<512xf32>
    %reduce_max3A_390 = vector.multi_reduction <maximumf>, %add3A_388, %reduce_max3A_389 [0] : vector<32x512xf32> to vector<512xf32>
    %broadcast_in_dim3A_391 = vector.shape_cast %reduce_max3A_390 : vector<512xf32> to vector<1x512xf32>
    %sub3A_392 = vector.broadcast %broadcast_in_dim3A_391 : vector<1x512xf32> to vector<32x512xf32>
    %sub3A_393 = arith.subf %add3A_388, %sub3A_392 : vector<32x512xf32>
    %exp3A_394 = math.exp %sub3A_393 : vector<32x512xf32>
    %reduce_sum3A_395 = arith.constant dense<0.000000e+00> : vector<512xf32>
    %reduce_sum3A_396 = vector.multi_reduction <add>, %exp3A_394, %reduce_sum3A_395 [0] : vector<32x512xf32> to vector<512xf32>
    %broadcast_in_dim3A_397 = vector.shape_cast %reduce_sum3A_396 : vector<512xf32> to vector<1x512xf32>
    %div3A_398 = arith.constant 1.000000e+00 : f32
    %div3A_399 = vector.broadcast %div3A_398 : f32 to vector<1x512xf32>
    %div3A_400 = arith.divf %div3A_399, %broadcast_in_dim3A_397 : vector<1x512xf32>
    %mul3A_401 = vector.broadcast %div3A_400 : vector<1x512xf32> to vector<32x512xf32>
    %mul3A_402 = arith.mulf %exp3A_394, %mul3A_401 : vector<32x512xf32>
    %convert_element_type3A_403 = arith.truncf %mul3A_402 : vector<32x512xf32> to vector<32x512xbf16>
    %slice3A_404 = vector.extract_strided_slice %convert_element_type3A_31 {offsets = [0, 832], sizes = [32, 64], strides = [1, 1]} : vector<32x1024xbf16> to vector<32x64xbf16>
    %dot_general3A_405 = arith.constant dense<0.000000e+00> : vector<512x64xf32>
    %dot_general3A_406 = tpu.matmul %convert_element_type3A_403, %slice3A_404, %dot_general3A_405 {dimension_numbers = #tpu.dot_dimension_numbers<[0], [0], [1], [1], [0, 1, 1, 1], [], []>, transpose_lhs_hint = false} : vector<32x512xbf16>, vector<32x64xbf16>, vector<512x64xf32> -> vector<512x64xf32>
    %slice3A_407 = vector.extract_strided_slice %convert_element_type3A {offsets = [0, 896], sizes = [32, 64], strides = [1, 1]} : vector<32x1024xbf16> to vector<32x64xbf16>
    %slice3A_408 = vector.extract_strided_slice %get3A_34 {offsets = [0, 896], sizes = [512, 64], strides = [1, 1]} : vector<512x1024xbf16> to vector<512x64xbf16>
    %dot_general3A_409 = arith.constant dense<0.000000e+00> : vector<32x512xf32>
    %dot_general3A_410 = tpu.matmul %slice3A_407, %slice3A_408, %dot_general3A_409 {dimension_numbers = #tpu.dot_dimension_numbers<[1], [1], [0], [0], [0, 0, 1, 0], [], []>, transpose_lhs_hint = false} : vector<32x64xbf16>, vector<512x64xbf16>, vector<32x512xf32> -> vector<32x512xf32>
    %mul3A_411 = arith.constant 1.250000e-01 : f32
    %mul3A_412 = vector.broadcast %mul3A_411 : f32 to vector<32x512xf32>
    %mul3A_413 = arith.mulf %dot_general3A_410, %mul3A_412 : vector<32x512xf32>
    %add3A_414 = vector.broadcast %select_n3A_30 : vector<32x1xf32> to vector<32x512xf32>
    %add3A_415 = arith.addf %mul3A_413, %add3A_414 : vector<32x512xf32>
    %reduce_max3A_416 = arith.constant dense<0xFF800000> : vector<512xf32>
    %reduce_max3A_417 = vector.multi_reduction <maximumf>, %add3A_415, %reduce_max3A_416 [0] : vector<32x512xf32> to vector<512xf32>
    %broadcast_in_dim3A_418 = vector.shape_cast %reduce_max3A_417 : vector<512xf32> to vector<1x512xf32>
    %sub3A_419 = vector.broadcast %broadcast_in_dim3A_418 : vector<1x512xf32> to vector<32x512xf32>
    %sub3A_420 = arith.subf %add3A_415, %sub3A_419 : vector<32x512xf32>
    %exp3A_421 = math.exp %sub3A_420 : vector<32x512xf32>
    %reduce_sum3A_422 = arith.constant dense<0.000000e+00> : vector<512xf32>
    %reduce_sum3A_423 = vector.multi_reduction <add>, %exp3A_421, %reduce_sum3A_422 [0] : vector<32x512xf32> to vector<512xf32>
    %broadcast_in_dim3A_424 = vector.shape_cast %reduce_sum3A_423 : vector<512xf32> to vector<1x512xf32>
    %div3A_425 = arith.constant 1.000000e+00 : f32
    %div3A_426 = vector.broadcast %div3A_425 : f32 to vector<1x512xf32>
    %div3A_427 = arith.divf %div3A_426, %broadcast_in_dim3A_424 : vector<1x512xf32>
    %mul3A_428 = vector.broadcast %div3A_427 : vector<1x512xf32> to vector<32x512xf32>
    %mul3A_429 = arith.mulf %exp3A_421, %mul3A_428 : vector<32x512xf32>
    %convert_element_type3A_430 = arith.truncf %mul3A_429 : vector<32x512xf32> to vector<32x512xbf16>
    %slice3A_431 = vector.extract_strided_slice %convert_element_type3A_31 {offsets = [0, 896], sizes = [32, 64], strides = [1, 1]} : vector<32x1024xbf16> to vector<32x64xbf16>
    %dot_general3A_432 = arith.constant dense<0.000000e+00> : vector<512x64xf32>
    %dot_general3A_433 = tpu.matmul %convert_element_type3A_430, %slice3A_431, %dot_general3A_432 {dimension_numbers = #tpu.dot_dimension_numbers<[0], [0], [1], [1], [0, 1, 1, 1], [], []>, transpose_lhs_hint = false} : vector<32x512xbf16>, vector<32x64xbf16>, vector<512x64xf32> -> vector<512x64xf32>
    %slice3A_434 = vector.extract_strided_slice %convert_element_type3A {offsets = [0, 960], sizes = [32, 64], strides = [1, 1]} : vector<32x1024xbf16> to vector<32x64xbf16>
    %slice3A_435 = vector.extract_strided_slice %get3A_34 {offsets = [0, 960], sizes = [512, 64], strides = [1, 1]} : vector<512x1024xbf16> to vector<512x64xbf16>
    %dot_general3A_436 = arith.constant dense<0.000000e+00> : vector<32x512xf32>
    %dot_general3A_437 = tpu.matmul %slice3A_434, %slice3A_435, %dot_general3A_436 {dimension_numbers = #tpu.dot_dimension_numbers<[1], [1], [0], [0], [0, 0, 1, 0], [], []>, transpose_lhs_hint = false} : vector<32x64xbf16>, vector<512x64xbf16>, vector<32x512xf32> -> vector<32x512xf32>
    %mul3A_438 = arith.constant 1.250000e-01 : f32
    %mul3A_439 = vector.broadcast %mul3A_438 : f32 to vector<32x512xf32>
    %mul3A_440 = arith.mulf %dot_general3A_437, %mul3A_439 : vector<32x512xf32>
    %add3A_441 = vector.broadcast %select_n3A_30 : vector<32x1xf32> to vector<32x512xf32>
    %add3A_442 = arith.addf %mul3A_440, %add3A_441 : vector<32x512xf32>
    %reduce_max3A_443 = arith.constant dense<0xFF800000> : vector<512xf32>
    %reduce_max3A_444 = vector.multi_reduction <maximumf>, %add3A_442, %reduce_max3A_443 [0] : vector<32x512xf32> to vector<512xf32>
    %broadcast_in_dim3A_445 = vector.shape_cast %reduce_max3A_444 : vector<512xf32> to vector<1x512xf32>
    %sub3A_446 = vector.broadcast %broadcast_in_dim3A_445 : vector<1x512xf32> to vector<32x512xf32>
    %sub3A_447 = arith.subf %add3A_442, %sub3A_446 : vector<32x512xf32>
    %exp3A_448 = math.exp %sub3A_447 : vector<32x512xf32>
    %reduce_sum3A_449 = arith.constant dense<0.000000e+00> : vector<512xf32>
    %reduce_sum3A_450 = vector.multi_reduction <add>, %exp3A_448, %reduce_sum3A_449 [0] : vector<32x512xf32> to vector<512xf32>
    %broadcast_in_dim3A_451 = vector.shape_cast %reduce_sum3A_450 : vector<512xf32> to vector<1x512xf32>
    %div3A_452 = arith.constant 1.000000e+00 : f32
    %div3A_453 = vector.broadcast %div3A_452 : f32 to vector<1x512xf32>
    %div3A_454 = arith.divf %div3A_453, %broadcast_in_dim3A_451 : vector<1x512xf32>
    %mul3A_455 = vector.broadcast %div3A_454 : vector<1x512xf32> to vector<32x512xf32>
    %mul3A_456 = arith.mulf %exp3A_448, %mul3A_455 : vector<32x512xf32>
    %convert_element_type3A_457 = arith.truncf %mul3A_456 : vector<32x512xf32> to vector<32x512xbf16>
    %slice3A_458 = vector.extract_strided_slice %convert_element_type3A_31 {offsets = [0, 960], sizes = [32, 64], strides = [1, 1]} : vector<32x1024xbf16> to vector<32x64xbf16>
    %dot_general3A_459 = arith.constant dense<0.000000e+00> : vector<512x64xf32>
    %dot_general3A_460 = tpu.matmul %convert_element_type3A_457, %slice3A_458, %dot_general3A_459 {dimension_numbers = #tpu.dot_dimension_numbers<[0], [0], [1], [1], [0, 1, 1, 1], [], []>, transpose_lhs_hint = false} : vector<32x512xbf16>, vector<32x64xbf16>, vector<512x64xf32> -> vector<512x64xf32>
    %concatenate3A = tpu.concatenate %dot_general3A_55, %dot_general3A_82, %dot_general3A_109, %dot_general3A_136, %dot_general3A_163, %dot_general3A_190, %dot_general3A_217, %dot_general3A_244, %dot_general3A_271, %dot_general3A_298, %dot_general3A_325, %dot_general3A_352, %dot_general3A_379, %dot_general3A_406, %dot_general3A_433, %dot_general3A_460 in 1 : vector<512x64xf32>, vector<512x64xf32>, vector<512x64xf32>, vector<512x64xf32>, vector<512x64xf32>, vector<512x64xf32>, vector<512x64xf32>, vector<512x64xf32>, vector<512x64xf32>, vector<512x64xf32>, vector<512x64xf32>, vector<512x64xf32>, vector<512x64xf32>, vector<512x64xf32>, vector<512x64xf32>, vector<512x64xf32> -> vector<512x1024xf32>
    %get3A_461 = arith.constant 0 : index
    %get3A_462 = arith.constant 0 : index
    %get3A_463 = vector.load %arg1[%get3A_461, %get3A_462] : memref<512x1024xf32, #tpu.memory_space<vmem>>, vector<512x1024xf32>
    %add3A_464 = arith.addf %get3A_463, %concatenate3A : vector<512x1024xf32>
    %get3A_465 = arith.constant 0 : index
    %get3A_466 = arith.constant 0 : index
    %get3A_467 = vector.load %arg6[%get3A_465, %get3A_466] : memref<1x1024xf32, #tpu.memory_space<vmem>>, vector<1x1024xf32>
    %get3A_468 = arith.constant 0 : index
    %get3A_469 = arith.constant 0 : index
    %get3A_470 = vector.load %arg7[%get3A_468, %get3A_469] : memref<1x1024xf32, #tpu.memory_space<vmem>>, vector<1x1024xf32>
    %reduce_sum3A_471 = arith.constant dense<0.000000e+00> : vector<512xf32>
    %reduce_sum3A_472 = vector.multi_reduction <add>, %add3A_464, %reduce_sum3A_471 [1] : vector<512x1024xf32> to vector<512xf32>
    %broadcast_in_dim3A_473 = vector.shape_cast %reduce_sum3A_472 : vector<512xf32> to vector<512x1xf32>
    %div3A_474 = arith.constant 1.024000e+03 : f32
    %div3A_475 = vector.broadcast %div3A_474 : f32 to vector<512x1xf32>
    %div3A_476 = arith.divf %broadcast_in_dim3A_473, %div3A_475 : vector<512x1xf32>
    %sub3A_477 = vector.broadcast %div3A_476 : vector<512x1xf32> to vector<512x1024xf32>
    %sub3A_478 = arith.subf %add3A_464, %sub3A_477 : vector<512x1024xf32>
    %integer_pow3A = arith.mulf %sub3A_478, %sub3A_478 : vector<512x1024xf32>
    %reduce_sum3A_479 = arith.constant dense<0.000000e+00> : vector<512xf32>
    %reduce_sum3A_480 = vector.multi_reduction <add>, %integer_pow3A, %reduce_sum3A_479 [1] : vector<512x1024xf32> to vector<512xf32>
    %broadcast_in_dim3A_481 = vector.shape_cast %reduce_sum3A_480 : vector<512xf32> to vector<512x1xf32>
    %div3A_482 = arith.constant 1.024000e+03 : f32
    %div3A_483 = vector.broadcast %div3A_482 : f32 to vector<512x1xf32>
    %div3A_484 = arith.divf %broadcast_in_dim3A_481, %div3A_483 : vector<512x1xf32>
    %sub3A_485 = vector.broadcast %div3A_476 : vector<512x1xf32> to vector<512x1024xf32>
    %sub3A_486 = arith.subf %add3A_464, %sub3A_485 : vector<512x1024xf32>
    %add3A_487 = arith.constant 9.99999974E-6 : f32
    %add3A_488 = vector.broadcast %add3A_487 : f32 to vector<512x1xf32>
    %add3A_489 = arith.addf %div3A_484, %add3A_488 : vector<512x1xf32>
    %sqrt3A = math.sqrt %add3A_489 : vector<512x1xf32>
    %div3A_490 = vector.broadcast %sqrt3A : vector<512x1xf32> to vector<512x1024xf32>
    %div3A_491 = arith.divf %sub3A_486, %div3A_490 : vector<512x1024xf32>
    %mul3A_492 = vector.broadcast %get3A_467 : vector<1x1024xf32> to vector<512x1024xf32>
    %mul3A_493 = arith.mulf %div3A_491, %mul3A_492 : vector<512x1024xf32>
    %add3A_494 = vector.broadcast %get3A_470 : vector<1x1024xf32> to vector<512x1024xf32>
    %add3A_495 = arith.addf %mul3A_493, %add3A_494 : vector<512x1024xf32>
    %convert_element_type3A_496 = arith.truncf %add3A_495 : vector<512x1024xf32> to vector<512x1024xbf16>
    %get3A_497 = arith.constant 0 : index
    %get3A_498 = arith.constant 0 : index
    %get3A_499 = vector.load %arg8[%get3A_497, %get3A_498] : memref<4096x1024xbf16, #tpu.memory_space<vmem>>, vector<4096x1024xbf16>
    %dot_general3A_500 = arith.constant dense<0.000000e+00> : vector<512x4096xf32>
    %dot_general3A_501 = tpu.matmul %convert_element_type3A_496, %get3A_499, %dot_general3A_500 {dimension_numbers = #tpu.dot_dimension_numbers<[1], [1], [0], [0], [0, 0, 1, 0], [], []>, transpose_lhs_hint = false} : vector<512x1024xbf16>, vector<4096x1024xbf16>, vector<512x4096xf32> -> vector<512x4096xf32>
    %get3A_502 = arith.constant 0 : index
    %get3A_503 = arith.constant 0 : index
    %get3A_504 = vector.load %arg9[%get3A_502, %get3A_503] : memref<1x4096xf32, #tpu.memory_space<vmem>>, vector<1x4096xf32>
    %add3A_505 = vector.broadcast %get3A_504 : vector<1x4096xf32> to vector<512x4096xf32>
    %add3A_506 = arith.addf %dot_general3A_501, %add3A_505 : vector<512x4096xf32>
    %mul3A_507 = arith.constant 5.000000e-01 : f32
    %mul3A_508 = vector.broadcast %mul3A_507 : f32 to vector<512x4096xf32>
    %mul3A_509 = arith.mulf %mul3A_508, %add3A_506 : vector<512x4096xf32>
    %mul3A_510 = arith.constant 0.707106769 : f32
    %mul3A_511 = vector.broadcast %mul3A_510 : f32 to vector<512x4096xf32>
    %mul3A_512 = arith.mulf %add3A_506, %mul3A_511 : vector<512x4096xf32>
    %erf3A = math.erf %mul3A_512 : vector<512x4096xf32>
    %add3A_513 = arith.constant 1.000000e+00 : f32
    %add3A_514 = vector.broadcast %add3A_513 : f32 to vector<512x4096xf32>
    %add3A_515 = arith.addf %add3A_514, %erf3A : vector<512x4096xf32>
    %mul3A_516 = arith.mulf %mul3A_509, %add3A_515 : vector<512x4096xf32>
    %convert_element_type3A_517 = arith.truncf %mul3A_516 : vector<512x4096xf32> to vector<512x4096xbf16>
    %get3A_518 = arith.constant 0 : index
    %get3A_519 = arith.constant 0 : index
    %get3A_520 = vector.load %arg10[%get3A_518, %get3A_519] : memref<1024x4096xbf16, #tpu.memory_space<vmem>>, vector<1024x4096xbf16>
    %dot_general3A_521 = arith.constant dense<0.000000e+00> : vector<512x1024xf32>
    %dot_general3A_522 = tpu.matmul %convert_element_type3A_517, %get3A_520, %dot_general3A_521 {dimension_numbers = #tpu.dot_dimension_numbers<[1], [1], [0], [0], [0, 0, 1, 0], [], []>, transpose_lhs_hint = false} : vector<512x4096xbf16>, vector<1024x4096xbf16>, vector<512x1024xf32> -> vector<512x1024xf32>
    %add3A_523 = arith.addf %add3A_464, %dot_general3A_522 : vector<512x1024xf32>
    %get3A_524 = arith.constant 0 : index
    %get3A_525 = arith.constant 0 : index
    %get3A_526 = vector.load %arg11[%get3A_524, %get3A_525] : memref<1x1024xf32, #tpu.memory_space<vmem>>, vector<1x1024xf32>
    %add3A_527 = vector.broadcast %get3A_526 : vector<1x1024xf32> to vector<512x1024xf32>
    %add3A_528 = arith.addf %add3A_523, %add3A_527 : vector<512x1024xf32>
    %swap3A = arith.constant 0 : index
    %swap3A_529 = arith.constant 0 : index
    %swap3A_530 = vector.load %arg12[%swap3A, %swap3A_529] : memref<512x1024xf32, #tpu.memory_space<vmem>>, vector<512x1024xf32>
    tpu.vector_store %arg12[%swap3A, %swap3A_529], %add3A_528 {strides = array<i32>} : memref<512x1024xf32, #tpu.memory_space<vmem>>, vector<512x1024xf32>,
    return
  }
  func.func @transform_0(%arg0: i32) -> (i32, i32) {
    %c0_i32 = arith.constant 0 : i32
    %c0_i32_0 = arith.constant 0 : i32
    return %arg0, %c0_i32 : i32, i32
  }
  func.func @transform_1(%arg0: i32) -> (i32, i32) {
    %c0_i32 = arith.constant 0 : i32
    %c0_i32_0 = arith.constant 0 : i32
    return %arg0, %c0_i32 : i32, i32
  }
  func.func @transform_2(%arg0: i32) -> (i32, i32) {
    %c0_i32 = arith.constant 0 : i32
    %c0_i32_0 = arith.constant 0 : i32
    %c0_i32_1 = arith.constant 0 : i32
    return %c0_i32, %c0_i32_0 : i32, i32
  }
  func.func @transform_3(%arg0: i32) -> (i32, i32) {
    %c0_i32 = arith.constant 0 : i32
    %c0_i32_0 = arith.constant 0 : i32
    %c0_i32_1 = arith.constant 0 : i32
    return %c0_i32, %c0_i32_0 : i32, i32
  }
  func.func @transform_4(%arg0: i32) -> (i32, i32) {
    %c0_i32 = arith.constant 0 : i32
    %c0_i32_0 = arith.constant 0 : i32
    %c0_i32_1 = arith.constant 0 : i32
    return %c0_i32, %c0_i32_0 : i32, i32
  }
  func.func @transform_5(%arg0: i32) -> (i32, i32) {
    %c0_i32 = arith.constant 0 : i32
    %c0_i32_0 = arith.constant 0 : i32
    %c0_i32_1 = arith.constant 0 : i32
    return %c0_i32, %c0_i32_0 : i32, i32
  }
  func.func @transform_6(%arg0: i32) -> (i32, i32) {
    %c0_i32 = arith.constant 0 : i32
    %c0_i32_0 = arith.constant 0 : i32
    %c0_i32_1 = arith.constant 0 : i32
    return %c0_i32, %c0_i32_0 : i32, i32
  }
  func.func @transform_7(%arg0: i32) -> (i32, i32) {
    %c0_i32 = arith.constant 0 : i32
    %c0_i32_0 = arith.constant 0 : i32
    %c0_i32_1 = arith.constant 0 : i32
    return %c0_i32, %c0_i32_0 : i32, i32
  }
  func.func @transform_8(%arg0: i32) -> (i32, i32) {
    %c0_i32 = arith.constant 0 : i32
    %c0_i32_0 = arith.constant 0 : i32
    %c0_i32_1 = arith.constant 0 : i32
    return %c0_i32, %c0_i32_0 : i32, i32
  }
  func.func @transform_9(%arg0: i32) -> (i32, i32) {
    %c0_i32 = arith.constant 0 : i32
    %c0_i32_0 = arith.constant 0 : i32
    %c0_i32_1 = arith.constant 0 : i32
    return %c0_i32, %c0_i32_0 : i32, i32
  }
  func.func @transform_10(%arg0: i32) -> (i32, i32) {
    %c0_i32 = arith.constant 0 : i32
    %c0_i32_0 = arith.constant 0 : i32
    %c0_i32_1 = arith.constant 0 : i32
    return %c0_i32, %c0_i32_0 : i32, i32
  }
  func.func @transform_11(%arg0: i32) -> (i32, i32) {
    %c0_i32 = arith.constant 0 : i32
    %c0_i32_0 = arith.constant 0 : i32
    return %arg0, %c0_i32 : i32, i32
  }
}

module attributes {stable_mosaic.version = 14 : i64} {
  func.func @_p2_body(%arg0: memref<32x16x1024xf32, #tpu.memory_space<vmem>>, %arg1: memref<2x16x1024xf32, #tpu.memory_space<vmem>>, %arg2: memref<2x32x128xf32, #tpu.memory_space<vmem>>, %arg3: memref<2048x1024xf32, #tpu.memory_space<vmem>>, %arg4: memref<64x1024xf32, #tpu.memory_space<vmem>>, %arg5: memref<64x1024xf32, #tpu.memory_space<vmem>>, %arg6: memref<64x16xf32, #tpu.memory_space<vmem>>) attributes {dimension_semantics = [], scalar_prefetch = 0 : i64, scratch_operands = 0 : i64, tpu.core_type = #tpu.core_type<tc>} {
    %get3A = arith.constant 0 : index
    %get3A_0 = arith.constant 0 : index
    %get3A_1 = arith.constant 0 : index
    %get3A_2 = vector.load %arg0[%get3A, %get3A_0, %get3A_1] : memref<32x16x1024xf32, #tpu.memory_space<vmem>>, vector<1x16x1024xf32>
    %get3A_3 = vector.shape_cast %get3A_2 : vector<1x16x1024xf32> to vector<16x1024xf32>
    %get3A_4 = arith.constant 1 : index
    %get3A_5 = arith.constant 0 : index
    %get3A_6 = arith.constant 0 : index
    %get3A_7 = vector.load %arg0[%get3A_4, %get3A_5, %get3A_6] : memref<32x16x1024xf32, #tpu.memory_space<vmem>>, vector<1x16x1024xf32>
    %get3A_8 = vector.shape_cast %get3A_7 : vector<1x16x1024xf32> to vector<16x1024xf32>
    %add3A = arith.addf %get3A_3, %get3A_8 : vector<16x1024xf32>
    %get3A_9 = arith.constant 2 : index
    %get3A_10 = arith.constant 0 : index
    %get3A_11 = arith.constant 0 : index
    %get3A_12 = vector.load %arg0[%get3A_9, %get3A_10, %get3A_11] : memref<32x16x1024xf32, #tpu.memory_space<vmem>>, vector<1x16x1024xf32>
    %get3A_13 = vector.shape_cast %get3A_12 : vector<1x16x1024xf32> to vector<16x1024xf32>
    %add3A_14 = arith.addf %add3A, %get3A_13 : vector<16x1024xf32>
    %get3A_15 = arith.constant 3 : index
    %get3A_16 = arith.constant 0 : index
    %get3A_17 = arith.constant 0 : index
    %get3A_18 = vector.load %arg0[%get3A_15, %get3A_16, %get3A_17] : memref<32x16x1024xf32, #tpu.memory_space<vmem>>, vector<1x16x1024xf32>
    %get3A_19 = vector.shape_cast %get3A_18 : vector<1x16x1024xf32> to vector<16x1024xf32>
    %add3A_20 = arith.addf %add3A_14, %get3A_19 : vector<16x1024xf32>
    %get3A_21 = arith.constant 4 : index
    %get3A_22 = arith.constant 0 : index
    %get3A_23 = arith.constant 0 : index
    %get3A_24 = vector.load %arg0[%get3A_21, %get3A_22, %get3A_23] : memref<32x16x1024xf32, #tpu.memory_space<vmem>>, vector<1x16x1024xf32>
    %get3A_25 = vector.shape_cast %get3A_24 : vector<1x16x1024xf32> to vector<16x1024xf32>
    %add3A_26 = arith.addf %add3A_20, %get3A_25 : vector<16x1024xf32>
    %get3A_27 = arith.constant 5 : index
    %get3A_28 = arith.constant 0 : index
    %get3A_29 = arith.constant 0 : index
    %get3A_30 = vector.load %arg0[%get3A_27, %get3A_28, %get3A_29] : memref<32x16x1024xf32, #tpu.memory_space<vmem>>, vector<1x16x1024xf32>
    %get3A_31 = vector.shape_cast %get3A_30 : vector<1x16x1024xf32> to vector<16x1024xf32>
    %add3A_32 = arith.addf %add3A_26, %get3A_31 : vector<16x1024xf32>
    %get3A_33 = arith.constant 6 : index
    %get3A_34 = arith.constant 0 : index
    %get3A_35 = arith.constant 0 : index
    %get3A_36 = vector.load %arg0[%get3A_33, %get3A_34, %get3A_35] : memref<32x16x1024xf32, #tpu.memory_space<vmem>>, vector<1x16x1024xf32>
    %get3A_37 = vector.shape_cast %get3A_36 : vector<1x16x1024xf32> to vector<16x1024xf32>
    %add3A_38 = arith.addf %add3A_32, %get3A_37 : vector<16x1024xf32>
    %get3A_39 = arith.constant 7 : index
    %get3A_40 = arith.constant 0 : index
    %get3A_41 = arith.constant 0 : index
    %get3A_42 = vector.load %arg0[%get3A_39, %get3A_40, %get3A_41] : memref<32x16x1024xf32, #tpu.memory_space<vmem>>, vector<1x16x1024xf32>
    %get3A_43 = vector.shape_cast %get3A_42 : vector<1x16x1024xf32> to vector<16x1024xf32>
    %add3A_44 = arith.addf %add3A_38, %get3A_43 : vector<16x1024xf32>
    %get3A_45 = arith.constant 8 : index
    %get3A_46 = arith.constant 0 : index
    %get3A_47 = arith.constant 0 : index
    %get3A_48 = vector.load %arg0[%get3A_45, %get3A_46, %get3A_47] : memref<32x16x1024xf32, #tpu.memory_space<vmem>>, vector<1x16x1024xf32>
    %get3A_49 = vector.shape_cast %get3A_48 : vector<1x16x1024xf32> to vector<16x1024xf32>
    %add3A_50 = arith.addf %add3A_44, %get3A_49 : vector<16x1024xf32>
    %get3A_51 = arith.constant 9 : index
    %get3A_52 = arith.constant 0 : index
    %get3A_53 = arith.constant 0 : index
    %get3A_54 = vector.load %arg0[%get3A_51, %get3A_52, %get3A_53] : memref<32x16x1024xf32, #tpu.memory_space<vmem>>, vector<1x16x1024xf32>
    %get3A_55 = vector.shape_cast %get3A_54 : vector<1x16x1024xf32> to vector<16x1024xf32>
    %add3A_56 = arith.addf %add3A_50, %get3A_55 : vector<16x1024xf32>
    %get3A_57 = arith.constant 10 : index
    %get3A_58 = arith.constant 0 : index
    %get3A_59 = arith.constant 0 : index
    %get3A_60 = vector.load %arg0[%get3A_57, %get3A_58, %get3A_59] : memref<32x16x1024xf32, #tpu.memory_space<vmem>>, vector<1x16x1024xf32>
    %get3A_61 = vector.shape_cast %get3A_60 : vector<1x16x1024xf32> to vector<16x1024xf32>
    %add3A_62 = arith.addf %add3A_56, %get3A_61 : vector<16x1024xf32>
    %get3A_63 = arith.constant 11 : index
    %get3A_64 = arith.constant 0 : index
    %get3A_65 = arith.constant 0 : index
    %get3A_66 = vector.load %arg0[%get3A_63, %get3A_64, %get3A_65] : memref<32x16x1024xf32, #tpu.memory_space<vmem>>, vector<1x16x1024xf32>
    %get3A_67 = vector.shape_cast %get3A_66 : vector<1x16x1024xf32> to vector<16x1024xf32>
    %add3A_68 = arith.addf %add3A_62, %get3A_67 : vector<16x1024xf32>
    %get3A_69 = arith.constant 12 : index
    %get3A_70 = arith.constant 0 : index
    %get3A_71 = arith.constant 0 : index
    %get3A_72 = vector.load %arg0[%get3A_69, %get3A_70, %get3A_71] : memref<32x16x1024xf32, #tpu.memory_space<vmem>>, vector<1x16x1024xf32>
    %get3A_73 = vector.shape_cast %get3A_72 : vector<1x16x1024xf32> to vector<16x1024xf32>
    %add3A_74 = arith.addf %add3A_68, %get3A_73 : vector<16x1024xf32>
    %get3A_75 = arith.constant 13 : index
    %get3A_76 = arith.constant 0 : index
    %get3A_77 = arith.constant 0 : index
    %get3A_78 = vector.load %arg0[%get3A_75, %get3A_76, %get3A_77] : memref<32x16x1024xf32, #tpu.memory_space<vmem>>, vector<1x16x1024xf32>
    %get3A_79 = vector.shape_cast %get3A_78 : vector<1x16x1024xf32> to vector<16x1024xf32>
    %add3A_80 = arith.addf %add3A_74, %get3A_79 : vector<16x1024xf32>
    %get3A_81 = arith.constant 14 : index
    %get3A_82 = arith.constant 0 : index
    %get3A_83 = arith.constant 0 : index
    %get3A_84 = vector.load %arg0[%get3A_81, %get3A_82, %get3A_83] : memref<32x16x1024xf32, #tpu.memory_space<vmem>>, vector<1x16x1024xf32>
    %get3A_85 = vector.shape_cast %get3A_84 : vector<1x16x1024xf32> to vector<16x1024xf32>
    %add3A_86 = arith.addf %add3A_80, %get3A_85 : vector<16x1024xf32>
    %get3A_87 = arith.constant 15 : index
    %get3A_88 = arith.constant 0 : index
    %get3A_89 = arith.constant 0 : index
    %get3A_90 = vector.load %arg0[%get3A_87, %get3A_88, %get3A_89] : memref<32x16x1024xf32, #tpu.memory_space<vmem>>, vector<1x16x1024xf32>
    %get3A_91 = vector.shape_cast %get3A_90 : vector<1x16x1024xf32> to vector<16x1024xf32>
    %add3A_92 = arith.addf %add3A_86, %get3A_91 : vector<16x1024xf32>
    %get3A_93 = arith.constant 0 : index
    %get3A_94 = arith.constant 0 : index
    %get3A_95 = arith.constant 0 : index
    %get3A_96 = vector.load %arg1[%get3A_93, %get3A_94, %get3A_95] : memref<2x16x1024xf32, #tpu.memory_space<vmem>>, vector<1x16x1024xf32>
    %get3A_97 = vector.shape_cast %get3A_96 : vector<1x16x1024xf32> to vector<16x1024xf32>
    %concatenate3A = tpu.concatenate %add3A_92, %get3A_97 in 0 : vector<16x1024xf32>, vector<16x1024xf32> -> vector<32x1024xf32>
    %get3A_98 = arith.constant 16 : index
    %get3A_99 = arith.constant 0 : index
    %get3A_100 = arith.constant 0 : index
    %get3A_101 = vector.load %arg0[%get3A_98, %get3A_99, %get3A_100] : memref<32x16x1024xf32, #tpu.memory_space<vmem>>, vector<1x16x1024xf32>
    %get3A_102 = vector.shape_cast %get3A_101 : vector<1x16x1024xf32> to vector<16x1024xf32>
    %get3A_103 = arith.constant 17 : index
    %get3A_104 = arith.constant 0 : index
    %get3A_105 = arith.constant 0 : index
    %get3A_106 = vector.load %arg0[%get3A_103, %get3A_104, %get3A_105] : memref<32x16x1024xf32, #tpu.memory_space<vmem>>, vector<1x16x1024xf32>
    %get3A_107 = vector.shape_cast %get3A_106 : vector<1x16x1024xf32> to vector<16x1024xf32>
    %add3A_108 = arith.addf %get3A_102, %get3A_107 : vector<16x1024xf32>
    %get3A_109 = arith.constant 18 : index
    %get3A_110 = arith.constant 0 : index
    %get3A_111 = arith.constant 0 : index
    %get3A_112 = vector.load %arg0[%get3A_109, %get3A_110, %get3A_111] : memref<32x16x1024xf32, #tpu.memory_space<vmem>>, vector<1x16x1024xf32>
    %get3A_113 = vector.shape_cast %get3A_112 : vector<1x16x1024xf32> to vector<16x1024xf32>
    %add3A_114 = arith.addf %add3A_108, %get3A_113 : vector<16x1024xf32>
    %get3A_115 = arith.constant 19 : index
    %get3A_116 = arith.constant 0 : index
    %get3A_117 = arith.constant 0 : index
    %get3A_118 = vector.load %arg0[%get3A_115, %get3A_116, %get3A_117] : memref<32x16x1024xf32, #tpu.memory_space<vmem>>, vector<1x16x1024xf32>
    %get3A_119 = vector.shape_cast %get3A_118 : vector<1x16x1024xf32> to vector<16x1024xf32>
    %add3A_120 = arith.addf %add3A_114, %get3A_119 : vector<16x1024xf32>
    %get3A_121 = arith.constant 20 : index
    %get3A_122 = arith.constant 0 : index
    %get3A_123 = arith.constant 0 : index
    %get3A_124 = vector.load %arg0[%get3A_121, %get3A_122, %get3A_123] : memref<32x16x1024xf32, #tpu.memory_space<vmem>>, vector<1x16x1024xf32>
    %get3A_125 = vector.shape_cast %get3A_124 : vector<1x16x1024xf32> to vector<16x1024xf32>
    %add3A_126 = arith.addf %add3A_120, %get3A_125 : vector<16x1024xf32>
    %get3A_127 = arith.constant 21 : index
    %get3A_128 = arith.constant 0 : index
    %get3A_129 = arith.constant 0 : index
    %get3A_130 = vector.load %arg0[%get3A_127, %get3A_128, %get3A_129] : memref<32x16x1024xf32, #tpu.memory_space<vmem>>, vector<1x16x1024xf32>
    %get3A_131 = vector.shape_cast %get3A_130 : vector<1x16x1024xf32> to vector<16x1024xf32>
    %add3A_132 = arith.addf %add3A_126, %get3A_131 : vector<16x1024xf32>
    %get3A_133 = arith.constant 22 : index
    %get3A_134 = arith.constant 0 : index
    %get3A_135 = arith.constant 0 : index
    %get3A_136 = vector.load %arg0[%get3A_133, %get3A_134, %get3A_135] : memref<32x16x1024xf32, #tpu.memory_space<vmem>>, vector<1x16x1024xf32>
    %get3A_137 = vector.shape_cast %get3A_136 : vector<1x16x1024xf32> to vector<16x1024xf32>
    %add3A_138 = arith.addf %add3A_132, %get3A_137 : vector<16x1024xf32>
    %get3A_139 = arith.constant 23 : index
    %get3A_140 = arith.constant 0 : index
    %get3A_141 = arith.constant 0 : index
    %get3A_142 = vector.load %arg0[%get3A_139, %get3A_140, %get3A_141] : memref<32x16x1024xf32, #tpu.memory_space<vmem>>, vector<1x16x1024xf32>
    %get3A_143 = vector.shape_cast %get3A_142 : vector<1x16x1024xf32> to vector<16x1024xf32>
    %add3A_144 = arith.addf %add3A_138, %get3A_143 : vector<16x1024xf32>
    %get3A_145 = arith.constant 24 : index
    %get3A_146 = arith.constant 0 : index
    %get3A_147 = arith.constant 0 : index
    %get3A_148 = vector.load %arg0[%get3A_145, %get3A_146, %get3A_147] : memref<32x16x1024xf32, #tpu.memory_space<vmem>>, vector<1x16x1024xf32>
    %get3A_149 = vector.shape_cast %get3A_148 : vector<1x16x1024xf32> to vector<16x1024xf32>
    %add3A_150 = arith.addf %add3A_144, %get3A_149 : vector<16x1024xf32>
    %get3A_151 = arith.constant 25 : index
    %get3A_152 = arith.constant 0 : index
    %get3A_153 = arith.constant 0 : index
    %get3A_154 = vector.load %arg0[%get3A_151, %get3A_152, %get3A_153] : memref<32x16x1024xf32, #tpu.memory_space<vmem>>, vector<1x16x1024xf32>
    %get3A_155 = vector.shape_cast %get3A_154 : vector<1x16x1024xf32> to vector<16x1024xf32>
    %add3A_156 = arith.addf %add3A_150, %get3A_155 : vector<16x1024xf32>
    %get3A_157 = arith.constant 26 : index
    %get3A_158 = arith.constant 0 : index
    %get3A_159 = arith.constant 0 : index
    %get3A_160 = vector.load %arg0[%get3A_157, %get3A_158, %get3A_159] : memref<32x16x1024xf32, #tpu.memory_space<vmem>>, vector<1x16x1024xf32>
    %get3A_161 = vector.shape_cast %get3A_160 : vector<1x16x1024xf32> to vector<16x1024xf32>
    %add3A_162 = arith.addf %add3A_156, %get3A_161 : vector<16x1024xf32>
    %get3A_163 = arith.constant 27 : index
    %get3A_164 = arith.constant 0 : index
    %get3A_165 = arith.constant 0 : index
    %get3A_166 = vector.load %arg0[%get3A_163, %get3A_164, %get3A_165] : memref<32x16x1024xf32, #tpu.memory_space<vmem>>, vector<1x16x1024xf32>
    %get3A_167 = vector.shape_cast %get3A_166 : vector<1x16x1024xf32> to vector<16x1024xf32>
    %add3A_168 = arith.addf %add3A_162, %get3A_167 : vector<16x1024xf32>
    %get3A_169 = arith.constant 28 : index
    %get3A_170 = arith.constant 0 : index
    %get3A_171 = arith.constant 0 : index
    %get3A_172 = vector.load %arg0[%get3A_169, %get3A_170, %get3A_171] : memref<32x16x1024xf32, #tpu.memory_space<vmem>>, vector<1x16x1024xf32>
    %get3A_173 = vector.shape_cast %get3A_172 : vector<1x16x1024xf32> to vector<16x1024xf32>
    %add3A_174 = arith.addf %add3A_168, %get3A_173 : vector<16x1024xf32>
    %get3A_175 = arith.constant 29 : index
    %get3A_176 = arith.constant 0 : index
    %get3A_177 = arith.constant 0 : index
    %get3A_178 = vector.load %arg0[%get3A_175, %get3A_176, %get3A_177] : memref<32x16x1024xf32, #tpu.memory_space<vmem>>, vector<1x16x1024xf32>
    %get3A_179 = vector.shape_cast %get3A_178 : vector<1x16x1024xf32> to vector<16x1024xf32>
    %add3A_180 = arith.addf %add3A_174, %get3A_179 : vector<16x1024xf32>
    %get3A_181 = arith.constant 30 : index
    %get3A_182 = arith.constant 0 : index
    %get3A_183 = arith.constant 0 : index
    %get3A_184 = vector.load %arg0[%get3A_181, %get3A_182, %get3A_183] : memref<32x16x1024xf32, #tpu.memory_space<vmem>>, vector<1x16x1024xf32>
    %get3A_185 = vector.shape_cast %get3A_184 : vector<1x16x1024xf32> to vector<16x1024xf32>
    %add3A_186 = arith.addf %add3A_180, %get3A_185 : vector<16x1024xf32>
    %get3A_187 = arith.constant 31 : index
    %get3A_188 = arith.constant 0 : index
    %get3A_189 = arith.constant 0 : index
    %get3A_190 = vector.load %arg0[%get3A_187, %get3A_188, %get3A_189] : memref<32x16x1024xf32, #tpu.memory_space<vmem>>, vector<1x16x1024xf32>
    %get3A_191 = vector.shape_cast %get3A_190 : vector<1x16x1024xf32> to vector<16x1024xf32>
    %add3A_192 = arith.addf %add3A_186, %get3A_191 : vector<16x1024xf32>
    %get3A_193 = arith.constant 1 : index
    %get3A_194 = arith.constant 0 : index
    %get3A_195 = arith.constant 0 : index
    %get3A_196 = vector.load %arg1[%get3A_193, %get3A_194, %get3A_195] : memref<2x16x1024xf32, #tpu.memory_space<vmem>>, vector<1x16x1024xf32>
    %get3A_197 = vector.shape_cast %get3A_196 : vector<1x16x1024xf32> to vector<16x1024xf32>
    %concatenate3A_198 = tpu.concatenate %add3A_192, %get3A_197 in 0 : vector<16x1024xf32>, vector<16x1024xf32> -> vector<32x1024xf32>
    %concatenate3A_199 = tpu.concatenate %concatenate3A, %concatenate3A_198 in 0 : vector<32x1024xf32>, vector<32x1024xf32> -> vector<64x1024xf32>
    %get3A_200 = arith.constant 0 : index
    %get3A_201 = arith.constant 0 : index
    %get3A_202 = arith.constant 0 : index
    %get3A_203 = vector.load %arg2[%get3A_200, %get3A_201, %get3A_202] : memref<2x32x128xf32, #tpu.memory_space<vmem>>, vector<1x32x16xf32>
    %get3A_204 = vector.shape_cast %get3A_203 : vector<1x32x16xf32> to vector<32x16xf32>
    %get3A_205 = arith.constant 1 : index
    %get3A_206 = arith.constant 0 : index
    %get3A_207 = arith.constant 0 : index
    %get3A_208 = vector.load %arg2[%get3A_205, %get3A_206, %get3A_207] : memref<2x32x128xf32, #tpu.memory_space<vmem>>, vector<1x32x16xf32>
    %get3A_209 = vector.shape_cast %get3A_208 : vector<1x32x16xf32> to vector<32x16xf32>
    %concatenate3A_210 = tpu.concatenate %get3A_204, %get3A_209 in 0 : vector<32x16xf32>, vector<32x16xf32> -> vector<64x16xf32>
    %swap3A = arith.constant 0 : index
    %swap3A_211 = arith.constant 0 : index
    %swap3A_212 = vector.load %arg6[%swap3A, %swap3A_211] : memref<64x16xf32, #tpu.memory_space<vmem>>, vector<64x16xf32>
    tpu.vector_store %arg6[%swap3A, %swap3A_211], %concatenate3A_210 {strides = array<i32>} : memref<64x16xf32, #tpu.memory_space<vmem>>, vector<64x16xf32>,
    %slice3A = vector.extract_strided_slice %concatenate3A_210 {offsets = [0, 0], sizes = [64, 1], strides = [1, 1]} : vector<64x16xf32> to vector<64x1xf32>
    %add3A_213 = arith.constant 9.99999968E-21 : f32
    %add3A_214 = vector.broadcast %add3A_213 : f32 to vector<64x1xf32>
    %add3A_215 = arith.addf %slice3A, %add3A_214 : vector<64x1xf32>
    %div3A = arith.constant 1.000000e+00 : f32
    %div3A_216 = vector.broadcast %div3A : f32 to vector<64x1xf32>
    %div3A_217 = arith.divf %div3A_216, %add3A_215 : vector<64x1xf32>
    %mul3A = vector.broadcast %div3A_217 : vector<64x1xf32> to vector<64x1024xf32>
    %mul3A_218 = arith.mulf %concatenate3A_199, %mul3A : vector<64x1024xf32>
    %get3A_219 = arith.constant 0 : index
    %get3A_220 = arith.constant 0 : index
    %get3A_221 = vector.load %arg3[%get3A_219, %get3A_220] : memref<2048x1024xf32, #tpu.memory_space<vmem>>, vector<2048x1024xf32>
    %dot_general3A = arith.constant dense<0.000000e+00> : vector<64x2048xf32>
    %dot_general3A_222 = tpu.matmul %mul3A_218, %get3A_221, %dot_general3A {dimension_numbers = #tpu.dot_dimension_numbers<[1], [1], [0], [0], [0, 0, 1, 0], [], []>, transpose_lhs_hint = false} : vector<64x1024xf32>, vector<2048x1024xf32>, vector<64x2048xf32> -> vector<64x2048xf32>
    %slice3A_223 = vector.extract_strided_slice %dot_general3A_222 {offsets = [0, 0], sizes = [64, 1024], strides = [1, 1]} : vector<64x2048xf32> to vector<64x1024xf32>
    %swap3A_224 = arith.constant 0 : index
    %swap3A_225 = arith.constant 0 : index
    %swap3A_226 = vector.load %arg4[%swap3A_224, %swap3A_225] : memref<64x1024xf32, #tpu.memory_space<vmem>>, vector<64x1024xf32>
    tpu.vector_store %arg4[%swap3A_224, %swap3A_225], %slice3A_223 {strides = array<i32>} : memref<64x1024xf32, #tpu.memory_space<vmem>>, vector<64x1024xf32>,
    %slice3A_227 = vector.extract_strided_slice %dot_general3A_222 {offsets = [0, 1024], sizes = [64, 1024], strides = [1, 1]} : vector<64x2048xf32> to vector<64x1024xf32>
    %swap3A_228 = arith.constant 0 : index
    %swap3A_229 = arith.constant 0 : index
    %swap3A_230 = vector.load %arg5[%swap3A_228, %swap3A_229] : memref<64x1024xf32, #tpu.memory_space<vmem>>, vector<64x1024xf32>
    tpu.vector_store %arg5[%swap3A_228, %swap3A_229], %slice3A_227 {strides = array<i32>} : memref<64x1024xf32, #tpu.memory_space<vmem>>, vector<64x1024xf32>,
    return
  }
}

</mosaic_0001>

<sc_bundles>
// kernel: kernel.7.cloned.1.call-start
scs
__scs_entry_jumppad:
0x0: {  	(pc) =	sbr.rel $0x88, $3  }
0x1: {  	(tag) =	ssettag $0x0;
	lr =	simm.s32 $0x1  }
0x2: {  	[smem:$0x3F95] =	sst lr;
	_ =	strace $0xD0000000  }
0x3: {  	_ = 	snop  }
0x4: {  	_ = 	snop  }
0x5: {  	_ = 	snop  }
0x6: {  	_ = 	snop  }
0x7: {  	_ = 	snop  }
__scs_overlays_trampoline_lowered:
0x8: {  	[smem:$0x3FA4] =	sst s0  }
0x9: {  	[smem:$0x3FA5] =	sst s1  }
0xa: {  	[smem:$0x3FA6] =	sst s2  }
0xb: {  	[smem:$0x3FA7] =	sst s3  }
0xc: {  	[smem:$0x3FA8] =	sst s4  }
0xd: {  	[smem:$0x3FA9] =	sst s5  }
0xe: {  	[smem:$0x3FAA] =	sst s6  }
0xf: {  	[smem:$0x3FAB] =	sst s7  }
0x10: {  	[smem:$0x3FAC] =	sst s8  }
0x11: {  	[smem:$0x3FAD] =	sst s9;
	s0 =	simm.s32 @!p0 $0x0  }
0x12: {  	s1 =	sld [smem:$0x3F93];
	s0 =	simm.s32 @p0 $0x1  }
0x13: {  	[smem:$0x3FAE] =	sst s0;
	s0 =	simm.s32 @!p1 $0x0  }
0x14: {  	s2 =	sld [smem:$0x3F92];
	s0 =	simm.s32 @p1 $0x1  }
0x15: {  	[smem:$0x3FAF] =	sst s0;
	s0 =	simm.s32 @!p2 $0x0  }
0x16: {  	s3 =	sld [smem:$0x3FDB];
	s0 =	simm.s32 @p2 $0x1  }
0x17: {  	s4 =	simm.s32 $0x1BF5;
	[smem:$0x3FB1] =	sst s0  }
0x18: {  	s0 =	sld [smem:$0x3F94];
	_ =	swait.ge [sflag:s4], $0x0  }
0x19: {  	s7 =	sld [smem:$0x3F95]  }
0x1a: {  	s8 =	sadd.s32 $0xFFFFE003, lr  }
0x1b: {  	s9 =	sadd.s32 $0xFFFFFEF7, lr;
	s5 =	simm.s32 $0xFFFFFFFF;
	p2 =	slt.u32 s8, $0xFFFFF086  }
0x1c: {  	p1 =	slt.u32 s9, $0xF7A;
	s5 =	simm.s32 @!p2 $0x0  }
0x1d: {  	s5 =	simm.s32 @p1 $0x1;
	p0 =	seq.s32 s7, s2  }
0x1e: {  	s7 =	smul.u32 @!p0 $0xF7A, s2;
	p2 =	seq.s32 @!p0 s5, $0x0  }
0x1f: {  	s9 =	smul.u32 $0xF7A, s1;
	s8 =	simm.s32 @!p0 $0x1BF5;
	p2 =	por !p2, p0  }
0x20: {  	[sflag:s8] =	ssyncset.s32 @!p0 $0xFFFFF086;
	s6 =	sadd.s32 @!p0 s3, s7;
	s7 =	simm.s32 @!p0 $0x108  }
0x21: {  	s3 =	sadd.s32 s3, s9;
	s6 =	sadd.s32 @!p0 $0x88, s6;
	s7 =	simm.s32 @p2 $0x1082  }
0x22: {  	[simem:s7], [sflag:s8] =	dma.local @!p0 [hbm:s6], $0xF7A  }
0x23: {  	s9 =	sor.u32 $0xD0000000, s2;
	s6 =	simm.s32 $0x108;
	_ =	swait.ge @!p0 [sflag:s8], $0x0  }
0x24: {  	s3 =	sadd.s32 $0x88, s3;
	s6 =	simm.s32 @!p1 $0x1082;
	[sflag:s4] =	ssyncset.s32 $0xFFFFF086  }
0x25: {  	[simem:s6], [sflag:s4] =	dma.local [hbm:s3], $0xF7A  }
0x26: {  	[smem:$0x3F95] =	sst s1;
	(tag) =	ssettag s2;
	_ =	strace s9  }
0x27: {  	s1 =	sld [smem:$0x3FA5]  }
0x28: {  	s2 =	sld [smem:$0x3FA6]  }
0x29: {  	s4 =	sld [smem:$0x3FA8]  }
0x2a: {  	p0 =	seq.s32 s5, $0x0;
	s5 =	sld [smem:$0x3FA9]  }
0x2b: {  	s6 =	sld [smem:$0x3FAA]  }
0x2c: {  	s7 =	sld [smem:$0x3FAB]  }
0x2d: {  	s3 =	simm.s32 $0x108;
	s8 =	sld [smem:$0x3FAC]  }
0x2e: {  	s3 =	simm.s32 @!p0 $0x1082;
	s9 =	sld [smem:$0x3FAD]  }
0x2f: {  	lr =	sadd.s32 s0, s3;
	s0 =	sld [smem:$0x3FA4]  }
0x30: {  	s3 =	sld [smem:$0x3FA7]  }
0x31: {  	[smem:$0x3FB0] =	sst s10  }
0x32: {  	s10 =	sld [smem:$0x3FAE];
	_ =	sdelay $0x3  }
0x33: {  	p0 =	seq.s32 s10, $0x1;
	s10 =	sld [smem:$0x3FB0];
	_ =	sdelay $0x3  }
0x34: {  	[smem:$0x3FB0] =	sst s10  }
0x35: {  	s10 =	sld [smem:$0x3FAF];
	_ =	sdelay $0x3  }
0x36: {  	p1 =	seq.s32 s10, $0x1;
	s10 =	sld [smem:$0x3FB0];
	_ =	sdelay $0x3  }
0x37: {  	[smem:$0x3FB0] =	sst s10  }
0x38: {  	s10 =	sld [smem:$0x3FB1]  }
0x39: {  	_ = 	snop;
	(pc) =	sbr.ind lr, $3  }
0x3a: {  	_ = 	snop  }
0x3b: {  	_ = 	snop  }
0x3c: {  	p2 =	seq.s32 s10, $0x1;
	s10 =	sld [smem:$0x3FB0]  }
0x3d: {  	_ =	shalt  }
0x3e: {  	_ =	shalt  }
0x3f: {  	_ =	shalt  }
0x40: {  	_ =	shalt  }
0x41: {  	_ =	shalt  }
0x42: {  	_ =	shalt  }
0x43: {  	_ =	shalt  }
0x44: {  	_ =	shalt  }
0x45: {  	_ =	shalt  }
0x46: {  	_ =	shalt  }
0x47: {  	_ =	shalt  }
0x48: {  	_ =	shalt  }
0x49: {  	_ =	shalt  }
0x4a: {  	_ =	shalt  }
0x4b: {  	_ =	shalt  }
0x4c: {  	_ =	shalt  }
0x4d: {  	_ =	shalt  }
0x4e: {  	_ =	shalt  }
0x4f: {  	_ =	shalt  }
0x50: {  	_ =	shalt  }
0x51: {  	_ =	shalt  }
0x52: {  	_ =	shalt  }
0x53: {  	_ =	shalt  }
0x54: {  	_ =	shalt  }
0x55: {  	_ =	shalt  }
0x56: {  	_ =	shalt  }
0x57: {  	_ =	shalt  }
0x58: {  	_ =	shalt  }
0x59: {  	_ =	shalt  }
0x5a: {  	_ =	shalt  }
0x5b: {  	_ =	shalt  }
0x5c: {  	_ =	shalt  }
0x5d: {  	_ =	shalt  }
0x5e: {  	_ =	shalt  }
0x5f: {  	_ =	shalt  }
0x60: {  	_ =	shalt  }
0x61: {  	_ =	shalt  }
0x62: {  	_ =	shalt  }
0x63: {  	_ =	shalt  }
0x64: {  	_ =	shalt  }
0x65: {  	_ =	shalt  }
0x66: {  	_ =	shalt  }
0x67: {  	_ =	shalt  }
0x68: {  	_ =	shalt  }
0x69: {  	_ =	shalt  }
0x6a: {  	_ =	shalt  }
0x6b: {  	_ =	shalt  }
0x6c: {  	_ =	shalt  }
0x6d: {  	_ =	shalt  }
0x6e: {  	_ =	shalt  }
0x6f: {  	_ =	shalt  }
0x70: {  	_ =	shalt  }
0x71: {  	_ =	shalt  }
0x72: {  	_ =	shalt  }
0x73: {  	_ =	shalt  }
0x74: {  	_ =	shalt  }
0x75: {  	_ =	shalt  }
0x76: {  	_ =	shalt  }
0x77: {  	_ =	shalt  }
0x78: {  	_ =	shalt  }
0x79: {  	_ =	shalt  }
0x7a: {  	_ =	shalt  }
0x7b: {  	_ =	shalt  }
0x7c: {  	_ =	shalt  }
0x7d: {  	_ =	shalt  }
0x7e: {  	_ =	shalt  }
0x7f: {  	_ =	shalt  }
0x80: {  	_ =	shalt  }
0x81: {  	_ =	shalt  }
0x82: {  	_ =	shalt  }
0x83: {  	_ =	shalt  }
0x84: {  	_ =	shalt  }
0x85: {  	_ =	shalt  }
0x86: {  	_ =	shalt  }
0x87: {  	_ =	shalt  }
.Lfunc_end0:
.L_simem_size_0:
called_computation_lowered:
.L_overlay_start_0:
0x88: {  	s2 =	sld [smem:$0x3FD9]  }
0x89: {  	s3 =	sld [smem:$0x3FFE];
	_ =	sdelay $0x1  }
0x8a: {  	s1 =	srdreg.scid  }
0x8b: {  	s0 =	sand.u32 $0x1, s1  }
0x8c: {  	s17 =	sshll.u32 s0, $0xA;
	s2 =	sadd.s32 s3, s2  }
0x8d: {  	s2 =	sadd.s32 s2, s17  }
0x8e: {  	[smem:$0x3FBC] =	sst s2  }
0x8f: {  	_ = 	snop  }
0x90: {  	s2 =	sld [smem:$0x3FD0];
	(tm) =	ssettm $0x1  }
0x91: {  	s18 =	sld [smem:$0x3FFB];
	_ =	sdelay $0x3  }
0x92: {  	_ =	strace s18  }
0x93: {  	s3 =	sld [smem:$0x3FFC];
	_ =	sdelay $0x3  }
0x94: {  	_ =	strace s3  }
0x95: {  	s3 =	sld [smem:$0x3FFD];
	_ =	sdelay $0x3  }
0x96: {  	_ =	strace s3  }
0x97: {  	_ =	strace $0x8FFFFFFF  }
0x98: {  	s19 =	sld [smem:$0x3FDB];
	_ =	sdelay $0x1  }
0x99: {  	s4 =	simm.s32 $_scs_section_size  }
0x9a: {  	s5 =	simm.s32 $_size__tile_overlayer_lowered;
	s6 =	simm.s32 $_tile_overlayer_lowered  }
0x9b: {  	s22 =	simm.s32 $0x1BFF;
	s21 =	sshll.u32 s6, $0x1;
	s3 =	sadd.s32 s4, s19  }
0x9c: {  	s7 =	simm.s32 $0x0;
	s20 =	sshll.u32 s5, $0x1;
	s5 =	sadd.s32 s21, s3  }
0x9d: {  	[timem:s7], [sflag:s22] =	dma.local [hbm:s5], s20  }
0x9e: {  	_ =	swait.ge [sflag:s22], s20  }
0x9f: {  	s4 =	ssub.s32 $0x0, s20;
	[sflag:s22] =	ssyncset.done $0x0  }
0xa0: {  	[sflag:s22] =	ssyncadd.s32 s4;
	_ =	sdelay $0x1  }
0xa1: {  	s23 =	simm.s32 $0x1B8B  }
0xa2: {  	_ =	swait.ge [sflag:s23], $0x1  }
0xa3: {  	[sflag:s23] =	ssyncset.done $0x0  }
0xa4: {  	s25 =	simm.s32 $0x1B8E;
	s24 =	sld [smem:$0x3FFE];
	[sflag:s23] =	ssyncadd.s32 $0xFFFFFFFF  }
0xa5: {  	s26 =	simm.s32 $execute0_lowered;
	[smem:$0x3FD2] =	sst s25  }
0xa6: {  	s5 =	sshll.u32 s26, $0x1;
	_ =	strace $0x80000046;
	[dreg:$0x1] =	wrdreg $0xFFFFFFFF  }
0xa7: {  	s28 =	simm.s32 $_size_execute0_lowered;
	s3 =	sadd.s32 s3, s5;
	[dreg:$0x0] =	wrdreg $0x0  }
0xa8: {  	s5 =	sshll.u32 s28, $0x1;
	[dreg:$0x2] =	wrdreg s3  }
0xa9: {  	[dreg:$0x3] =	wrdreg s5  }
0xaa: {  	[dreg:$0x4] =	wrdreg $0xC0  }
0xab: {  	_ =	task [dreg:s7], $0x5FFFF  }
0xac: {  	[dreg:$0x1] =	wrdreg $0xFFFFFFFF  }
0xad: {  	[dreg:$0x0] =	wrdreg $0x60  }
0xae: {  	[dreg:$0x2] =	wrdreg s2  }
0xaf: {  	[dreg:$0x3] =	wrdreg s24  }
0xb0: {  	[dreg:$0x4] =	wrdreg $0x9  }
0xb1: {  	_ =	task.clear_ibuf [dreg:s7], $0x5FFFF;
	_ =	strace $0x90000046  }
0xb2: {  	s29 =	simm.s32 $0x9;
	_ =	strace $0x80000048  }
0xb3: {  	_ =	swait.ge [sflag:s29], $0x1  }
0xb4: {  	[sflag:s29] =	ssyncadd.s32 $0xFFFFFFFF  }
0xb5: {  	_ =	strace $0x90000048  }
0xb6: {  	_ =	sfence  }
0xb7: {  	s30 =	sld [smem:$0x0];
	_ =	sdelay $0x2  }
0xb8: {  	s31 =	sshll.u32 s1, $0xD;
	s1 =	sshrl.u32 s1, $0x2  }
0xb9: {  	s3 =	sand.u32 $0x4000, s31;
	s1 =	sadd.s32 s1, s30  }
0xba: {  	s0 =	sor.u32 s3, s0;
	s1 =	sshll.u32 s1, $0x11  }
0xbb: {  	s0 =	sor.u32 s1, s0  }
0xbc: {  	s0 =	sadd.s32 $0x8F2B, s0  }
0xbd: {  	[sflag:s0] =	ssyncadd.remote.s32 $0x1  }
0xbe: {  	_ =	sfence.sel $0xFFFF  }
0xbf: {  	[dreg:$0x0] =	wrdreg $0xFFFFFFFF;
	(pc) =	sbr.abs _section_cstart, $3  }
0xc0: {  	[dreg:$0x1] =	wrdreg $0xFFFFFFFF  }
0xc1: {  	_ =	task.clear_ibuf [dreg:s7], $0x2FFFF;
	_ =	strace $0x9FFFFFFF  }
0xc2: {  	(tm) =	ssettm $0x7FFFFFFF  }
0xc3: {  	_ =	shalt  }
tec
execute0_lowered:
.L_overlay_start_1:
0x0: {  	(tag) =	ssettag $0x1  }
0x1: {  	s0 =	rddreg [dreg:$0x0]  }
0x2: {  	s1 =	rddreg [dreg:$0x1]  }
0x3: {  	s3 =	srdreg.scid;
	s7 =	stileid.u32  }
0x4: {  	s2 =	simm.s32 $0x0;
	s20 =	simm.s32 $0x3;
	s21 =	simm.s32 $0x4  }
0x5: {  	s22 =	simm.s32 $0x8000;
	s23 =	simm.s32 $0x1;
	s24 =	simm.s32 $0x2  }
0x6: {  	s26 =	simm.s32 $0x5;
	s28 =	simm.s32 $0x0;
	s3 =	sand.u32 $0x1, s3  }
0x7: {  	s4 =	sshll.u32 s7, $0x1;
	[smem:$0x7FF] =	sst s2;
	s7 =	sshll.u32 s7, $0x2  }
0x8: {  	s4 =	sor.u32 s3, s4;
	_ =	strace $0x80000047;
	s3 =	ssub.s32 $0x2, s3  }
0x9: {  	s5 =	sshll.u32 s4, $0x8;
	s6 =	sshll.u32 s4, $0xB;
	s29 =	sshrl.u32 s3, $0x1  }
0xa: {  	s4 =	sshll.u32 s4, $0xF;
	s5 =	sadd.s32 s5, s1;
	s1 =	sadd.s32 s6, s1  }
0xb: {  	s15 =	ssub.s32 s3, s29;
	s3 =	sand.u32 $0x20, s7;
	s6 =	sadd.s32 s0, s4  }
0xc: {  	s30 =	sadd.s32 $0x2200, s5;
	s5 =	sadd.s32 $0x2210, s5;
	s0 =	sadd.s32 $0x1000, s6  }
0xd: {  	s31 =	sadd.s32 $0x2000, s6;
	s9 =	sadd.s32 $0x3000, s6;
	[dreg:$0x3] =	wrdreg s30  }
0xe: {  	s10 =	sadd.s32 $0x4000, s6;
	s11 =	sadd.s32 $0x5000, s6;
	[dreg:$0x4] =	wrdreg s5  }
0xf: {  	s12 =	sadd.s32 $0x6000, s6;
	s13 =	sadd.s32 $0x7000, s6;
	[dreg:$0x5] =	wrdreg s0  }
0x10: {  	v0 =	vimm.f32 $0.0e+00;
	v1 =	vlaneseq.u32;
	s14 =	sadd.s32 $0x4200, s1;
	s15 =	smax.u32 s15, $0x1;
	[dreg:$0x6] =	wrdreg s31  }
.LBB2_1:
0x11: {  	s0 =	rddreg [dreg:$0x3];
	s1 =	simm.s32 $0x80  }
0x12: {  	s4 =	simm.s32 $0x400;
	s5 =	simm.s32 $0x10000;
	s16 =	rddreg [dreg:$0x4]  }
0x13: {  	[tilespmem:s5], [sflag:$0x3] =	stream.strided.gather [hbm4b:s0+s1], $0x100, s4, s1, $0x38;
	[tilespmem:$0x14200] =	vst v63  }
0x14: {  	s17 =	simm.s32 $0x10100;
	s18 =	sand.u32 $0x2000, s2;
	s19 =	sand.u32 $0x380, s2  }
0x15: {  	[tilespmem:s17], [sflag:$0x4] =	stream.strided.gather [hbm4b:s16+s1], $0x100, s4, s1, $0x38;
	[tilespmem:$0x14200] =	vst v63  }
0x16: {  	s0 =	sor.u32 s19, s18  }
0x17: {  	[tilespmem:s2], [sflag:$0x1] =	stream.linear.gather [hbm4b:s6+s2], $0x8000, $0x38;
	[tilespmem:$0x14200] =	vst v63  }
0x18: {  	s29 =	sadd.s32 $0x10200, s0;
	[tilespmem:s0+$0x10200] =	vst v0  }
0x19: {  	[tilespmem:s29+$0x40] =	vst v0  }
0x1a: {  	[tilespmem:s29+$0x50] =	vst v0  }
0x1b: {  	[tilespmem:s29+$0x60] =	vst v0  }
0x1c: {  	[tilespmem:s29+$0x70] =	vst v0  }
0x1d: {  	[tilespmem:s29+$0x400] =	vst v0  }
0x1e: {  	[tilespmem:s29+$0x410] =	vst v0  }
0x1f: {  	[tilespmem:s29+$0x420] =	vst v0  }
0x20: {  	[tilespmem:s29+$0x430] =	vst v0  }
0x21: {  	[tilespmem:s29+$0x440] =	vst v0  }
0x22: {  	[tilespmem:s29+$0x450] =	vst v0  }
0x23: {  	[tilespmem:s29+$0x460] =	vst v0  }
0x24: {  	[tilespmem:s29+$0x470] =	vst v0  }
0x25: {  	[tilespmem:s29+$0x800] =	vst v0  }
0x26: {  	[tilespmem:s29+$0x810] =	vst v0  }
0x27: {  	[tilespmem:s29+$0x820] =	vst v0  }
0x28: {  	[tilespmem:s29+$0x830] =	vst v0  }
0x29: {  	[tilespmem:s29+$0x840] =	vst v0  }
0x2a: {  	[tilespmem:s29+$0x850] =	vst v0  }
0x2b: {  	[tilespmem:s29+$0x860] =	vst v0  }
0x2c: {  	[tilespmem:s29+$0x870] =	vst v0  }
0x2d: {  	[tilespmem:s29+$0xC00] =	vst v0  }
0x2e: {  	[tilespmem:s29+$0xC10] =	vst v0  }
0x2f: {  	[tilespmem:s29+$0xC20] =	vst v0  }
0x30: {  	[tilespmem:s29+$0xC30] =	vst v0  }
0x31: {  	[tilespmem:s29+$0xC40] =	vst v0  }
0x32: {  	[tilespmem:s29+$0xC50] =	vst v0  }
0x33: {  	[tilespmem:s29+$0xC60] =	vst v0  }
0x34: {  	[tilespmem:s29+$0xC70] =	vst v0  }
0x35: {  	[tilespmem:s29+$0x1000] =	vst v0  }
0x36: {  	[tilespmem:s29+$0x1010] =	vst v0  }
0x37: {  	[tilespmem:s29+$0x1020] =	vst v0  }
0x38: {  	[tilespmem:s29+$0x1030] =	vst v0  }
0x39: {  	[tilespmem:s29+$0x1040] =	vst v0  }
0x3a: {  	[tilespmem:s29+$0x1050] =	vst v0  }
0x3b: {  	[tilespmem:s29+$0x1060] =	vst v0  }
0x3c: {  	[tilespmem:s29+$0x1070] =	vst v0  }
0x3d: {  	[tilespmem:s29+$0x1400] =	vst v0  }
0x3e: {  	[tilespmem:s29+$0x1410] =	vst v0  }
0x3f: {  	[tilespmem:s29+$0x1420] =	vst v0  }
0x40: {  	[tilespmem:s29+$0x1430] =	vst v0  }
0x41: {  	[tilespmem:s29+$0x1440] =	vst v0  }
0x42: {  	[tilespmem:s29+$0x1450] =	vst v0  }
0x43: {  	[tilespmem:s29+$0x1460] =	vst v0  }
0x44: {  	[tilespmem:s29+$0x1470] =	vst v0  }
0x45: {  	[tilespmem:s29+$0x1800] =	vst v0  }
0x46: {  	[tilespmem:s29+$0x1810] =	vst v0  }
0x47: {  	[tilespmem:s29+$0x1820] =	vst v0  }
0x48: {  	[tilespmem:s29+$0x1830] =	vst v0  }
0x49: {  	[tilespmem:s29+$0x1840] =	vst v0  }
0x4a: {  	[tilespmem:s29+$0x1850] =	vst v0  }
0x4b: {  	[tilespmem:s29+$0x1860] =	vst v0  }
0x4c: {  	[tilespmem:s29+$0x1870] =	vst v0  }
0x4d: {  	[tilespmem:s29+$0x1C00] =	vst v0  }
0x4e: {  	[tilespmem:s29+$0x1C10] =	vst v0  }
0x4f: {  	[tilespmem:s29+$0x1C20] =	vst v0  }
0x50: {  	[tilespmem:s29+$0x1C30] =	vst v0  }
0x51: {  	[tilespmem:s29+$0x1C40] =	vst v0  }
0x52: {  	[tilespmem:s29+$0x1C50] =	vst v0  }
0x53: {  	[tilespmem:s29+$0x1C60] =	vst v0  }
0x54: {  	[tilespmem:s29+$0x10] =	vst v0  }
0x55: {  	s25 =	simm.s32 $0x400;
	s30 =	simm.s32 $0x80;
	[tilespmem:s29+$0x20] =	vst v0  }
0x56: {  	s31 =	simm.s32 $0x800;
	s1 =	sand.u32 $0x380, s30;
	s0 =	sand.u32 $0x2000, s25;
	[tilespmem:s29+$0x30] =	vst v0  }
.LBB2_2:
0x57: {  	p0 =	sne.s32 s31, $0x3C00;
	s0 =	sor.u32 s1, s0;
	[tilespmem:s29+$0x1C70] =	vst v0  }
0x58: {  	s29 =	sadd.s32 $0x10200, s0;
	[tilespmem:s0+$0x10200] =	vst v0  }
0x59: {  	[tilespmem:s29+$0x10] =	vst v0  }
0x5a: {  	[tilespmem:s29+$0x20] =	vst v0  }
0x5b: {  	[tilespmem:s29+$0x30] =	vst v0  }
0x5c: {  	[tilespmem:s29+$0x40] =	vst v0  }
0x5d: {  	[tilespmem:s29+$0x50] =	vst v0  }
0x5e: {  	[tilespmem:s29+$0x60] =	vst v0  }
0x5f: {  	[tilespmem:s29+$0x70] =	vst v0  }
0x60: {  	[tilespmem:s29+$0x400] =	vst v0  }
0x61: {  	[tilespmem:s29+$0x410] =	vst v0  }
0x62: {  	[tilespmem:s29+$0x420] =	vst v0  }
0x63: {  	[tilespmem:s29+$0x430] =	vst v0  }
0x64: {  	[tilespmem:s29+$0x440] =	vst v0  }
0x65: {  	[tilespmem:s29+$0x450] =	vst v0  }
0x66: {  	[tilespmem:s29+$0x460] =	vst v0  }
0x67: {  	[tilespmem:s29+$0x470] =	vst v0  }
0x68: {  	[tilespmem:s29+$0x800] =	vst v0  }
0x69: {  	[tilespmem:s29+$0x810] =	vst v0  }
0x6a: {  	[tilespmem:s29+$0x820] =	vst v0  }
0x6b: {  	[tilespmem:s29+$0x830] =	vst v0  }
0x6c: {  	[tilespmem:s29+$0x840] =	vst v0  }
0x6d: {  	[tilespmem:s29+$0x850] =	vst v0  }
0x6e: {  	[tilespmem:s29+$0x860] =	vst v0  }
0x6f: {  	[tilespmem:s29+$0x870] =	vst v0  }
0x70: {  	[tilespmem:s29+$0xC00] =	vst v0  }
0x71: {  	[tilespmem:s29+$0xC10] =	vst v0  }
0x72: {  	[tilespmem:s29+$0xC20] =	vst v0  }
0x73: {  	[tilespmem:s29+$0xC30] =	vst v0  }
0x74: {  	[tilespmem:s29+$0xC40] =	vst v0  }
0x75: {  	[tilespmem:s29+$0xC50] =	vst v0  }
0x76: {  	[tilespmem:s29+$0xC60] =	vst v0  }
0x77: {  	[tilespmem:s29+$0xC70] =	vst v0  }
0x78: {  	[tilespmem:s29+$0x1000] =	vst v0  }
0x79: {  	[tilespmem:s29+$0x1010] =	vst v0  }
0x7a: {  	[tilespmem:s29+$0x1020] =	vst v0  }
0x7b: {  	[tilespmem:s29+$0x1030] =	vst v0  }
0x7c: {  	[tilespmem:s29+$0x1040] =	vst v0  }
0x7d: {  	[tilespmem:s29+$0x1050] =	vst v0  }
0x7e: {  	[tilespmem:s29+$0x1060] =	vst v0  }
0x7f: {  	[tilespmem:s29+$0x1070] =	vst v0  }
0x80: {  	[tilespmem:s29+$0x1400] =	vst v0  }
0x81: {  	[tilespmem:s29+$0x1410] =	vst v0  }
0x82: {  	[tilespmem:s29+$0x1420] =	vst v0  }
0x83: {  	[tilespmem:s29+$0x1430] =	vst v0  }
0x84: {  	[tilespmem:s29+$0x1440] =	vst v0  }
0x85: {  	[tilespmem:s29+$0x1450] =	vst v0  }
0x86: {  	[tilespmem:s29+$0x1460] =	vst v0  }
0x87: {  	[tilespmem:s29+$0x1470] =	vst v0  }
0x88: {  	[tilespmem:s29+$0x1800] =	vst v0  }
0x89: {  	[tilespmem:s29+$0x1810] =	vst v0  }
0x8a: {  	[tilespmem:s29+$0x1820] =	vst v0  }
0x8b: {  	[tilespmem:s29+$0x1830] =	vst v0  }
0x8c: {  	[tilespmem:s29+$0x1840] =	vst v0  }
0x8d: {  	[tilespmem:s29+$0x1850] =	vst v0  }
0x8e: {  	[tilespmem:s29+$0x1860] =	vst v0  }
0x8f: {  	[tilespmem:s29+$0x1870] =	vst v0  }
0x90: {  	[tilespmem:s29+$0x1C00] =	vst v0  }
0x91: {  	[tilespmem:s29+$0x1C10] =	vst v0  }
.Ltmp0:
0x92: {  	[tilespmem:s29+$0x1C20] =	vst v0;
	(pc) =	sbr.rel @p0 .LBB2_2-.Ltmp0, $4  }
0x93: {  	[tilespmem:s29+$0x1C30] =	vst v0  }
0x94: {  	[tilespmem:s29+$0x1C40] =	vst v0  }
0x95: {  	s30 =	sadd.s32 $0x80, s30;
	[tilespmem:s29+$0x1C50] =	vst v0  }
0x96: {  	s0 =	sand.u32 $0x2000, s31;
	s1 =	sand.u32 $0x380, s30;
	s31 =	sadd.s32 $0x400, s31;
	[tilespmem:s29+$0x1C60] =	vst v0  }
0x97: {  	s1 =	sor.u32 s1, s0;
	[tilespmem:s29+$0x1C70] =	vst v0  }
0x98: {  	s0 =	sadd.s32 $0x10200, s1;
	[tilespmem:s1+$0x10200] =	vst v0  }
0x99: {  	[tilespmem:s0+$0x10] =	vst v0  }
0x9a: {  	[tilespmem:s0+$0x20] =	vst v0  }
0x9b: {  	[tilespmem:s0+$0x30] =	vst v0  }
0x9c: {  	[tilespmem:s0+$0x40] =	vst v0  }
0x9d: {  	[tilespmem:s0+$0x50] =	vst v0  }
0x9e: {  	[tilespmem:s0+$0x60] =	vst v0  }
0x9f: {  	[tilespmem:s0+$0x70] =	vst v0  }
0xa0: {  	[tilespmem:s0+$0x400] =	vst v0  }
0xa1: {  	[tilespmem:s0+$0x410] =	vst v0  }
0xa2: {  	[tilespmem:s0+$0x420] =	vst v0  }
0xa3: {  	[tilespmem:s0+$0x430] =	vst v0  }
0xa4: {  	[tilespmem:s0+$0x440] =	vst v0  }
0xa5: {  	[tilespmem:s0+$0x450] =	vst v0  }
0xa6: {  	[tilespmem:s0+$0x460] =	vst v0  }
0xa7: {  	[tilespmem:s0+$0x470] =	vst v0  }
0xa8: {  	[tilespmem:s0+$0x800] =	vst v0  }
0xa9: {  	[tilespmem:s0+$0x810] =	vst v0  }
0xaa: {  	[tilespmem:s0+$0x820] =	vst v0  }
0xab: {  	[tilespmem:s0+$0x830] =	vst v0  }
0xac: {  	[tilespmem:s0+$0x840] =	vst v0  }
0xad: {  	[tilespmem:s0+$0x850] =	vst v0  }
0xae: {  	[tilespmem:s0+$0x860] =	vst v0  }
0xaf: {  	[tilespmem:s0+$0x870] =	vst v0  }
0xb0: {  	[tilespmem:s0+$0xC00] =	vst v0  }
0xb1: {  	[tilespmem:s0+$0xC10] =	vst v0  }
0xb2: {  	[tilespmem:s0+$0xC20] =	vst v0  }
0xb3: {  	[tilespmem:s0+$0xC30] =	vst v0  }
0xb4: {  	[tilespmem:s0+$0xC40] =	vst v0  }
0xb5: {  	[tilespmem:s0+$0xC50] =	vst v0  }
0xb6: {  	[tilespmem:s0+$0xC60] =	vst v0  }
0xb7: {  	[tilespmem:s0+$0xC70] =	vst v0  }
0xb8: {  	[tilespmem:s0+$0x1000] =	vst v0  }
0xb9: {  	[tilespmem:s0+$0x1010] =	vst v0  }
0xba: {  	[tilespmem:s0+$0x1020] =	vst v0  }
0xbb: {  	[tilespmem:s0+$0x1030] =	vst v0  }
0xbc: {  	[tilespmem:s0+$0x1040] =	vst v0  }
0xbd: {  	[tilespmem:s0+$0x1050] =	vst v0  }
0xbe: {  	[tilespmem:s0+$0x1060] =	vst v0  }
0xbf: {  	[tilespmem:s0+$0x1070] =	vst v0  }
0xc0: {  	[tilespmem:s0+$0x1400] =	vst v0  }
0xc1: {  	[tilespmem:s0+$0x1410] =	vst v0  }
0xc2: {  	[tilespmem:s0+$0x1420] =	vst v0  }
0xc3: {  	[tilespmem:s0+$0x1430] =	vst v0  }
0xc4: {  	[tilespmem:s0+$0x1440] =	vst v0  }
0xc5: {  	[tilespmem:s0+$0x1450] =	vst v0  }
0xc6: {  	[tilespmem:s0+$0x1460] =	vst v0  }
0xc7: {  	[tilespmem:s0+$0x1470] =	vst v0  }
0xc8: {  	[tilespmem:s0+$0x1800] =	vst v0  }
0xc9: {  	[tilespmem:s0+$0x1810] =	vst v0  }
0xca: {  	[tilespmem:s0+$0x1820] =	vst v0  }
0xcb: {  	[tilespmem:s0+$0x1830] =	vst v0  }
0xcc: {  	[tilespmem:s0+$0x1840] =	vst v0  }
0xcd: {  	[tilespmem:s0+$0x1850] =	vst v0  }
0xce: {  	[tilespmem:s0+$0x1860] =	vst v0  }
0xcf: {  	[tilespmem:s0+$0x1870] =	vst v0  }
0xd0: {  	[tilespmem:s0+$0x1C00] =	vst v0  }
0xd1: {  	[tilespmem:s0+$0x1C10] =	vst v0  }
0xd2: {  	[tilespmem:s0+$0x1C20] =	vst v0  }
0xd3: {  	[tilespmem:s0+$0x1C30] =	vst v0  }
0xd4: {  	[tilespmem:s0+$0x1C40] =	vst v0  }
0xd5: {  	[tilespmem:s0+$0x1C50] =	vst v0  }
0xd6: {  	[tilespmem:s0+$0x1C60] =	vst v0  }
0xd7: {  	[tilespmem:s0+$0x1C70] =	vst v0  }
0xd8: {  	_ =	swait.ge [sflag:s20], $0x100  }
0xd9: {  	[sflag:s20] =	ssyncset.done $0x0  }
0xda: {  	[sflag:s20] =	ssyncadd.s32 $0xFFFFFF00  }
0xdb: {  	_ =	swait.ge [sflag:s21], $0x100  }
0xdc: {  	[sflag:s21] =	ssyncset.done $0x0  }
0xdd: {  	s29 =	simm.s32 $0x0;
	s31 =	rddreg [dreg:$0x5];
	[sflag:s21] =	ssyncadd.s32 $0xFFFFFF00  }
0xde: {  	[tilespmem:s22], [sflag:$0x2] =	stream.linear.gather [hbm4b:s31+s29], $0x8000, $0x38;
	[tilespmem:$0x14200] =	vst v63  }
0xdf: {  	_ =	swait.ge [sflag:s23], $0x8000  }
0xe0: {  	[sflag:s23] =	ssyncset.done $0x0  }
0xe1: {  	[sflag:s23] =	ssyncadd.s32 $0xFFFF8000  }
0xe2: {  	v2 =	vld [tilespmem:$0x10000]  }
0xe3: {  	v3 =	vld [tilespmem:$0x10100];
	_ =	sdelay $0x4  }
0xe4: {  	s30 =	simm.s32 $0x0;
	v2 =	vcvt.s32.f32 v2;
	v3 =	vcvt.s32.f32 v3  }
.LBB2_4:
0xe5: {  	v4 =	vmov s30  }
0xe6: {  	vm0 =	veq.s32 v4, v1  }
0xe7: {  	v4 =	vnsel vm0, $0x0, v2  }
0xe8: {  	(xrf2) =	vadd.scan.msk.f32 $0xffff, v4  }
0xe9: {  	v4 =	vnsel vm0, $0x0, v3  }
0xea: {  	(xrf2) =	vadd.scan.msk.f32 $0xffff, v4;
	_ =	sdelay $0x7  }
0xeb: {  	v4, _, _ =	vpop (xrf2)  }
0xec: {  	(v2sf) =	vpush v4, $0xF  }
0xed: {  	v4, _, _ =	vpop (xrf2)  }
0xee: {  	(v2sf) =	vpush v4, $0xF;
	_ =	sdelay $0xc  }
0xef: {  	s4 =	sshll.u32 s30, $0xA;
	s5 =	sshll.u32 s30, $0x7;
	s0 =	spop (v2sf)  }
0xf0: {  	s4 =	sand.u32 $0x2000, s4;
	s5 =	sand.u32 $0x380, s5;
	s0 =	scvt.f32.s32 s0  }
0xf1: {  	s8 =	sand.u32 $0x1C00, s29;
	s31 =	sor.u32 s5, s4;
	s1 =	spop (v2sf)  }
0xf2: {  	s17 =	sadd.s32 s8, s31;
	s1 =	scvt.f32.s32 s1;
	s7 =	ssub.s32 s0, s3  }
0xf3: {  	s0 =	sshll.u32 s0, $0x7;
	s19 =	sshll.u32 s7, $0xA;
	s7 =	sand.u32 $0x40, s29  }
0xf4: {  	s16 =	ssub.s32 s1, s3;
	s0 =	sand.u32 $0x380, s0;
	s18 =	sadd.s32 s7, s17  }
0xf5: {  	s1 =	sshll.u32 s1, $0x7;
	s5 =	sand.u32 $0xFFFFE000, s19;
	s16 =	sshll.u32 s16, $0xA;
	v4 =	vld [tilespmem:s18+$0x0]  }
0xf6: {  	s1 =	sand.u32 $0x380, s1;
	s0 =	sor.u32 s0, s5;
	s25 =	sand.u32 $0xFFFFE000, s16  }
0xf7: {  	s0 =	sadd.s32 $0x10200, s0;
	s1 =	sor.u32 s1, s25  }
0xf8: {  	s1 =	sadd.s32 $0x10200, s1;
	s16 =	sadd.s32 s8, s0  }
0xf9: {  	s4 =	sadd.s32 s8, s1;
	s8 =	sadd.s32 s7, s16  }
0xfa: {  	s19 =	sor.u32 $0x10, s7;
	s18 =	sadd.s32 s7, s4;
	[tilespmem:s8+$0x0] =	vst.add.f32.msk $0xffff, v4  }
0xfb: {  	s25 =	sadd.s32 s19, s17;
	[tilespmem:s18+$0x0] =	vst.add.f32.msk $0xffff, v4  }
0xfc: {  	v4 =	vld [tilespmem:s25+$0x0];
	_ =	sdelay $0x3  }
0xfd: {  	s8 =	sadd.s32 s19, s16  }
0xfe: {  	s19 =	sadd.s32 s19, s4;
	s25 =	sor.u32 $0x20, s7;
	[tilespmem:s8+$0x0] =	vst.add.f32.msk $0xffff, v4  }
0xff: {  	s8 =	sadd.s32 s25, s17;
	[tilespmem:s19+$0x0] =	vst.add.f32.msk $0xffff, v4  }
0x100: {  	v4 =	vld [tilespmem:s8+$0x0];
	_ =	sdelay $0x3  }
0x101: {  	s19 =	sadd.s32 s25, s16  }
0x102: {  	s25 =	sadd.s32 s25, s4;
	s8 =	sor.u32 $0x30, s7;
	[tilespmem:s19+$0x0] =	vst.add.f32.msk $0xffff, v4  }
0x103: {  	[tilespmem:s25+$0x0] =	vst.add.f32.msk $0xffff, v4;
	s25 =	sadd.s32 s8, s17  }
0x104: {  	v4 =	vld [tilespmem:s25+$0x0];
	_ =	sdelay $0x1  }
0x105: {  	s7 =	sadd.s32 s8, s4;
	s4 =	simm.s32 $0x200  }
0x106: {  	s5 =	simm.s32 $0x40;
	s19 =	sand.u32 $0x1C00, s4  }
0x107: {  	s17 =	simm.s32 $0x4;
	s8 =	sadd.s32 s8, s16;
	s16 =	sadd.s32 s19, s31  }
0x108: {  	s18 =	sadd.s32 s19, s0;
	s19 =	sadd.s32 s19, s1;
	s25 =	sand.u32 $0x40, s5;
	[tilespmem:s8+$0x0] =	vst.add.f32.msk $0xffff, v4  }
.LBB2_5:
0x109: {  	s17 =	sadd.s32 $0x4, s17;
	s8 =	sadd.s32 s25, s16;
	[tilespmem:s7+$0x0] =	vst.add.f32.msk $0xffff, v4  }
0x10a: {  	p0 =	slt.u32 s17, $0x3C;
	v4 =	vld [tilespmem:s8+$0x0];
	_ =	sdelay $0x3  }
0x10b: {  	s7 =	sadd.s32 s25, s18  }
0x10c: {  	s8 =	sor.u32 $0x10, s25;
	[tilespmem:s7+$0x0] =	vst.add.f32.msk $0xffff, v4;
	s7 =	sadd.s32 s25, s19  }
0x10d: {  	[tilespmem:s7+$0x0] =	vst.add.f32.msk $0xffff, v4;
	s7 =	sadd.s32 s8, s16  }
0x10e: {  	v4 =	vld [tilespmem:s7+$0x0];
	_ =	sdelay $0x3  }
0x10f: {  	s7 =	sadd.s32 s8, s18  }
0x110: {  	[tilespmem:s7+$0x0] =	vst.add.f32.msk $0xffff, v4;
	s7 =	sadd.s32 s8, s19;
	s8 =	sor.u32 $0x20, s25  }
0x111: {  	[tilespmem:s7+$0x0] =	vst.add.f32.msk $0xffff, v4;
	s7 =	sadd.s32 s8, s16  }
0x112: {  	v4 =	vld [tilespmem:s7+$0x0];
	_ =	sdelay $0x3  }
0x113: {  	s7 =	sadd.s32 s8, s18  }
0x114: {  	[tilespmem:s7+$0x0] =	vst.add.f32.msk $0xffff, v4;
	s7 =	sadd.s32 s8, s19;
	s8 =	sor.u32 $0x30, s25  }
0x115: {  	[tilespmem:s7+$0x0] =	vst.add.f32.msk $0xffff, v4;
	s7 =	sadd.s32 s8, s16  }
0x116: {  	v4 =	vld [tilespmem:s7+$0x0]  }
.Ltmp1:
0x117: {  	(pc) =	sbr.rel @p0 .LBB2_5-.Ltmp1, $4  }
0x118: {  	_ = 	snop  }
0x119: {  	s4 =	sadd.s32 $0x200, s4;
	s5 =	sadd.s32 $0x40, s5;
	s7 =	sadd.s32 s8, s19  }
0x11a: {  	s25 =	sand.u32 $0x40, s5;
	s19 =	sand.u32 $0x1C00, s4;
	s8 =	sadd.s32 s8, s18  }
0x11b: {  	s16 =	sadd.s32 s19, s31;
	s18 =	sadd.s32 s19, s0;
	s19 =	sadd.s32 s19, s1;
	[tilespmem:s8+$0x0] =	vst.add.f32.msk $0xffff, v4  }
0x11c: {  	s0 =	sadd.s32 s25, s16;
	[tilespmem:s7+$0x0] =	vst.add.f32.msk $0xffff, v4  }
0x11d: {  	v4 =	vld [tilespmem:s0+$0x0];
	_ =	sdelay $0x3  }
0x11e: {  	s7 =	sadd.s32 s25, s18  }
0x11f: {  	s8 =	sadd.s32 s25, s19;
	s1 =	sor.u32 $0x10, s25;
	[tilespmem:s7+$0x0] =	vst.add.f32.msk $0xffff, v4  }
0x120: {  	s17 =	sadd.s32 s1, s16;
	[tilespmem:s8+$0x0] =	vst.add.f32.msk $0xffff, v4  }
0x121: {  	v4 =	vld [tilespmem:s17+$0x0];
	_ =	sdelay $0x3  }
0x122: {  	s31 =	sadd.s32 s1, s18  }
0x123: {  	s4 =	sor.u32 $0x20, s25;
	s1 =	sadd.s32 s1, s19;
	[tilespmem:s31+$0x0] =	vst.add.f32.msk $0xffff, v4  }
0x124: {  	s5 =	sadd.s32 s4, s16;
	[tilespmem:s1+$0x0] =	vst.add.f32.msk $0xffff, v4  }
0x125: {  	v4 =	vld [tilespmem:s5+$0x0];
	_ =	sdelay $0x3  }
0x126: {  	s7 =	sadd.s32 s4, s18  }
0x127: {  	s8 =	sadd.s32 s4, s19;
	s17 =	sor.u32 $0x30, s25;
	[tilespmem:s7+$0x0] =	vst.add.f32.msk $0xffff, v4  }
0x128: {  	s25 =	sadd.s32 s17, s16;
	[tilespmem:s8+$0x0] =	vst.add.f32.msk $0xffff, v4  }
0x129: {  	s30 =	sadd.s32 $0x1, s30;
	v4 =	vld [tilespmem:s25+$0x0]  }
0x12a: {  	p0 =	sne.s32 s30, $0x10  }
.Ltmp2:
0x12b: {  	_ = 	snop;
	(pc) =	sbr.rel @p0 .LBB2_4-.Ltmp2, $4  }
0x12c: {  	_ = 	snop  }
0x12d: {  	s31 =	sadd.s32 s17, s18  }
0x12e: {  	s1 =	sadd.s32 s17, s19;
	[tilespmem:s31+$0x0] =	vst.add.f32.msk $0xffff, v4  }
0x12f: {  	[tilespmem:s1+$0x0] =	vst.add.f32.msk $0xffff, v4  }
0x130: {  	v2 =	vld [tilespmem:$0x10010]  }
0x131: {  	v3 =	vld [tilespmem:$0x10110];
	_ =	sdelay $0x4  }
0x132: {  	s29 =	simm.s32 $0x0;
	s30 =	simm.s32 $0x0;
	v2 =	vcvt.s32.f32 v2;
	v3 =	vcvt.s32.f32 v3  }
.LBB2_8:
0x133: {  	v4 =	vmov s30  }
0x134: {  	vm0 =	veq.s32 v4, v1  }
0x135: {  	v4 =	vnsel vm0, $0x0, v2  }
0x136: {  	(xrf2) =	vadd.scan.msk.f32 $0xffff, v4;
	v4 =	vnsel vm0, $0x0, v3  }
0x137: {  	(xrf2) =	vadd.scan.msk.f32 $0xffff, v4;
	_ =	sdelay $0x8  }
0x138: {  	v4, _, _ =	vpop (xrf2)  }
0x139: {  	(v2sf) =	vpush v4, $0xF;
	v4, _, _ =	vpop (xrf2)  }
0x13a: {  	(v2sf) =	vpush v4, $0xF;
	_ =	sdelay $0xb  }
0x13b: {  	s4 =	sshll.u32 s30, $0xA;
	s5 =	sshll.u32 s30, $0x7  }
0x13c: {  	s4 =	sand.u32 $0x2000, s4;
	s5 =	sand.u32 $0x380, s5  }
0x13d: {  	s19 =	sand.u32 $0x1C00, s29;
	s4 =	sor.u32 s5, s4;
	s0 =	spop (v2sf)  }
0x13e: {  	s31 =	sor.u32 $0x4000, s4;
	s0 =	scvt.f32.s32 s0;
	s1 =	spop (v2sf)  }
0x13f: {  	s8 =	sand.u32 $0x40, s29;
	s16 =	sadd.s32 s19, s31;
	s1 =	scvt.f32.s32 s1  }
0x140: {  	s17 =	sadd.s32 s8, s16;
	s7 =	ssub.s32 s0, s3;
	s0 =	sshll.u32 s0, $0x7  }
0x141: {  	s18 =	ssub.s32 s1, s3;
	s7 =	sshll.u32 s7, $0xA;
	s0 =	sand.u32 $0x380, s0  }
0x142: {  	v4 =	vld [tilespmem:s17+$0x0];
	s1 =	sshll.u32 s1, $0x7;
	s7 =	sand.u32 $0xFFFFE000, s7;
	s5 =	sshll.u32 s18, $0xA  }
0x143: {  	s1 =	sand.u32 $0x380, s1;
	s0 =	sor.u32 s0, s7;
	s5 =	sand.u32 $0xFFFFE000, s5  }
0x144: {  	s0 =	sadd.s32 $0x10200, s0;
	s1 =	sor.u32 s1, s5  }
0x145: {  	s1 =	sadd.s32 $0x10200, s1;
	s18 =	sadd.s32 s19, s0  }
0x146: {  	s4 =	sadd.s32 s19, s1;
	s25 =	sadd.s32 s8, s18  }
0x147: {  	s17 =	sor.u32 $0x10, s8;
	[tilespmem:s25+$0x0] =	vst.add.f32.msk $0xffff, v4;
	s7 =	sadd.s32 s8, s4  }
0x148: {  	s19 =	sadd.s32 s17, s16;
	[tilespmem:s7+$0x0] =	vst.add.f32.msk $0xffff, v4  }
0x149: {  	v4 =	vld [tilespmem:s19+$0x0];
	_ =	sdelay $0x3  }
0x14a: {  	s25 =	sadd.s32 s17, s18  }
0x14b: {  	s17 =	sadd.s32 s17, s4;
	s19 =	sor.u32 $0x20, s8;
	[tilespmem:s25+$0x0] =	vst.add.f32.msk $0xffff, v4  }
0x14c: {  	s25 =	sadd.s32 s19, s16;
	[tilespmem:s17+$0x0] =	vst.add.f32.msk $0xffff, v4  }
0x14d: {  	v4 =	vld [tilespmem:s25+$0x0];
	_ =	sdelay $0x3  }
0x14e: {  	s17 =	sadd.s32 s19, s18  }
0x14f: {  	s8 =	sor.u32 $0x30, s8;
	s19 =	sadd.s32 s19, s4;
	[tilespmem:s17+$0x0] =	vst.add.f32.msk $0xffff, v4  }
0x150: {  	s25 =	sadd.s32 s8, s16;
	[tilespmem:s19+$0x0] =	vst.add.f32.msk $0xffff, v4  }
0x151: {  	v4 =	vld [tilespmem:s25+$0x0];
	_ =	sdelay $0x1  }
0x152: {  	s5 =	simm.s32 $0x40  }
0x153: {  	s7 =	sadd.s32 s8, s4;
	s4 =	simm.s32 $0x200;
	s8 =	sadd.s32 s8, s18  }
0x154: {  	s17 =	simm.s32 $0x4;
	s19 =	sand.u32 $0x1C00, s4;
	s25 =	sand.u32 $0x40, s5  }
0x155: {  	s16 =	sadd.s32 s19, s31;
	s18 =	sadd.s32 s19, s0;
	s19 =	sadd.s32 s19, s1;
	[tilespmem:s8+$0x0] =	vst.add.f32.msk $0xffff, v4  }
.LBB2_9:
0x156: {  	s17 =	sadd.s32 $0x4, s17;
	s8 =	sadd.s32 s25, s16;
	[tilespmem:s7+$0x0] =	vst.add.f32.msk $0xffff, v4  }
0x157: {  	p0 =	slt.u32 s17, $0x3C;
	v4 =	vld [tilespmem:s8+$0x0];
	_ =	sdelay $0x3  }
0x158: {  	s7 =	sadd.s32 s25, s18  }
0x159: {  	s8 =	sor.u32 $0x10, s25;
	[tilespmem:s7+$0x0] =	vst.add.f32.msk $0xffff, v4;
	s7 =	sadd.s32 s25, s19  }
0x15a: {  	[tilespmem:s7+$0x0] =	vst.add.f32.msk $0xffff, v4;
	s7 =	sadd.s32 s8, s16  }
0x15b: {  	v4 =	vld [tilespmem:s7+$0x0];
	_ =	sdelay $0x3  }
0x15c: {  	s7 =	sadd.s32 s8, s18  }
0x15d: {  	[tilespmem:s7+$0x0] =	vst.add.f32.msk $0xffff, v4;
	s7 =	sadd.s32 s8, s19;
	s8 =	sor.u32 $0x20, s25  }
0x15e: {  	[tilespmem:s7+$0x0] =	vst.add.f32.msk $0xffff, v4;
	s7 =	sadd.s32 s8, s16  }
0x15f: {  	v4 =	vld [tilespmem:s7+$0x0];
	_ =	sdelay $0x3  }
0x160: {  	s7 =	sadd.s32 s8, s18  }
0x161: {  	[tilespmem:s7+$0x0] =	vst.add.f32.msk $0xffff, v4;
	s7 =	sadd.s32 s8, s19;
	s8 =	sor.u32 $0x30, s25  }
0x162: {  	[tilespmem:s7+$0x0] =	vst.add.f32.msk $0xffff, v4;
	s7 =	sadd.s32 s8, s16  }
0x163: {  	v4 =	vld [tilespmem:s7+$0x0]  }
.Ltmp3:
0x164: {  	(pc) =	sbr.rel @p0 .LBB2_9-.Ltmp3, $4  }
0x165: {  	_ = 	snop  }
0x166: {  	s4 =	sadd.s32 $0x200, s4;
	s5 =	sadd.s32 $0x40, s5;
	s7 =	sadd.s32 s8, s19  }
0x167: {  	s25 =	sand.u32 $0x40, s5;
	s19 =	sand.u32 $0x1C00, s4;
	s8 =	sadd.s32 s8, s18  }
0x168: {  	s16 =	sadd.s32 s19, s31;
	s18 =	sadd.s32 s19, s0;
	s19 =	sadd.s32 s19, s1;
	[tilespmem:s8+$0x0] =	vst.add.f32.msk $0xffff, v4  }
0x169: {  	s0 =	sadd.s32 s25, s16;
	[tilespmem:s7+$0x0] =	vst.add.f32.msk $0xffff, v4  }
0x16a: {  	v4 =	vld [tilespmem:s0+$0x0];
	_ =	sdelay $0x3  }
0x16b: {  	s7 =	sadd.s32 s25, s18  }
0x16c: {  	s8 =	sadd.s32 s25, s19;
	s1 =	sor.u32 $0x10, s25;
	[tilespmem:s7+$0x0] =	vst.add.f32.msk $0xffff, v4  }
0x16d: {  	s17 =	sadd.s32 s1, s16;
	[tilespmem:s8+$0x0] =	vst.add.f32.msk $0xffff, v4  }
0x16e: {  	v4 =	vld [tilespmem:s17+$0x0];
	_ =	sdelay $0x3  }
0x16f: {  	s31 =	sadd.s32 s1, s18  }
0x170: {  	s4 =	sor.u32 $0x20, s25;
	s1 =	sadd.s32 s1, s19;
	[tilespmem:s31+$0x0] =	vst.add.f32.msk $0xffff, v4  }
0x171: {  	s5 =	sadd.s32 s4, s16;
	[tilespmem:s1+$0x0] =	vst.add.f32.msk $0xffff, v4  }
0x172: {  	v4 =	vld [tilespmem:s5+$0x0];
	_ =	sdelay $0x3  }
0x173: {  	s7 =	sadd.s32 s4, s18  }
0x174: {  	s8 =	sadd.s32 s4, s19;
	s17 =	sor.u32 $0x30, s25;
	[tilespmem:s7+$0x0] =	vst.add.f32.msk $0xffff, v4  }
0x175: {  	s25 =	sadd.s32 s17, s16;
	[tilespmem:s8+$0x0] =	vst.add.f32.msk $0xffff, v4  }
0x176: {  	s30 =	sadd.s32 $0x1, s30;
	v4 =	vld [tilespmem:s25+$0x0]  }
0x177: {  	p0 =	sne.s32 s30, $0x10  }
.Ltmp4:
0x178: {  	_ = 	snop;
	(pc) =	sbr.rel @p0 .LBB2_8-.Ltmp4, $4  }
0x179: {  	_ = 	snop  }
0x17a: {  	s31 =	sadd.s32 s17, s18  }
0x17b: {  	s1 =	sadd.s32 s17, s19;
	[tilespmem:s31+$0x0] =	vst.add.f32.msk $0xffff, v4  }
0x17c: {  	[tilespmem:s1+$0x0] =	vst.add.f32.msk $0xffff, v4  }
0x17d: {  	s29 =	simm.s32 $0x0;
	s0 =	rddreg [dreg:$0x6]  }
0x17e: {  	[tilespmem:s29], [sflag:$0x1] =	stream.linear.gather [hbm4b:s0+s29], $0x8000, $0x38;
	[tilespmem:$0x14200] =	vst v63  }
0x17f: {  	_ =	swait.ge [sflag:s24], $0x8000  }
0x180: {  	[sflag:s24] =	ssyncset.done $0x0  }
0x181: {  	[sflag:s24] =	ssyncadd.s32 $0xFFFF8000  }
0x182: {  	v2 =	vld [tilespmem:$0x10020]  }
0x183: {  	v3 =	vld [tilespmem:$0x10120];
	_ =	sdelay $0x4  }
0x184: {  	s30 =	simm.s32 $0x0;
	v2 =	vcvt.s32.f32 v2;
	v3 =	vcvt.s32.f32 v3  }
.LBB2_12:
0x185: {  	v4 =	vmov s30  }
0x186: {  	vm0 =	veq.s32 v4, v1  }
0x187: {  	v4 =	vnsel vm0, $0x0, v2  }
0x188: {  	(xrf2) =	vadd.scan.msk.f32 $0xffff, v4;
	v4 =	vnsel vm0, $0x0, v3  }
0x189: {  	(xrf2) =	vadd.scan.msk.f32 $0xffff, v4;
	_ =	sdelay $0x8  }
0x18a: {  	v4, _, _ =	vpop (xrf2)  }
0x18b: {  	(v2sf) =	vpush v4, $0xF;
	v4, _, _ =	vpop (xrf2)  }
0x18c: {  	(v2sf) =	vpush v4, $0xF;
	_ =	sdelay $0xb  }
0x18d: {  	s4 =	sshll.u32 s30, $0xA;
	s5 =	sshll.u32 s30, $0x7  }
0x18e: {  	s4 =	sand.u32 $0x2000, s4;
	s5 =	sand.u32 $0x380, s5  }
0x18f: {  	s19 =	sand.u32 $0x1C00, s29;
	s4 =	sor.u32 s5, s4;
	s0 =	spop (v2sf)  }
0x190: {  	s31 =	sor.u32 $0x8000, s4;
	s0 =	scvt.f32.s32 s0;
	s1 =	spop (v2sf)  }
0x191: {  	s8 =	sand.u32 $0x40, s29;
	s16 =	sadd.s32 s19, s31;
	s1 =	scvt.f32.s32 s1  }
0x192: {  	s17 =	sadd.s32 s8, s16;
	s7 =	ssub.s32 s0, s3;
	s0 =	sshll.u32 s0, $0x7  }
0x193: {  	s18 =	ssub.s32 s1, s3;
	s7 =	sshll.u32 s7, $0xA;
	s0 =	sand.u32 $0x380, s0  }
0x194: {  	v4 =	vld [tilespmem:s17+$0x0];
	s1 =	sshll.u32 s1, $0x7;
	s7 =	sand.u32 $0xFFFFE000, s7;
	s5 =	sshll.u32 s18, $0xA  }
0x195: {  	s1 =	sand.u32 $0x380, s1;
	s0 =	sor.u32 s0, s7;
	s5 =	sand.u32 $0xFFFFE000, s5  }
0x196: {  	s0 =	sadd.s32 $0x10200, s0;
	s1 =	sor.u32 s1, s5  }
0x197: {  	s1 =	sadd.s32 $0x10200, s1;
	s18 =	sadd.s32 s19, s0  }
0x198: {  	s4 =	sadd.s32 s19, s1;
	s25 =	sadd.s32 s8, s18  }
0x199: {  	s17 =	sor.u32 $0x10, s8;
	[tilespmem:s25+$0x0] =	vst.add.f32.msk $0xffff, v4;
	s7 =	sadd.s32 s8, s4  }
0x19a: {  	s19 =	sadd.s32 s17, s16;
	[tilespmem:s7+$0x0] =	vst.add.f32.msk $0xffff, v4  }
0x19b: {  	v4 =	vld [tilespmem:s19+$0x0];
	_ =	sdelay $0x3  }
0x19c: {  	s25 =	sadd.s32 s17, s18  }
0x19d: {  	s17 =	sadd.s32 s17, s4;
	s19 =	sor.u32 $0x20, s8;
	[tilespmem:s25+$0x0] =	vst.add.f32.msk $0xffff, v4  }
0x19e: {  	s25 =	sadd.s32 s19, s16;
	[tilespmem:s17+$0x0] =	vst.add.f32.msk $0xffff, v4  }
0x19f: {  	v4 =	vld [tilespmem:s25+$0x0];
	_ =	sdelay $0x3  }
0x1a0: {  	s17 =	sadd.s32 s19, s18  }
0x1a1: {  	s8 =	sor.u32 $0x30, s8;
	s19 =	sadd.s32 s19, s4;
	[tilespmem:s17+$0x0] =	vst.add.f32.msk $0xffff, v4  }
0x1a2: {  	s25 =	sadd.s32 s8, s16;
	[tilespmem:s19+$0x0] =	vst.add.f32.msk $0xffff, v4  }
0x1a3: {  	v4 =	vld [tilespmem:s25+$0x0];
	_ =	sdelay $0x1  }
0x1a4: {  	s5 =	simm.s32 $0x40  }
0x1a5: {  	s7 =	sadd.s32 s8, s4;
	s4 =	simm.s32 $0x200;
	s8 =	sadd.s32 s8, s18  }
0x1a6: {  	s17 =	simm.s32 $0x4;
	s19 =	sand.u32 $0x1C00, s4;
	s25 =	sand.u32 $0x40, s5  }
0x1a7: {  	s16 =	sadd.s32 s19, s31;
	s18 =	sadd.s32 s19, s0;
	s19 =	sadd.s32 s19, s1;
	[tilespmem:s8+$0x0] =	vst.add.f32.msk $0xffff, v4  }
.LBB2_13:
0x1a8: {  	s17 =	sadd.s32 $0x4, s17;
	s8 =	sadd.s32 s25, s16;
	[tilespmem:s7+$0x0] =	vst.add.f32.msk $0xffff, v4  }
0x1a9: {  	p0 =	slt.u32 s17, $0x3C;
	v4 =	vld [tilespmem:s8+$0x0];
	_ =	sdelay $0x3  }
0x1aa: {  	s7 =	sadd.s32 s25, s18  }
0x1ab: {  	s8 =	sor.u32 $0x10, s25;
	[tilespmem:s7+$0x0] =	vst.add.f32.msk $0xffff, v4;
	s7 =	sadd.s32 s25, s19  }
0x1ac: {  	[tilespmem:s7+$0x0] =	vst.add.f32.msk $0xffff, v4;
	s7 =	sadd.s32 s8, s16  }
0x1ad: {  	v4 =	vld [tilespmem:s7+$0x0];
	_ =	sdelay $0x3  }
0x1ae: {  	s7 =	sadd.s32 s8, s18  }
0x1af: {  	[tilespmem:s7+$0x0] =	vst.add.f32.msk $0xffff, v4;
	s7 =	sadd.s32 s8, s19;
	s8 =	sor.u32 $0x20, s25  }
0x1b0: {  	[tilespmem:s7+$0x0] =	vst.add.f32.msk $0xffff, v4;
	s7 =	sadd.s32 s8, s16  }
0x1b1: {  	v4 =	vld [tilespmem:s7+$0x0];
	_ =	sdelay $0x3  }
0x1b2: {  	s7 =	sadd.s32 s8, s18  }
0x1b3: {  	[tilespmem:s7+$0x0] =	vst.add.f32.msk $0xffff, v4;
	s7 =	sadd.s32 s8, s19;
	s8 =	sor.u32 $0x30, s25  }
0x1b4: {  	[tilespmem:s7+$0x0] =	vst.add.f32.msk $0xffff, v4;
	s7 =	sadd.s32 s8, s16  }
0x1b5: {  	v4 =	vld [tilespmem:s7+$0x0]  }
.Ltmp5:
0x1b6: {  	(pc) =	sbr.rel @p0 .LBB2_13-.Ltmp5, $4  }
0x1b7: {  	_ = 	snop  }
0x1b8: {  	s4 =	sadd.s32 $0x200, s4;
	s5 =	sadd.s32 $0x40, s5;
	s7 =	sadd.s32 s8, s19  }
0x1b9: {  	s25 =	sand.u32 $0x40, s5;
	s19 =	sand.u32 $0x1C00, s4;
	s8 =	sadd.s32 s8, s18  }
0x1ba: {  	s16 =	sadd.s32 s19, s31;
	s18 =	sadd.s32 s19, s0;
	s19 =	sadd.s32 s19, s1;
	[tilespmem:s8+$0x0] =	vst.add.f32.msk $0xffff, v4  }
0x1bb: {  	s0 =	sadd.s32 s25, s16;
	[tilespmem:s7+$0x0] =	vst.add.f32.msk $0xffff, v4  }
0x1bc: {  	v4 =	vld [tilespmem:s0+$0x0];
	_ =	sdelay $0x3  }
0x1bd: {  	s7 =	sadd.s32 s25, s18  }
0x1be: {  	s8 =	sadd.s32 s25, s19;
	s1 =	sor.u32 $0x10, s25;
	[tilespmem:s7+$0x0] =	vst.add.f32.msk $0xffff, v4  }
0x1bf: {  	s17 =	sadd.s32 s1, s16;
	[tilespmem:s8+$0x0] =	vst.add.f32.msk $0xffff, v4  }
0x1c0: {  	v4 =	vld [tilespmem:s17+$0x0];
	_ =	sdelay $0x3  }
0x1c1: {  	s31 =	sadd.s32 s1, s18  }
0x1c2: {  	s4 =	sor.u32 $0x20, s25;
	s1 =	sadd.s32 s1, s19;
	[tilespmem:s31+$0x0] =	vst.add.f32.msk $0xffff, v4  }
0x1c3: {  	s5 =	sadd.s32 s4, s16;
	[tilespmem:s1+$0x0] =	vst.add.f32.msk $0xffff, v4  }
0x1c4: {  	v4 =	vld [tilespmem:s5+$0x0];
	_ =	sdelay $0x3  }
0x1c5: {  	s7 =	sadd.s32 s4, s18  }
0x1c6: {  	s8 =	sadd.s32 s4, s19;
	s17 =	sor.u32 $0x30, s25;
	[tilespmem:s7+$0x0] =	vst.add.f32.msk $0xffff, v4  }
0x1c7: {  	s25 =	sadd.s32 s17, s16;
	[tilespmem:s8+$0x0] =	vst.add.f32.msk $0xffff, v4  }
0x1c8: {  	s30 =	sadd.s32 $0x1, s30;
	v4 =	vld [tilespmem:s25+$0x0]  }
0x1c9: {  	p0 =	sne.s32 s30, $0x10  }
.Ltmp6:
0x1ca: {  	_ = 	snop;
	(pc) =	sbr.rel @p0 .LBB2_12-.Ltmp6, $4  }
0x1cb: {  	_ = 	snop  }
0x1cc: {  	s31 =	sadd.s32 s17, s18  }
0x1cd: {  	s1 =	sadd.s32 s17, s19;
	[tilespmem:s31+$0x0] =	vst.add.f32.msk $0xffff, v4  }
0x1ce: {  	[tilespmem:s1+$0x0] =	vst.add.f32.msk $0xffff, v4  }
0x1cf: {  	v2 =	vld [tilespmem:$0x10030]  }
0x1d0: {  	v3 =	vld [tilespmem:$0x10130];
	_ =	sdelay $0x4  }
0x1d1: {  	s29 =	simm.s32 $0x0;
	s30 =	simm.s32 $0x0;
	v2 =	vcvt.s32.f32 v2;
	v3 =	vcvt.s32.f32 v3  }
.LBB2_16:
0x1d2: {  	v4 =	vmov s30  }
0x1d3: {  	vm0 =	veq.s32 v4, v1  }
0x1d4: {  	v4 =	vnsel vm0, $0x0, v2  }
0x1d5: {  	(xrf2) =	vadd.scan.msk.f32 $0xffff, v4;
	v4 =	vnsel vm0, $0x0, v3  }
0x1d6: {  	(xrf2) =	vadd.scan.msk.f32 $0xffff, v4;
	_ =	sdelay $0x8  }
0x1d7: {  	v4, _, _ =	vpop (xrf2)  }
0x1d8: {  	(v2sf) =	vpush v4, $0xF;
	v4, _, _ =	vpop (xrf2)  }
0x1d9: {  	(v2sf) =	vpush v4, $0xF;
	_ =	sdelay $0xb  }
0x1da: {  	s4 =	sshll.u32 s30, $0xA;
	s5 =	sshll.u32 s30, $0x7  }
0x1db: {  	s4 =	sand.u32 $0x2000, s4;
	s5 =	sand.u32 $0x380, s5  }
0x1dc: {  	s19 =	sand.u32 $0x1C00, s29;
	s4 =	sor.u32 s5, s4;
	s0 =	spop (v2sf)  }
0x1dd: {  	s31 =	sor.u32 $0xC000, s4;
	s0 =	scvt.f32.s32 s0;
	s1 =	spop (v2sf)  }
0x1de: {  	s8 =	sand.u32 $0x40, s29;
	s16 =	sadd.s32 s19, s31;
	s1 =	scvt.f32.s32 s1  }
0x1df: {  	s17 =	sadd.s32 s8, s16;
	s7 =	ssub.s32 s0, s3;
	s0 =	sshll.u32 s0, $0x7  }
0x1e0: {  	s18 =	ssub.s32 s1, s3;
	s7 =	sshll.u32 s7, $0xA;
	s0 =	sand.u32 $0x380, s0  }
0x1e1: {  	v4 =	vld [tilespmem:s17+$0x0];
	s1 =	sshll.u32 s1, $0x7;
	s7 =	sand.u32 $0xFFFFE000, s7;
	s5 =	sshll.u32 s18, $0xA  }
0x1e2: {  	s1 =	sand.u32 $0x380, s1;
	s0 =	sor.u32 s0, s7;
	s5 =	sand.u32 $0xFFFFE000, s5  }
0x1e3: {  	s0 =	sadd.s32 $0x10200, s0;
	s1 =	sor.u32 s1, s5  }
0x1e4: {  	s1 =	sadd.s32 $0x10200, s1;
	s18 =	sadd.s32 s19, s0  }
0x1e5: {  	s4 =	sadd.s32 s19, s1;
	s25 =	sadd.s32 s8, s18  }
0x1e6: {  	s17 =	sor.u32 $0x10, s8;
	[tilespmem:s25+$0x0] =	vst.add.f32.msk $0xffff, v4;
	s7 =	sadd.s32 s8, s4  }
0x1e7: {  	s19 =	sadd.s32 s17, s16;
	[tilespmem:s7+$0x0] =	vst.add.f32.msk $0xffff, v4  }
0x1e8: {  	v4 =	vld [tilespmem:s19+$0x0];
	_ =	sdelay $0x3  }
0x1e9: {  	s25 =	sadd.s32 s17, s18  }
0x1ea: {  	s17 =	sadd.s32 s17, s4;
	s19 =	sor.u32 $0x20, s8;
	[tilespmem:s25+$0x0] =	vst.add.f32.msk $0xffff, v4  }
0x1eb: {  	s25 =	sadd.s32 s19, s16;
	[tilespmem:s17+$0x0] =	vst.add.f32.msk $0xffff, v4  }
0x1ec: {  	v4 =	vld [tilespmem:s25+$0x0];
	_ =	sdelay $0x3  }
0x1ed: {  	s17 =	sadd.s32 s19, s18  }
0x1ee: {  	s8 =	sor.u32 $0x30, s8;
	s19 =	sadd.s32 s19, s4;
	[tilespmem:s17+$0x0] =	vst.add.f32.msk $0xffff, v4  }
0x1ef: {  	s25 =	sadd.s32 s8, s16;
	[tilespmem:s19+$0x0] =	vst.add.f32.msk $0xffff, v4  }
0x1f0: {  	v4 =	vld [tilespmem:s25+$0x0];
	_ =	sdelay $0x1  }
0x1f1: {  	s5 =	simm.s32 $0x40  }
0x1f2: {  	s7 =	sadd.s32 s8, s4;
	s4 =	simm.s32 $0x200;
	s8 =	sadd.s32 s8, s18  }
0x1f3: {  	s17 =	simm.s32 $0x4;
	s19 =	sand.u32 $0x1C00, s4;
	s25 =	sand.u32 $0x40, s5  }
0x1f4: {  	s16 =	sadd.s32 s19, s31;
	s18 =	sadd.s32 s19, s0;
	s19 =	sadd.s32 s19, s1;
	[tilespmem:s8+$0x0] =	vst.add.f32.msk $0xffff, v4  }
.LBB2_17:
0x1f5: {  	s17 =	sadd.s32 $0x4, s17;
	s8 =	sadd.s32 s25, s16;
	[tilespmem:s7+$0x0] =	vst.add.f32.msk $0xffff, v4  }
0x1f6: {  	p0 =	slt.u32 s17, $0x3C;
	v4 =	vld [tilespmem:s8+$0x0];
	_ =	sdelay $0x3  }
0x1f7: {  	s7 =	sadd.s32 s25, s18  }
0x1f8: {  	s8 =	sor.u32 $0x10, s25;
	[tilespmem:s7+$0x0] =	vst.add.f32.msk $0xffff, v4;
	s7 =	sadd.s32 s25, s19  }
0x1f9: {  	[tilespmem:s7+$0x0] =	vst.add.f32.msk $0xffff, v4;
	s7 =	sadd.s32 s8, s16  }
0x1fa: {  	v4 =	vld [tilespmem:s7+$0x0];
	_ =	sdelay $0x3  }
0x1fb: {  	s7 =	sadd.s32 s8, s18  }
0x1fc: {  	[tilespmem:s7+$0x0] =	vst.add.f32.msk $0xffff, v4;
	s7 =	sadd.s32 s8, s19;
	s8 =	sor.u32 $0x20, s25  }
0x1fd: {  	[tilespmem:s7+$0x0] =	vst.add.f32.msk $0xffff, v4;
	s7 =	sadd.s32 s8, s16  }
0x1fe: {  	v4 =	vld [tilespmem:s7+$0x0];
	_ =	sdelay $0x3  }
0x1ff: {  	s7 =	sadd.s32 s8, s18  }
0x200: {  	[tilespmem:s7+$0x0] =	vst.add.f32.msk $0xffff, v4;
	s7 =	sadd.s32 s8, s19;
	s8 =	sor.u32 $0x30, s25  }
0x201: {  	[tilespmem:s7+$0x0] =	vst.add.f32.msk $0xffff, v4;
	s7 =	sadd.s32 s8, s16  }
0x202: {  	v4 =	vld [tilespmem:s7+$0x0]  }
.Ltmp7:
0x203: {  	(pc) =	sbr.rel @p0 .LBB2_17-.Ltmp7, $4  }
0x204: {  	_ = 	snop  }
0x205: {  	s4 =	sadd.s32 $0x200, s4;
	s5 =	sadd.s32 $0x40, s5;
	s7 =	sadd.s32 s8, s19  }
0x206: {  	s25 =	sand.u32 $0x40, s5;
	s19 =	sand.u32 $0x1C00, s4;
	s8 =	sadd.s32 s8, s18  }
0x207: {  	s16 =	sadd.s32 s19, s31;
	s18 =	sadd.s32 s19, s0;
	s19 =	sadd.s32 s19, s1;
	[tilespmem:s8+$0x0] =	vst.add.f32.msk $0xffff, v4  }
0x208: {  	s0 =	sadd.s32 s25, s16;
	[tilespmem:s7+$0x0] =	vst.add.f32.msk $0xffff, v4  }
0x209: {  	v4 =	vld [tilespmem:s0+$0x0];
	_ =	sdelay $0x3  }
0x20a: {  	s7 =	sadd.s32 s25, s18  }
0x20b: {  	s8 =	sadd.s32 s25, s19;
	s1 =	sor.u32 $0x10, s25;
	[tilespmem:s7+$0x0] =	vst.add.f32.msk $0xffff, v4  }
0x20c: {  	s17 =	sadd.s32 s1, s16;
	[tilespmem:s8+$0x0] =	vst.add.f32.msk $0xffff, v4  }
0x20d: {  	v4 =	vld [tilespmem:s17+$0x0];
	_ =	sdelay $0x3  }
0x20e: {  	s31 =	sadd.s32 s1, s18  }
0x20f: {  	s4 =	sor.u32 $0x20, s25;
	s1 =	sadd.s32 s1, s19;
	[tilespmem:s31+$0x0] =	vst.add.f32.msk $0xffff, v4  }
0x210: {  	s5 =	sadd.s32 s4, s16;
	[tilespmem:s1+$0x0] =	vst.add.f32.msk $0xffff, v4  }
0x211: {  	v4 =	vld [tilespmem:s5+$0x0];
	_ =	sdelay $0x3  }
0x212: {  	s7 =	sadd.s32 s4, s18  }
0x213: {  	s8 =	sadd.s32 s4, s19;
	s17 =	sor.u32 $0x30, s25;
	[tilespmem:s7+$0x0] =	vst.add.f32.msk $0xffff, v4  }
0x214: {  	s25 =	sadd.s32 s17, s16;
	[tilespmem:s8+$0x0] =	vst.add.f32.msk $0xffff, v4  }
0x215: {  	s30 =	sadd.s32 $0x1, s30;
	v4 =	vld [tilespmem:s25+$0x0]  }
0x216: {  	p0 =	sne.s32 s30, $0x10  }
.Ltmp8:
0x217: {  	_ = 	snop;
	(pc) =	sbr.rel @p0 .LBB2_16-.Ltmp8, $4  }
0x218: {  	_ = 	snop  }
0x219: {  	s31 =	sadd.s32 s17, s18  }
0x21a: {  	s1 =	sadd.s32 s17, s19;
	[tilespmem:s31+$0x0] =	vst.add.f32.msk $0xffff, v4  }
0x21b: {  	[tilespmem:s1+$0x0] =	vst.add.f32.msk $0xffff, v4  }
0x21c: {  	s29 =	simm.s32 $0x0  }
0x21d: {  	[tilespmem:s22], [sflag:$0x2] =	stream.linear.gather [hbm4b:s9+s29], $0x8000, $0x38;
	[tilespmem:$0x14200] =	vst v63  }
0x21e: {  	_ =	swait.ge [sflag:s23], $0x8000  }
0x21f: {  	[sflag:s23] =	ssyncset.done $0x0  }
0x220: {  	[sflag:s23] =	ssyncadd.s32 $0xFFFF8000  }
0x221: {  	v2 =	vld [tilespmem:$0x10040]  }
0x222: {  	v3 =	vld [tilespmem:$0x10140];
	_ =	sdelay $0x4  }
0x223: {  	s30 =	simm.s32 $0x0;
	v2 =	vcvt.s32.f32 v2;
	v3 =	vcvt.s32.f32 v3  }
.LBB2_20:
0x224: {  	v4 =	vmov s30  }
0x225: {  	vm0 =	veq.s32 v4, v1  }
0x226: {  	v4 =	vnsel vm0, $0x0, v2  }
0x227: {  	(xrf2) =	vadd.scan.msk.f32 $0xffff, v4  }
0x228: {  	v4 =	vnsel vm0, $0x0, v3  }
0x229: {  	(xrf2) =	vadd.scan.msk.f32 $0xffff, v4;
	_ =	sdelay $0x7  }
0x22a: {  	v4, _, _ =	vpop (xrf2)  }
0x22b: {  	(v2sf) =	vpush v4, $0xF  }
0x22c: {  	v4, _, _ =	vpop (xrf2)  }
0x22d: {  	(v2sf) =	vpush v4, $0xF;
	_ =	sdelay $0xc  }
0x22e: {  	s4 =	sshll.u32 s30, $0xA;
	s5 =	sshll.u32 s30, $0x7;
	s0 =	spop (v2sf)  }
0x22f: {  	s4 =	sand.u32 $0x2000, s4;
	s5 =	sand.u32 $0x380, s5;
	s0 =	scvt.f32.s32 s0  }
0x230: {  	s25 =	sand.u32 $0x1C00, s29;
	s31 =	sor.u32 s5, s4;
	s1 =	spop (v2sf)  }
0x231: {  	s16 =	sadd.s32 s25, s31;
	s1 =	scvt.f32.s32 s1;
	s7 =	ssub.s32 s0, s3  }
0x232: {  	s0 =	sshll.u32 s0, $0x7;
	s18 =	sshll.u32 s7, $0xA;
	s7 =	sand.u32 $0x40, s29  }
0x233: {  	s8 =	ssub.s32 s1, s3;
	s0 =	sand.u32 $0x380, s0;
	s17 =	sadd.s32 s7, s16  }
0x234: {  	s1 =	sshll.u32 s1, $0x7;
	s5 =	sand.u32 $0xFFFFE000, s18;
	s8 =	sshll.u32 s8, $0xA;
	v4 =	vld [tilespmem:s17+$0x0]  }
0x235: {  	s1 =	sand.u32 $0x380, s1;
	s0 =	sor.u32 s0, s5;
	s19 =	sand.u32 $0xFFFFE000, s8  }
0x236: {  	s0 =	sadd.s32 $0x10200, s0;
	s1 =	sor.u32 s1, s19  }
0x237: {  	s1 =	sadd.s32 $0x10200, s1;
	s8 =	sadd.s32 s25, s0  }
0x238: {  	s4 =	sadd.s32 s25, s1;
	s25 =	sadd.s32 s7, s8  }
0x239: {  	s18 =	sor.u32 $0x10, s7;
	s17 =	sadd.s32 s7, s4;
	[tilespmem:s25+$0x0] =	vst.add.f32.msk $0xffff, v4  }
0x23a: {  	s19 =	sadd.s32 s18, s16;
	[tilespmem:s17+$0x0] =	vst.add.f32.msk $0xffff, v4  }
0x23b: {  	v4 =	vld [tilespmem:s19+$0x0];
	_ =	sdelay $0x3  }
0x23c: {  	s25 =	sadd.s32 s18, s8  }
0x23d: {  	s18 =	sadd.s32 s18, s4;
	s19 =	sor.u32 $0x20, s7;
	[tilespmem:s25+$0x0] =	vst.add.f32.msk $0xffff, v4  }
0x23e: {  	s25 =	sadd.s32 s19, s16;
	[tilespmem:s18+$0x0] =	vst.add.f32.msk $0xffff, v4  }
0x23f: {  	v4 =	vld [tilespmem:s25+$0x0];
	_ =	sdelay $0x3  }
0x240: {  	s18 =	sadd.s32 s19, s8  }
0x241: {  	s19 =	sadd.s32 s19, s4;
	[tilespmem:s18+$0x0] =	vst.add.f32.msk $0xffff, v4;
	s18 =	sor.u32 $0x30, s7  }
0x242: {  	[tilespmem:s19+$0x0] =	vst.add.f32.msk $0xffff, v4;
	s25 =	sadd.s32 s18, s16  }
0x243: {  	v4 =	vld [tilespmem:s25+$0x0];
	_ =	sdelay $0x1  }
0x244: {  	s5 =	simm.s32 $0x40  }
0x245: {  	s17 =	simm.s32 $0x4;
	s7 =	sadd.s32 s18, s4;
	s4 =	simm.s32 $0x200  }
0x246: {  	s8 =	sadd.s32 s18, s8;
	s25 =	sand.u32 $0x40, s5;
	s19 =	sand.u32 $0x1C00, s4  }
0x247: {  	s16 =	sadd.s32 s19, s31;
	s18 =	sadd.s32 s19, s0;
	s19 =	sadd.s32 s19, s1;
	[tilespmem:s8+$0x0] =	vst.add.f32.msk $0xffff, v4  }
.LBB2_21:
0x248: {  	s17 =	sadd.s32 $0x4, s17;
	s8 =	sadd.s32 s25, s16;
	[tilespmem:s7+$0x0] =	vst.add.f32.msk $0xffff, v4  }
0x249: {  	p0 =	slt.u32 s17, $0x3C;
	v4 =	vld [tilespmem:s8+$0x0];
	_ =	sdelay $0x3  }
0x24a: {  	s7 =	sadd.s32 s25, s18  }
0x24b: {  	s8 =	sor.u32 $0x10, s25;
	[tilespmem:s7+$0x0] =	vst.add.f32.msk $0xffff, v4;
	s7 =	sadd.s32 s25, s19  }
0x24c: {  	[tilespmem:s7+$0x0] =	vst.add.f32.msk $0xffff, v4;
	s7 =	sadd.s32 s8, s16  }
0x24d: {  	v4 =	vld [tilespmem:s7+$0x0];
	_ =	sdelay $0x3  }
0x24e: {  	s7 =	sadd.s32 s8, s18  }
0x24f: {  	[tilespmem:s7+$0x0] =	vst.add.f32.msk $0xffff, v4;
	s7 =	sadd.s32 s8, s19;
	s8 =	sor.u32 $0x20, s25  }
0x250: {  	[tilespmem:s7+$0x0] =	vst.add.f32.msk $0xffff, v4;
	s7 =	sadd.s32 s8, s16  }
0x251: {  	v4 =	vld [tilespmem:s7+$0x0];
	_ =	sdelay $0x3  }
0x252: {  	s7 =	sadd.s32 s8, s18  }
0x253: {  	[tilespmem:s7+$0x0] =	vst.add.f32.msk $0xffff, v4;
	s7 =	sadd.s32 s8, s19;
	s8 =	sor.u32 $0x30, s25  }
0x254: {  	[tilespmem:s7+$0x0] =	vst.add.f32.msk $0xffff, v4;
	s7 =	sadd.s32 s8, s16  }
0x255: {  	v4 =	vld [tilespmem:s7+$0x0]  }
.Ltmp9:
0x256: {  	(pc) =	sbr.rel @p0 .LBB2_21-.Ltmp9, $4  }
0x257: {  	_ = 	snop  }
0x258: {  	s4 =	sadd.s32 $0x200, s4;
	s5 =	sadd.s32 $0x40, s5;
	s7 =	sadd.s32 s8, s19  }
0x259: {  	s25 =	sand.u32 $0x40, s5;
	s19 =	sand.u32 $0x1C00, s4;
	s8 =	sadd.s32 s8, s18  }
0x25a: {  	s16 =	sadd.s32 s19, s31;
	s18 =	sadd.s32 s19, s0;
	s19 =	sadd.s32 s19, s1;
	[tilespmem:s8+$0x0] =	vst.add.f32.msk $0xffff, v4  }
0x25b: {  	s0 =	sadd.s32 s25, s16;
	[tilespmem:s7+$0x0] =	vst.add.f32.msk $0xffff, v4  }
0x25c: {  	v4 =	vld [tilespmem:s0+$0x0];
	_ =	sdelay $0x3  }
0x25d: {  	s7 =	sadd.s32 s25, s18  }
0x25e: {  	s8 =	sadd.s32 s25, s19;
	s1 =	sor.u32 $0x10, s25;
	[tilespmem:s7+$0x0] =	vst.add.f32.msk $0xffff, v4  }
0x25f: {  	s17 =	sadd.s32 s1, s16;
	[tilespmem:s8+$0x0] =	vst.add.f32.msk $0xffff, v4  }
0x260: {  	v4 =	vld [tilespmem:s17+$0x0];
	_ =	sdelay $0x3  }
0x261: {  	s31 =	sadd.s32 s1, s18  }
0x262: {  	s4 =	sor.u32 $0x20, s25;
	s1 =	sadd.s32 s1, s19;
	[tilespmem:s31+$0x0] =	vst.add.f32.msk $0xffff, v4  }
0x263: {  	s5 =	sadd.s32 s4, s16;
	[tilespmem:s1+$0x0] =	vst.add.f32.msk $0xffff, v4  }
0x264: {  	v4 =	vld [tilespmem:s5+$0x0];
	_ =	sdelay $0x3  }
0x265: {  	s7 =	sadd.s32 s4, s18  }
0x266: {  	s8 =	sadd.s32 s4, s19;
	s17 =	sor.u32 $0x30, s25;
	[tilespmem:s7+$0x0] =	vst.add.f32.msk $0xffff, v4  }
0x267: {  	s25 =	sadd.s32 s17, s16;
	[tilespmem:s8+$0x0] =	vst.add.f32.msk $0xffff, v4  }
0x268: {  	s30 =	sadd.s32 $0x1, s30;
	v4 =	vld [tilespmem:s25+$0x0]  }
0x269: {  	p0 =	sne.s32 s30, $0x10  }
.Ltmp10:
0x26a: {  	_ = 	snop;
	(pc) =	sbr.rel @p0 .LBB2_20-.Ltmp10, $4  }
0x26b: {  	_ = 	snop  }
0x26c: {  	s31 =	sadd.s32 s17, s18  }
0x26d: {  	s1 =	sadd.s32 s17, s19;
	[tilespmem:s31+$0x0] =	vst.add.f32.msk $0xffff, v4  }
0x26e: {  	[tilespmem:s1+$0x0] =	vst.add.f32.msk $0xffff, v4  }
0x26f: {  	v2 =	vld [tilespmem:$0x10050]  }
0x270: {  	v3 =	vld [tilespmem:$0x10150];
	_ =	sdelay $0x4  }
0x271: {  	s29 =	simm.s32 $0x0;
	s30 =	simm.s32 $0x0;
	v2 =	vcvt.s32.f32 v2;
	v3 =	vcvt.s32.f32 v3  }
.LBB2_24:
0x272: {  	v4 =	vmov s30  }
0x273: {  	vm0 =	veq.s32 v4, v1  }
0x274: {  	v4 =	vnsel vm0, $0x0, v2  }
0x275: {  	(xrf2) =	vadd.scan.msk.f32 $0xffff, v4;
	v4 =	vnsel vm0, $0x0, v3  }
0x276: {  	(xrf2) =	vadd.scan.msk.f32 $0xffff, v4;
	_ =	sdelay $0x8  }
0x277: {  	v4, _, _ =	vpop (xrf2)  }
0x278: {  	(v2sf) =	vpush v4, $0xF;
	v4, _, _ =	vpop (xrf2)  }
0x279: {  	(v2sf) =	vpush v4, $0xF;
	_ =	sdelay $0xb  }
0x27a: {  	s4 =	sshll.u32 s30, $0xA;
	s5 =	sshll.u32 s30, $0x7  }
0x27b: {  	s4 =	sand.u32 $0x2000, s4;
	s5 =	sand.u32 $0x380, s5  }
0x27c: {  	s19 =	sand.u32 $0x1C00, s29;
	s4 =	sor.u32 s5, s4;
	s0 =	spop (v2sf)  }
0x27d: {  	s31 =	sor.u32 $0x4000, s4;
	s0 =	scvt.f32.s32 s0;
	s1 =	spop (v2sf)  }
0x27e: {  	s8 =	sand.u32 $0x40, s29;
	s16 =	sadd.s32 s19, s31;
	s1 =	scvt.f32.s32 s1  }
0x27f: {  	s17 =	sadd.s32 s8, s16;
	s7 =	ssub.s32 s0, s3;
	s0 =	sshll.u32 s0, $0x7  }
0x280: {  	s18 =	ssub.s32 s1, s3;
	s7 =	sshll.u32 s7, $0xA;
	s0 =	sand.u32 $0x380, s0  }
0x281: {  	v4 =	vld [tilespmem:s17+$0x0];
	s1 =	sshll.u32 s1, $0x7;
	s7 =	sand.u32 $0xFFFFE000, s7;
	s5 =	sshll.u32 s18, $0xA  }
0x282: {  	s1 =	sand.u32 $0x380, s1;
	s0 =	sor.u32 s0, s7;
	s5 =	sand.u32 $0xFFFFE000, s5  }
0x283: {  	s0 =	sadd.s32 $0x10200, s0;
	s1 =	sor.u32 s1, s5  }
0x284: {  	s1 =	sadd.s32 $0x10200, s1;
	s18 =	sadd.s32 s19, s0  }
0x285: {  	s4 =	sadd.s32 s19, s1;
	s25 =	sadd.s32 s8, s18  }
0x286: {  	s17 =	sor.u32 $0x10, s8;
	[tilespmem:s25+$0x0] =	vst.add.f32.msk $0xffff, v4;
	s7 =	sadd.s32 s8, s4  }
0x287: {  	s19 =	sadd.s32 s17, s16;
	[tilespmem:s7+$0x0] =	vst.add.f32.msk $0xffff, v4  }
0x288: {  	v4 =	vld [tilespmem:s19+$0x0];
	_ =	sdelay $0x3  }
0x289: {  	s25 =	sadd.s32 s17, s18  }
0x28a: {  	s17 =	sadd.s32 s17, s4;
	s19 =	sor.u32 $0x20, s8;
	[tilespmem:s25+$0x0] =	vst.add.f32.msk $0xffff, v4  }
0x28b: {  	s25 =	sadd.s32 s19, s16;
	[tilespmem:s17+$0x0] =	vst.add.f32.msk $0xffff, v4  }
0x28c: {  	v4 =	vld [tilespmem:s25+$0x0];
	_ =	sdelay $0x3  }
0x28d: {  	s17 =	sadd.s32 s19, s18  }
0x28e: {  	s8 =	sor.u32 $0x30, s8;
	s19 =	sadd.s32 s19, s4;
	[tilespmem:s17+$0x0] =	vst.add.f32.msk $0xffff, v4  }
0x28f: {  	s25 =	sadd.s32 s8, s16;
	[tilespmem:s19+$0x0] =	vst.add.f32.msk $0xffff, v4  }
0x290: {  	v4 =	vld [tilespmem:s25+$0x0];
	_ =	sdelay $0x1  }
0x291: {  	s5 =	simm.s32 $0x40  }
0x292: {  	s7 =	sadd.s32 s8, s4;
	s4 =	simm.s32 $0x200;
	s8 =	sadd.s32 s8, s18  }
0x293: {  	s17 =	simm.s32 $0x4;
	s19 =	sand.u32 $0x1C00, s4;
	s25 =	sand.u32 $0x40, s5  }
0x294: {  	s16 =	sadd.s32 s19, s31;
	s18 =	sadd.s32 s19, s0;
	s19 =	sadd.s32 s19, s1;
	[tilespmem:s8+$0x0] =	vst.add.f32.msk $0xffff, v4  }
.LBB2_25:
0x295: {  	s17 =	sadd.s32 $0x4, s17;
	s8 =	sadd.s32 s25, s16;
	[tilespmem:s7+$0x0] =	vst.add.f32.msk $0xffff, v4  }
0x296: {  	p0 =	slt.u32 s17, $0x3C;
	v4 =	vld [tilespmem:s8+$0x0];
	_ =	sdelay $0x3  }
0x297: {  	s7 =	sadd.s32 s25, s18  }
0x298: {  	s8 =	sor.u32 $0x10, s25;
	[tilespmem:s7+$0x0] =	vst.add.f32.msk $0xffff, v4;
	s7 =	sadd.s32 s25, s19  }
0x299: {  	[tilespmem:s7+$0x0] =	vst.add.f32.msk $0xffff, v4;
	s7 =	sadd.s32 s8, s16  }
0x29a: {  	v4 =	vld [tilespmem:s7+$0x0];
	_ =	sdelay $0x3  }
0x29b: {  	s7 =	sadd.s32 s8, s18  }
0x29c: {  	[tilespmem:s7+$0x0] =	vst.add.f32.msk $0xffff, v4;
	s7 =	sadd.s32 s8, s19;
	s8 =	sor.u32 $0x20, s25  }
0x29d: {  	[tilespmem:s7+$0x0] =	vst.add.f32.msk $0xffff, v4;
	s7 =	sadd.s32 s8, s16  }
0x29e: {  	v4 =	vld [tilespmem:s7+$0x0];
	_ =	sdelay $0x3  }
0x29f: {  	s7 =	sadd.s32 s8, s18  }
0x2a0: {  	[tilespmem:s7+$0x0] =	vst.add.f32.msk $0xffff, v4;
	s7 =	sadd.s32 s8, s19;
	s8 =	sor.u32 $0x30, s25  }
0x2a1: {  	[tilespmem:s7+$0x0] =	vst.add.f32.msk $0xffff, v4;
	s7 =	sadd.s32 s8, s16  }
0x2a2: {  	v4 =	vld [tilespmem:s7+$0x0]  }
.Ltmp11:
0x2a3: {  	(pc) =	sbr.rel @p0 .LBB2_25-.Ltmp11, $4  }
0x2a4: {  	_ = 	snop  }
0x2a5: {  	s4 =	sadd.s32 $0x200, s4;
	s5 =	sadd.s32 $0x40, s5;
	s7 =	sadd.s32 s8, s19  }
0x2a6: {  	s25 =	sand.u32 $0x40, s5;
	s19 =	sand.u32 $0x1C00, s4;
	s8 =	sadd.s32 s8, s18  }
0x2a7: {  	s16 =	sadd.s32 s19, s31;
	s18 =	sadd.s32 s19, s0;
	s19 =	sadd.s32 s19, s1;
	[tilespmem:s8+$0x0] =	vst.add.f32.msk $0xffff, v4  }
0x2a8: {  	s0 =	sadd.s32 s25, s16;
	[tilespmem:s7+$0x0] =	vst.add.f32.msk $0xffff, v4  }
0x2a9: {  	v4 =	vld [tilespmem:s0+$0x0];
	_ =	sdelay $0x3  }
0x2aa: {  	s7 =	sadd.s32 s25, s18  }
0x2ab: {  	s8 =	sadd.s32 s25, s19;
	s1 =	sor.u32 $0x10, s25;
	[tilespmem:s7+$0x0] =	vst.add.f32.msk $0xffff, v4  }
0x2ac: {  	s17 =	sadd.s32 s1, s16;
	[tilespmem:s8+$0x0] =	vst.add.f32.msk $0xffff, v4  }
0x2ad: {  	v4 =	vld [tilespmem:s17+$0x0];
	_ =	sdelay $0x3  }
0x2ae: {  	s31 =	sadd.s32 s1, s18  }
0x2af: {  	s4 =	sor.u32 $0x20, s25;
	s1 =	sadd.s32 s1, s19;
	[tilespmem:s31+$0x0] =	vst.add.f32.msk $0xffff, v4  }
0x2b0: {  	s5 =	sadd.s32 s4, s16;
	[tilespmem:s1+$0x0] =	vst.add.f32.msk $0xffff, v4  }
0x2b1: {  	v4 =	vld [tilespmem:s5+$0x0];
	_ =	sdelay $0x3  }
0x2b2: {  	s7 =	sadd.s32 s4, s18  }
0x2b3: {  	s8 =	sadd.s32 s4, s19;
	s17 =	sor.u32 $0x30, s25;
	[tilespmem:s7+$0x0] =	vst.add.f32.msk $0xffff, v4  }
0x2b4: {  	s25 =	sadd.s32 s17, s16;
	[tilespmem:s8+$0x0] =	vst.add.f32.msk $0xffff, v4  }
0x2b5: {  	s30 =	sadd.s32 $0x1, s30;
	v4 =	vld [tilespmem:s25+$0x0]  }
0x2b6: {  	p0 =	sne.s32 s30, $0x10  }
.Ltmp12:
0x2b7: {  	_ = 	snop;
	(pc) =	sbr.rel @p0 .LBB2_24-.Ltmp12, $4  }
0x2b8: {  	_ = 	snop  }
0x2b9: {  	s31 =	sadd.s32 s17, s18  }
0x2ba: {  	s1 =	sadd.s32 s17, s19;
	[tilespmem:s31+$0x0] =	vst.add.f32.msk $0xffff, v4  }
0x2bb: {  	[tilespmem:s1+$0x0] =	vst.add.f32.msk $0xffff, v4  }
0x2bc: {  	s29 =	simm.s32 $0x0  }
0x2bd: {  	[tilespmem:s29], [sflag:$0x1] =	stream.linear.gather [hbm4b:s10+s29], $0x8000, $0x38;
	[tilespmem:$0x14200] =	vst v63  }
0x2be: {  	_ =	swait.ge [sflag:s24], $0x8000  }
0x2bf: {  	[sflag:s24] =	ssyncset.done $0x0  }
0x2c0: {  	[sflag:s24] =	ssyncadd.s32 $0xFFFF8000  }
0x2c1: {  	v2 =	vld [tilespmem:$0x10060]  }
0x2c2: {  	v3 =	vld [tilespmem:$0x10160];
	_ =	sdelay $0x4  }
0x2c3: {  	s30 =	simm.s32 $0x0;
	v2 =	vcvt.s32.f32 v2;
	v3 =	vcvt.s32.f32 v3  }
.LBB2_28:
0x2c4: {  	v4 =	vmov s30  }
0x2c5: {  	vm0 =	veq.s32 v4, v1  }
0x2c6: {  	v4 =	vnsel vm0, $0x0, v2  }
0x2c7: {  	(xrf2) =	vadd.scan.msk.f32 $0xffff, v4;
	v4 =	vnsel vm0, $0x0, v3  }
0x2c8: {  	(xrf2) =	vadd.scan.msk.f32 $0xffff, v4;
	_ =	sdelay $0x8  }
0x2c9: {  	v4, _, _ =	vpop (xrf2)  }
0x2ca: {  	(v2sf) =	vpush v4, $0xF;
	v4, _, _ =	vpop (xrf2)  }
0x2cb: {  	(v2sf) =	vpush v4, $0xF;
	_ =	sdelay $0xb  }
0x2cc: {  	s4 =	sshll.u32 s30, $0xA;
	s5 =	sshll.u32 s30, $0x7  }
0x2cd: {  	s4 =	sand.u32 $0x2000, s4;
	s5 =	sand.u32 $0x380, s5  }
0x2ce: {  	s19 =	sand.u32 $0x1C00, s29;
	s4 =	sor.u32 s5, s4;
	s0 =	spop (v2sf)  }
0x2cf: {  	s31 =	sor.u32 $0x8000, s4;
	s0 =	scvt.f32.s32 s0;
	s1 =	spop (v2sf)  }
0x2d0: {  	s8 =	sand.u32 $0x40, s29;
	s16 =	sadd.s32 s19, s31;
	s1 =	scvt.f32.s32 s1  }
0x2d1: {  	s17 =	sadd.s32 s8, s16;
	s7 =	ssub.s32 s0, s3;
	s0 =	sshll.u32 s0, $0x7  }
0x2d2: {  	s18 =	ssub.s32 s1, s3;
	s7 =	sshll.u32 s7, $0xA;
	s0 =	sand.u32 $0x380, s0  }
0x2d3: {  	v4 =	vld [tilespmem:s17+$0x0];
	s1 =	sshll.u32 s1, $0x7;
	s7 =	sand.u32 $0xFFFFE000, s7;
	s5 =	sshll.u32 s18, $0xA  }
0x2d4: {  	s1 =	sand.u32 $0x380, s1;
	s0 =	sor.u32 s0, s7;
	s5 =	sand.u32 $0xFFFFE000, s5  }
0x2d5: {  	s0 =	sadd.s32 $0x10200, s0;
	s1 =	sor.u32 s1, s5  }
0x2d6: {  	s1 =	sadd.s32 $0x10200, s1;
	s18 =	sadd.s32 s19, s0  }
0x2d7: {  	s4 =	sadd.s32 s19, s1;
	s25 =	sadd.s32 s8, s18  }
0x2d8: {  	s17 =	sor.u32 $0x10, s8;
	[tilespmem:s25+$0x0] =	vst.add.f32.msk $0xffff, v4;
	s7 =	sadd.s32 s8, s4  }
0x2d9: {  	s19 =	sadd.s32 s17, s16;
	[tilespmem:s7+$0x0] =	vst.add.f32.msk $0xffff, v4  }
0x2da: {  	v4 =	vld [tilespmem:s19+$0x0];
	_ =	sdelay $0x3  }
0x2db: {  	s25 =	sadd.s32 s17, s18  }
0x2dc: {  	s17 =	sadd.s32 s17, s4;
	s19 =	sor.u32 $0x20, s8;
	[tilespmem:s25+$0x0] =	vst.add.f32.msk $0xffff, v4  }
0x2dd: {  	s25 =	sadd.s32 s19, s16;
	[tilespmem:s17+$0x0] =	vst.add.f32.msk $0xffff, v4  }
0x2de: {  	v4 =	vld [tilespmem:s25+$0x0];
	_ =	sdelay $0x3  }
0x2df: {  	s17 =	sadd.s32 s19, s18  }
0x2e0: {  	s8 =	sor.u32 $0x30, s8;
	s19 =	sadd.s32 s19, s4;
	[tilespmem:s17+$0x0] =	vst.add.f32.msk $0xffff, v4  }
0x2e1: {  	s25 =	sadd.s32 s8, s16;
	[tilespmem:s19+$0x0] =	vst.add.f32.msk $0xffff, v4  }
0x2e2: {  	v4 =	vld [tilespmem:s25+$0x0];
	_ =	sdelay $0x1  }
0x2e3: {  	s5 =	simm.s32 $0x40  }
0x2e4: {  	s7 =	sadd.s32 s8, s4;
	s4 =	simm.s32 $0x200;
	s8 =	sadd.s32 s8, s18  }
0x2e5: {  	s17 =	simm.s32 $0x4;
	s19 =	sand.u32 $0x1C00, s4;
	s25 =	sand.u32 $0x40, s5  }
0x2e6: {  	s16 =	sadd.s32 s19, s31;
	s18 =	sadd.s32 s19, s0;
	s19 =	sadd.s32 s19, s1;
	[tilespmem:s8+$0x0] =	vst.add.f32.msk $0xffff, v4  }
.LBB2_29:
0x2e7: {  	s17 =	sadd.s32 $0x4, s17;
	s8 =	sadd.s32 s25, s16;
	[tilespmem:s7+$0x0] =	vst.add.f32.msk $0xffff, v4  }
0x2e8: {  	p0 =	slt.u32 s17, $0x3C;
	v4 =	vld [tilespmem:s8+$0x0];
	_ =	sdelay $0x3  }
0x2e9: {  	s7 =	sadd.s32 s25, s18  }
0x2ea: {  	s8 =	sor.u32 $0x10, s25;
	[tilespmem:s7+$0x0] =	vst.add.f32.msk $0xffff, v4;
	s7 =	sadd.s32 s25, s19  }
0x2eb: {  	[tilespmem:s7+$0x0] =	vst.add.f32.msk $0xffff, v4;
	s7 =	sadd.s32 s8, s16  }
0x2ec: {  	v4 =	vld [tilespmem:s7+$0x0];
	_ =	sdelay $0x3  }
0x2ed: {  	s7 =	sadd.s32 s8, s18  }
0x2ee: {  	[tilespmem:s7+$0x0] =	vst.add.f32.msk $0xffff, v4;
	s7 =	sadd.s32 s8, s19;
	s8 =	sor.u32 $0x20, s25  }
0x2ef: {  	[tilespmem:s7+$0x0] =	vst.add.f32.msk $0xffff, v4;
	s7 =	sadd.s32 s8, s16  }
0x2f0: {  	v4 =	vld [tilespmem:s7+$0x0];
	_ =	sdelay $0x3  }
0x2f1: {  	s7 =	sadd.s32 s8, s18  }
0x2f2: {  	[tilespmem:s7+$0x0] =	vst.add.f32.msk $0xffff, v4;
	s7 =	sadd.s32 s8, s19;
	s8 =	sor.u32 $0x30, s25  }
0x2f3: {  	[tilespmem:s7+$0x0] =	vst.add.f32.msk $0xffff, v4;
	s7 =	sadd.s32 s8, s16  }
0x2f4: {  	v4 =	vld [tilespmem:s7+$0x0]  }
.Ltmp13:
0x2f5: {  	(pc) =	sbr.rel @p0 .LBB2_29-.Ltmp13, $4  }
0x2f6: {  	_ = 	snop  }
0x2f7: {  	s4 =	sadd.s32 $0x200, s4;
	s5 =	sadd.s32 $0x40, s5;
	s7 =	sadd.s32 s8, s19  }
0x2f8: {  	s25 =	sand.u32 $0x40, s5;
	s19 =	sand.u32 $0x1C00, s4;
	s8 =	sadd.s32 s8, s18  }
0x2f9: {  	s16 =	sadd.s32 s19, s31;
	s18 =	sadd.s32 s19, s0;
	s19 =	sadd.s32 s19, s1;
	[tilespmem:s8+$0x0] =	vst.add.f32.msk $0xffff, v4  }
0x2fa: {  	s0 =	sadd.s32 s25, s16;
	[tilespmem:s7+$0x0] =	vst.add.f32.msk $0xffff, v4  }
0x2fb: {  	v4 =	vld [tilespmem:s0+$0x0];
	_ =	sdelay $0x3  }
0x2fc: {  	s7 =	sadd.s32 s25, s18  }
0x2fd: {  	s8 =	sadd.s32 s25, s19;
	s1 =	sor.u32 $0x10, s25;
	[tilespmem:s7+$0x0] =	vst.add.f32.msk $0xffff, v4  }
0x2fe: {  	s17 =	sadd.s32 s1, s16;
	[tilespmem:s8+$0x0] =	vst.add.f32.msk $0xffff, v4  }
0x2ff: {  	v4 =	vld [tilespmem:s17+$0x0];
	_ =	sdelay $0x3  }
0x300: {  	s31 =	sadd.s32 s1, s18  }
0x301: {  	s4 =	sor.u32 $0x20, s25;
	s1 =	sadd.s32 s1, s19;
	[tilespmem:s31+$0x0] =	vst.add.f32.msk $0xffff, v4  }
0x302: {  	s5 =	sadd.s32 s4, s16;
	[tilespmem:s1+$0x0] =	vst.add.f32.msk $0xffff, v4  }
0x303: {  	v4 =	vld [tilespmem:s5+$0x0];
	_ =	sdelay $0x3  }
0x304: {  	s7 =	sadd.s32 s4, s18  }
0x305: {  	s8 =	sadd.s32 s4, s19;
	s17 =	sor.u32 $0x30, s25;
	[tilespmem:s7+$0x0] =	vst.add.f32.msk $0xffff, v4  }
0x306: {  	s25 =	sadd.s32 s17, s16;
	[tilespmem:s8+$0x0] =	vst.add.f32.msk $0xffff, v4  }
0x307: {  	s30 =	sadd.s32 $0x1, s30;
	v4 =	vld [tilespmem:s25+$0x0]  }
0x308: {  	p0 =	sne.s32 s30, $0x10  }
.Ltmp14:
0x309: {  	_ = 	snop;
	(pc) =	sbr.rel @p0 .LBB2_28-.Ltmp14, $4  }
0x30a: {  	_ = 	snop  }
0x30b: {  	s31 =	sadd.s32 s17, s18  }
0x30c: {  	s1 =	sadd.s32 s17, s19;
	[tilespmem:s31+$0x0] =	vst.add.f32.msk $0xffff, v4  }
0x30d: {  	[tilespmem:s1+$0x0] =	vst.add.f32.msk $0xffff, v4  }
0x30e: {  	v2 =	vld [tilespmem:$0x10070]  }
0x30f: {  	v3 =	vld [tilespmem:$0x10170];
	_ =	sdelay $0x4  }
0x310: {  	s29 =	simm.s32 $0x0;
	s30 =	simm.s32 $0x0;
	v2 =	vcvt.s32.f32 v2;
	v3 =	vcvt.s32.f32 v3  }
.LBB2_32:
0x311: {  	v4 =	vmov s30  }
0x312: {  	vm0 =	veq.s32 v4, v1  }
0x313: {  	v4 =	vnsel vm0, $0x0, v2  }
0x314: {  	(xrf2) =	vadd.scan.msk.f32 $0xffff, v4;
	v4 =	vnsel vm0, $0x0, v3  }
0x315: {  	(xrf2) =	vadd.scan.msk.f32 $0xffff, v4;
	_ =	sdelay $0x8  }
0x316: {  	v4, _, _ =	vpop (xrf2)  }
0x317: {  	(v2sf) =	vpush v4, $0xF;
	v4, _, _ =	vpop (xrf2)  }
0x318: {  	(v2sf) =	vpush v4, $0xF;
	_ =	sdelay $0xb  }
0x319: {  	s4 =	sshll.u32 s30, $0xA;
	s5 =	sshll.u32 s30, $0x7  }
0x31a: {  	s4 =	sand.u32 $0x2000, s4;
	s5 =	sand.u32 $0x380, s5  }
0x31b: {  	s19 =	sand.u32 $0x1C00, s29;
	s4 =	sor.u32 s5, s4;
	s0 =	spop (v2sf)  }
0x31c: {  	s31 =	sor.u32 $0xC000, s4;
	s0 =	scvt.f32.s32 s0;
	s1 =	spop (v2sf)  }
0x31d: {  	s8 =	sand.u32 $0x40, s29;
	s16 =	sadd.s32 s19, s31;
	s1 =	scvt.f32.s32 s1  }
0x31e: {  	s17 =	sadd.s32 s8, s16;
	s7 =	ssub.s32 s0, s3;
	s0 =	sshll.u32 s0, $0x7  }
0x31f: {  	s18 =	ssub.s32 s1, s3;
	s7 =	sshll.u32 s7, $0xA;
	s0 =	sand.u32 $0x380, s0  }
0x320: {  	v4 =	vld [tilespmem:s17+$0x0];
	s1 =	sshll.u32 s1, $0x7;
	s7 =	sand.u32 $0xFFFFE000, s7;
	s5 =	sshll.u32 s18, $0xA  }
0x321: {  	s1 =	sand.u32 $0x380, s1;
	s0 =	sor.u32 s0, s7;
	s5 =	sand.u32 $0xFFFFE000, s5  }
0x322: {  	s0 =	sadd.s32 $0x10200, s0;
	s1 =	sor.u32 s1, s5  }
0x323: {  	s1 =	sadd.s32 $0x10200, s1;
	s18 =	sadd.s32 s19, s0  }
0x324: {  	s4 =	sadd.s32 s19, s1;
	s25 =	sadd.s32 s8, s18  }
0x325: {  	s17 =	sor.u32 $0x10, s8;
	[tilespmem:s25+$0x0] =	vst.add.f32.msk $0xffff, v4;
	s7 =	sadd.s32 s8, s4  }
0x326: {  	s19 =	sadd.s32 s17, s16;
	[tilespmem:s7+$0x0] =	vst.add.f32.msk $0xffff, v4  }
0x327: {  	v4 =	vld [tilespmem:s19+$0x0];
	_ =	sdelay $0x3  }
0x328: {  	s25 =	sadd.s32 s17, s18  }
0x329: {  	s17 =	sadd.s32 s17, s4;
	s19 =	sor.u32 $0x20, s8;
	[tilespmem:s25+$0x0] =	vst.add.f32.msk $0xffff, v4  }
0x32a: {  	s25 =	sadd.s32 s19, s16;
	[tilespmem:s17+$0x0] =	vst.add.f32.msk $0xffff, v4  }
0x32b: {  	v4 =	vld [tilespmem:s25+$0x0];
	_ =	sdelay $0x3  }
0x32c: {  	s17 =	sadd.s32 s19, s18  }
0x32d: {  	s8 =	sor.u32 $0x30, s8;
	s19 =	sadd.s32 s19, s4;
	[tilespmem:s17+$0x0] =	vst.add.f32.msk $0xffff, v4  }
0x32e: {  	s25 =	sadd.s32 s8, s16;
	[tilespmem:s19+$0x0] =	vst.add.f32.msk $0xffff, v4  }
0x32f: {  	v4 =	vld [tilespmem:s25+$0x0];
	_ =	sdelay $0x1  }
0x330: {  	s5 =	simm.s32 $0x40  }
0x331: {  	s7 =	sadd.s32 s8, s4;
	s4 =	simm.s32 $0x200;
	s8 =	sadd.s32 s8, s18  }
0x332: {  	s17 =	simm.s32 $0x4;
	s19 =	sand.u32 $0x1C00, s4;
	s25 =	sand.u32 $0x40, s5  }
0x333: {  	s16 =	sadd.s32 s19, s31;
	s18 =	sadd.s32 s19, s0;
	s19 =	sadd.s32 s19, s1;
	[tilespmem:s8+$0x0] =	vst.add.f32.msk $0xffff, v4  }
.LBB2_33:
0x334: {  	s17 =	sadd.s32 $0x4, s17;
	s8 =	sadd.s32 s25, s16;
	[tilespmem:s7+$0x0] =	vst.add.f32.msk $0xffff, v4  }
0x335: {  	p0 =	slt.u32 s17, $0x3C;
	v4 =	vld [tilespmem:s8+$0x0];
	_ =	sdelay $0x3  }
0x336: {  	s7 =	sadd.s32 s25, s18  }
0x337: {  	s8 =	sor.u32 $0x10, s25;
	[tilespmem:s7+$0x0] =	vst.add.f32.msk $0xffff, v4;
	s7 =	sadd.s32 s25, s19  }
0x338: {  	[tilespmem:s7+$0x0] =	vst.add.f32.msk $0xffff, v4;
	s7 =	sadd.s32 s8, s16  }
0x339: {  	v4 =	vld [tilespmem:s7+$0x0];
	_ =	sdelay $0x3  }
0x33a: {  	s7 =	sadd.s32 s8, s18  }
0x33b: {  	[tilespmem:s7+$0x0] =	vst.add.f32.msk $0xffff, v4;
	s7 =	sadd.s32 s8, s19;
	s8 =	sor.u32 $0x20, s25  }
0x33c: {  	[tilespmem:s7+$0x0] =	vst.add.f32.msk $0xffff, v4;
	s7 =	sadd.s32 s8, s16  }
0x33d: {  	v4 =	vld [tilespmem:s7+$0x0];
	_ =	sdelay $0x3  }
0x33e: {  	s7 =	sadd.s32 s8, s18  }
0x33f: {  	[tilespmem:s7+$0x0] =	vst.add.f32.msk $0xffff, v4;
	s7 =	sadd.s32 s8, s19;
	s8 =	sor.u32 $0x30, s25  }
0x340: {  	[tilespmem:s7+$0x0] =	vst.add.f32.msk $0xffff, v4;
	s7 =	sadd.s32 s8, s16  }
0x341: {  	v4 =	vld [tilespmem:s7+$0x0]  }
.Ltmp15:
0x342: {  	(pc) =	sbr.rel @p0 .LBB2_33-.Ltmp15, $4  }
0x343: {  	_ = 	snop  }
0x344: {  	s4 =	sadd.s32 $0x200, s4;
	s5 =	sadd.s32 $0x40, s5;
	s7 =	sadd.s32 s8, s19  }
0x345: {  	s25 =	sand.u32 $0x40, s5;
	s19 =	sand.u32 $0x1C00, s4;
	s8 =	sadd.s32 s8, s18  }
0x346: {  	s16 =	sadd.s32 s19, s31;
	s18 =	sadd.s32 s19, s0;
	s19 =	sadd.s32 s19, s1;
	[tilespmem:s8+$0x0] =	vst.add.f32.msk $0xffff, v4  }
0x347: {  	s0 =	sadd.s32 s25, s16;
	[tilespmem:s7+$0x0] =	vst.add.f32.msk $0xffff, v4  }
0x348: {  	v4 =	vld [tilespmem:s0+$0x0];
	_ =	sdelay $0x3  }
0x349: {  	s7 =	sadd.s32 s25, s18  }
0x34a: {  	s8 =	sadd.s32 s25, s19;
	s1 =	sor.u32 $0x10, s25;
	[tilespmem:s7+$0x0] =	vst.add.f32.msk $0xffff, v4  }
0x34b: {  	s17 =	sadd.s32 s1, s16;
	[tilespmem:s8+$0x0] =	vst.add.f32.msk $0xffff, v4  }
0x34c: {  	v4 =	vld [tilespmem:s17+$0x0];
	_ =	sdelay $0x3  }
0x34d: {  	s31 =	sadd.s32 s1, s18  }
0x34e: {  	s4 =	sor.u32 $0x20, s25;
	s1 =	sadd.s32 s1, s19;
	[tilespmem:s31+$0x0] =	vst.add.f32.msk $0xffff, v4  }
0x34f: {  	s5 =	sadd.s32 s4, s16;
	[tilespmem:s1+$0x0] =	vst.add.f32.msk $0xffff, v4  }
0x350: {  	v4 =	vld [tilespmem:s5+$0x0];
	_ =	sdelay $0x3  }
0x351: {  	s7 =	sadd.s32 s4, s18  }
0x352: {  	s8 =	sadd.s32 s4, s19;
	s17 =	sor.u32 $0x30, s25;
	[tilespmem:s7+$0x0] =	vst.add.f32.msk $0xffff, v4  }
0x353: {  	s25 =	sadd.s32 s17, s16;
	[tilespmem:s8+$0x0] =	vst.add.f32.msk $0xffff, v4  }
0x354: {  	s30 =	sadd.s32 $0x1, s30;
	v4 =	vld [tilespmem:s25+$0x0]  }
0x355: {  	p0 =	sne.s32 s30, $0x10  }
.Ltmp16:
0x356: {  	_ = 	snop;
	(pc) =	sbr.rel @p0 .LBB2_32-.Ltmp16, $4  }
0x357: {  	_ = 	snop  }
0x358: {  	s31 =	sadd.s32 s17, s18  }
0x359: {  	s1 =	sadd.s32 s17, s19;
	[tilespmem:s31+$0x0] =	vst.add.f32.msk $0xffff, v4  }
0x35a: {  	[tilespmem:s1+$0x0] =	vst.add.f32.msk $0xffff, v4  }
0x35b: {  	s29 =	simm.s32 $0x0  }
0x35c: {  	[tilespmem:s22], [sflag:$0x2] =	stream.linear.gather [hbm4b:s11+s29], $0x8000, $0x38;
	[tilespmem:$0x14200] =	vst v63  }
0x35d: {  	_ =	swait.ge [sflag:s23], $0x8000  }
0x35e: {  	[sflag:s23] =	ssyncset.done $0x0  }
0x35f: {  	[sflag:s23] =	ssyncadd.s32 $0xFFFF8000  }
0x360: {  	v2 =	vld [tilespmem:$0x10080]  }
0x361: {  	v3 =	vld [tilespmem:$0x10180];
	_ =	sdelay $0x4  }
0x362: {  	s30 =	simm.s32 $0x0;
	v2 =	vcvt.s32.f32 v2;
	v3 =	vcvt.s32.f32 v3  }
.LBB2_36:
0x363: {  	v4 =	vmov s30  }
0x364: {  	vm0 =	veq.s32 v4, v1  }
0x365: {  	v4 =	vnsel vm0, $0x0, v2  }
0x366: {  	(xrf2) =	vadd.scan.msk.f32 $0xffff, v4  }
0x367: {  	v4 =	vnsel vm0, $0x0, v3  }
0x368: {  	(xrf2) =	vadd.scan.msk.f32 $0xffff, v4;
	_ =	sdelay $0x7  }
0x369: {  	v4, _, _ =	vpop (xrf2)  }
0x36a: {  	(v2sf) =	vpush v4, $0xF  }
0x36b: {  	v4, _, _ =	vpop (xrf2)  }
0x36c: {  	(v2sf) =	vpush v4, $0xF;
	_ =	sdelay $0xc  }
0x36d: {  	s4 =	sshll.u32 s30, $0xA;
	s5 =	sshll.u32 s30, $0x7;
	s0 =	spop (v2sf)  }
0x36e: {  	s4 =	sand.u32 $0x2000, s4;
	s5 =	sand.u32 $0x380, s5;
	s0 =	scvt.f32.s32 s0  }
0x36f: {  	s25 =	sand.u32 $0x1C00, s29;
	s31 =	sor.u32 s5, s4;
	s1 =	spop (v2sf)  }
0x370: {  	s16 =	sadd.s32 s25, s31;
	s1 =	scvt.f32.s32 s1;
	s7 =	ssub.s32 s0, s3  }
0x371: {  	s0 =	sshll.u32 s0, $0x7;
	s18 =	sshll.u32 s7, $0xA;
	s7 =	sand.u32 $0x40, s29  }
0x372: {  	s8 =	ssub.s32 s1, s3;
	s0 =	sand.u32 $0x380, s0;
	s17 =	sadd.s32 s7, s16  }
0x373: {  	s1 =	sshll.u32 s1, $0x7;
	s5 =	sand.u32 $0xFFFFE000, s18;
	s8 =	sshll.u32 s8, $0xA;
	v4 =	vld [tilespmem:s17+$0x0]  }
0x374: {  	s1 =	sand.u32 $0x380, s1;
	s0 =	sor.u32 s0, s5;
	s19 =	sand.u32 $0xFFFFE000, s8  }
0x375: {  	s0 =	sadd.s32 $0x10200, s0;
	s1 =	sor.u32 s1, s19  }
0x376: {  	s1 =	sadd.s32 $0x10200, s1;
	s8 =	sadd.s32 s25, s0  }
0x377: {  	s4 =	sadd.s32 s25, s1;
	s25 =	sadd.s32 s7, s8  }
0x378: {  	s18 =	sor.u32 $0x10, s7;
	s17 =	sadd.s32 s7, s4;
	[tilespmem:s25+$0x0] =	vst.add.f32.msk $0xffff, v4  }
0x379: {  	s19 =	sadd.s32 s18, s16;
	[tilespmem:s17+$0x0] =	vst.add.f32.msk $0xffff, v4  }
0x37a: {  	v4 =	vld [tilespmem:s19+$0x0];
	_ =	sdelay $0x3  }
0x37b: {  	s25 =	sadd.s32 s18, s8  }
0x37c: {  	s18 =	sadd.s32 s18, s4;
	s19 =	sor.u32 $0x20, s7;
	[tilespmem:s25+$0x0] =	vst.add.f32.msk $0xffff, v4  }
0x37d: {  	s25 =	sadd.s32 s19, s16;
	[tilespmem:s18+$0x0] =	vst.add.f32.msk $0xffff, v4  }
0x37e: {  	v4 =	vld [tilespmem:s25+$0x0];
	_ =	sdelay $0x3  }
0x37f: {  	s18 =	sadd.s32 s19, s8  }
0x380: {  	s19 =	sadd.s32 s19, s4;
	[tilespmem:s18+$0x0] =	vst.add.f32.msk $0xffff, v4;
	s18 =	sor.u32 $0x30, s7  }
0x381: {  	[tilespmem:s19+$0x0] =	vst.add.f32.msk $0xffff, v4;
	s25 =	sadd.s32 s18, s16  }
0x382: {  	v4 =	vld [tilespmem:s25+$0x0];
	_ =	sdelay $0x1  }
0x383: {  	s5 =	simm.s32 $0x40  }
0x384: {  	s17 =	simm.s32 $0x4;
	s7 =	sadd.s32 s18, s4;
	s4 =	simm.s32 $0x200  }
0x385: {  	s8 =	sadd.s32 s18, s8;
	s25 =	sand.u32 $0x40, s5;
	s19 =	sand.u32 $0x1C00, s4  }
0x386: {  	s16 =	sadd.s32 s19, s31;
	s18 =	sadd.s32 s19, s0;
	s19 =	sadd.s32 s19, s1;
	[tilespmem:s8+$0x0] =	vst.add.f32.msk $0xffff, v4  }
.LBB2_37:
0x387: {  	s17 =	sadd.s32 $0x4, s17;
	s8 =	sadd.s32 s25, s16;
	[tilespmem:s7+$0x0] =	vst.add.f32.msk $0xffff, v4  }
0x388: {  	p0 =	slt.u32 s17, $0x3C;
	v4 =	vld [tilespmem:s8+$0x0];
	_ =	sdelay $0x3  }
0x389: {  	s7 =	sadd.s32 s25, s18  }
0x38a: {  	s8 =	sor.u32 $0x10, s25;
	[tilespmem:s7+$0x0] =	vst.add.f32.msk $0xffff, v4;
	s7 =	sadd.s32 s25, s19  }
0x38b: {  	[tilespmem:s7+$0x0] =	vst.add.f32.msk $0xffff, v4;
	s7 =	sadd.s32 s8, s16  }
0x38c: {  	v4 =	vld [tilespmem:s7+$0x0];
	_ =	sdelay $0x3  }
0x38d: {  	s7 =	sadd.s32 s8, s18  }
0x38e: {  	[tilespmem:s7+$0x0] =	vst.add.f32.msk $0xffff, v4;
	s7 =	sadd.s32 s8, s19;
	s8 =	sor.u32 $0x20, s25  }
0x38f: {  	[tilespmem:s7+$0x0] =	vst.add.f32.msk $0xffff, v4;
	s7 =	sadd.s32 s8, s16  }
0x390: {  	v4 =	vld [tilespmem:s7+$0x0];
	_ =	sdelay $0x3  }
0x391: {  	s7 =	sadd.s32 s8, s18  }
0x392: {  	[tilespmem:s7+$0x0] =	vst.add.f32.msk $0xffff, v4;
	s7 =	sadd.s32 s8, s19;
	s8 =	sor.u32 $0x30, s25  }
0x393: {  	[tilespmem:s7+$0x0] =	vst.add.f32.msk $0xffff, v4;
	s7 =	sadd.s32 s8, s16  }
0x394: {  	v4 =	vld [tilespmem:s7+$0x0]  }
.Ltmp17:
0x395: {  	(pc) =	sbr.rel @p0 .LBB2_37-.Ltmp17, $4  }
0x396: {  	_ = 	snop  }
0x397: {  	s4 =	sadd.s32 $0x200, s4;
	s5 =	sadd.s32 $0x40, s5;
	s7 =	sadd.s32 s8, s19  }
0x398: {  	s25 =	sand.u32 $0x40, s5;
	s19 =	sand.u32 $0x1C00, s4;
	s8 =	sadd.s32 s8, s18  }
0x399: {  	s16 =	sadd.s32 s19, s31;
	s18 =	sadd.s32 s19, s0;
	s19 =	sadd.s32 s19, s1;
	[tilespmem:s8+$0x0] =	vst.add.f32.msk $0xffff, v4  }
0x39a: {  	s0 =	sadd.s32 s25, s16;
	[tilespmem:s7+$0x0] =	vst.add.f32.msk $0xffff, v4  }
0x39b: {  	v4 =	vld [tilespmem:s0+$0x0];
	_ =	sdelay $0x3  }
0x39c: {  	s7 =	sadd.s32 s25, s18  }
0x39d: {  	s8 =	sadd.s32 s25, s19;
	s1 =	sor.u32 $0x10, s25;
	[tilespmem:s7+$0x0] =	vst.add.f32.msk $0xffff, v4  }
0x39e: {  	s17 =	sadd.s32 s1, s16;
	[tilespmem:s8+$0x0] =	vst.add.f32.msk $0xffff, v4  }
0x39f: {  	v4 =	vld [tilespmem:s17+$0x0];
	_ =	sdelay $0x3  }
0x3a0: {  	s31 =	sadd.s32 s1, s18  }
0x3a1: {  	s4 =	sor.u32 $0x20, s25;
	s1 =	sadd.s32 s1, s19;
	[tilespmem:s31+$0x0] =	vst.add.f32.msk $0xffff, v4  }
0x3a2: {  	s5 =	sadd.s32 s4, s16;
	[tilespmem:s1+$0x0] =	vst.add.f32.msk $0xffff, v4  }
0x3a3: {  	v4 =	vld [tilespmem:s5+$0x0];
	_ =	sdelay $0x3  }
0x3a4: {  	s7 =	sadd.s32 s4, s18  }
0x3a5: {  	s8 =	sadd.s32 s4, s19;
	s17 =	sor.u32 $0x30, s25;
	[tilespmem:s7+$0x0] =	vst.add.f32.msk $0xffff, v4  }
0x3a6: {  	s25 =	sadd.s32 s17, s16;
	[tilespmem:s8+$0x0] =	vst.add.f32.msk $0xffff, v4  }
0x3a7: {  	s30 =	sadd.s32 $0x1, s30;
	v4 =	vld [tilespmem:s25+$0x0]  }
0x3a8: {  	p0 =	sne.s32 s30, $0x10  }
.Ltmp18:
0x3a9: {  	_ = 	snop;
	(pc) =	sbr.rel @p0 .LBB2_36-.Ltmp18, $4  }
0x3aa: {  	_ = 	snop  }
0x3ab: {  	s31 =	sadd.s32 s17, s18  }
0x3ac: {  	s1 =	sadd.s32 s17, s19;
	[tilespmem:s31+$0x0] =	vst.add.f32.msk $0xffff, v4  }
0x3ad: {  	[tilespmem:s1+$0x0] =	vst.add.f32.msk $0xffff, v4  }
0x3ae: {  	v2 =	vld [tilespmem:$0x10090]  }
0x3af: {  	v3 =	vld [tilespmem:$0x10190];
	_ =	sdelay $0x4  }
0x3b0: {  	s29 =	simm.s32 $0x0;
	s30 =	simm.s32 $0x0;
	v2 =	vcvt.s32.f32 v2;
	v3 =	vcvt.s32.f32 v3  }
.LBB2_40:
0x3b1: {  	v4 =	vmov s30  }
0x3b2: {  	vm0 =	veq.s32 v4, v1  }
0x3b3: {  	v4 =	vnsel vm0, $0x0, v2  }
0x3b4: {  	(xrf2) =	vadd.scan.msk.f32 $0xffff, v4;
	v4 =	vnsel vm0, $0x0, v3  }
0x3b5: {  	(xrf2) =	vadd.scan.msk.f32 $0xffff, v4;
	_ =	sdelay $0x8  }
0x3b6: {  	v4, _, _ =	vpop (xrf2)  }
0x3b7: {  	(v2sf) =	vpush v4, $0xF;
	v4, _, _ =	vpop (xrf2)  }
0x3b8: {  	(v2sf) =	vpush v4, $0xF;
	_ =	sdelay $0xb  }
0x3b9: {  	s4 =	sshll.u32 s30, $0xA;
	s5 =	sshll.u32 s30, $0x7  }
0x3ba: {  	s4 =	sand.u32 $0x2000, s4;
	s5 =	sand.u32 $0x380, s5  }
0x3bb: {  	s19 =	sand.u32 $0x1C00, s29;
	s4 =	sor.u32 s5, s4;
	s0 =	spop (v2sf)  }
0x3bc: {  	s31 =	sor.u32 $0x4000, s4;
	s0 =	scvt.f32.s32 s0;
	s1 =	spop (v2sf)  }
0x3bd: {  	s8 =	sand.u32 $0x40, s29;
	s16 =	sadd.s32 s19, s31;
	s1 =	scvt.f32.s32 s1  }
0x3be: {  	s17 =	sadd.s32 s8, s16;
	s7 =	ssub.s32 s0, s3;
	s0 =	sshll.u32 s0, $0x7  }
0x3bf: {  	s18 =	ssub.s32 s1, s3;
	s7 =	sshll.u32 s7, $0xA;
	s0 =	sand.u32 $0x380, s0  }
0x3c0: {  	v4 =	vld [tilespmem:s17+$0x0];
	s1 =	sshll.u32 s1, $0x7;
	s7 =	sand.u32 $0xFFFFE000, s7;
	s5 =	sshll.u32 s18, $0xA  }
0x3c1: {  	s1 =	sand.u32 $0x380, s1;
	s0 =	sor.u32 s0, s7;
	s5 =	sand.u32 $0xFFFFE000, s5  }
0x3c2: {  	s0 =	sadd.s32 $0x10200, s0;
	s1 =	sor.u32 s1, s5  }
0x3c3: {  	s1 =	sadd.s32 $0x10200, s1;
	s18 =	sadd.s32 s19, s0  }
0x3c4: {  	s4 =	sadd.s32 s19, s1;
	s25 =	sadd.s32 s8, s18  }
0x3c5: {  	s17 =	sor.u32 $0x10, s8;
	[tilespmem:s25+$0x0] =	vst.add.f32.msk $0xffff, v4;
	s7 =	sadd.s32 s8, s4  }
0x3c6: {  	s19 =	sadd.s32 s17, s16;
	[tilespmem:s7+$0x0] =	vst.add.f32.msk $0xffff, v4  }
0x3c7: {  	v4 =	vld [tilespmem:s19+$0x0];
	_ =	sdelay $0x3  }
0x3c8: {  	s25 =	sadd.s32 s17, s18  }
0x3c9: {  	s17 =	sadd.s32 s17, s4;
	s19 =	sor.u32 $0x20, s8;
	[tilespmem:s25+$0x0] =	vst.add.f32.msk $0xffff, v4  }
0x3ca: {  	s25 =	sadd.s32 s19, s16;
	[tilespmem:s17+$0x0] =	vst.add.f32.msk $0xffff, v4  }
0x3cb: {  	v4 =	vld [tilespmem:s25+$0x0];
	_ =	sdelay $0x3  }
0x3cc: {  	s17 =	sadd.s32 s19, s18  }
0x3cd: {  	s8 =	sor.u32 $0x30, s8;
	s19 =	sadd.s32 s19, s4;
	[tilespmem:s17+$0x0] =	vst.add.f32.msk $0xffff, v4  }
0x3ce: {  	s25 =	sadd.s32 s8, s16;
	[tilespmem:s19+$0x0] =	vst.add.f32.msk $0xffff, v4  }
0x3cf: {  	v4 =	vld [tilespmem:s25+$0x0];
	_ =	sdelay $0x1  }
0x3d0: {  	s5 =	simm.s32 $0x40  }
0x3d1: {  	s7 =	sadd.s32 s8, s4;
	s4 =	simm.s32 $0x200;
	s8 =	sadd.s32 s8, s18  }
0x3d2: {  	s17 =	simm.s32 $0x4;
	s19 =	sand.u32 $0x1C00, s4;
	s25 =	sand.u32 $0x40, s5  }
0x3d3: {  	s16 =	sadd.s32 s19, s31;
	s18 =	sadd.s32 s19, s0;
	s19 =	sadd.s32 s19, s1;
	[tilespmem:s8+$0x0] =	vst.add.f32.msk $0xffff, v4  }
.LBB2_41:
0x3d4: {  	s17 =	sadd.s32 $0x4, s17;
	s8 =	sadd.s32 s25, s16;
	[tilespmem:s7+$0x0] =	vst.add.f32.msk $0xffff, v4  }
0x3d5: {  	p0 =	slt.u32 s17, $0x3C;
	v4 =	vld [tilespmem:s8+$0x0];
	_ =	sdelay $0x3  }
0x3d6: {  	s7 =	sadd.s32 s25, s18  }
0x3d7: {  	s8 =	sor.u32 $0x10, s25;
	[tilespmem:s7+$0x0] =	vst.add.f32.msk $0xffff, v4;
	s7 =	sadd.s32 s25, s19  }
0x3d8: {  	[tilespmem:s7+$0x0] =	vst.add.f32.msk $0xffff, v4;
	s7 =	sadd.s32 s8, s16  }
0x3d9: {  	v4 =	vld [tilespmem:s7+$0x0];
	_ =	sdelay $0x3  }
0x3da: {  	s7 =	sadd.s32 s8, s18  }
0x3db: {  	[tilespmem:s7+$0x0] =	vst.add.f32.msk $0xffff, v4;
	s7 =	sadd.s32 s8, s19;
	s8 =	sor.u32 $0x20, s25  }
0x3dc: {  	[tilespmem:s7+$0x0] =	vst.add.f32.msk $0xffff, v4;
	s7 =	sadd.s32 s8, s16  }
0x3dd: {  	v4 =	vld [tilespmem:s7+$0x0];
	_ =	sdelay $0x3  }
0x3de: {  	s7 =	sadd.s32 s8, s18  }
0x3df: {  	[tilespmem:s7+$0x0] =	vst.add.f32.msk $0xffff, v4;
	s7 =	sadd.s32 s8, s19;
	s8 =	sor.u32 $0x30, s25  }
0x3e0: {  	[tilespmem:s7+$0x0] =	vst.add.f32.msk $0xffff, v4;
	s7 =	sadd.s32 s8, s16  }
0x3e1: {  	v4 =	vld [tilespmem:s7+$0x0]  }
.Ltmp19:
0x3e2: {  	(pc) =	sbr.rel @p0 .LBB2_41-.Ltmp19, $4  }
0x3e3: {  	_ = 	snop  }
0x3e4: {  	s4 =	sadd.s32 $0x200, s4;
	s5 =	sadd.s32 $0x40, s5;
	s7 =	sadd.s32 s8, s19  }
0x3e5: {  	s25 =	sand.u32 $0x40, s5;
	s19 =	sand.u32 $0x1C00, s4;
	s8 =	sadd.s32 s8, s18  }
0x3e6: {  	s16 =	sadd.s32 s19, s31;
	s18 =	sadd.s32 s19, s0;
	s19 =	sadd.s32 s19, s1;
	[tilespmem:s8+$0x0] =	vst.add.f32.msk $0xffff, v4  }
0x3e7: {  	s0 =	sadd.s32 s25, s16;
	[tilespmem:s7+$0x0] =	vst.add.f32.msk $0xffff, v4  }
0x3e8: {  	v4 =	vld [tilespmem:s0+$0x0];
	_ =	sdelay $0x3  }
0x3e9: {  	s7 =	sadd.s32 s25, s18  }
0x3ea: {  	s8 =	sadd.s32 s25, s19;
	s1 =	sor.u32 $0x10, s25;
	[tilespmem:s7+$0x0] =	vst.add.f32.msk $0xffff, v4  }
0x3eb: {  	s17 =	sadd.s32 s1, s16;
	[tilespmem:s8+$0x0] =	vst.add.f32.msk $0xffff, v4  }
0x3ec: {  	v4 =	vld [tilespmem:s17+$0x0];
	_ =	sdelay $0x3  }
0x3ed: {  	s31 =	sadd.s32 s1, s18  }
0x3ee: {  	s4 =	sor.u32 $0x20, s25;
	s1 =	sadd.s32 s1, s19;
	[tilespmem:s31+$0x0] =	vst.add.f32.msk $0xffff, v4  }
0x3ef: {  	s5 =	sadd.s32 s4, s16;
	[tilespmem:s1+$0x0] =	vst.add.f32.msk $0xffff, v4  }
0x3f0: {  	v4 =	vld [tilespmem:s5+$0x0];
	_ =	sdelay $0x3  }
0x3f1: {  	s7 =	sadd.s32 s4, s18  }
0x3f2: {  	s8 =	sadd.s32 s4, s19;
	s17 =	sor.u32 $0x30, s25;
	[tilespmem:s7+$0x0] =	vst.add.f32.msk $0xffff, v4  }
0x3f3: {  	s25 =	sadd.s32 s17, s16;
	[tilespmem:s8+$0x0] =	vst.add.f32.msk $0xffff, v4  }
0x3f4: {  	s30 =	sadd.s32 $0x1, s30;
	v4 =	vld [tilespmem:s25+$0x0]  }
0x3f5: {  	p0 =	sne.s32 s30, $0x10  }
.Ltmp20:
0x3f6: {  	_ = 	snop;
	(pc) =	sbr.rel @p0 .LBB2_40-.Ltmp20, $4  }
0x3f7: {  	_ = 	snop  }
0x3f8: {  	s31 =	sadd.s32 s17, s18  }
0x3f9: {  	s1 =	sadd.s32 s17, s19;
	[tilespmem:s31+$0x0] =	vst.add.f32.msk $0xffff, v4  }
0x3fa: {  	[tilespmem:s1+$0x0] =	vst.add.f32.msk $0xffff, v4  }
0x3fb: {  	s29 =	simm.s32 $0x0  }
0x3fc: {  	[tilespmem:s29], [sflag:$0x1] =	stream.linear.gather [hbm4b:s12+s29], $0x8000, $0x38;
	[tilespmem:$0x14200] =	vst v63  }
0x3fd: {  	_ =	swait.ge [sflag:s24], $0x8000  }
0x3fe: {  	[sflag:s24] =	ssyncset.done $0x0  }
0x3ff: {  	[sflag:s24] =	ssyncadd.s32 $0xFFFF8000  }
0x400: {  	v2 =	vld [tilespmem:$0x100A0]  }
0x401: {  	v3 =	vld [tilespmem:$0x101A0];
	_ =	sdelay $0x4  }
0x402: {  	s30 =	simm.s32 $0x0;
	v2 =	vcvt.s32.f32 v2;
	v3 =	vcvt.s32.f32 v3  }
.LBB2_44:
0x403: {  	v4 =	vmov s30  }
0x404: {  	vm0 =	veq.s32 v4, v1  }
0x405: {  	v4 =	vnsel vm0, $0x0, v2  }
0x406: {  	(xrf2) =	vadd.scan.msk.f32 $0xffff, v4;
	v4 =	vnsel vm0, $0x0, v3  }
0x407: {  	(xrf2) =	vadd.scan.msk.f32 $0xffff, v4;
	_ =	sdelay $0x8  }
0x408: {  	v4, _, _ =	vpop (xrf2)  }
0x409: {  	(v2sf) =	vpush v4, $0xF;
	v4, _, _ =	vpop (xrf2)  }
0x40a: {  	(v2sf) =	vpush v4, $0xF;
	_ =	sdelay $0xb  }
0x40b: {  	s4 =	sshll.u32 s30, $0xA;
	s5 =	sshll.u32 s30, $0x7  }
0x40c: {  	s4 =	sand.u32 $0x2000, s4;
	s5 =	sand.u32 $0x380, s5  }
0x40d: {  	s19 =	sand.u32 $0x1C00, s29;
	s4 =	sor.u32 s5, s4;
	s0 =	spop (v2sf)  }
0x40e: {  	s31 =	sor.u32 $0x8000, s4;
	s0 =	scvt.f32.s32 s0;
	s1 =	spop (v2sf)  }
0x40f: {  	s8 =	sand.u32 $0x40, s29;
	s16 =	sadd.s32 s19, s31;
	s1 =	scvt.f32.s32 s1  }
0x410: {  	s17 =	sadd.s32 s8, s16;
	s7 =	ssub.s32 s0, s3;
	s0 =	sshll.u32 s0, $0x7  }
0x411: {  	s18 =	ssub.s32 s1, s3;
	s7 =	sshll.u32 s7, $0xA;
	s0 =	sand.u32 $0x380, s0  }
0x412: {  	v4 =	vld [tilespmem:s17+$0x0];
	s1 =	sshll.u32 s1, $0x7;
	s7 =	sand.u32 $0xFFFFE000, s7;
	s5 =	sshll.u32 s18, $0xA  }
0x413: {  	s1 =	sand.u32 $0x380, s1;
	s0 =	sor.u32 s0, s7;
	s5 =	sand.u32 $0xFFFFE000, s5  }
0x414: {  	s0 =	sadd.s32 $0x10200, s0;
	s1 =	sor.u32 s1, s5  }
0x415: {  	s1 =	sadd.s32 $0x10200, s1;
	s18 =	sadd.s32 s19, s0  }
0x416: {  	s4 =	sadd.s32 s19, s1;
	s25 =	sadd.s32 s8, s18  }
0x417: {  	s17 =	sor.u32 $0x10, s8;
	[tilespmem:s25+$0x0] =	vst.add.f32.msk $0xffff, v4;
	s7 =	sadd.s32 s8, s4  }
0x418: {  	s19 =	sadd.s32 s17, s16;
	[tilespmem:s7+$0x0] =	vst.add.f32.msk $0xffff, v4  }
0x419: {  	v4 =	vld [tilespmem:s19+$0x0];
	_ =	sdelay $0x3  }
0x41a: {  	s25 =	sadd.s32 s17, s18  }
0x41b: {  	s17 =	sadd.s32 s17, s4;
	s19 =	sor.u32 $0x20, s8;
	[tilespmem:s25+$0x0] =	vst.add.f32.msk $0xffff, v4  }
0x41c: {  	s25 =	sadd.s32 s19, s16;
	[tilespmem:s17+$0x0] =	vst.add.f32.msk $0xffff, v4  }
0x41d: {  	v4 =	vld [tilespmem:s25+$0x0];
	_ =	sdelay $0x3  }
0x41e: {  	s17 =	sadd.s32 s19, s18  }
0x41f: {  	s8 =	sor.u32 $0x30, s8;
	s19 =	sadd.s32 s19, s4;
	[tilespmem:s17+$0x0] =	vst.add.f32.msk $0xffff, v4  }
0x420: {  	s25 =	sadd.s32 s8, s16;
	[tilespmem:s19+$0x0] =	vst.add.f32.msk $0xffff, v4  }
0x421: {  	v4 =	vld [tilespmem:s25+$0x0];
	_ =	sdelay $0x1  }
0x422: {  	s5 =	simm.s32 $0x40  }
0x423: {  	s7 =	sadd.s32 s8, s4;
	s4 =	simm.s32 $0x200;
	s8 =	sadd.s32 s8, s18  }
0x424: {  	s17 =	simm.s32 $0x4;
	s19 =	sand.u32 $0x1C00, s4;
	s25 =	sand.u32 $0x40, s5  }
0x425: {  	s16 =	sadd.s32 s19, s31;
	s18 =	sadd.s32 s19, s0;
	s19 =	sadd.s32 s19, s1;
	[tilespmem:s8+$0x0] =	vst.add.f32.msk $0xffff, v4  }
.LBB2_45:
0x426: {  	s17 =	sadd.s32 $0x4, s17;
	s8 =	sadd.s32 s25, s16;
	[tilespmem:s7+$0x0] =	vst.add.f32.msk $0xffff, v4  }
0x427: {  	p0 =	slt.u32 s17, $0x3C;
	v4 =	vld [tilespmem:s8+$0x0];
	_ =	sdelay $0x3  }
0x428: {  	s7 =	sadd.s32 s25, s18  }
0x429: {  	s8 =	sor.u32 $0x10, s25;
	[tilespmem:s7+$0x0] =	vst.add.f32.msk $0xffff, v4;
	s7 =	sadd.s32 s25, s19  }
0x42a: {  	[tilespmem:s7+$0x0] =	vst.add.f32.msk $0xffff, v4;
	s7 =	sadd.s32 s8, s16  }
0x42b: {  	v4 =	vld [tilespmem:s7+$0x0];
	_ =	sdelay $0x3  }
0x42c: {  	s7 =	sadd.s32 s8, s18  }
0x42d: {  	[tilespmem:s7+$0x0] =	vst.add.f32.msk $0xffff, v4;
	s7 =	sadd.s32 s8, s19;
	s8 =	sor.u32 $0x20, s25  }
0x42e: {  	[tilespmem:s7+$0x0] =	vst.add.f32.msk $0xffff, v4;
	s7 =	sadd.s32 s8, s16  }
0x42f: {  	v4 =	vld [tilespmem:s7+$0x0];
	_ =	sdelay $0x3  }
0x430: {  	s7 =	sadd.s32 s8, s18  }
0x431: {  	[tilespmem:s7+$0x0] =	vst.add.f32.msk $0xffff, v4;
	s7 =	sadd.s32 s8, s19;
	s8 =	sor.u32 $0x30, s25  }
0x432: {  	[tilespmem:s7+$0x0] =	vst.add.f32.msk $0xffff, v4;
	s7 =	sadd.s32 s8, s16  }
0x433: {  	v4 =	vld [tilespmem:s7+$0x0]  }
.Ltmp21:
0x434: {  	(pc) =	sbr.rel @p0 .LBB2_45-.Ltmp21, $4  }
0x435: {  	_ = 	snop  }
0x436: {  	s4 =	sadd.s32 $0x200, s4;
	s5 =	sadd.s32 $0x40, s5;
	s7 =	sadd.s32 s8, s19  }
0x437: {  	s25 =	sand.u32 $0x40, s5;
	s19 =	sand.u32 $0x1C00, s4;
	s8 =	sadd.s32 s8, s18  }
0x438: {  	s16 =	sadd.s32 s19, s31;
	s18 =	sadd.s32 s19, s0;
	s19 =	sadd.s32 s19, s1;
	[tilespmem:s8+$0x0] =	vst.add.f32.msk $0xffff, v4  }
0x439: {  	s0 =	sadd.s32 s25, s16;
	[tilespmem:s7+$0x0] =	vst.add.f32.msk $0xffff, v4  }
0x43a: {  	v4 =	vld [tilespmem:s0+$0x0];
	_ =	sdelay $0x3  }
0x43b: {  	s7 =	sadd.s32 s25, s18  }
0x43c: {  	s8 =	sadd.s32 s25, s19;
	s1 =	sor.u32 $0x10, s25;
	[tilespmem:s7+$0x0] =	vst.add.f32.msk $0xffff, v4  }
0x43d: {  	s17 =	sadd.s32 s1, s16;
	[tilespmem:s8+$0x0] =	vst.add.f32.msk $0xffff, v4  }
0x43e: {  	v4 =	vld [tilespmem:s17+$0x0];
	_ =	sdelay $0x3  }
0x43f: {  	s31 =	sadd.s32 s1, s18  }
0x440: {  	s4 =	sor.u32 $0x20, s25;
	s1 =	sadd.s32 s1, s19;
	[tilespmem:s31+$0x0] =	vst.add.f32.msk $0xffff, v4  }
0x441: {  	s5 =	sadd.s32 s4, s16;
	[tilespmem:s1+$0x0] =	vst.add.f32.msk $0xffff, v4  }
0x442: {  	v4 =	vld [tilespmem:s5+$0x0];
	_ =	sdelay $0x3  }
0x443: {  	s7 =	sadd.s32 s4, s18  }
0x444: {  	s8 =	sadd.s32 s4, s19;
	s17 =	sor.u32 $0x30, s25;
	[tilespmem:s7+$0x0] =	vst.add.f32.msk $0xffff, v4  }
0x445: {  	s25 =	sadd.s32 s17, s16;
	[tilespmem:s8+$0x0] =	vst.add.f32.msk $0xffff, v4  }
0x446: {  	s30 =	sadd.s32 $0x1, s30;
	v4 =	vld [tilespmem:s25+$0x0]  }
0x447: {  	p0 =	sne.s32 s30, $0x10  }
.Ltmp22:
0x448: {  	_ = 	snop;
	(pc) =	sbr.rel @p0 .LBB2_44-.Ltmp22, $4  }
0x449: {  	_ = 	snop  }
0x44a: {  	s31 =	sadd.s32 s17, s18  }
0x44b: {  	s1 =	sadd.s32 s17, s19;
	[tilespmem:s31+$0x0] =	vst.add.f32.msk $0xffff, v4  }
0x44c: {  	[tilespmem:s1+$0x0] =	vst.add.f32.msk $0xffff, v4  }
0x44d: {  	v2 =	vld [tilespmem:$0x100B0]  }
0x44e: {  	v3 =	vld [tilespmem:$0x101B0];
	_ =	sdelay $0x4  }
0x44f: {  	s29 =	simm.s32 $0x0;
	s30 =	simm.s32 $0x0;
	v2 =	vcvt.s32.f32 v2;
	v3 =	vcvt.s32.f32 v3  }
.LBB2_48:
0x450: {  	v4 =	vmov s30  }
0x451: {  	vm0 =	veq.s32 v4, v1  }
0x452: {  	v4 =	vnsel vm0, $0x0, v2  }
0x453: {  	(xrf2) =	vadd.scan.msk.f32 $0xffff, v4;
	v4 =	vnsel vm0, $0x0, v3  }
0x454: {  	(xrf2) =	vadd.scan.msk.f32 $0xffff, v4;
	_ =	sdelay $0x8  }
0x455: {  	v4, _, _ =	vpop (xrf2)  }
0x456: {  	(v2sf) =	vpush v4, $0xF;
	v4, _, _ =	vpop (xrf2)  }
0x457: {  	(v2sf) =	vpush v4, $0xF;
	_ =	sdelay $0xb  }
0x458: {  	s4 =	sshll.u32 s30, $0xA;
	s5 =	sshll.u32 s30, $0x7  }
0x459: {  	s4 =	sand.u32 $0x2000, s4;
	s5 =	sand.u32 $0x380, s5  }
0x45a: {  	s19 =	sand.u32 $0x1C00, s29;
	s4 =	sor.u32 s5, s4;
	s0 =	spop (v2sf)  }
0x45b: {  	s31 =	sor.u32 $0xC000, s4;
	s0 =	scvt.f32.s32 s0;
	s1 =	spop (v2sf)  }
0x45c: {  	s8 =	sand.u32 $0x40, s29;
	s16 =	sadd.s32 s19, s31;
	s1 =	scvt.f32.s32 s1  }
0x45d: {  	s17 =	sadd.s32 s8, s16;
	s7 =	ssub.s32 s0, s3;
	s0 =	sshll.u32 s0, $0x7  }
0x45e: {  	s18 =	ssub.s32 s1, s3;
	s7 =	sshll.u32 s7, $0xA;
	s0 =	sand.u32 $0x380, s0  }
0x45f: {  	v4 =	vld [tilespmem:s17+$0x0];
	s1 =	sshll.u32 s1, $0x7;
	s7 =	sand.u32 $0xFFFFE000, s7;
	s5 =	sshll.u32 s18, $0xA  }
0x460: {  	s1 =	sand.u32 $0x380, s1;
	s0 =	sor.u32 s0, s7;
	s5 =	sand.u32 $0xFFFFE000, s5  }
0x461: {  	s0 =	sadd.s32 $0x10200, s0;
	s1 =	sor.u32 s1, s5  }
0x462: {  	s1 =	sadd.s32 $0x10200, s1;
	s18 =	sadd.s32 s19, s0  }
0x463: {  	s4 =	sadd.s32 s19, s1;
	s25 =	sadd.s32 s8, s18  }
0x464: {  	s17 =	sor.u32 $0x10, s8;
	[tilespmem:s25+$0x0] =	vst.add.f32.msk $0xffff, v4;
	s7 =	sadd.s32 s8, s4  }
0x465: {  	s19 =	sadd.s32 s17, s16;
	[tilespmem:s7+$0x0] =	vst.add.f32.msk $0xffff, v4  }
0x466: {  	v4 =	vld [tilespmem:s19+$0x0];
	_ =	sdelay $0x3  }
0x467: {  	s25 =	sadd.s32 s17, s18  }
0x468: {  	s17 =	sadd.s32 s17, s4;
	s19 =	sor.u32 $0x20, s8;
	[tilespmem:s25+$0x0] =	vst.add.f32.msk $0xffff, v4  }
0x469: {  	s25 =	sadd.s32 s19, s16;
	[tilespmem:s17+$0x0] =	vst.add.f32.msk $0xffff, v4  }
0x46a: {  	v4 =	vld [tilespmem:s25+$0x0];
	_ =	sdelay $0x3  }
0x46b: {  	s17 =	sadd.s32 s19, s18  }
0x46c: {  	s8 =	sor.u32 $0x30, s8;
	s19 =	sadd.s32 s19, s4;
	[tilespmem:s17+$0x0] =	vst.add.f32.msk $0xffff, v4  }
0x46d: {  	s25 =	sadd.s32 s8, s16;
	[tilespmem:s19+$0x0] =	vst.add.f32.msk $0xffff, v4  }
0x46e: {  	v4 =	vld [tilespmem:s25+$0x0];
	_ =	sdelay $0x1  }
0x46f: {  	s5 =	simm.s32 $0x40  }
0x470: {  	s7 =	sadd.s32 s8, s4;
	s4 =	simm.s32 $0x200;
	s8 =	sadd.s32 s8, s18  }
0x471: {  	s17 =	simm.s32 $0x4;
	s19 =	sand.u32 $0x1C00, s4;
	s25 =	sand.u32 $0x40, s5  }
0x472: {  	s16 =	sadd.s32 s19, s31;
	s18 =	sadd.s32 s19, s0;
	s19 =	sadd.s32 s19, s1;
	[tilespmem:s8+$0x0] =	vst.add.f32.msk $0xffff, v4  }
.LBB2_49:
0x473: {  	s17 =	sadd.s32 $0x4, s17;
	s8 =	sadd.s32 s25, s16;
	[tilespmem:s7+$0x0] =	vst.add.f32.msk $0xffff, v4  }
0x474: {  	p0 =	slt.u32 s17, $0x3C;
	v4 =	vld [tilespmem:s8+$0x0];
	_ =	sdelay $0x3  }
0x475: {  	s7 =	sadd.s32 s25, s18  }
0x476: {  	s8 =	sor.u32 $0x10, s25;
	[tilespmem:s7+$0x0] =	vst.add.f32.msk $0xffff, v4;
	s7 =	sadd.s32 s25, s19  }
0x477: {  	[tilespmem:s7+$0x0] =	vst.add.f32.msk $0xffff, v4;
	s7 =	sadd.s32 s8, s16  }
0x478: {  	v4 =	vld [tilespmem:s7+$0x0];
	_ =	sdelay $0x3  }
0x479: {  	s7 =	sadd.s32 s8, s18  }
0x47a: {  	[tilespmem:s7+$0x0] =	vst.add.f32.msk $0xffff, v4;
	s7 =	sadd.s32 s8, s19;
	s8 =	sor.u32 $0x20, s25  }
0x47b: {  	[tilespmem:s7+$0x0] =	vst.add.f32.msk $0xffff, v4;
	s7 =	sadd.s32 s8, s16  }
0x47c: {  	v4 =	vld [tilespmem:s7+$0x0];
	_ =	sdelay $0x3  }
0x47d: {  	s7 =	sadd.s32 s8, s18  }
0x47e: {  	[tilespmem:s7+$0x0] =	vst.add.f32.msk $0xffff, v4;
	s7 =	sadd.s32 s8, s19;
	s8 =	sor.u32 $0x30, s25  }
0x47f: {  	[tilespmem:s7+$0x0] =	vst.add.f32.msk $0xffff, v4;
	s7 =	sadd.s32 s8, s16  }
0x480: {  	v4 =	vld [tilespmem:s7+$0x0]  }
.Ltmp23:
0x481: {  	(pc) =	sbr.rel @p0 .LBB2_49-.Ltmp23, $4  }
0x482: {  	_ = 	snop  }
0x483: {  	s4 =	sadd.s32 $0x200, s4;
	s5 =	sadd.s32 $0x40, s5;
	s7 =	sadd.s32 s8, s19  }
0x484: {  	s25 =	sand.u32 $0x40, s5;
	s19 =	sand.u32 $0x1C00, s4;
	s8 =	sadd.s32 s8, s18  }
0x485: {  	s16 =	sadd.s32 s19, s31;
	s18 =	sadd.s32 s19, s0;
	s19 =	sadd.s32 s19, s1;
	[tilespmem:s8+$0x0] =	vst.add.f32.msk $0xffff, v4  }
0x486: {  	s0 =	sadd.s32 s25, s16;
	[tilespmem:s7+$0x0] =	vst.add.f32.msk $0xffff, v4  }
0x487: {  	v4 =	vld [tilespmem:s0+$0x0];
	_ =	sdelay $0x3  }
0x488: {  	s7 =	sadd.s32 s25, s18  }
0x489: {  	s8 =	sadd.s32 s25, s19;
	s1 =	sor.u32 $0x10, s25;
	[tilespmem:s7+$0x0] =	vst.add.f32.msk $0xffff, v4  }
0x48a: {  	s17 =	sadd.s32 s1, s16;
	[tilespmem:s8+$0x0] =	vst.add.f32.msk $0xffff, v4  }
0x48b: {  	v4 =	vld [tilespmem:s17+$0x0];
	_ =	sdelay $0x3  }
0x48c: {  	s31 =	sadd.s32 s1, s18  }
0x48d: {  	s4 =	sor.u32 $0x20, s25;
	s1 =	sadd.s32 s1, s19;
	[tilespmem:s31+$0x0] =	vst.add.f32.msk $0xffff, v4  }
0x48e: {  	s5 =	sadd.s32 s4, s16;
	[tilespmem:s1+$0x0] =	vst.add.f32.msk $0xffff, v4  }
0x48f: {  	v4 =	vld [tilespmem:s5+$0x0];
	_ =	sdelay $0x3  }
0x490: {  	s7 =	sadd.s32 s4, s18  }
0x491: {  	s8 =	sadd.s32 s4, s19;
	s17 =	sor.u32 $0x30, s25;
	[tilespmem:s7+$0x0] =	vst.add.f32.msk $0xffff, v4  }
0x492: {  	s25 =	sadd.s32 s17, s16;
	[tilespmem:s8+$0x0] =	vst.add.f32.msk $0xffff, v4  }
0x493: {  	s30 =	sadd.s32 $0x1, s30;
	v4 =	vld [tilespmem:s25+$0x0]  }
0x494: {  	p0 =	sne.s32 s30, $0x10  }
.Ltmp24:
0x495: {  	_ = 	snop;
	(pc) =	sbr.rel @p0 .LBB2_48-.Ltmp24, $4  }
0x496: {  	_ = 	snop  }
0x497: {  	s31 =	sadd.s32 s17, s18  }
0x498: {  	s1 =	sadd.s32 s17, s19;
	[tilespmem:s31+$0x0] =	vst.add.f32.msk $0xffff, v4  }
0x499: {  	[tilespmem:s1+$0x0] =	vst.add.f32.msk $0xffff, v4  }
0x49a: {  	s29 =	simm.s32 $0x0  }
0x49b: {  	[tilespmem:s22], [sflag:$0x2] =	stream.linear.gather [hbm4b:s13+s29], $0x8000, $0x38;
	[tilespmem:$0x14200] =	vst v63  }
0x49c: {  	_ =	swait.ge [sflag:s23], $0x8000  }
0x49d: {  	[sflag:s23] =	ssyncset.done $0x0  }
0x49e: {  	[sflag:s23] =	ssyncadd.s32 $0xFFFF8000  }
0x49f: {  	v2 =	vld [tilespmem:$0x100C0]  }
0x4a0: {  	v3 =	vld [tilespmem:$0x101C0];
	_ =	sdelay $0x4  }
0x4a1: {  	s30 =	simm.s32 $0x0;
	v2 =	vcvt.s32.f32 v2;
	v3 =	vcvt.s32.f32 v3  }
.LBB2_52:
0x4a2: {  	v4 =	vmov s30  }
0x4a3: {  	vm0 =	veq.s32 v4, v1  }
0x4a4: {  	v4 =	vnsel vm0, $0x0, v2  }
0x4a5: {  	(xrf2) =	vadd.scan.msk.f32 $0xffff, v4  }
0x4a6: {  	v4 =	vnsel vm0, $0x0, v3  }
0x4a7: {  	(xrf2) =	vadd.scan.msk.f32 $0xffff, v4;
	_ =	sdelay $0x7  }
0x4a8: {  	v4, _, _ =	vpop (xrf2)  }
0x4a9: {  	(v2sf) =	vpush v4, $0xF  }
0x4aa: {  	v4, _, _ =	vpop (xrf2)  }
0x4ab: {  	(v2sf) =	vpush v4, $0xF;
	_ =	sdelay $0xc  }
0x4ac: {  	s4 =	sshll.u32 s30, $0xA;
	s5 =	sshll.u32 s30, $0x7;
	s0 =	spop (v2sf)  }
0x4ad: {  	s4 =	sand.u32 $0x2000, s4;
	s5 =	sand.u32 $0x380, s5;
	s0 =	scvt.f32.s32 s0  }
0x4ae: {  	s25 =	sand.u32 $0x1C00, s29;
	s31 =	sor.u32 s5, s4;
	s1 =	spop (v2sf)  }
0x4af: {  	s16 =	sadd.s32 s25, s31;
	s1 =	scvt.f32.s32 s1;
	s7 =	ssub.s32 s0, s3  }
0x4b0: {  	s0 =	sshll.u32 s0, $0x7;
	s18 =	sshll.u32 s7, $0xA;
	s7 =	sand.u32 $0x40, s29  }
0x4b1: {  	s8 =	ssub.s32 s1, s3;
	s0 =	sand.u32 $0x380, s0;
	s17 =	sadd.s32 s7, s16  }
0x4b2: {  	s1 =	sshll.u32 s1, $0x7;
	s5 =	sand.u32 $0xFFFFE000, s18;
	s8 =	sshll.u32 s8, $0xA;
	v4 =	vld [tilespmem:s17+$0x0]  }
0x4b3: {  	s1 =	sand.u32 $0x380, s1;
	s0 =	sor.u32 s0, s5;
	s19 =	sand.u32 $0xFFFFE000, s8  }
0x4b4: {  	s0 =	sadd.s32 $0x10200, s0;
	s1 =	sor.u32 s1, s19  }
0x4b5: {  	s1 =	sadd.s32 $0x10200, s1;
	s8 =	sadd.s32 s25, s0  }
0x4b6: {  	s4 =	sadd.s32 s25, s1;
	s25 =	sadd.s32 s7, s8  }
0x4b7: {  	s18 =	sor.u32 $0x10, s7;
	s17 =	sadd.s32 s7, s4;
	[tilespmem:s25+$0x0] =	vst.add.f32.msk $0xffff, v4  }
0x4b8: {  	s19 =	sadd.s32 s18, s16;
	[tilespmem:s17+$0x0] =	vst.add.f32.msk $0xffff, v4  }
0x4b9: {  	v4 =	vld [tilespmem:s19+$0x0];
	_ =	sdelay $0x3  }
0x4ba: {  	s25 =	sadd.s32 s18, s8  }
0x4bb: {  	s18 =	sadd.s32 s18, s4;
	s19 =	sor.u32 $0x20, s7;
	[tilespmem:s25+$0x0] =	vst.add.f32.msk $0xffff, v4  }
0x4bc: {  	s25 =	sadd.s32 s19, s16;
	[tilespmem:s18+$0x0] =	vst.add.f32.msk $0xffff, v4  }
0x4bd: {  	v4 =	vld [tilespmem:s25+$0x0];
	_ =	sdelay $0x3  }
0x4be: {  	s18 =	sadd.s32 s19, s8  }
0x4bf: {  	s19 =	sadd.s32 s19, s4;
	[tilespmem:s18+$0x0] =	vst.add.f32.msk $0xffff, v4;
	s18 =	sor.u32 $0x30, s7  }
0x4c0: {  	[tilespmem:s19+$0x0] =	vst.add.f32.msk $0xffff, v4;
	s25 =	sadd.s32 s18, s16  }
0x4c1: {  	v4 =	vld [tilespmem:s25+$0x0];
	_ =	sdelay $0x1  }
0x4c2: {  	s5 =	simm.s32 $0x40  }
0x4c3: {  	s17 =	simm.s32 $0x4;
	s7 =	sadd.s32 s18, s4;
	s4 =	simm.s32 $0x200  }
0x4c4: {  	s8 =	sadd.s32 s18, s8;
	s25 =	sand.u32 $0x40, s5;
	s19 =	sand.u32 $0x1C00, s4  }
0x4c5: {  	s16 =	sadd.s32 s19, s31;
	s18 =	sadd.s32 s19, s0;
	s19 =	sadd.s32 s19, s1;
	[tilespmem:s8+$0x0] =	vst.add.f32.msk $0xffff, v4  }
.LBB2_53:
0x4c6: {  	s17 =	sadd.s32 $0x4, s17;
	s8 =	sadd.s32 s25, s16;
	[tilespmem:s7+$0x0] =	vst.add.f32.msk $0xffff, v4  }
0x4c7: {  	p0 =	slt.u32 s17, $0x3C;
	v4 =	vld [tilespmem:s8+$0x0];
	_ =	sdelay $0x3  }
0x4c8: {  	s7 =	sadd.s32 s25, s18  }
0x4c9: {  	s8 =	sor.u32 $0x10, s25;
	[tilespmem:s7+$0x0] =	vst.add.f32.msk $0xffff, v4;
	s7 =	sadd.s32 s25, s19  }
0x4ca: {  	[tilespmem:s7+$0x0] =	vst.add.f32.msk $0xffff, v4;
	s7 =	sadd.s32 s8, s16  }
0x4cb: {  	v4 =	vld [tilespmem:s7+$0x0];
	_ =	sdelay $0x3  }
0x4cc: {  	s7 =	sadd.s32 s8, s18  }
0x4cd: {  	[tilespmem:s7+$0x0] =	vst.add.f32.msk $0xffff, v4;
	s7 =	sadd.s32 s8, s19;
	s8 =	sor.u32 $0x20, s25  }
0x4ce: {  	[tilespmem:s7+$0x0] =	vst.add.f32.msk $0xffff, v4;
	s7 =	sadd.s32 s8, s16  }
0x4cf: {  	v4 =	vld [tilespmem:s7+$0x0];
	_ =	sdelay $0x3  }
0x4d0: {  	s7 =	sadd.s32 s8, s18  }
0x4d1: {  	[tilespmem:s7+$0x0] =	vst.add.f32.msk $0xffff, v4;
	s7 =	sadd.s32 s8, s19;
	s8 =	sor.u32 $0x30, s25  }
0x4d2: {  	[tilespmem:s7+$0x0] =	vst.add.f32.msk $0xffff, v4;
	s7 =	sadd.s32 s8, s16  }
0x4d3: {  	v4 =	vld [tilespmem:s7+$0x0]  }
.Ltmp25:
0x4d4: {  	(pc) =	sbr.rel @p0 .LBB2_53-.Ltmp25, $4  }
0x4d5: {  	_ = 	snop  }
0x4d6: {  	s4 =	sadd.s32 $0x200, s4;
	s5 =	sadd.s32 $0x40, s5;
	s7 =	sadd.s32 s8, s19  }
0x4d7: {  	s25 =	sand.u32 $0x40, s5;
	s19 =	sand.u32 $0x1C00, s4;
	s8 =	sadd.s32 s8, s18  }
0x4d8: {  	s16 =	sadd.s32 s19, s31;
	s18 =	sadd.s32 s19, s0;
	s19 =	sadd.s32 s19, s1;
	[tilespmem:s8+$0x0] =	vst.add.f32.msk $0xffff, v4  }
0x4d9: {  	s0 =	sadd.s32 s25, s16;
	[tilespmem:s7+$0x0] =	vst.add.f32.msk $0xffff, v4  }
0x4da: {  	v4 =	vld [tilespmem:s0+$0x0];
	_ =	sdelay $0x3  }
0x4db: {  	s7 =	sadd.s32 s25, s18  }
0x4dc: {  	s8 =	sadd.s32 s25, s19;
	s1 =	sor.u32 $0x10, s25;
	[tilespmem:s7+$0x0] =	vst.add.f32.msk $0xffff, v4  }
0x4dd: {  	s17 =	sadd.s32 s1, s16;
	[tilespmem:s8+$0x0] =	vst.add.f32.msk $0xffff, v4  }
0x4de: {  	v4 =	vld [tilespmem:s17+$0x0];
	_ =	sdelay $0x3  }
0x4df: {  	s31 =	sadd.s32 s1, s18  }
0x4e0: {  	s4 =	sor.u32 $0x20, s25;
	s1 =	sadd.s32 s1, s19;
	[tilespmem:s31+$0x0] =	vst.add.f32.msk $0xffff, v4  }
0x4e1: {  	s5 =	sadd.s32 s4, s16;
	[tilespmem:s1+$0x0] =	vst.add.f32.msk $0xffff, v4  }
0x4e2: {  	v4 =	vld [tilespmem:s5+$0x0];
	_ =	sdelay $0x3  }
0x4e3: {  	s7 =	sadd.s32 s4, s18  }
0x4e4: {  	s8 =	sadd.s32 s4, s19;
	s17 =	sor.u32 $0x30, s25;
	[tilespmem:s7+$0x0] =	vst.add.f32.msk $0xffff, v4  }
0x4e5: {  	s25 =	sadd.s32 s17, s16;
	[tilespmem:s8+$0x0] =	vst.add.f32.msk $0xffff, v4  }
0x4e6: {  	s30 =	sadd.s32 $0x1, s30;
	v4 =	vld [tilespmem:s25+$0x0]  }
0x4e7: {  	p0 =	sne.s32 s30, $0x10  }
.Ltmp26:
0x4e8: {  	_ = 	snop;
	(pc) =	sbr.rel @p0 .LBB2_52-.Ltmp26, $4  }
0x4e9: {  	_ = 	snop  }
0x4ea: {  	s31 =	sadd.s32 s17, s18  }
0x4eb: {  	s1 =	sadd.s32 s17, s19;
	[tilespmem:s31+$0x0] =	vst.add.f32.msk $0xffff, v4  }
0x4ec: {  	[tilespmem:s1+$0x0] =	vst.add.f32.msk $0xffff, v4  }
0x4ed: {  	v2 =	vld [tilespmem:$0x100D0]  }
0x4ee: {  	v3 =	vld [tilespmem:$0x101D0];
	_ =	sdelay $0x4  }
0x4ef: {  	s29 =	simm.s32 $0x0;
	s30 =	simm.s32 $0x0;
	v2 =	vcvt.s32.f32 v2;
	v3 =	vcvt.s32.f32 v3  }
.LBB2_56:
0x4f0: {  	v4 =	vmov s30  }
0x4f1: {  	vm0 =	veq.s32 v4, v1  }
0x4f2: {  	v4 =	vnsel vm0, $0x0, v2  }
0x4f3: {  	(xrf2) =	vadd.scan.msk.f32 $0xffff, v4;
	v4 =	vnsel vm0, $0x0, v3  }
0x4f4: {  	(xrf2) =	vadd.scan.msk.f32 $0xffff, v4;
	_ =	sdelay $0x8  }
0x4f5: {  	v4, _, _ =	vpop (xrf2)  }
0x4f6: {  	(v2sf) =	vpush v4, $0xF;
	v4, _, _ =	vpop (xrf2)  }
0x4f7: {  	(v2sf) =	vpush v4, $0xF;
	_ =	sdelay $0xb  }
0x4f8: {  	s4 =	sshll.u32 s30, $0xA;
	s5 =	sshll.u32 s30, $0x7  }
0x4f9: {  	s4 =	sand.u32 $0x2000, s4;
	s5 =	sand.u32 $0x380, s5  }
0x4fa: {  	s19 =	sand.u32 $0x1C00, s29;
	s4 =	sor.u32 s5, s4;
	s0 =	spop (v2sf)  }
0x4fb: {  	s31 =	sor.u32 $0x4000, s4;
	s0 =	scvt.f32.s32 s0;
	s1 =	spop (v2sf)  }
0x4fc: {  	s8 =	sand.u32 $0x40, s29;
	s16 =	sadd.s32 s19, s31;
	s1 =	scvt.f32.s32 s1  }
0x4fd: {  	s17 =	sadd.s32 s8, s16;
	s7 =	ssub.s32 s0, s3;
	s0 =	sshll.u32 s0, $0x7  }
0x4fe: {  	s18 =	ssub.s32 s1, s3;
	s7 =	sshll.u32 s7, $0xA;
	s0 =	sand.u32 $0x380, s0  }
0x4ff: {  	v4 =	vld [tilespmem:s17+$0x0];
	s1 =	sshll.u32 s1, $0x7;
	s7 =	sand.u32 $0xFFFFE000, s7;
	s5 =	sshll.u32 s18, $0xA  }
0x500: {  	s1 =	sand.u32 $0x380, s1;
	s0 =	sor.u32 s0, s7;
	s5 =	sand.u32 $0xFFFFE000, s5  }
0x501: {  	s0 =	sadd.s32 $0x10200, s0;
	s1 =	sor.u32 s1, s5  }
0x502: {  	s1 =	sadd.s32 $0x10200, s1;
	s18 =	sadd.s32 s19, s0  }
0x503: {  	s4 =	sadd.s32 s19, s1;
	s25 =	sadd.s32 s8, s18  }
0x504: {  	s17 =	sor.u32 $0x10, s8;
	[tilespmem:s25+$0x0] =	vst.add.f32.msk $0xffff, v4;
	s7 =	sadd.s32 s8, s4  }
0x505: {  	s19 =	sadd.s32 s17, s16;
	[tilespmem:s7+$0x0] =	vst.add.f32.msk $0xffff, v4  }
0x506: {  	v4 =	vld [tilespmem:s19+$0x0];
	_ =	sdelay $0x3  }
0x507: {  	s25 =	sadd.s32 s17, s18  }
0x508: {  	s17 =	sadd.s32 s17, s4;
	s19 =	sor.u32 $0x20, s8;
	[tilespmem:s25+$0x0] =	vst.add.f32.msk $0xffff, v4  }
0x509: {  	s25 =	sadd.s32 s19, s16;
	[tilespmem:s17+$0x0] =	vst.add.f32.msk $0xffff, v4  }
0x50a: {  	v4 =	vld [tilespmem:s25+$0x0];
	_ =	sdelay $0x3  }
0x50b: {  	s17 =	sadd.s32 s19, s18  }
0x50c: {  	s8 =	sor.u32 $0x30, s8;
	s19 =	sadd.s32 s19, s4;
	[tilespmem:s17+$0x0] =	vst.add.f32.msk $0xffff, v4  }
0x50d: {  	s25 =	sadd.s32 s8, s16;
	[tilespmem:s19+$0x0] =	vst.add.f32.msk $0xffff, v4  }
0x50e: {  	v4 =	vld [tilespmem:s25+$0x0];
	_ =	sdelay $0x1  }
0x50f: {  	s5 =	simm.s32 $0x40  }
0x510: {  	s7 =	sadd.s32 s8, s4;
	s4 =	simm.s32 $0x200;
	s8 =	sadd.s32 s8, s18  }
0x511: {  	s17 =	simm.s32 $0x4;
	s19 =	sand.u32 $0x1C00, s4;
	s25 =	sand.u32 $0x40, s5  }
0x512: {  	s16 =	sadd.s32 s19, s31;
	s18 =	sadd.s32 s19, s0;
	s19 =	sadd.s32 s19, s1;
	[tilespmem:s8+$0x0] =	vst.add.f32.msk $0xffff, v4  }
.LBB2_57:
0x513: {  	s17 =	sadd.s32 $0x4, s17;
	s8 =	sadd.s32 s25, s16;
	[tilespmem:s7+$0x0] =	vst.add.f32.msk $0xffff, v4  }
0x514: {  	p0 =	slt.u32 s17, $0x3C;
	v4 =	vld [tilespmem:s8+$0x0];
	_ =	sdelay $0x3  }
0x515: {  	s7 =	sadd.s32 s25, s18  }
0x516: {  	s8 =	sor.u32 $0x10, s25;
	[tilespmem:s7+$0x0] =	vst.add.f32.msk $0xffff, v4;
	s7 =	sadd.s32 s25, s19  }
0x517: {  	[tilespmem:s7+$0x0] =	vst.add.f32.msk $0xffff, v4;
	s7 =	sadd.s32 s8, s16  }
0x518: {  	v4 =	vld [tilespmem:s7+$0x0];
	_ =	sdelay $0x3  }
0x519: {  	s7 =	sadd.s32 s8, s18  }
0x51a: {  	[tilespmem:s7+$0x0] =	vst.add.f32.msk $0xffff, v4;
	s7 =	sadd.s32 s8, s19;
	s8 =	sor.u32 $0x20, s25  }
0x51b: {  	[tilespmem:s7+$0x0] =	vst.add.f32.msk $0xffff, v4;
	s7 =	sadd.s32 s8, s16  }
0x51c: {  	v4 =	vld [tilespmem:s7+$0x0];
	_ =	sdelay $0x3  }
0x51d: {  	s7 =	sadd.s32 s8, s18  }
0x51e: {  	[tilespmem:s7+$0x0] =	vst.add.f32.msk $0xffff, v4;
	s7 =	sadd.s32 s8, s19;
	s8 =	sor.u32 $0x30, s25  }
0x51f: {  	[tilespmem:s7+$0x0] =	vst.add.f32.msk $0xffff, v4;
	s7 =	sadd.s32 s8, s16  }
0x520: {  	v4 =	vld [tilespmem:s7+$0x0]  }
.Ltmp27:
0x521: {  	(pc) =	sbr.rel @p0 .LBB2_57-.Ltmp27, $4  }
0x522: {  	_ = 	snop  }
0x523: {  	s4 =	sadd.s32 $0x200, s4;
	s5 =	sadd.s32 $0x40, s5;
	s7 =	sadd.s32 s8, s19  }
0x524: {  	s25 =	sand.u32 $0x40, s5;
	s19 =	sand.u32 $0x1C00, s4;
	s8 =	sadd.s32 s8, s18  }
0x525: {  	s16 =	sadd.s32 s19, s31;
	s18 =	sadd.s32 s19, s0;
	s19 =	sadd.s32 s19, s1;
	[tilespmem:s8+$0x0] =	vst.add.f32.msk $0xffff, v4  }
0x526: {  	s0 =	sadd.s32 s25, s16;
	[tilespmem:s7+$0x0] =	vst.add.f32.msk $0xffff, v4  }
0x527: {  	v4 =	vld [tilespmem:s0+$0x0];
	_ =	sdelay $0x3  }
0x528: {  	s7 =	sadd.s32 s25, s18  }
0x529: {  	s8 =	sadd.s32 s25, s19;
	s1 =	sor.u32 $0x10, s25;
	[tilespmem:s7+$0x0] =	vst.add.f32.msk $0xffff, v4  }
0x52a: {  	s17 =	sadd.s32 s1, s16;
	[tilespmem:s8+$0x0] =	vst.add.f32.msk $0xffff, v4  }
0x52b: {  	v4 =	vld [tilespmem:s17+$0x0];
	_ =	sdelay $0x3  }
0x52c: {  	s31 =	sadd.s32 s1, s18  }
0x52d: {  	s4 =	sor.u32 $0x20, s25;
	s1 =	sadd.s32 s1, s19;
	[tilespmem:s31+$0x0] =	vst.add.f32.msk $0xffff, v4  }
0x52e: {  	s5 =	sadd.s32 s4, s16;
	[tilespmem:s1+$0x0] =	vst.add.f32.msk $0xffff, v4  }
0x52f: {  	v4 =	vld [tilespmem:s5+$0x0];
	_ =	sdelay $0x3  }
0x530: {  	s7 =	sadd.s32 s4, s18  }
0x531: {  	s8 =	sadd.s32 s4, s19;
	s17 =	sor.u32 $0x30, s25;
	[tilespmem:s7+$0x0] =	vst.add.f32.msk $0xffff, v4  }
0x532: {  	s25 =	sadd.s32 s17, s16;
	[tilespmem:s8+$0x0] =	vst.add.f32.msk $0xffff, v4  }
0x533: {  	s30 =	sadd.s32 $0x1, s30;
	v4 =	vld [tilespmem:s25+$0x0]  }
0x534: {  	p0 =	sne.s32 s30, $0x10  }
.Ltmp28:
0x535: {  	_ = 	snop;
	(pc) =	sbr.rel @p0 .LBB2_56-.Ltmp28, $4  }
0x536: {  	_ = 	snop  }
0x537: {  	s31 =	sadd.s32 s17, s18  }
0x538: {  	s1 =	sadd.s32 s17, s19;
	[tilespmem:s31+$0x0] =	vst.add.f32.msk $0xffff, v4  }
0x539: {  	[tilespmem:s1+$0x0] =	vst.add.f32.msk $0xffff, v4  }
0x53a: {  	_ =	swait.ge [sflag:s24], $0x8000  }
0x53b: {  	[sflag:s24] =	ssyncset.done $0x0  }
0x53c: {  	[sflag:s24] =	ssyncadd.s32 $0xFFFF8000  }
0x53d: {  	v2 =	vld [tilespmem:$0x100E0]  }
0x53e: {  	v3 =	vld [tilespmem:$0x101E0];
	_ =	sdelay $0x4  }
0x53f: {  	s29 =	simm.s32 $0x0;
	s30 =	simm.s32 $0x0;
	v2 =	vcvt.s32.f32 v2;
	v3 =	vcvt.s32.f32 v3  }
.LBB2_60:
0x540: {  	v4 =	vmov s30  }
0x541: {  	vm0 =	veq.s32 v4, v1  }
0x542: {  	v4 =	vnsel vm0, $0x0, v2  }
0x543: {  	(xrf2) =	vadd.scan.msk.f32 $0xffff, v4;
	v4 =	vnsel vm0, $0x0, v3  }
0x544: {  	(xrf2) =	vadd.scan.msk.f32 $0xffff, v4;
	_ =	sdelay $0x8  }
0x545: {  	v4, _, _ =	vpop (xrf2)  }
0x546: {  	(v2sf) =	vpush v4, $0xF;
	v4, _, _ =	vpop (xrf2)  }
0x547: {  	(v2sf) =	vpush v4, $0xF;
	_ =	sdelay $0xb  }
0x548: {  	s4 =	sshll.u32 s30, $0xA;
	s5 =	sshll.u32 s30, $0x7  }
0x549: {  	s4 =	sand.u32 $0x2000, s4;
	s5 =	sand.u32 $0x380, s5  }
0x54a: {  	s19 =	sand.u32 $0x1C00, s29;
	s4 =	sor.u32 s5, s4;
	s0 =	spop (v2sf)  }
0x54b: {  	s31 =	sor.u32 $0x8000, s4;
	s0 =	scvt.f32.s32 s0;
	s1 =	spop (v2sf)  }
0x54c: {  	s8 =	sand.u32 $0x40, s29;
	s16 =	sadd.s32 s19, s31;
	s1 =	scvt.f32.s32 s1  }
0x54d: {  	s17 =	sadd.s32 s8, s16;
	s7 =	ssub.s32 s0, s3;
	s0 =	sshll.u32 s0, $0x7  }
0x54e: {  	s18 =	ssub.s32 s1, s3;
	s7 =	sshll.u32 s7, $0xA;
	s0 =	sand.u32 $0x380, s0  }
0x54f: {  	v4 =	vld [tilespmem:s17+$0x0];
	s1 =	sshll.u32 s1, $0x7;
	s7 =	sand.u32 $0xFFFFE000, s7;
	s5 =	sshll.u32 s18, $0xA  }
0x550: {  	s1 =	sand.u32 $0x380, s1;
	s0 =	sor.u32 s0, s7;
	s5 =	sand.u32 $0xFFFFE000, s5  }
0x551: {  	s0 =	sadd.s32 $0x10200, s0;
	s1 =	sor.u32 s1, s5  }
0x552: {  	s1 =	sadd.s32 $0x10200, s1;
	s18 =	sadd.s32 s19, s0  }
0x553: {  	s4 =	sadd.s32 s19, s1;
	s25 =	sadd.s32 s8, s18  }
0x554: {  	s17 =	sor.u32 $0x10, s8;
	[tilespmem:s25+$0x0] =	vst.add.f32.msk $0xffff, v4;
	s7 =	sadd.s32 s8, s4  }
0x555: {  	s19 =	sadd.s32 s17, s16;
	[tilespmem:s7+$0x0] =	vst.add.f32.msk $0xffff, v4  }
0x556: {  	v4 =	vld [tilespmem:s19+$0x0];
	_ =	sdelay $0x3  }
0x557: {  	s25 =	sadd.s32 s17, s18  }
0x558: {  	s17 =	sadd.s32 s17, s4;
	s19 =	sor.u32 $0x20, s8;
	[tilespmem:s25+$0x0] =	vst.add.f32.msk $0xffff, v4  }
0x559: {  	s25 =	sadd.s32 s19, s16;
	[tilespmem:s17+$0x0] =	vst.add.f32.msk $0xffff, v4  }
0x55a: {  	v4 =	vld [tilespmem:s25+$0x0];
	_ =	sdelay $0x3  }
0x55b: {  	s17 =	sadd.s32 s19, s18  }
0x55c: {  	s8 =	sor.u32 $0x30, s8;
	s19 =	sadd.s32 s19, s4;
	[tilespmem:s17+$0x0] =	vst.add.f32.msk $0xffff, v4  }
0x55d: {  	s25 =	sadd.s32 s8, s16;
	[tilespmem:s19+$0x0] =	vst.add.f32.msk $0xffff, v4  }
0x55e: {  	v4 =	vld [tilespmem:s25+$0x0];
	_ =	sdelay $0x1  }
0x55f: {  	s5 =	simm.s32 $0x40  }
0x560: {  	s7 =	sadd.s32 s8, s4;
	s4 =	simm.s32 $0x200;
	s8 =	sadd.s32 s8, s18  }
0x561: {  	s17 =	simm.s32 $0x4;
	s19 =	sand.u32 $0x1C00, s4;
	s25 =	sand.u32 $0x40, s5  }
0x562: {  	s16 =	sadd.s32 s19, s31;
	s18 =	sadd.s32 s19, s0;
	s19 =	sadd.s32 s19, s1;
	[tilespmem:s8+$0x0] =	vst.add.f32.msk $0xffff, v4  }
.LBB2_61:
0x563: {  	s17 =	sadd.s32 $0x4, s17;
	s8 =	sadd.s32 s25, s16;
	[tilespmem:s7+$0x0] =	vst.add.f32.msk $0xffff, v4  }
0x564: {  	p0 =	slt.u32 s17, $0x3C;
	v4 =	vld [tilespmem:s8+$0x0];
	_ =	sdelay $0x3  }
0x565: {  	s7 =	sadd.s32 s25, s18  }
0x566: {  	s8 =	sor.u32 $0x10, s25;
	[tilespmem:s7+$0x0] =	vst.add.f32.msk $0xffff, v4;
	s7 =	sadd.s32 s25, s19  }
0x567: {  	[tilespmem:s7+$0x0] =	vst.add.f32.msk $0xffff, v4;
	s7 =	sadd.s32 s8, s16  }
0x568: {  	v4 =	vld [tilespmem:s7+$0x0];
	_ =	sdelay $0x3  }
0x569: {  	s7 =	sadd.s32 s8, s18  }
0x56a: {  	[tilespmem:s7+$0x0] =	vst.add.f32.msk $0xffff, v4;
	s7 =	sadd.s32 s8, s19;
	s8 =	sor.u32 $0x20, s25  }
0x56b: {  	[tilespmem:s7+$0x0] =	vst.add.f32.msk $0xffff, v4;
	s7 =	sadd.s32 s8, s16  }
0x56c: {  	v4 =	vld [tilespmem:s7+$0x0];
	_ =	sdelay $0x3  }
0x56d: {  	s7 =	sadd.s32 s8, s18  }
0x56e: {  	[tilespmem:s7+$0x0] =	vst.add.f32.msk $0xffff, v4;
	s7 =	sadd.s32 s8, s19;
	s8 =	sor.u32 $0x30, s25  }
0x56f: {  	[tilespmem:s7+$0x0] =	vst.add.f32.msk $0xffff, v4;
	s7 =	sadd.s32 s8, s16  }
0x570: {  	v4 =	vld [tilespmem:s7+$0x0]  }
.Ltmp29:
0x571: {  	(pc) =	sbr.rel @p0 .LBB2_61-.Ltmp29, $4  }
0x572: {  	_ = 	snop  }
0x573: {  	s4 =	sadd.s32 $0x200, s4;
	s5 =	sadd.s32 $0x40, s5;
	s7 =	sadd.s32 s8, s19  }
0x574: {  	s25 =	sand.u32 $0x40, s5;
	s19 =	sand.u32 $0x1C00, s4;
	s8 =	sadd.s32 s8, s18  }
0x575: {  	s16 =	sadd.s32 s19, s31;
	s18 =	sadd.s32 s19, s0;
	s19 =	sadd.s32 s19, s1;
	[tilespmem:s8+$0x0] =	vst.add.f32.msk $0xffff, v4  }
0x576: {  	s0 =	sadd.s32 s25, s16;
	[tilespmem:s7+$0x0] =	vst.add.f32.msk $0xffff, v4  }
0x577: {  	v4 =	vld [tilespmem:s0+$0x0];
	_ =	sdelay $0x3  }
0x578: {  	s7 =	sadd.s32 s25, s18  }
0x579: {  	s8 =	sadd.s32 s25, s19;
	s1 =	sor.u32 $0x10, s25;
	[tilespmem:s7+$0x0] =	vst.add.f32.msk $0xffff, v4  }
0x57a: {  	s17 =	sadd.s32 s1, s16;
	[tilespmem:s8+$0x0] =	vst.add.f32.msk $0xffff, v4  }
0x57b: {  	v4 =	vld [tilespmem:s17+$0x0];
	_ =	sdelay $0x3  }
0x57c: {  	s31 =	sadd.s32 s1, s18  }
0x57d: {  	s4 =	sor.u32 $0x20, s25;
	s1 =	sadd.s32 s1, s19;
	[tilespmem:s31+$0x0] =	vst.add.f32.msk $0xffff, v4  }
0x57e: {  	s5 =	sadd.s32 s4, s16;
	[tilespmem:s1+$0x0] =	vst.add.f32.msk $0xffff, v4  }
0x57f: {  	v4 =	vld [tilespmem:s5+$0x0];
	_ =	sdelay $0x3  }
0x580: {  	s7 =	sadd.s32 s4, s18  }
0x581: {  	s8 =	sadd.s32 s4, s19;
	s17 =	sor.u32 $0x30, s25;
	[tilespmem:s7+$0x0] =	vst.add.f32.msk $0xffff, v4  }
0x582: {  	s25 =	sadd.s32 s17, s16;
	[tilespmem:s8+$0x0] =	vst.add.f32.msk $0xffff, v4  }
0x583: {  	s30 =	sadd.s32 $0x1, s30;
	v4 =	vld [tilespmem:s25+$0x0]  }
0x584: {  	p0 =	sne.s32 s30, $0x10  }
.Ltmp30:
0x585: {  	_ = 	snop;
	(pc) =	sbr.rel @p0 .LBB2_60-.Ltmp30, $4  }
0x586: {  	_ = 	snop  }
0x587: {  	s31 =	sadd.s32 s17, s18  }
0x588: {  	s1 =	sadd.s32 s17, s19;
	[tilespmem:s31+$0x0] =	vst.add.f32.msk $0xffff, v4  }
0x589: {  	[tilespmem:s1+$0x0] =	vst.add.f32.msk $0xffff, v4  }
0x58a: {  	v2 =	vld [tilespmem:$0x100F0]  }
0x58b: {  	v3 =	vld [tilespmem:$0x101F0];
	_ =	sdelay $0x4  }
0x58c: {  	s29 =	simm.s32 $0x0;
	s30 =	simm.s32 $0x0;
	v2 =	vcvt.s32.f32 v2;
	v3 =	vcvt.s32.f32 v3  }
.LBB2_64:
0x58d: {  	v4 =	vmov s30  }
0x58e: {  	vm0 =	veq.s32 v4, v1  }
0x58f: {  	v4 =	vnsel vm0, $0x0, v2  }
0x590: {  	(xrf2) =	vadd.scan.msk.f32 $0xffff, v4;
	v4 =	vnsel vm0, $0x0, v3  }
0x591: {  	(xrf2) =	vadd.scan.msk.f32 $0xffff, v4;
	_ =	sdelay $0x8  }
0x592: {  	v4, _, _ =	vpop (xrf2)  }
0x593: {  	(v2sf) =	vpush v4, $0xF;
	v4, _, _ =	vpop (xrf2)  }
0x594: {  	(v2sf) =	vpush v4, $0xF;
	_ =	sdelay $0xb  }
0x595: {  	s4 =	sshll.u32 s30, $0xA;
	s5 =	sshll.u32 s30, $0x7  }
0x596: {  	s4 =	sand.u32 $0x2000, s4;
	s5 =	sand.u32 $0x380, s5  }
0x597: {  	s19 =	sand.u32 $0x1C00, s29;
	s4 =	sor.u32 s5, s4;
	s0 =	spop (v2sf)  }
0x598: {  	s31 =	sor.u32 $0xC000, s4;
	s0 =	scvt.f32.s32 s0;
	s1 =	spop (v2sf)  }
0x599: {  	s8 =	sand.u32 $0x40, s29;
	s16 =	sadd.s32 s19, s31;
	s1 =	scvt.f32.s32 s1  }
0x59a: {  	s17 =	sadd.s32 s8, s16;
	s7 =	ssub.s32 s0, s3;
	s0 =	sshll.u32 s0, $0x7  }
0x59b: {  	s18 =	ssub.s32 s1, s3;
	s7 =	sshll.u32 s7, $0xA;
	s0 =	sand.u32 $0x380, s0  }
0x59c: {  	v4 =	vld [tilespmem:s17+$0x0];
	s1 =	sshll.u32 s1, $0x7;
	s7 =	sand.u32 $0xFFFFE000, s7;
	s5 =	sshll.u32 s18, $0xA  }
0x59d: {  	s1 =	sand.u32 $0x380, s1;
	s0 =	sor.u32 s0, s7;
	s5 =	sand.u32 $0xFFFFE000, s5  }
0x59e: {  	s0 =	sadd.s32 $0x10200, s0;
	s1 =	sor.u32 s1, s5  }
0x59f: {  	s1 =	sadd.s32 $0x10200, s1;
	s18 =	sadd.s32 s19, s0  }
0x5a0: {  	s4 =	sadd.s32 s19, s1;
	s25 =	sadd.s32 s8, s18  }
0x5a1: {  	s17 =	sor.u32 $0x10, s8;
	[tilespmem:s25+$0x0] =	vst.add.f32.msk $0xffff, v4;
	s7 =	sadd.s32 s8, s4  }
0x5a2: {  	s19 =	sadd.s32 s17, s16;
	[tilespmem:s7+$0x0] =	vst.add.f32.msk $0xffff, v4  }
0x5a3: {  	v4 =	vld [tilespmem:s19+$0x0];
	_ =	sdelay $0x3  }
0x5a4: {  	s25 =	sadd.s32 s17, s18  }
0x5a5: {  	s17 =	sadd.s32 s17, s4;
	s19 =	sor.u32 $0x20, s8;
	[tilespmem:s25+$0x0] =	vst.add.f32.msk $0xffff, v4  }
0x5a6: {  	s25 =	sadd.s32 s19, s16;
	[tilespmem:s17+$0x0] =	vst.add.f32.msk $0xffff, v4  }
0x5a7: {  	v4 =	vld [tilespmem:s25+$0x0];
	_ =	sdelay $0x3  }
0x5a8: {  	s17 =	sadd.s32 s19, s18  }
0x5a9: {  	s8 =	sor.u32 $0x30, s8;
	s19 =	sadd.s32 s19, s4;
	[tilespmem:s17+$0x0] =	vst.add.f32.msk $0xffff, v4  }
0x5aa: {  	s25 =	sadd.s32 s8, s16;
	[tilespmem:s19+$0x0] =	vst.add.f32.msk $0xffff, v4  }
0x5ab: {  	v4 =	vld [tilespmem:s25+$0x0];
	_ =	sdelay $0x1  }
0x5ac: {  	s5 =	simm.s32 $0x40  }
0x5ad: {  	s7 =	sadd.s32 s8, s4;
	s4 =	simm.s32 $0x200;
	s8 =	sadd.s32 s8, s18  }
0x5ae: {  	s17 =	simm.s32 $0x4;
	s19 =	sand.u32 $0x1C00, s4;
	s25 =	sand.u32 $0x40, s5  }
0x5af: {  	s16 =	sadd.s32 s19, s31;
	s18 =	sadd.s32 s19, s0;
	s19 =	sadd.s32 s19, s1;
	[tilespmem:s8+$0x0] =	vst.add.f32.msk $0xffff, v4  }
.LBB2_65:
0x5b0: {  	s17 =	sadd.s32 $0x4, s17;
	s8 =	sadd.s32 s25, s16;
	[tilespmem:s7+$0x0] =	vst.add.f32.msk $0xffff, v4  }
0x5b1: {  	p0 =	slt.u32 s17, $0x3C;
	v4 =	vld [tilespmem:s8+$0x0];
	_ =	sdelay $0x3  }
0x5b2: {  	s7 =	sadd.s32 s25, s18  }
0x5b3: {  	s8 =	sor.u32 $0x10, s25;
	[tilespmem:s7+$0x0] =	vst.add.f32.msk $0xffff, v4;
	s7 =	sadd.s32 s25, s19  }
0x5b4: {  	[tilespmem:s7+$0x0] =	vst.add.f32.msk $0xffff, v4;
	s7 =	sadd.s32 s8, s16  }
0x5b5: {  	v4 =	vld [tilespmem:s7+$0x0];
	_ =	sdelay $0x3  }
0x5b6: {  	s7 =	sadd.s32 s8, s18  }
0x5b7: {  	[tilespmem:s7+$0x0] =	vst.add.f32.msk $0xffff, v4;
	s7 =	sadd.s32 s8, s19;
	s8 =	sor.u32 $0x20, s25  }
0x5b8: {  	[tilespmem:s7+$0x0] =	vst.add.f32.msk $0xffff, v4;
	s7 =	sadd.s32 s8, s16  }
0x5b9: {  	v4 =	vld [tilespmem:s7+$0x0];
	_ =	sdelay $0x3  }
0x5ba: {  	s7 =	sadd.s32 s8, s18  }
0x5bb: {  	[tilespmem:s7+$0x0] =	vst.add.f32.msk $0xffff, v4;
	s7 =	sadd.s32 s8, s19;
	s8 =	sor.u32 $0x30, s25  }
0x5bc: {  	[tilespmem:s7+$0x0] =	vst.add.f32.msk $0xffff, v4;
	s7 =	sadd.s32 s8, s16  }
0x5bd: {  	v4 =	vld [tilespmem:s7+$0x0]  }
.Ltmp31:
0x5be: {  	(pc) =	sbr.rel @p0 .LBB2_65-.Ltmp31, $4  }
0x5bf: {  	_ = 	snop  }
0x5c0: {  	s4 =	sadd.s32 $0x200, s4;
	s5 =	sadd.s32 $0x40, s5;
	s7 =	sadd.s32 s8, s19  }
0x5c1: {  	s25 =	sand.u32 $0x40, s5;
	s19 =	sand.u32 $0x1C00, s4;
	s8 =	sadd.s32 s8, s18  }
0x5c2: {  	s16 =	sadd.s32 s19, s31;
	s18 =	sadd.s32 s19, s0;
	s19 =	sadd.s32 s19, s1;
	[tilespmem:s8+$0x0] =	vst.add.f32.msk $0xffff, v4  }
0x5c3: {  	s0 =	sadd.s32 s25, s16;
	[tilespmem:s7+$0x0] =	vst.add.f32.msk $0xffff, v4  }
0x5c4: {  	v4 =	vld [tilespmem:s0+$0x0];
	_ =	sdelay $0x3  }
0x5c5: {  	s7 =	sadd.s32 s25, s18  }
0x5c6: {  	s8 =	sadd.s32 s25, s19;
	s1 =	sor.u32 $0x10, s25;
	[tilespmem:s7+$0x0] =	vst.add.f32.msk $0xffff, v4  }
0x5c7: {  	s17 =	sadd.s32 s1, s16;
	[tilespmem:s8+$0x0] =	vst.add.f32.msk $0xffff, v4  }
0x5c8: {  	v4 =	vld [tilespmem:s17+$0x0];
	_ =	sdelay $0x3  }
0x5c9: {  	s31 =	sadd.s32 s1, s18  }
0x5ca: {  	s4 =	sor.u32 $0x20, s25;
	s1 =	sadd.s32 s1, s19;
	[tilespmem:s31+$0x0] =	vst.add.f32.msk $0xffff, v4  }
0x5cb: {  	s5 =	sadd.s32 s4, s16;
	[tilespmem:s1+$0x0] =	vst.add.f32.msk $0xffff, v4  }
0x5cc: {  	v4 =	vld [tilespmem:s5+$0x0];
	_ =	sdelay $0x3  }
0x5cd: {  	s7 =	sadd.s32 s4, s18  }
0x5ce: {  	s8 =	sadd.s32 s4, s19;
	s17 =	sor.u32 $0x30, s25;
	[tilespmem:s7+$0x0] =	vst.add.f32.msk $0xffff, v4  }
0x5cf: {  	s25 =	sadd.s32 s17, s16;
	[tilespmem:s8+$0x0] =	vst.add.f32.msk $0xffff, v4  }
0x5d0: {  	s30 =	sadd.s32 $0x1, s30;
	v4 =	vld [tilespmem:s25+$0x0]  }
0x5d1: {  	p0 =	sne.s32 s30, $0x10  }
.Ltmp32:
0x5d2: {  	_ = 	snop;
	(pc) =	sbr.rel @p0 .LBB2_64-.Ltmp32, $4  }
0x5d3: {  	_ = 	snop  }
0x5d4: {  	s31 =	sadd.s32 s17, s18  }
0x5d5: {  	s1 =	sadd.s32 s17, s19;
	[tilespmem:s31+$0x0] =	vst.add.f32.msk $0xffff, v4  }
0x5d6: {  	[tilespmem:s1+$0x0] =	vst.add.f32.msk $0xffff, v4  }
0x5d7: {  	s28 =	sadd.s32 $0x1, s28  }
0x5d8: {  	p0 =	sne.s32 s28, s15  }
.Ltmp33:
0x5d9: {  	s0 =	simm.s32 $0x10200;
	(pc) =	sbr.rel @p0 .LBB2_1-.Ltmp33, $4  }
0x5da: {  	[hbm4b:s14+s2] =	stream.linear.scatter [tilespmem:s0], [sflag:$0x5], $0x4000, $0x38;
	[tilespmem:$0x14200] =	vst v63  }
0x5db: {  	_ =	swait.ge [sflag:s26], $0x4000  }
0x5dc: {  	[sflag:s26] =	ssyncset.done $0x0  }
0x5dd: {  	[sflag:s26] =	ssyncadd.s32 $0xFFFFC000  }
0x5de: {  	_ =	sfence.sel $0x180000  }
0x5df: {  	[bflag:$0x0] =	sbarrier.arrive $0xFFFF  }
0x5e0: {  	_ =	strace $0x90000047  }
0x5e1: {  	s0 =	stileid.u32;
	[bflag:$0x2] =	sbarrier.arrive $0xFFFF  }
0x5e2: {  	p0 =	sne.s32 s0, $0x0;
	s0 =	rddreg [dreg:$0x2]  }
0x5e3: {  	s0 =	sadd.s32 @!p0 $0x100000, s0  }
0x5e4: {  	[sflag:s0] =	ssyncadd.tile.s32 @!p0 $0x1;
	_ =	shalt  }
.Lfunc_end2:
_tile_overlayer_lowered:
.L_overlay_start_2:
0x5e5: {  	(tag) =	ssettag $0x2  }
0x5e6: {  	s0 =	rddreg [dreg:$0x0];
	s2 =	stileid.u32  }
0x5e7: {  	s1 =	rddreg [dreg:$0x1];
	p0 =	sne.s32 s2, $0x0  }
0x5e8: {  	s3 =	rddreg [dreg:$0x2];
	[bflag:$0x3] =	sbarrier.arrive $0xFFFF;
	s2 =	simm.s32 @!p0 $0x1C05  }
0x5e9: {  	[timem:s3], [sflag:s2] =	dma.local @!p0 [hbm:s0], s1  }
0x5ea: {  	s0 =	simm.s32 @!p0 $0x5  }
0x5eb: {  	_ =	swait.ge @!p0 [sflag:s0], s1  }
0x5ec: {  	s1 =	ssub.s32 @!p0 $0x0, s1;
	[sflag:s0] =	ssyncset.done @!p0 $0x0  }
0x5ed: {  	[sflag:s0] =	ssyncadd.s32 @!p0 s1  }
0x5ee: {  	[bflag:$0x3] =	sbarrier.arrive $0xFFFF  }
0x5ef: {  	_ =	shalt  }

</sc_bundles>
